<compile_context>
chip_gen: v7x
topology: tpu7x:2x2x1
jax: 0.10.2.dev20260603
libtpu: 0.0.44.dev20260713+nightly
codegen_flags: <defaults>
</compile_context>

<pallas_src>
import functools

import jax
import jax.numpy as jnp
from jax import lax
from jax.experimental import pallas as pl
from jax.experimental.pallas import tpu as pltpu
from jax.experimental.pallas import tpu_sc as plsc

N = 10000
E = 320000
D = 128
AH = 64
PW = 16
DS = 128
DD = 128

NC = 2
NS = 16
NW = NC * NS

NH = 2
NB = 4
CG = 40
CS = 40
CL = 2 * CS

RB = 2000
EB = 3200


def _node_kernel(x_ref, pos_ref, W_in_ref, b_in_ref, W_lin_ref, W_src_ref,
                 W_dst_ref, bp1_ref, Wp2_ref, bp2_ref, Wa1_ref, ba1_ref,
                 Wa2_ref, bb2_ref,
                 tsrc_ref, tdst_ref, s0_ref, v0_ref, wq_ref, cq_ref):
    x = x_ref[...]
    pos16 = pos_ref[...]
    h = jax.nn.relu(jnp.dot(x, W_in_ref[...], preferred_element_type=jnp.float32)
                    + b_in_ref[...])
    a_src = jnp.dot(h, W_src_ref[...], preferred_element_type=jnp.float32)
    a_dst = jnp.dot(h, W_dst_ref[...], preferred_element_type=jnp.float32)
    xl = jnp.dot(h, W_lin_ref[...], preferred_element_type=jnp.float32)
    Wa1 = Wa1_ref[...]
    bsrc = jnp.dot(a_src, Wa1, preferred_element_type=jnp.float32)
    bdst = jnp.dot(a_dst, Wa1, preferred_element_type=jnp.float32)
    zpad = jnp.zeros((pos16.shape[0], DD - PW - AH), dtype=jnp.float32)
    hi = jnp.concatenate([pos16, bsrc, zpad], axis=1)
    uhi = lax.bitcast_convert_type(hi, jnp.uint32)
    ulo = lax.bitcast_convert_type(xl, jnp.uint32)
    packed = ((uhi + 0x8000) & jnp.uint32(0xFFFF0000)) | ((ulo + 0x8000) >> 16)
    tsrc_ref[...] = lax.bitcast_convert_type(packed, jnp.float32)
    tdst_ref[...] = jnp.concatenate([pos16, bdst, zpad], axis=1)
    Wp2 = Wp2_ref[...]
    wq_ref[...] = jnp.dot(Wp2, Wa1, preferred_element_type=jnp.float32)
    d0 = jnp.dot(jax.nn.relu(bp1_ref[...]), Wp2,
                 preferred_element_type=jnp.float32) + bp2_ref[...]
    cq_ref[...] = jnp.concatenate(
        [jnp.dot(bp2_ref[...], Wa1, preferred_element_type=jnp.float32)
         + ba1_ref[...], d0], axis=1)
    u0 = bdst - bsrc + jnp.dot(d0, Wa1, preferred_element_type=jnp.float32) \
        + ba1_ref[...]
    alpha0 = jnp.dot(jax.nn.relu(u0), Wa2_ref[...],
                     preferred_element_type=jnp.float32) + bb2_ref[...]
    s0 = jnp.exp(alpha0)
    s0_ref[...] = s0
    v0_ref[...] = s0 * (xl + d0)


def _sc_gather_body(src_hbm, dst_hbm, tsrc_hbm, tdst_hbm,
                    gsrc_out, gdst_out, sidx, didx, *slots):
    NB = len(slots) // 4
    srs, drs, gsems, wsems = (slots[i * NB:(i + 1) * NB] for i in range(4))
    wid = lax.axis_index("s") * NC + lax.axis_index("c")
    epw = src_hbm.shape[0] // NW
    nch = epw // CG
    base0 = wid * epw
    pltpu.sync_copy(src_hbm.at[pl.ds(base0, epw)], sidx)
    pltpu.sync_copy(dst_hbm.at[pl.ds(base0, epw)], didx)

    def g_start(c, b):
        off = pl.multiple_of(c * CG, 8)
        pltpu.async_copy(tsrc_hbm.at[sidx.at[pl.ds(off, CG)]], srs[b],
                         gsems[b])
        pltpu.async_copy(tdst_hbm.at[didx.at[pl.ds(off, CG)]], drs[b],
                         gsems[b])

    def g_wait(b):
        pltpu.make_async_copy(tsrc_hbm.at[pl.ds(0, CG)], srs[b],
                              gsems[b]).wait()
        pltpu.make_async_copy(tdst_hbm.at[pl.ds(0, CG)], drs[b],
                              gsems[b]).wait()

    def w_start(c, b):
        base = base0 + pl.multiple_of(c * CG, 8)
        pltpu.async_copy(srs[b], gsrc_out.at[pl.ds(base, CG)], wsems[b])
        pltpu.async_copy(drs[b], gdst_out.at[pl.ds(base, CG)], wsems[b])

    def w_wait(b):
        pltpu.make_async_copy(srs[b], gsrc_out.at[pl.ds(0, CG)],
                              wsems[b]).wait()
        pltpu.make_async_copy(drs[b], gdst_out.at[pl.ds(0, CG)],
                              wsems[b]).wait()

    for b in range(NB):
        g_start(b, b)

    def body(k, carry):
        c = k * NB
        for b in range(NB):
            g_wait(b)
            w_start(c + b, b)
        for b in range(NB):
            w_wait(b)

            @pl.when(c + NB + b < nch - 1)
            def _(b=b, nc=c + NB + b):
                g_start(nc, b)
        return carry

    lax.fori_loop(0, (nch - 1) // NB, body, 0)
    g_start(nch - 1, 0)
    g_wait(0)
    w_start(nch - 1, 0)
    w_wait(0)


def _edge_kernel(gsrc_ref, gdst_ref, bp1_ref, Wp1_ref, Wp2_ref, bp2_ref,
                 wq_ref, cq_ref, Wa2_ref, bb2_ref, sv_ref):
    us = lax.bitcast_convert_type(gsrc_ref[...], jnp.uint32)
    his = lax.bitcast_convert_type(us & jnp.uint32(0xFFFF0000), jnp.float32)
    xls = lax.bitcast_convert_type(us << 16, jnp.float32)
    gdst = gdst_ref[...]
    pdiff = gdst[:, :PW] - his[:, :PW]
    bdiff = gdst[:, PW:PW + AH] - his[:, PW:PW + AH]
    cq = cq_ref[...]
    t = jax.nn.relu(jnp.dot(pdiff, Wp1_ref[...],
                            preferred_element_type=jnp.float32) + bp1_ref[...])
    delta = jnp.dot(t, Wp2_ref[...], preferred_element_type=jnp.float32) \
        + bp2_ref[...]
    u = bdiff + jnp.dot(t, wq_ref[...], preferred_element_type=jnp.float32) \
        + cq[:, :AH]
    alpha = jnp.dot(jax.nn.relu(u), Wa2_ref[...],
                    preferred_element_type=jnp.float32) + bb2_ref[...]
    s = jnp.exp(alpha)
    sv_ref[0] = s
    sv_ref[1] = s * (xls + delta)


def _sc_scatter_body(dsti_hbm, sv_hbm, zeros_hbm, out_hbm, *slots):
    table_sh = slots[-1]
    slots = slots[:-1]
    NB = len(slots) // 5
    idxa, idxb, rowss, lsems, ssems = (slots[i * NB:(i + 1) * NB]
                                       for i in range(5))
    c = lax.axis_index("c")
    s = lax.axis_index("s")

    @pl.when(s == 0)
    def _():
        pltpu.sync_copy(zeros_hbm, table_sh)

    ept = dsti_hbm.shape[0] // NS
    nch = ept // CL
    base0 = s * ept
    plsc.subcore_barrier()

    def l_start(ch, b):
        base = base0 + pl.multiple_of(ch * CL, 8)
        pltpu.async_copy(dsti_hbm.at[pl.ds(base, CS)], idxa[b], lsems[b])
        pltpu.async_copy(dsti_hbm.at[pl.ds(base + CS, CS)], idxb[b], lsems[b])
        pltpu.async_copy(sv_hbm.at[c, pl.ds(base, CL)], rowss[b], lsems[b])

    def l_wait(b):
        pltpu.make_async_copy(dsti_hbm.at[pl.ds(0, CS)], idxa[b],
                              lsems[b]).wait()
        pltpu.make_async_copy(dsti_hbm.at[pl.ds(0, CS)], idxb[b],
                              lsems[b]).wait()
        pltpu.make_async_copy(sv_hbm.at[0, pl.ds(0, CL)], rowss[b],
                              lsems[b]).wait()

    def s_start(b):
        pltpu.async_copy(rowss[b].at[pl.ds(0, CS)], table_sh.at[idxa[b]],
                         ssems[b], add=True)
        pltpu.async_copy(rowss[b].at[pl.ds(CS, CS)], table_sh.at[idxb[b]],
                         ssems[b], add=True)

    def s_wait(b):
        pltpu.make_async_copy(rowss[b], table_sh.at[pl.ds(0, CL)],
                              ssems[b]).wait()

    for b in range(NB):
        l_start(b, b)

    def body(k, carry):
        ch = k * NB
        for b in range(NB):
            l_wait(b)
            s_start(b)
        for b in range(NB):
            s_wait(b)

            @pl.when(ch + NB + b < nch - 1)
            def _(b=b, nc=ch + NB + b):
                l_start(nc, b)
        return carry

    lax.fori_loop(0, (nch - 1) // NB, body, 0)
    l_start(nch - 1, 0)
    l_wait(0)
    s_start(0)
    s_wait(0)
    plsc.subcore_barrier()

    rpt = 624
    pltpu.sync_copy(table_sh.at[pl.ds(s * rpt, rpt)],
                    out_hbm.at[c, pl.ds(s * rpt, rpt)])

    @pl.when(s == 0)
    def _():
        pltpu.sync_copy(table_sh.at[pl.ds(NS * rpt, N - NS * rpt)],
                        out_hbm.at[c, pl.ds(NS * rpt, N - NS * rpt)])


def _final_kernel(pd0_ref, pn0_ref, pd1_ref, pn1_ref, s0_ref, v0_ref,
                  W_out_ref, b_out_ref, out_ref):
    denom = pd0_ref[0] + pd1_ref[0] + s0_ref[...]
    num = pn0_ref[0] + pn1_ref[0] + v0_ref[...]
    y = num / (denom + 1e-16)
    out_ref[...] = jax.nn.relu(
        jnp.dot(y, W_out_ref[...], preferred_element_type=jnp.float32)
        + b_out_ref[...])


def kernel(x, pos, edge_index, W_in, b_in, W_lin, W_src, W_dst, Wp1, bp1,
           Wp2, bp2, Wa1, ba1, Wa2, bb2, W_out, b_out):
    f32 = jnp.float32
    pos16 = jnp.pad(pos, ((0, 0), (0, PW - 3)))
    Wp1_16 = jnp.pad(Wp1, ((0, PW - 3), (0, 0)))
    src = edge_index[0].astype(jnp.int32)
    dst = edge_index[1].astype(jnp.int32)
    b_in2 = b_in.reshape(1, D)
    bp1_2 = bp1.reshape(1, AH)
    bp2_2 = bp2.reshape(1, D)
    ba1_2 = ba1.reshape(1, AH)
    bb2_2 = bb2.reshape(1, D)
    b_out2 = b_out.reshape(1, D)

    nsteps = N // RB
    full = lambda shp: pl.BlockSpec(shp, lambda i: tuple(0 for _ in shp))
    rows = lambda w: pl.BlockSpec((RB, w), lambda i: (i, 0))

    tsrc, tdst, s0, v0, wq, cq = pl.pallas_call(
        _node_kernel,
        grid=(nsteps,),
        in_specs=[rows(D), rows(PW), full((D, D)), full((1, D)),
                  full((D, D)), full((D, D)), full((D, D)), full((1, AH)),
                  full((AH, D)), full((1, D)), full((D, AH)), full((1, AH)),
                  full((AH, D)), full((1, D))],
        out_specs=[rows(DS), rows(DD), rows(D), rows(D),
                   full((AH, AH)), full((1, AH + D))],
        out_shape=[jax.ShapeDtypeStruct((N, DS), f32),
                   jax.ShapeDtypeStruct((N, DD), f32),
                   jax.ShapeDtypeStruct((N, D), f32),
                   jax.ShapeDtypeStruct((N, D), f32),
                   jax.ShapeDtypeStruct((AH, AH), f32),
                   jax.ShapeDtypeStruct((1, AH + D), f32)],
    )(x, pos16, W_in, b_in2, W_lin, W_src, W_dst, bp1_2, Wp2, bp2_2,
      Wa1, ba1_2, Wa2, bb2_2)

    mesh = plsc.VectorSubcoreMesh(core_axis_name="c", subcore_axis_name="s")
    H = E // NH
    zeros = jnp.zeros((N, D), f32)
    erows = lambda w: pl.BlockSpec((EB, w), lambda i: (i, 0))

    def gather_half(src_h, dst_h):
        return pl.kernel(
            _sc_gather_body,
            out_type=[jax.ShapeDtypeStruct((H, DS), f32),
                      jax.ShapeDtypeStruct((H, DD), f32)],
            mesh=mesh,
            scratch_types=([pltpu.VMEM((H // NW,), jnp.int32)] * 2
                           + [pltpu.VMEM((CG, DS), f32)] * NB
                           + [pltpu.VMEM((CG, DD), f32)] * NB
                           + [pltpu.SemaphoreType.DMA] * (2 * NB)),
        )(src_h, dst_h, tsrc, tdst)

    def edge_half(gsrc, gdst):
        return pl.pallas_call(
            _edge_kernel,
            grid=(H // EB,),
            in_specs=[erows(DS), erows(DD), full((1, AH)), full((PW, AH)),
                      full((AH, D)), full((1, D)), full((AH, AH)),
                      full((1, AH + D)), full((AH, D)), full((1, D))],
            out_specs=[pl.BlockSpec((2, EB, D), lambda i: (0, i, 0))],
            out_shape=[jax.ShapeDtypeStruct((2, H, D), f32)],
        )(gsrc, gdst, bp1_2, Wp1_16, Wp2, bp2_2, wq, cq, Wa2, bb2_2)[0]

    def scatter_half(dst_h, sv):
        return pl.kernel(
            _sc_scatter_body,
            out_type=jax.ShapeDtypeStruct((2, N, D), f32),
            mesh=mesh,
            scratch_types=([pltpu.VMEM((CS,), jnp.int32)] * (2 * NB)
                           + [pltpu.VMEM((CL, D), f32)] * NB
                           + [pltpu.SemaphoreType.DMA] * (2 * NB)
                           + [pltpu.VMEM_SHARED((N, D), f32)]),
        )(dst_h, sv, zeros)

    srcs = [lax.slice(src, (h * H,), ((h + 1) * H,)) for h in range(NH)]
    dsts = [lax.slice(dst, (h * H,), ((h + 1) * H,)) for h in range(NH)]
    gs = [gather_half(srcs[h], dsts[h]) for h in range(NH)]
    svs = [edge_half(*gs[h]) for h in range(NH)]
    parts = [scatter_half(dsts[h], svs[h]) for h in range(NH)]

    out = pl.pallas_call(
        _final_kernel,
        grid=(nsteps,),
        in_specs=[pl.BlockSpec((1, RB, D), lambda i: (0, i, 0)),
                  pl.BlockSpec((1, RB, D), lambda i: (1, i, 0)),
                  pl.BlockSpec((1, RB, D), lambda i: (0, i, 0)),
                  pl.BlockSpec((1, RB, D), lambda i: (1, i, 0)),
                  rows(D), rows(D), full((D, D)), full((1, D))],
        out_specs=[rows(D)],
        out_shape=[jax.ShapeDtypeStruct((N, D), f32)],
    )(parts[0], parts[0], parts[1], parts[1], s0, v0, W_out, b_out2)[0]
    return out

# --- scband reference (transcript-rebuilt; emitter-appended) ---
"""Pipeline reference for scband-transformer-block-74560632259164 (READ-ONLY COPY).

The authoritative reference and input builder live on the scoring server;
editing this copy changes nothing except your own understanding.
"""

import jax, jax.numpy as jnp
import numpy as np

N = 10000
E = 320000
D_IN = 128
D_HID = 128
D_OUT = 128
POS_HID = 64
ATT_HID = 64


def setup_inputs(seed: int = 0) -> dict:
    key = jax.random.key(seed)
    ks = jax.random.split(key, 20)
    inp = {}
    inp["x"] = jax.random.normal(ks[0], (N, D_IN), dtype=jnp.float32)
    inp["pos"] = jax.random.normal(ks[1], (N, 3), dtype=jnp.float32)
    inp["edge_index"] = jax.random.randint(ks[2], (2, E), 0, N)
    # lin_in: Linear(in_channels, hidden_channels) + ReLU
    inp["W_in"] = jax.random.normal(ks[3], (D_IN, D_HID), dtype=jnp.float32) * (1.0 / np.sqrt(D_IN))
    inp["b_in"] = jnp.zeros((D_HID,), dtype=jnp.float32)
    # PointTransformerConv internal linears (bias=False in PyG)
    inp["W_lin"] = jax.random.normal(ks[4], (D_HID, D_OUT), dtype=jnp.float32) * (1.0 / np.sqrt(D_HID))
    inp["W_src"] = jax.random.normal(ks[5], (D_HID, D_OUT), dtype=jnp.float32) * (1.0 / np.sqrt(D_HID))
    inp["W_dst"] = jax.random.normal(ks[6], (D_HID, D_OUT), dtype=jnp.float32) * (1.0 / np.sqrt(D_HID))
    # pos_nn: Lin(3,64)+ReLU+Lin(64,out)
    inp["Wp1"] = jax.random.normal(ks[7], (3, POS_HID), dtype=jnp.float32) * (1.0 / np.sqrt(3))
    inp["bp1"] = jnp.zeros((POS_HID,), dtype=jnp.float32)
    inp["Wp2"] = jax.random.normal(ks[8], (POS_HID, D_OUT), dtype=jnp.float32) * (1.0 / np.sqrt(POS_HID))
    inp["bp2"] = jnp.zeros((D_OUT,), dtype=jnp.float32)
    # attn_nn: Lin(out,64)+ReLU+Lin(64,out)
    inp["Wa1"] = jax.random.normal(ks[9], (D_OUT, ATT_HID), dtype=jnp.float32) * (1.0 / np.sqrt(D_OUT))
    inp["ba1"] = jnp.zeros((ATT_HID,), dtype=jnp.float32)
    inp["Wa2"] = jax.random.normal(ks[10], (ATT_HID, D_OUT), dtype=jnp.float32) * (1.0 / np.sqrt(ATT_HID))
    inp["bb2"] = jnp.zeros((D_OUT,), dtype=jnp.float32)
    # lin_out: Linear(out, out) + ReLU
    inp["W_out"] = jax.random.normal(ks[11], (D_OUT, D_OUT), dtype=jnp.float32) * (1.0 / np.sqrt(D_OUT))
    inp["b_out"] = jnp.zeros((D_OUT,), dtype=jnp.float32)
    return inp


def reference(x, pos, edge_index, W_in, b_in, W_lin, W_src, W_dst, Wp1, bp1, Wp2, bp2, Wa1, ba1, Wa2, bb2, W_out, b_out):
    # lin_in
    h = jax.nn.relu(x @ W_in + b_in)
    # PointTransformerConv (PyG semantics, add_self_loops=True)
    a_src = h @ W_src
    a_dst = h @ W_dst
    xl = h @ W_lin
    loops = jnp.arange(N, dtype=edge_index.dtype)
    src = jnp.concatenate([edge_index[0], loops])
    dst = jnp.concatenate([edge_index[1], loops])
    # pos_nn(pos_i - pos_j)
    rel = pos[dst] - pos[src]
    delta = jax.nn.relu(rel @ Wp1 + bp1) @ Wp2 + bp2
    # alpha = attn_nn(alpha_i - alpha_j + delta)
    alpha = a_dst[dst] - a_src[src] + delta
    alpha = jax.nn.relu(alpha @ Wa1 + ba1) @ Wa2 + bb2
    # softmax over edges grouped by dst index (PyG softmax)
    amax = jax.ops.segment_max(alpha, dst, num_segments=N)
    alpha = jnp.exp(alpha - amax[dst])
    denom = jax.ops.segment_sum(alpha, dst, num_segments=N)
    alpha = alpha / (denom[dst] + 1e-16)
    # message: alpha * (x_j + delta), aggregate sum per dst
    msg = alpha * (xl[src] + delta)
    out = jax.ops.segment_sum(msg, dst, num_segments=N)
    # lin_out
    out = jax.nn.relu(out @ W_out + b_out)
    return out

if __name__ == "__main__":
    import jax
    _d = setup_inputs()
    print(jax.jit(kernel)(*tuple(_d.values())))

</pallas_src>

<mosaic_0001>
#map = affine_map<(d0, d1) -> (0)>
#map1 = affine_map<(d0, d1) -> (0, 0, 0)>
#map2 = affine_map<(d0, d1) -> (0, 0)>
module attributes {stable_mosaic.version = 14 : i64} {
  func.func @_sc_scatter_body(%arg0: i32, %arg1: i32, %arg2: memref<160000xi32, #tpu.memory_space<hbm>>, %arg3: memref<2x160000x128xf32, #tpu.memory_space<hbm>>, %arg4: memref<10000x128xf32, #tpu.memory_space<hbm>>, %arg5: memref<2x10000x128xf32, #tpu.memory_space<hbm>>, %arg6: memref<40xi32, #tpu.memory_space<vmem>>, %arg7: memref<40xi32, #tpu.memory_space<vmem>>, %arg8: memref<40xi32, #tpu.memory_space<vmem>>, %arg9: memref<40xi32, #tpu.memory_space<vmem>>, %arg10: memref<40xi32, #tpu.memory_space<vmem>>, %arg11: memref<40xi32, #tpu.memory_space<vmem>>, %arg12: memref<40xi32, #tpu.memory_space<vmem>>, %arg13: memref<40xi32, #tpu.memory_space<vmem>>, %arg14: memref<80x128xf32, #tpu.memory_space<vmem>>, %arg15: memref<80x128xf32, #tpu.memory_space<vmem>>, %arg16: memref<80x128xf32, #tpu.memory_space<vmem>>, %arg17: memref<80x128xf32, #tpu.memory_space<vmem>>, %arg18: memref<!tpu.dma_semaphore, #tpu.memory_space<semaphore_mem>>, %arg19: memref<!tpu.dma_semaphore, #tpu.memory_space<semaphore_mem>>, %arg20: memref<!tpu.dma_semaphore, #tpu.memory_space<semaphore_mem>>, %arg21: memref<!tpu.dma_semaphore, #tpu.memory_space<semaphore_mem>>, %arg22: memref<!tpu.dma_semaphore, #tpu.memory_space<semaphore_mem>>, %arg23: memref<!tpu.dma_semaphore, #tpu.memory_space<semaphore_mem>>, %arg24: memref<!tpu.dma_semaphore, #tpu.memory_space<semaphore_mem>>, %arg25: memref<!tpu.dma_semaphore, #tpu.memory_space<semaphore_mem>>, %arg26: memref<10000x128xf32, #tpu.memory_space<vmem_shared>>) attributes {dimension_semantics = [#tpu.dimension_semantics<core_parallel>, #tpu.dimension_semantics<subcore_parallel>], iteration_bounds = array<i64: 2, 16>, scalar_prefetch = 0 : i64, scratch_operands = 21 : i64, tpu.core_type = #tpu.core_type<sc_vector_subcore>, window_params = [{transform_indices = #map}, {transform_indices = #map1}, {transform_indices = #map2}, {transform_indices = #map1}]} {
    %eq3A = arith.constant 0 : i32
    %eq3A_0 = arith.cmpi eq, %arg1, %eq3A : i32
    %convert_element_type3A = arith.extui %eq3A_0 : i1 to i32
    %cond3A = arith.constant 0 : i32
    %cond3A_1 = arith.cmpi ne, %convert_element_type3A, %cond3A : i32
    scf.if %cond3A_1 {
      "tpu.region"() ({
        %run_scoped3A = tpu.sem_alloc : memref<!tpu.dma_semaphore, #tpu.memory_space<semaphore_mem>>
        tpu.enqueue_dma source(%arg4 : memref<10000x128xf32, #tpu.memory_space<hbm>>) target(%arg26 : memref<10000x128xf32, #tpu.memory_space<vmem_shared>>) target_semaphore(%run_scoped3A : memref<!tpu.dma_semaphore, #tpu.memory_space<semaphore_mem>>)
        tpu.wait_dma2 semaphore(%run_scoped3A : memref<!tpu.dma_semaphore, #tpu.memory_space<semaphore_mem>>) src(%arg4 : memref<10000x128xf32, #tpu.memory_space<hbm>>) dst(%arg26 : memref<10000x128xf32, #tpu.memory_space<vmem_shared>>)
        tpu.yield
      }) : () -> ()
    } else {
    }
    %mul3A = arith.constant 10000 : i32
    %mul3A_2 = arith.muli %arg1, %mul3A : i32
    %barrier3A = arith.constant 0 : index
    tpu.barrier barrier_id(%barrier3A)
    %multiple_of3A = arith.constant 0 : i32
    %multiple_of3A_3 = tpu.assume_multiple %multiple_of3A, 8 : i32
    %add3A = arith.addi %mul3A_2, %multiple_of3A_3 : i32
    %dma_start3A = tpu.memref_slice %arg2[%add3A] : memref<160000xi32, #tpu.memory_space<hbm>> -> memref<40xi32, #tpu.memory_space<hbm>>
    %dma_start3A_4 = tpu.memref_slice %arg2[%add3A] : memref<160000xi32, #tpu.memory_space<hbm>> -> memref<40xi32, #tpu.memory_space<hbm>>
    tpu.enqueue_dma source(%dma_start3A_4 : memref<40xi32, #tpu.memory_space<hbm>>) target(%arg6 : memref<40xi32, #tpu.memory_space<vmem>>) target_semaphore(%arg18 : memref<!tpu.dma_semaphore, #tpu.memory_space<semaphore_mem>>)
    %add3A_5 = arith.constant 40 : i32
    %add3A_6 = arith.addi %add3A, %add3A_5 : i32
    %dma_start3A_7 = tpu.memref_slice %arg2[%add3A_6] : memref<160000xi32, #tpu.memory_space<hbm>> -> memref<40xi32, #tpu.memory_space<hbm>>
    %dma_start3A_8 = tpu.memref_slice %arg2[%add3A_6] : memref<160000xi32, #tpu.memory_space<hbm>> -> memref<40xi32, #tpu.memory_space<hbm>>
    tpu.enqueue_dma source(%dma_start3A_8 : memref<40xi32, #tpu.memory_space<hbm>>) target(%arg10 : memref<40xi32, #tpu.memory_space<vmem>>) target_semaphore(%arg18 : memref<!tpu.dma_semaphore, #tpu.memory_space<semaphore_mem>>)
    %dma_start3A_9 = arith.constant 0 : i32
    %dma_start3A_10 = tpu.memref_slice %arg3[%arg0, %add3A, %dma_start3A_9] : memref<2x160000x128xf32, #tpu.memory_space<hbm>> -> memref<1x80x128xf32, #tpu.memory_space<hbm>>
    %dma_start3A_11 = tpu.memref_squeeze %dma_start3A_10 : memref<1x80x128xf32, #tpu.memory_space<hbm>> -> memref<80x128xf32, #tpu.memory_space<hbm>>
    %dma_start3A_12 = arith.constant 0 : i32
    %dma_start3A_13 = tpu.memref_slice %arg3[%arg0, %add3A, %dma_start3A_12] : memref<2x160000x128xf32, #tpu.memory_space<hbm>> -> memref<1x80x128xf32, #tpu.memory_space<hbm>>
    %dma_start3A_14 = tpu.memref_squeeze %dma_start3A_13 : memref<1x80x128xf32, #tpu.memory_space<hbm>> -> memref<80x128xf32, #tpu.memory_space<hbm>>
    tpu.enqueue_dma source(%dma_start3A_14 : memref<80x128xf32, #tpu.memory_space<hbm>>) target(%arg14 : memref<80x128xf32, #tpu.memory_space<vmem>>) target_semaphore(%arg18 : memref<!tpu.dma_semaphore, #tpu.memory_space<semaphore_mem>>)
    %multiple_of3A_15 = arith.constant 80 : i32
    %multiple_of3A_16 = tpu.assume_multiple %multiple_of3A_15, 8 : i32
    %add3A_17 = arith.addi %mul3A_2, %multiple_of3A_16 : i32
    %dma_start3A_18 = tpu.memref_slice %arg2[%add3A_17] : memref<160000xi32, #tpu.memory_space<hbm>> -> memref<40xi32, #tpu.memory_space<hbm>>
    %dma_start3A_19 = tpu.memref_slice %arg2[%add3A_17] : memref<160000xi32, #tpu.memory_space<hbm>> -> memref<40xi32, #tpu.memory_space<hbm>>
    tpu.enqueue_dma source(%dma_start3A_19 : memref<40xi32, #tpu.memory_space<hbm>>) target(%arg7 : memref<40xi32, #tpu.memory_space<vmem>>) target_semaphore(%arg19 : memref<!tpu.dma_semaphore, #tpu.memory_space<semaphore_mem>>)
    %add3A_20 = arith.constant 40 : i32
    %add3A_21 = arith.addi %add3A_17, %add3A_20 : i32
    %dma_start3A_22 = tpu.memref_slice %arg2[%add3A_21] : memref<160000xi32, #tpu.memory_space<hbm>> -> memref<40xi32, #tpu.memory_space<hbm>>
    %dma_start3A_23 = tpu.memref_slice %arg2[%add3A_21] : memref<160000xi32, #tpu.memory_space<hbm>> -> memref<40xi32, #tpu.memory_space<hbm>>
    tpu.enqueue_dma source(%dma_start3A_23 : memref<40xi32, #tpu.memory_space<hbm>>) target(%arg11 : memref<40xi32, #tpu.memory_space<vmem>>) target_semaphore(%arg19 : memref<!tpu.dma_semaphore, #tpu.memory_space<semaphore_mem>>)
    %dma_start3A_24 = arith.constant 0 : i32
    %dma_start3A_25 = tpu.memref_slice %arg3[%arg0, %add3A_17, %dma_start3A_24] : memref<2x160000x128xf32, #tpu.memory_space<hbm>> -> memref<1x80x128xf32, #tpu.memory_space<hbm>>
    %dma_start3A_26 = tpu.memref_squeeze %dma_start3A_25 : memref<1x80x128xf32, #tpu.memory_space<hbm>> -> memref<80x128xf32, #tpu.memory_space<hbm>>
    %dma_start3A_27 = arith.constant 0 : i32
    %dma_start3A_28 = tpu.memref_slice %arg3[%arg0, %add3A_17, %dma_start3A_27] : memref<2x160000x128xf32, #tpu.memory_space<hbm>> -> memref<1x80x128xf32, #tpu.memory_space<hbm>>
    %dma_start3A_29 = tpu.memref_squeeze %dma_start3A_28 : memref<1x80x128xf32, #tpu.memory_space<hbm>> -> memref<80x128xf32, #tpu.memory_space<hbm>>
    tpu.enqueue_dma source(%dma_start3A_29 : memref<80x128xf32, #tpu.memory_space<hbm>>) target(%arg15 : memref<80x128xf32, #tpu.memory_space<vmem>>) target_semaphore(%arg19 : memref<!tpu.dma_semaphore, #tpu.memory_space<semaphore_mem>>)
    %multiple_of3A_30 = arith.constant 160 : i32
    %multiple_of3A_31 = tpu.assume_multiple %multiple_of3A_30, 8 : i32
    %add3A_32 = arith.addi %mul3A_2, %multiple_of3A_31 : i32
    %dma_start3A_33 = tpu.memref_slice %arg2[%add3A_32] : memref<160000xi32, #tpu.memory_space<hbm>> -> memref<40xi32, #tpu.memory_space<hbm>>
    %dma_start3A_34 = tpu.memref_slice %arg2[%add3A_32] : memref<160000xi32, #tpu.memory_space<hbm>> -> memref<40xi32, #tpu.memory_space<hbm>>
    tpu.enqueue_dma source(%dma_start3A_34 : memref<40xi32, #tpu.memory_space<hbm>>) target(%arg8 : memref<40xi32, #tpu.memory_space<vmem>>) target_semaphore(%arg20 : memref<!tpu.dma_semaphore, #tpu.memory_space<semaphore_mem>>)
    %add3A_35 = arith.constant 40 : i32
    %add3A_36 = arith.addi %add3A_32, %add3A_35 : i32
    %dma_start3A_37 = tpu.memref_slice %arg2[%add3A_36] : memref<160000xi32, #tpu.memory_space<hbm>> -> memref<40xi32, #tpu.memory_space<hbm>>
    %dma_start3A_38 = tpu.memref_slice %arg2[%add3A_36] : memref<160000xi32, #tpu.memory_space<hbm>> -> memref<40xi32, #tpu.memory_space<hbm>>
    tpu.enqueue_dma source(%dma_start3A_38 : memref<40xi32, #tpu.memory_space<hbm>>) target(%arg12 : memref<40xi32, #tpu.memory_space<vmem>>) target_semaphore(%arg20 : memref<!tpu.dma_semaphore, #tpu.memory_space<semaphore_mem>>)
    %dma_start3A_39 = arith.constant 0 : i32
    %dma_start3A_40 = tpu.memref_slice %arg3[%arg0, %add3A_32, %dma_start3A_39] : memref<2x160000x128xf32, #tpu.memory_space<hbm>> -> memref<1x80x128xf32, #tpu.memory_space<hbm>>
    %dma_start3A_41 = tpu.memref_squeeze %dma_start3A_40 : memref<1x80x128xf32, #tpu.memory_space<hbm>> -> memref<80x128xf32, #tpu.memory_space<hbm>>
    %dma_start3A_42 = arith.constant 0 : i32
    %dma_start3A_43 = tpu.memref_slice %arg3[%arg0, %add3A_32, %dma_start3A_42] : memref<2x160000x128xf32, #tpu.memory_space<hbm>> -> memref<1x80x128xf32, #tpu.memory_space<hbm>>
    %dma_start3A_44 = tpu.memref_squeeze %dma_start3A_43 : memref<1x80x128xf32, #tpu.memory_space<hbm>> -> memref<80x128xf32, #tpu.memory_space<hbm>>
    tpu.enqueue_dma source(%dma_start3A_44 : memref<80x128xf32, #tpu.memory_space<hbm>>) target(%arg16 : memref<80x128xf32, #tpu.memory_space<vmem>>) target_semaphore(%arg20 : memref<!tpu.dma_semaphore, #tpu.memory_space<semaphore_mem>>)
    %multiple_of3A_45 = arith.constant 240 : i32
    %multiple_of3A_46 = tpu.assume_multiple %multiple_of3A_45, 8 : i32
    %add3A_47 = arith.addi %mul3A_2, %multiple_of3A_46 : i32
    %dma_start3A_48 = tpu.memref_slice %arg2[%add3A_47] : memref<160000xi32, #tpu.memory_space<hbm>> -> memref<40xi32, #tpu.memory_space<hbm>>
    %dma_start3A_49 = tpu.memref_slice %arg2[%add3A_47] : memref<160000xi32, #tpu.memory_space<hbm>> -> memref<40xi32, #tpu.memory_space<hbm>>
    tpu.enqueue_dma source(%dma_start3A_49 : memref<40xi32, #tpu.memory_space<hbm>>) target(%arg9 : memref<40xi32, #tpu.memory_space<vmem>>) target_semaphore(%arg21 : memref<!tpu.dma_semaphore, #tpu.memory_space<semaphore_mem>>)
    %add3A_50 = arith.constant 40 : i32
    %add3A_51 = arith.addi %add3A_47, %add3A_50 : i32
    %dma_start3A_52 = tpu.memref_slice %arg2[%add3A_51] : memref<160000xi32, #tpu.memory_space<hbm>> -> memref<40xi32, #tpu.memory_space<hbm>>
    %dma_start3A_53 = tpu.memref_slice %arg2[%add3A_51] : memref<160000xi32, #tpu.memory_space<hbm>> -> memref<40xi32, #tpu.memory_space<hbm>>
    tpu.enqueue_dma source(%dma_start3A_53 : memref<40xi32, #tpu.memory_space<hbm>>) target(%arg13 : memref<40xi32, #tpu.memory_space<vmem>>) target_semaphore(%arg21 : memref<!tpu.dma_semaphore, #tpu.memory_space<semaphore_mem>>)
    %dma_start3A_54 = arith.constant 0 : i32
    %dma_start3A_55 = tpu.memref_slice %arg3[%arg0, %add3A_47, %dma_start3A_54] : memref<2x160000x128xf32, #tpu.memory_space<hbm>> -> memref<1x80x128xf32, #tpu.memory_space<hbm>>
    %dma_start3A_56 = tpu.memref_squeeze %dma_start3A_55 : memref<1x80x128xf32, #tpu.memory_space<hbm>> -> memref<80x128xf32, #tpu.memory_space<hbm>>
    %dma_start3A_57 = arith.constant 0 : i32
    %dma_start3A_58 = tpu.memref_slice %arg3[%arg0, %add3A_47, %dma_start3A_57] : memref<2x160000x128xf32, #tpu.memory_space<hbm>> -> memref<1x80x128xf32, #tpu.memory_space<hbm>>
    %dma_start3A_59 = tpu.memref_squeeze %dma_start3A_58 : memref<1x80x128xf32, #tpu.memory_space<hbm>> -> memref<80x128xf32, #tpu.memory_space<hbm>>
    tpu.enqueue_dma source(%dma_start3A_59 : memref<80x128xf32, #tpu.memory_space<hbm>>) target(%arg17 : memref<80x128xf32, #tpu.memory_space<vmem>>) target_semaphore(%arg21 : memref<!tpu.dma_semaphore, #tpu.memory_space<semaphore_mem>>)
    %scan3A = arith.constant 0 : i32
    %scan3A_60 = arith.constant 0 : i32
    %scan3A_61 = arith.constant 31 : i32
    %scan3A_62 = arith.addi %scan3A_60, %scan3A_61 : i32
    %scan3A_63 = arith.constant 1 : i32
    scf.for %scan3A_124 = %scan3A_60 to %scan3A_62 step %scan3A_63  : i32 {
      %mul3A_125 = arith.constant 4 : i32
      %mul3A_126 = arith.muli %scan3A_124, %mul3A_125 : i32
      %dma_wait3A_127 = arith.constant 0 : i32
      %dma_wait3A_128 = tpu.memref_slice %arg2[%dma_wait3A_127] : memref<160000xi32, #tpu.memory_space<hbm>> -> memref<40xi32, #tpu.memory_space<hbm>>
      %dma_wait3A_129 = arith.constant 0 : i32
      %dma_wait3A_130 = tpu.memref_slice %arg2[%dma_wait3A_129] : memref<160000xi32, #tpu.memory_space<hbm>> -> memref<40xi32, #tpu.memory_space<hbm>>
      tpu.wait_dma2 semaphore(%arg18 : memref<!tpu.dma_semaphore, #tpu.memory_space<semaphore_mem>>) src(%dma_wait3A_130 : memref<40xi32, #tpu.memory_space<hbm>>) dst(%arg6 : memref<40xi32, #tpu.memory_space<vmem>>)
      %dma_wait3A_131 = arith.constant 0 : i32
      %dma_wait3A_132 = tpu.memref_slice %arg2[%dma_wait3A_131] : memref<160000xi32, #tpu.memory_space<hbm>> -> memref<40xi32, #tpu.memory_space<hbm>>
      %dma_wait3A_133 = arith.constant 0 : i32
      %dma_wait3A_134 = tpu.memref_slice %arg2[%dma_wait3A_133] : memref<160000xi32, #tpu.memory_space<hbm>> -> memref<40xi32, #tpu.memory_space<hbm>>
      tpu.wait_dma2 semaphore(%arg18 : memref<!tpu.dma_semaphore, #tpu.memory_space<semaphore_mem>>) src(%dma_wait3A_134 : memref<40xi32, #tpu.memory_space<hbm>>) dst(%arg10 : memref<40xi32, #tpu.memory_space<vmem>>)
      %dma_wait3A_135 = arith.constant 0 : i32
      %dma_wait3A_136 = arith.constant 0 : i32
      %dma_wait3A_137 = arith.constant 0 : i32
      %dma_wait3A_138 = tpu.memref_slice %arg3[%dma_wait3A_135, %dma_wait3A_136, %dma_wait3A_137] : memref<2x160000x128xf32, #tpu.memory_space<hbm>> -> memref<1x80x128xf32, #tpu.memory_space<hbm>>
      %dma_wait3A_139 = tpu.memref_squeeze %dma_wait3A_138 : memref<1x80x128xf32, #tpu.memory_space<hbm>> -> memref<80x128xf32, #tpu.memory_space<hbm>>
      %dma_wait3A_140 = arith.constant 0 : i32
      %dma_wait3A_141 = arith.constant 0 : i32
      %dma_wait3A_142 = tpu.memref_slice %arg3[%dma_wait3A_135, %dma_wait3A_140, %dma_wait3A_141] : memref<2x160000x128xf32, #tpu.memory_space<hbm>> -> memref<1x80x128xf32, #tpu.memory_space<hbm>>
      %dma_wait3A_143 = tpu.memref_squeeze %dma_wait3A_142 : memref<1x80x128xf32, #tpu.memory_space<hbm>> -> memref<80x128xf32, #tpu.memory_space<hbm>>
      tpu.wait_dma2 semaphore(%arg18 : memref<!tpu.dma_semaphore, #tpu.memory_space<semaphore_mem>>) src(%dma_wait3A_143 : memref<80x128xf32, #tpu.memory_space<hbm>>) dst(%arg14 : memref<80x128xf32, #tpu.memory_space<vmem>>)
      %dma_start3A_144 = arith.constant 0 : i32
      %dma_start3A_145 = arith.constant 0 : i32
      %dma_start3A_146 = tpu.memref_slice %arg14[%dma_start3A_144, %dma_start3A_145] : memref<80x128xf32, #tpu.memory_space<vmem>> -> memref<40x128xf32, #tpu.memory_space<vmem>>
      %dma_start3A_147 = arith.constant 0 : i32
      %dma_start3A_148 = arith.constant 0 : i32
      %dma_start3A_149 = tpu.memref_slice %arg26[%dma_start3A_147, %dma_start3A_148] : memref<10000x128xf32, #tpu.memory_space<vmem_shared>> -> memref<10000x128xf32, #tpu.memory_space<vmem_shared>>
      tpu.enqueue_indirect_dma source(%dma_start3A_146 : memref<40x128xf32, #tpu.memory_space<vmem>>) target(%dma_start3A_149 : memref<10000x128xf32, #tpu.memory_space<vmem_shared>>) offsets(%arg6 : memref<40xi32, #tpu.memory_space<vmem>>) semaphore(%arg22 : memref<!tpu.dma_semaphore, #tpu.memory_space<semaphore_mem>>) {add = true}
      %dma_start3A_150 = arith.constant 40 : i32
      %dma_start3A_151 = arith.constant 0 : i32
      %dma_start3A_152 = tpu.memref_slice %arg14[%dma_start3A_150, %dma_start3A_151] : memref<80x128xf32, #tpu.memory_space<vmem>> -> memref<40x128xf32, #tpu.memory_space<vmem>>
      %dma_start3A_153 = arith.constant 0 : i32
      %dma_start3A_154 = arith.constant 0 : i32
      %dma_start3A_155 = tpu.memref_slice %arg26[%dma_start3A_153, %dma_start3A_154] : memref<10000x128xf32, #tpu.memory_space<vmem_shared>> -> memref<10000x128xf32, #tpu.memory_space<vmem_shared>>
      tpu.enqueue_indirect_dma source(%dma_start3A_152 : memref<40x128xf32, #tpu.memory_space<vmem>>) target(%dma_start3A_155 : memref<10000x128xf32, #tpu.memory_space<vmem_shared>>) offsets(%arg10 : memref<40xi32, #tpu.memory_space<vmem>>) semaphore(%arg22 : memref<!tpu.dma_semaphore, #tpu.memory_space<semaphore_mem>>) {add = true}
      %dma_wait3A_156 = arith.constant 0 : i32
      %dma_wait3A_157 = tpu.memref_slice %arg2[%dma_wait3A_156] : memref<160000xi32, #tpu.memory_space<hbm>> -> memref<40xi32, #tpu.memory_space<hbm>>
      %dma_wait3A_158 = arith.constant 0 : i32
      %dma_wait3A_159 = tpu.memref_slice %arg2[%dma_wait3A_158] : memref<160000xi32, #tpu.memory_space<hbm>> -> memref<40xi32, #tpu.memory_space<hbm>>
      tpu.wait_dma2 semaphore(%arg19 : memref<!tpu.dma_semaphore, #tpu.memory_space<semaphore_mem>>) src(%dma_wait3A_159 : memref<40xi32, #tpu.memory_space<hbm>>) dst(%arg7 : memref<40xi32, #tpu.memory_space<vmem>>)
      %dma_wait3A_160 = arith.constant 0 : i32
      %dma_wait3A_161 = tpu.memref_slice %arg2[%dma_wait3A_160] : memref<160000xi32, #tpu.memory_space<hbm>> -> memref<40xi32, #tpu.memory_space<hbm>>
      %dma_wait3A_162 = arith.constant 0 : i32
      %dma_wait3A_163 = tpu.memref_slice %arg2[%dma_wait3A_162] : memref<160000xi32, #tpu.memory_space<hbm>> -> memref<40xi32, #tpu.memory_space<hbm>>
      tpu.wait_dma2 semaphore(%arg19 : memref<!tpu.dma_semaphore, #tpu.memory_space<semaphore_mem>>) src(%dma_wait3A_163 : memref<40xi32, #tpu.memory_space<hbm>>) dst(%arg11 : memref<40xi32, #tpu.memory_space<vmem>>)
      %dma_wait3A_164 = arith.constant 0 : i32
      %dma_wait3A_165 = arith.constant 0 : i32
      %dma_wait3A_166 = arith.constant 0 : i32
      %dma_wait3A_167 = tpu.memref_slice %arg3[%dma_wait3A_164, %dma_wait3A_165, %dma_wait3A_166] : memref<2x160000x128xf32, #tpu.memory_space<hbm>> -> memref<1x80x128xf32, #tpu.memory_space<hbm>>
      %dma_wait3A_168 = tpu.memref_squeeze %dma_wait3A_167 : memref<1x80x128xf32, #tpu.memory_space<hbm>> -> memref<80x128xf32, #tpu.memory_space<hbm>>
      %dma_wait3A_169 = arith.constant 0 : i32
      %dma_wait3A_170 = arith.constant 0 : i32
      %dma_wait3A_171 = tpu.memref_slice %arg3[%dma_wait3A_164, %dma_wait3A_169, %dma_wait3A_170] : memref<2x160000x128xf32, #tpu.memory_space<hbm>> -> memref<1x80x128xf32, #tpu.memory_space<hbm>>
      %dma_wait3A_172 = tpu.memref_squeeze %dma_wait3A_171 : memref<1x80x128xf32, #tpu.memory_space<hbm>> -> memref<80x128xf32, #tpu.memory_space<hbm>>
      tpu.wait_dma2 semaphore(%arg19 : memref<!tpu.dma_semaphore, #tpu.memory_space<semaphore_mem>>) src(%dma_wait3A_172 : memref<80x128xf32, #tpu.memory_space<hbm>>) dst(%arg15 : memref<80x128xf32, #tpu.memory_space<vmem>>)
      %dma_start3A_173 = arith.constant 0 : i32
      %dma_start3A_174 = arith.constant 0 : i32
      %dma_start3A_175 = tpu.memref_slice %arg15[%dma_start3A_173, %dma_start3A_174] : memref<80x128xf32, #tpu.memory_space<vmem>> -> memref<40x128xf32, #tpu.memory_space<vmem>>
      %dma_start3A_176 = arith.constant 0 : i32
      %dma_start3A_177 = arith.constant 0 : i32
      %dma_start3A_178 = tpu.memref_slice %arg26[%dma_start3A_176, %dma_start3A_177] : memref<10000x128xf32, #tpu.memory_space<vmem_shared>> -> memref<10000x128xf32, #tpu.memory_space<vmem_shared>>
      tpu.enqueue_indirect_dma source(%dma_start3A_175 : memref<40x128xf32, #tpu.memory_space<vmem>>) target(%dma_start3A_178 : memref<10000x128xf32, #tpu.memory_space<vmem_shared>>) offsets(%arg7 : memref<40xi32, #tpu.memory_space<vmem>>) semaphore(%arg23 : memref<!tpu.dma_semaphore, #tpu.memory_space<semaphore_mem>>) {add = true}
      %dma_start3A_179 = arith.constant 40 : i32
      %dma_start3A_180 = arith.constant 0 : i32
      %dma_start3A_181 = tpu.memref_slice %arg15[%dma_start3A_179, %dma_start3A_180] : memref<80x128xf32, #tpu.memory_space<vmem>> -> memref<40x128xf32, #tpu.memory_space<vmem>>
      %dma_start3A_182 = arith.constant 0 : i32
      %dma_start3A_183 = arith.constant 0 : i32
      %dma_start3A_184 = tpu.memref_slice %arg26[%dma_start3A_182, %dma_start3A_183] : memref<10000x128xf32, #tpu.memory_space<vmem_shared>> -> memref<10000x128xf32, #tpu.memory_space<vmem_shared>>
      tpu.enqueue_indirect_dma source(%dma_start3A_181 : memref<40x128xf32, #tpu.memory_space<vmem>>) target(%dma_start3A_184 : memref<10000x128xf32, #tpu.memory_space<vmem_shared>>) offsets(%arg11 : memref<40xi32, #tpu.memory_space<vmem>>) semaphore(%arg23 : memref<!tpu.dma_semaphore, #tpu.memory_space<semaphore_mem>>) {add = true}
      %dma_wait3A_185 = arith.constant 0 : i32
      %dma_wait3A_186 = tpu.memref_slice %arg2[%dma_wait3A_185] : memref<160000xi32, #tpu.memory_space<hbm>> -> memref<40xi32, #tpu.memory_space<hbm>>
      %dma_wait3A_187 = arith.constant 0 : i32
      %dma_wait3A_188 = tpu.memref_slice %arg2[%dma_wait3A_187] : memref<160000xi32, #tpu.memory_space<hbm>> -> memref<40xi32, #tpu.memory_space<hbm>>
      tpu.wait_dma2 semaphore(%arg20 : memref<!tpu.dma_semaphore, #tpu.memory_space<semaphore_mem>>) src(%dma_wait3A_188 : memref<40xi32, #tpu.memory_space<hbm>>) dst(%arg8 : memref<40xi32, #tpu.memory_space<vmem>>)
      %dma_wait3A_189 = arith.constant 0 : i32
      %dma_wait3A_190 = tpu.memref_slice %arg2[%dma_wait3A_189] : memref<160000xi32, #tpu.memory_space<hbm>> -> memref<40xi32, #tpu.memory_space<hbm>>
      %dma_wait3A_191 = arith.constant 0 : i32
      %dma_wait3A_192 = tpu.memref_slice %arg2[%dma_wait3A_191] : memref<160000xi32, #tpu.memory_space<hbm>> -> memref<40xi32, #tpu.memory_space<hbm>>
      tpu.wait_dma2 semaphore(%arg20 : memref<!tpu.dma_semaphore, #tpu.memory_space<semaphore_mem>>) src(%dma_wait3A_192 : memref<40xi32, #tpu.memory_space<hbm>>) dst(%arg12 : memref<40xi32, #tpu.memory_space<vmem>>)
      %dma_wait3A_193 = arith.constant 0 : i32
      %dma_wait3A_194 = arith.constant 0 : i32
      %dma_wait3A_195 = arith.constant 0 : i32
      %dma_wait3A_196 = tpu.memref_slice %arg3[%dma_wait3A_193, %dma_wait3A_194, %dma_wait3A_195] : memref<2x160000x128xf32, #tpu.memory_space<hbm>> -> memref<1x80x128xf32, #tpu.memory_space<hbm>>
      %dma_wait3A_197 = tpu.memref_squeeze %dma_wait3A_196 : memref<1x80x128xf32, #tpu.memory_space<hbm>> -> memref<80x128xf32, #tpu.memory_space<hbm>>
      %dma_wait3A_198 = arith.constant 0 : i32
      %dma_wait3A_199 = arith.constant 0 : i32
      %dma_wait3A_200 = tpu.memref_slice %arg3[%dma_wait3A_193, %dma_wait3A_198, %dma_wait3A_199] : memref<2x160000x128xf32, #tpu.memory_space<hbm>> -> memref<1x80x128xf32, #tpu.memory_space<hbm>>
      %dma_wait3A_201 = tpu.memref_squeeze %dma_wait3A_200 : memref<1x80x128xf32, #tpu.memory_space<hbm>> -> memref<80x128xf32, #tpu.memory_space<hbm>>
      tpu.wait_dma2 semaphore(%arg20 : memref<!tpu.dma_semaphore, #tpu.memory_space<semaphore_mem>>) src(%dma_wait3A_201 : memref<80x128xf32, #tpu.memory_space<hbm>>) dst(%arg16 : memref<80x128xf32, #tpu.memory_space<vmem>>)
      %dma_start3A_202 = arith.constant 0 : i32
      %dma_start3A_203 = arith.constant 0 : i32
      %dma_start3A_204 = tpu.memref_slice %arg16[%dma_start3A_202, %dma_start3A_203] : memref<80x128xf32, #tpu.memory_space<vmem>> -> memref<40x128xf32, #tpu.memory_space<vmem>>
      %dma_start3A_205 = arith.constant 0 : i32
      %dma_start3A_206 = arith.constant 0 : i32
      %dma_start3A_207 = tpu.memref_slice %arg26[%dma_start3A_205, %dma_start3A_206] : memref<10000x128xf32, #tpu.memory_space<vmem_shared>> -> memref<10000x128xf32, #tpu.memory_space<vmem_shared>>
      tpu.enqueue_indirect_dma source(%dma_start3A_204 : memref<40x128xf32, #tpu.memory_space<vmem>>) target(%dma_start3A_207 : memref<10000x128xf32, #tpu.memory_space<vmem_shared>>) offsets(%arg8 : memref<40xi32, #tpu.memory_space<vmem>>) semaphore(%arg24 : memref<!tpu.dma_semaphore, #tpu.memory_space<semaphore_mem>>) {add = true}
      %dma_start3A_208 = arith.constant 40 : i32
      %dma_start3A_209 = arith.constant 0 : i32
      %dma_start3A_210 = tpu.memref_slice %arg16[%dma_start3A_208, %dma_start3A_209] : memref<80x128xf32, #tpu.memory_space<vmem>> -> memref<40x128xf32, #tpu.memory_space<vmem>>
      %dma_start3A_211 = arith.constant 0 : i32
      %dma_start3A_212 = arith.constant 0 : i32
      %dma_start3A_213 = tpu.memref_slice %arg26[%dma_start3A_211, %dma_start3A_212] : memref<10000x128xf32, #tpu.memory_space<vmem_shared>> -> memref<10000x128xf32, #tpu.memory_space<vmem_shared>>
      tpu.enqueue_indirect_dma source(%dma_start3A_210 : memref<40x128xf32, #tpu.memory_space<vmem>>) target(%dma_start3A_213 : memref<10000x128xf32, #tpu.memory_space<vmem_shared>>) offsets(%arg12 : memref<40xi32, #tpu.memory_space<vmem>>) semaphore(%arg24 : memref<!tpu.dma_semaphore, #tpu.memory_space<semaphore_mem>>) {add = true}
      %dma_wait3A_214 = arith.constant 0 : i32
      %dma_wait3A_215 = tpu.memref_slice %arg2[%dma_wait3A_214] : memref<160000xi32, #tpu.memory_space<hbm>> -> memref<40xi32, #tpu.memory_space<hbm>>
      %dma_wait3A_216 = arith.constant 0 : i32
      %dma_wait3A_217 = tpu.memref_slice %arg2[%dma_wait3A_216] : memref<160000xi32, #tpu.memory_space<hbm>> -> memref<40xi32, #tpu.memory_space<hbm>>
      tpu.wait_dma2 semaphore(%arg21 : memref<!tpu.dma_semaphore, #tpu.memory_space<semaphore_mem>>) src(%dma_wait3A_217 : memref<40xi32, #tpu.memory_space<hbm>>) dst(%arg9 : memref<40xi32, #tpu.memory_space<vmem>>)
      %dma_wait3A_218 = arith.constant 0 : i32
      %dma_wait3A_219 = tpu.memref_slice %arg2[%dma_wait3A_218] : memref<160000xi32, #tpu.memory_space<hbm>> -> memref<40xi32, #tpu.memory_space<hbm>>
      %dma_wait3A_220 = arith.constant 0 : i32
      %dma_wait3A_221 = tpu.memref_slice %arg2[%dma_wait3A_220] : memref<160000xi32, #tpu.memory_space<hbm>> -> memref<40xi32, #tpu.memory_space<hbm>>
      tpu.wait_dma2 semaphore(%arg21 : memref<!tpu.dma_semaphore, #tpu.memory_space<semaphore_mem>>) src(%dma_wait3A_221 : memref<40xi32, #tpu.memory_space<hbm>>) dst(%arg13 : memref<40xi32, #tpu.memory_space<vmem>>)
      %dma_wait3A_222 = arith.constant 0 : i32
      %dma_wait3A_223 = arith.constant 0 : i32
      %dma_wait3A_224 = arith.constant 0 : i32
      %dma_wait3A_225 = tpu.memref_slice %arg3[%dma_wait3A_222, %dma_wait3A_223, %dma_wait3A_224] : memref<2x160000x128xf32, #tpu.memory_space<hbm>> -> memref<1x80x128xf32, #tpu.memory_space<hbm>>
      %dma_wait3A_226 = tpu.memref_squeeze %dma_wait3A_225 : memref<1x80x128xf32, #tpu.memory_space<hbm>> -> memref<80x128xf32, #tpu.memory_space<hbm>>
      %dma_wait3A_227 = arith.constant 0 : i32
      %dma_wait3A_228 = arith.constant 0 : i32
      %dma_wait3A_229 = tpu.memref_slice %arg3[%dma_wait3A_222, %dma_wait3A_227, %dma_wait3A_228] : memref<2x160000x128xf32, #tpu.memory_space<hbm>> -> memref<1x80x128xf32, #tpu.memory_space<hbm>>
      %dma_wait3A_230 = tpu.memref_squeeze %dma_wait3A_229 : memref<1x80x128xf32, #tpu.memory_space<hbm>> -> memref<80x128xf32, #tpu.memory_space<hbm>>
      tpu.wait_dma2 semaphore(%arg21 : memref<!tpu.dma_semaphore, #tpu.memory_space<semaphore_mem>>) src(%dma_wait3A_230 : memref<80x128xf32, #tpu.memory_space<hbm>>) dst(%arg17 : memref<80x128xf32, #tpu.memory_space<vmem>>)
      %dma_start3A_231 = arith.constant 0 : i32
      %dma_start3A_232 = arith.constant 0 : i32
      %dma_start3A_233 = tpu.memref_slice %arg17[%dma_start3A_231, %dma_start3A_232] : memref<80x128xf32, #tpu.memory_space<vmem>> -> memref<40x128xf32, #tpu.memory_space<vmem>>
      %dma_start3A_234 = arith.constant 0 : i32
      %dma_start3A_235 = arith.constant 0 : i32
      %dma_start3A_236 = tpu.memref_slice %arg26[%dma_start3A_234, %dma_start3A_235] : memref<10000x128xf32, #tpu.memory_space<vmem_shared>> -> memref<10000x128xf32, #tpu.memory_space<vmem_shared>>
      tpu.enqueue_indirect_dma source(%dma_start3A_233 : memref<40x128xf32, #tpu.memory_space<vmem>>) target(%dma_start3A_236 : memref<10000x128xf32, #tpu.memory_space<vmem_shared>>) offsets(%arg9 : memref<40xi32, #tpu.memory_space<vmem>>) semaphore(%arg25 : memref<!tpu.dma_semaphore, #tpu.memory_space<semaphore_mem>>) {add = true}
      %dma_start3A_237 = arith.constant 40 : i32
      %dma_start3A_238 = arith.constant 0 : i32
      %dma_start3A_239 = tpu.memref_slice %arg17[%dma_start3A_237, %dma_start3A_238] : memref<80x128xf32, #tpu.memory_space<vmem>> -> memref<40x128xf32, #tpu.memory_space<vmem>>
      %dma_start3A_240 = arith.constant 0 : i32
      %dma_start3A_241 = arith.constant 0 : i32
      %dma_start3A_242 = tpu.memref_slice %arg26[%dma_start3A_240, %dma_start3A_241] : memref<10000x128xf32, #tpu.memory_space<vmem_shared>> -> memref<10000x128xf32, #tpu.memory_space<vmem_shared>>
      tpu.enqueue_indirect_dma source(%dma_start3A_239 : memref<40x128xf32, #tpu.memory_space<vmem>>) target(%dma_start3A_242 : memref<10000x128xf32, #tpu.memory_space<vmem_shared>>) offsets(%arg13 : memref<40xi32, #tpu.memory_space<vmem>>) semaphore(%arg25 : memref<!tpu.dma_semaphore, #tpu.memory_space<semaphore_mem>>) {add = true}
      %dma_wait3A_243 = arith.constant 0 : i32
      %dma_wait3A_244 = arith.constant 0 : i32
      %dma_wait3A_245 = tpu.memref_slice %arg26[%dma_wait3A_243, %dma_wait3A_244] : memref<10000x128xf32, #tpu.memory_space<vmem_shared>> -> memref<80x128xf32, #tpu.memory_space<vmem_shared>>
      %dma_wait3A_246 = arith.constant 0 : i32
      %dma_wait3A_247 = arith.constant 0 : i32
      %dma_wait3A_248 = tpu.memref_slice %arg26[%dma_wait3A_246, %dma_wait3A_247] : memref<10000x128xf32, #tpu.memory_space<vmem_shared>> -> memref<80x128xf32, #tpu.memory_space<vmem_shared>>
      tpu.wait_dma2 semaphore(%arg22 : memref<!tpu.dma_semaphore, #tpu.memory_space<semaphore_mem>>) src(%arg14 : memref<80x128xf32, #tpu.memory_space<vmem>>) dst(%dma_wait3A_248 : memref<80x128xf32, #tpu.memory_space<vmem_shared>>)
      %add3A_249 = arith.constant 4 : i32
      %add3A_250 = arith.addi %mul3A_126, %add3A_249 : i32
      %add3A_251 = arith.constant 0 : i32
      %add3A_252 = arith.addi %add3A_250, %add3A_251 : i32
      %lt3A = arith.constant 124 : i32
      %lt3A_253 = arith.cmpi slt, %add3A_252, %lt3A : i32
      %add3A_254 = arith.constant 4 : i32
      %add3A_255 = arith.addi %mul3A_126, %add3A_254 : i32
      %add3A_256 = arith.constant 0 : i32
      %add3A_257 = arith.addi %add3A_255, %add3A_256 : i32
      %convert_element_type3A_258 = arith.extui %lt3A_253 : i1 to i32
      %cond3A_259 = arith.constant 0 : i32
      %cond3A_260 = arith.cmpi ne, %convert_element_type3A_258, %cond3A_259 : i32
      scf.if %cond3A_260 {
        %mul3A_318 = arith.constant 80 : i32
        %mul3A_319 = arith.muli %add3A_257, %mul3A_318 : i32
        %multiple_of3A_320 = tpu.assume_multiple %mul3A_319, 8 : i32
        %add3A_321 = arith.addi %mul3A_2, %multiple_of3A_320 : i32
        %dma_start3A_322 = tpu.memref_slice %arg2[%add3A_321] : memref<160000xi32, #tpu.memory_space<hbm>> -> memref<40xi32, #tpu.memory_space<hbm>>
        %dma_start3A_323 = tpu.memref_slice %arg2[%add3A_321] : memref<160000xi32, #tpu.memory_space<hbm>> -> memref<40xi32, #tpu.memory_space<hbm>>
        tpu.enqueue_dma source(%dma_start3A_323 : memref<40xi32, #tpu.memory_space<hbm>>) target(%arg6 : memref<40xi32, #tpu.memory_space<vmem>>) target_semaphore(%arg18 : memref<!tpu.dma_semaphore, #tpu.memory_space<semaphore_mem>>)
        %add3A_324 = arith.constant 40 : i32
        %add3A_325 = arith.addi %add3A_321, %add3A_324 : i32
        %dma_start3A_326 = tpu.memref_slice %arg2[%add3A_325] : memref<160000xi32, #tpu.memory_space<hbm>> -> memref<40xi32, #tpu.memory_space<hbm>>
        %dma_start3A_327 = tpu.memref_slice %arg2[%add3A_325] : memref<160000xi32, #tpu.memory_space<hbm>> -> memref<40xi32, #tpu.memory_space<hbm>>
        tpu.enqueue_dma source(%dma_start3A_327 : memref<40xi32, #tpu.memory_space<hbm>>) target(%arg10 : memref<40xi32, #tpu.memory_space<vmem>>) target_semaphore(%arg18 : memref<!tpu.dma_semaphore, #tpu.memory_space<semaphore_mem>>)
        %dma_start3A_328 = arith.constant 0 : i32
        %dma_start3A_329 = tpu.memref_slice %arg3[%arg0, %add3A_321, %dma_start3A_328] : memref<2x160000x128xf32, #tpu.memory_space<hbm>> -> memref<1x80x128xf32, #tpu.memory_space<hbm>>
        %dma_start3A_330 = tpu.memref_squeeze %dma_start3A_329 : memref<1x80x128xf32, #tpu.memory_space<hbm>> -> memref<80x128xf32, #tpu.memory_space<hbm>>
        %dma_start3A_331 = arith.constant 0 : i32
        %dma_start3A_332 = tpu.memref_slice %arg3[%arg0, %add3A_321, %dma_start3A_331] : memref<2x160000x128xf32, #tpu.memory_space<hbm>> -> memref<1x80x128xf32, #tpu.memory_space<hbm>>
        %dma_start3A_333 = tpu.memref_squeeze %dma_start3A_332 : memref<1x80x128xf32, #tpu.memory_space<hbm>> -> memref<80x128xf32, #tpu.memory_space<hbm>>
        tpu.enqueue_dma source(%dma_start3A_333 : memref<80x128xf32, #tpu.memory_space<hbm>>) target(%arg14 : memref<80x128xf32, #tpu.memory_space<vmem>>) target_semaphore(%arg18 : memref<!tpu.dma_semaphore, #tpu.memory_space<semaphore_mem>>)
      } else {
      }
      %dma_wait3A_261 = arith.constant 0 : i32
      %dma_wait3A_262 = arith.constant 0 : i32
      %dma_wait3A_263 = tpu.memref_slice %arg26[%dma_wait3A_261, %dma_wait3A_262] : memref<10000x128xf32, #tpu.memory_space<vmem_shared>> -> memref<80x128xf32, #tpu.memory_space<vmem_shared>>
      %dma_wait3A_264 = arith.constant 0 : i32
      %dma_wait3A_265 = arith.constant 0 : i32
      %dma_wait3A_266 = tpu.memref_slice %arg26[%dma_wait3A_264, %dma_wait3A_265] : memref<10000x128xf32, #tpu.memory_space<vmem_shared>> -> memref<80x128xf32, #tpu.memory_space<vmem_shared>>
      tpu.wait_dma2 semaphore(%arg23 : memref<!tpu.dma_semaphore, #tpu.memory_space<semaphore_mem>>) src(%arg15 : memref<80x128xf32, #tpu.memory_space<vmem>>) dst(%dma_wait3A_266 : memref<80x128xf32, #tpu.memory_space<vmem_shared>>)
      %add3A_267 = arith.constant 4 : i32
      %add3A_268 = arith.addi %mul3A_126, %add3A_267 : i32
      %add3A_269 = arith.constant 1 : i32
      %add3A_270 = arith.addi %add3A_268, %add3A_269 : i32
      %lt3A_271 = arith.constant 124 : i32
      %lt3A_272 = arith.cmpi slt, %add3A_270, %lt3A_271 : i32
      %add3A_273 = arith.constant 4 : i32
      %add3A_274 = arith.addi %mul3A_126, %add3A_273 : i32
      %add3A_275 = arith.constant 1 : i32
      %add3A_276 = arith.addi %add3A_274, %add3A_275 : i32
      %convert_element_type3A_277 = arith.extui %lt3A_272 : i1 to i32
      %cond3A_278 = arith.constant 0 : i32
      %cond3A_279 = arith.cmpi ne, %convert_element_type3A_277, %cond3A_278 : i32
      scf.if %cond3A_279 {
        %mul3A_318 = arith.constant 80 : i32
        %mul3A_319 = arith.muli %add3A_276, %mul3A_318 : i32
        %multiple_of3A_320 = tpu.assume_multiple %mul3A_319, 8 : i32
        %add3A_321 = arith.addi %mul3A_2, %multiple_of3A_320 : i32
        %dma_start3A_322 = tpu.memref_slice %arg2[%add3A_321] : memref<160000xi32, #tpu.memory_space<hbm>> -> memref<40xi32, #tpu.memory_space<hbm>>
        %dma_start3A_323 = tpu.memref_slice %arg2[%add3A_321] : memref<160000xi32, #tpu.memory_space<hbm>> -> memref<40xi32, #tpu.memory_space<hbm>>
        tpu.enqueue_dma source(%dma_start3A_323 : memref<40xi32, #tpu.memory_space<hbm>>) target(%arg7 : memref<40xi32, #tpu.memory_space<vmem>>) target_semaphore(%arg19 : memref<!tpu.dma_semaphore, #tpu.memory_space<semaphore_mem>>)
        %add3A_324 = arith.constant 40 : i32
        %add3A_325 = arith.addi %add3A_321, %add3A_324 : i32
        %dma_start3A_326 = tpu.memref_slice %arg2[%add3A_325] : memref<160000xi32, #tpu.memory_space<hbm>> -> memref<40xi32, #tpu.memory_space<hbm>>
        %dma_start3A_327 = tpu.memref_slice %arg2[%add3A_325] : memref<160000xi32, #tpu.memory_space<hbm>> -> memref<40xi32, #tpu.memory_space<hbm>>
        tpu.enqueue_dma source(%dma_start3A_327 : memref<40xi32, #tpu.memory_space<hbm>>) target(%arg11 : memref<40xi32, #tpu.memory_space<vmem>>) target_semaphore(%arg19 : memref<!tpu.dma_semaphore, #tpu.memory_space<semaphore_mem>>)
        %dma_start3A_328 = arith.constant 0 : i32
        %dma_start3A_329 = tpu.memref_slice %arg3[%arg0, %add3A_321, %dma_start3A_328] : memref<2x160000x128xf32, #tpu.memory_space<hbm>> -> memref<1x80x128xf32, #tpu.memory_space<hbm>>
        %dma_start3A_330 = tpu.memref_squeeze %dma_start3A_329 : memref<1x80x128xf32, #tpu.memory_space<hbm>> -> memref<80x128xf32, #tpu.memory_space<hbm>>
        %dma_start3A_331 = arith.constant 0 : i32
        %dma_start3A_332 = tpu.memref_slice %arg3[%arg0, %add3A_321, %dma_start3A_331] : memref<2x160000x128xf32, #tpu.memory_space<hbm>> -> memref<1x80x128xf32, #tpu.memory_space<hbm>>
        %dma_start3A_333 = tpu.memref_squeeze %dma_start3A_332 : memref<1x80x128xf32, #tpu.memory_space<hbm>> -> memref<80x128xf32, #tpu.memory_space<hbm>>
        tpu.enqueue_dma source(%dma_start3A_333 : memref<80x128xf32, #tpu.memory_space<hbm>>) target(%arg15 : memref<80x128xf32, #tpu.memory_space<vmem>>) target_semaphore(%arg19 : memref<!tpu.dma_semaphore, #tpu.memory_space<semaphore_mem>>)
      } else {
      }
      %dma_wait3A_280 = arith.constant 0 : i32
      %dma_wait3A_281 = arith.constant 0 : i32
      %dma_wait3A_282 = tpu.memref_slice %arg26[%dma_wait3A_280, %dma_wait3A_281] : memref<10000x128xf32, #tpu.memory_space<vmem_shared>> -> memref<80x128xf32, #tpu.memory_space<vmem_shared>>
      %dma_wait3A_283 = arith.constant 0 : i32
      %dma_wait3A_284 = arith.constant 0 : i32
      %dma_wait3A_285 = tpu.memref_slice %arg26[%dma_wait3A_283, %dma_wait3A_284] : memref<10000x128xf32, #tpu.memory_space<vmem_shared>> -> memref<80x128xf32, #tpu.memory_space<vmem_shared>>
      tpu.wait_dma2 semaphore(%arg24 : memref<!tpu.dma_semaphore, #tpu.memory_space<semaphore_mem>>) src(%arg16 : memref<80x128xf32, #tpu.memory_space<vmem>>) dst(%dma_wait3A_285 : memref<80x128xf32, #tpu.memory_space<vmem_shared>>)
      %add3A_286 = arith.constant 4 : i32
      %add3A_287 = arith.addi %mul3A_126, %add3A_286 : i32
      %add3A_288 = arith.constant 2 : i32
      %add3A_289 = arith.addi %add3A_287, %add3A_288 : i32
      %lt3A_290 = arith.constant 124 : i32
      %lt3A_291 = arith.cmpi slt, %add3A_289, %lt3A_290 : i32
      %add3A_292 = arith.constant 4 : i32
      %add3A_293 = arith.addi %mul3A_126, %add3A_292 : i32
      %add3A_294 = arith.constant 2 : i32
      %add3A_295 = arith.addi %add3A_293, %add3A_294 : i32
      %convert_element_type3A_296 = arith.extui %lt3A_291 : i1 to i32
      %cond3A_297 = arith.constant 0 : i32
      %cond3A_298 = arith.cmpi ne, %convert_element_type3A_296, %cond3A_297 : i32
      scf.if %cond3A_298 {
        %mul3A_318 = arith.constant 80 : i32
        %mul3A_319 = arith.muli %add3A_295, %mul3A_318 : i32
        %multiple_of3A_320 = tpu.assume_multiple %mul3A_319, 8 : i32
        %add3A_321 = arith.addi %mul3A_2, %multiple_of3A_320 : i32
        %dma_start3A_322 = tpu.memref_slice %arg2[%add3A_321] : memref<160000xi32, #tpu.memory_space<hbm>> -> memref<40xi32, #tpu.memory_space<hbm>>
        %dma_start3A_323 = tpu.memref_slice %arg2[%add3A_321] : memref<160000xi32, #tpu.memory_space<hbm>> -> memref<40xi32, #tpu.memory_space<hbm>>
        tpu.enqueue_dma source(%dma_start3A_323 : memref<40xi32, #tpu.memory_space<hbm>>) target(%arg8 : memref<40xi32, #tpu.memory_space<vmem>>) target_semaphore(%arg20 : memref<!tpu.dma_semaphore, #tpu.memory_space<semaphore_mem>>)
        %add3A_324 = arith.constant 40 : i32
        %add3A_325 = arith.addi %add3A_321, %add3A_324 : i32
        %dma_start3A_326 = tpu.memref_slice %arg2[%add3A_325] : memref<160000xi32, #tpu.memory_space<hbm>> -> memref<40xi32, #tpu.memory_space<hbm>>
        %dma_start3A_327 = tpu.memref_slice %arg2[%add3A_325] : memref<160000xi32, #tpu.memory_space<hbm>> -> memref<40xi32, #tpu.memory_space<hbm>>
        tpu.enqueue_dma source(%dma_start3A_327 : memref<40xi32, #tpu.memory_space<hbm>>) target(%arg12 : memref<40xi32, #tpu.memory_space<vmem>>) target_semaphore(%arg20 : memref<!tpu.dma_semaphore, #tpu.memory_space<semaphore_mem>>)
        %dma_start3A_328 = arith.constant 0 : i32
        %dma_start3A_329 = tpu.memref_slice %arg3[%arg0, %add3A_321, %dma_start3A_328] : memref<2x160000x128xf32, #tpu.memory_space<hbm>> -> memref<1x80x128xf32, #tpu.memory_space<hbm>>
        %dma_start3A_330 = tpu.memref_squeeze %dma_start3A_329 : memref<1x80x128xf32, #tpu.memory_space<hbm>> -> memref<80x128xf32, #tpu.memory_space<hbm>>
        %dma_start3A_331 = arith.constant 0 : i32
        %dma_start3A_332 = tpu.memref_slice %arg3[%arg0, %add3A_321, %dma_start3A_331] : memref<2x160000x128xf32, #tpu.memory_space<hbm>> -> memref<1x80x128xf32, #tpu.memory_space<hbm>>
        %dma_start3A_333 = tpu.memref_squeeze %dma_start3A_332 : memref<1x80x128xf32, #tpu.memory_space<hbm>> -> memref<80x128xf32, #tpu.memory_space<hbm>>
        tpu.enqueue_dma source(%dma_start3A_333 : memref<80x128xf32, #tpu.memory_space<hbm>>) target(%arg16 : memref<80x128xf32, #tpu.memory_space<vmem>>) target_semaphore(%arg20 : memref<!tpu.dma_semaphore, #tpu.memory_space<semaphore_mem>>)
      } else {
      }
      %dma_wait3A_299 = arith.constant 0 : i32
      %dma_wait3A_300 = arith.constant 0 : i32
      %dma_wait3A_301 = tpu.memref_slice %arg26[%dma_wait3A_299, %dma_wait3A_300] : memref<10000x128xf32, #tpu.memory_space<vmem_shared>> -> memref<80x128xf32, #tpu.memory_space<vmem_shared>>
      %dma_wait3A_302 = arith.constant 0 : i32
      %dma_wait3A_303 = arith.constant 0 : i32
      %dma_wait3A_304 = tpu.memref_slice %arg26[%dma_wait3A_302, %dma_wait3A_303] : memref<10000x128xf32, #tpu.memory_space<vmem_shared>> -> memref<80x128xf32, #tpu.memory_space<vmem_shared>>
      tpu.wait_dma2 semaphore(%arg25 : memref<!tpu.dma_semaphore, #tpu.memory_space<semaphore_mem>>) src(%arg17 : memref<80x128xf32, #tpu.memory_space<vmem>>) dst(%dma_wait3A_304 : memref<80x128xf32, #tpu.memory_space<vmem_shared>>)
      %add3A_305 = arith.constant 4 : i32
      %add3A_306 = arith.addi %mul3A_126, %add3A_305 : i32
      %add3A_307 = arith.constant 3 : i32
      %add3A_308 = arith.addi %add3A_306, %add3A_307 : i32
      %lt3A_309 = arith.constant 124 : i32
      %lt3A_310 = arith.cmpi slt, %add3A_308, %lt3A_309 : i32
      %add3A_311 = arith.constant 4 : i32
      %add3A_312 = arith.addi %mul3A_126, %add3A_311 : i32
      %add3A_313 = arith.constant 3 : i32
      %add3A_314 = arith.addi %add3A_312, %add3A_313 : i32
      %convert_element_type3A_315 = arith.extui %lt3A_310 : i1 to i32
      %cond3A_316 = arith.constant 0 : i32
      %cond3A_317 = arith.cmpi ne, %convert_element_type3A_315, %cond3A_316 : i32
      scf.if %cond3A_317 {
        %mul3A_318 = arith.constant 80 : i32
        %mul3A_319 = arith.muli %add3A_314, %mul3A_318 : i32
        %multiple_of3A_320 = tpu.assume_multiple %mul3A_319, 8 : i32
        %add3A_321 = arith.addi %mul3A_2, %multiple_of3A_320 : i32
        %dma_start3A_322 = tpu.memref_slice %arg2[%add3A_321] : memref<160000xi32, #tpu.memory_space<hbm>> -> memref<40xi32, #tpu.memory_space<hbm>>
        %dma_start3A_323 = tpu.memref_slice %arg2[%add3A_321] : memref<160000xi32, #tpu.memory_space<hbm>> -> memref<40xi32, #tpu.memory_space<hbm>>
        tpu.enqueue_dma source(%dma_start3A_323 : memref<40xi32, #tpu.memory_space<hbm>>) target(%arg9 : memref<40xi32, #tpu.memory_space<vmem>>) target_semaphore(%arg21 : memref<!tpu.dma_semaphore, #tpu.memory_space<semaphore_mem>>)
        %add3A_324 = arith.constant 40 : i32
        %add3A_325 = arith.addi %add3A_321, %add3A_324 : i32
        %dma_start3A_326 = tpu.memref_slice %arg2[%add3A_325] : memref<160000xi32, #tpu.memory_space<hbm>> -> memref<40xi32, #tpu.memory_space<hbm>>
        %dma_start3A_327 = tpu.memref_slice %arg2[%add3A_325] : memref<160000xi32, #tpu.memory_space<hbm>> -> memref<40xi32, #tpu.memory_space<hbm>>
        tpu.enqueue_dma source(%dma_start3A_327 : memref<40xi32, #tpu.memory_space<hbm>>) target(%arg13 : memref<40xi32, #tpu.memory_space<vmem>>) target_semaphore(%arg21 : memref<!tpu.dma_semaphore, #tpu.memory_space<semaphore_mem>>)
        %dma_start3A_328 = arith.constant 0 : i32
        %dma_start3A_329 = tpu.memref_slice %arg3[%arg0, %add3A_321, %dma_start3A_328] : memref<2x160000x128xf32, #tpu.memory_space<hbm>> -> memref<1x80x128xf32, #tpu.memory_space<hbm>>
        %dma_start3A_330 = tpu.memref_squeeze %dma_start3A_329 : memref<1x80x128xf32, #tpu.memory_space<hbm>> -> memref<80x128xf32, #tpu.memory_space<hbm>>
        %dma_start3A_331 = arith.constant 0 : i32
        %dma_start3A_332 = tpu.memref_slice %arg3[%arg0, %add3A_321, %dma_start3A_331] : memref<2x160000x128xf32, #tpu.memory_space<hbm>> -> memref<1x80x128xf32, #tpu.memory_space<hbm>>
        %dma_start3A_333 = tpu.memref_squeeze %dma_start3A_332 : memref<1x80x128xf32, #tpu.memory_space<hbm>> -> memref<80x128xf32, #tpu.memory_space<hbm>>
        tpu.enqueue_dma source(%dma_start3A_333 : memref<80x128xf32, #tpu.memory_space<hbm>>) target(%arg17 : memref<80x128xf32, #tpu.memory_space<vmem>>) target_semaphore(%arg21 : memref<!tpu.dma_semaphore, #tpu.memory_space<semaphore_mem>>)
      } else {
      }
    }
    %scan3A_64 = arith.constant 31 : i32
    %multiple_of3A_65 = arith.constant 9920 : i32
    %multiple_of3A_66 = tpu.assume_multiple %multiple_of3A_65, 8 : i32
    %add3A_67 = arith.addi %mul3A_2, %multiple_of3A_66 : i32
    %dma_start3A_68 = tpu.memref_slice %arg2[%add3A_67] : memref<160000xi32, #tpu.memory_space<hbm>> -> memref<40xi32, #tpu.memory_space<hbm>>
    %dma_start3A_69 = tpu.memref_slice %arg2[%add3A_67] : memref<160000xi32, #tpu.memory_space<hbm>> -> memref<40xi32, #tpu.memory_space<hbm>>
    tpu.enqueue_dma source(%dma_start3A_69 : memref<40xi32, #tpu.memory_space<hbm>>) target(%arg6 : memref<40xi32, #tpu.memory_space<vmem>>) target_semaphore(%arg18 : memref<!tpu.dma_semaphore, #tpu.memory_space<semaphore_mem>>)
    %add3A_70 = arith.constant 40 : i32
    %add3A_71 = arith.addi %add3A_67, %add3A_70 : i32
    %dma_start3A_72 = tpu.memref_slice %arg2[%add3A_71] : memref<160000xi32, #tpu.memory_space<hbm>> -> memref<40xi32, #tpu.memory_space<hbm>>
    %dma_start3A_73 = tpu.memref_slice %arg2[%add3A_71] : memref<160000xi32, #tpu.memory_space<hbm>> -> memref<40xi32, #tpu.memory_space<hbm>>
    tpu.enqueue_dma source(%dma_start3A_73 : memref<40xi32, #tpu.memory_space<hbm>>) target(%arg10 : memref<40xi32, #tpu.memory_space<vmem>>) target_semaphore(%arg18 : memref<!tpu.dma_semaphore, #tpu.memory_space<semaphore_mem>>)
    %dma_start3A_74 = arith.constant 0 : i32
    %dma_start3A_75 = tpu.memref_slice %arg3[%arg0, %add3A_67, %dma_start3A_74] : memref<2x160000x128xf32, #tpu.memory_space<hbm>> -> memref<1x80x128xf32, #tpu.memory_space<hbm>>
    %dma_start3A_76 = tpu.memref_squeeze %dma_start3A_75 : memref<1x80x128xf32, #tpu.memory_space<hbm>> -> memref<80x128xf32, #tpu.memory_space<hbm>>
    %dma_start3A_77 = arith.constant 0 : i32
    %dma_start3A_78 = tpu.memref_slice %arg3[%arg0, %add3A_67, %dma_start3A_77] : memref<2x160000x128xf32, #tpu.memory_space<hbm>> -> memref<1x80x128xf32, #tpu.memory_space<hbm>>
    %dma_start3A_79 = tpu.memref_squeeze %dma_start3A_78 : memref<1x80x128xf32, #tpu.memory_space<hbm>> -> memref<80x128xf32, #tpu.memory_space<hbm>>
    tpu.enqueue_dma source(%dma_start3A_79 : memref<80x128xf32, #tpu.memory_space<hbm>>) target(%arg14 : memref<80x128xf32, #tpu.memory_space<vmem>>) target_semaphore(%arg18 : memref<!tpu.dma_semaphore, #tpu.memory_space<semaphore_mem>>)
    %dma_wait3A = arith.constant 0 : i32
    %dma_wait3A_80 = tpu.memref_slice %arg2[%dma_wait3A] : memref<160000xi32, #tpu.memory_space<hbm>> -> memref<40xi32, #tpu.memory_space<hbm>>
    %dma_wait3A_81 = arith.constant 0 : i32
    %dma_wait3A_82 = tpu.memref_slice %arg2[%dma_wait3A_81] : memref<160000xi32, #tpu.memory_space<hbm>> -> memref<40xi32, #tpu.memory_space<hbm>>
    tpu.wait_dma2 semaphore(%arg18 : memref<!tpu.dma_semaphore, #tpu.memory_space<semaphore_mem>>) src(%dma_wait3A_82 : memref<40xi32, #tpu.memory_space<hbm>>) dst(%arg6 : memref<40xi32, #tpu.memory_space<vmem>>)
    %dma_wait3A_83 = arith.constant 0 : i32
    %dma_wait3A_84 = tpu.memref_slice %arg2[%dma_wait3A_83] : memref<160000xi32, #tpu.memory_space<hbm>> -> memref<40xi32, #tpu.memory_space<hbm>>
    %dma_wait3A_85 = arith.constant 0 : i32
    %dma_wait3A_86 = tpu.memref_slice %arg2[%dma_wait3A_85] : memref<160000xi32, #tpu.memory_space<hbm>> -> memref<40xi32, #tpu.memory_space<hbm>>
    tpu.wait_dma2 semaphore(%arg18 : memref<!tpu.dma_semaphore, #tpu.memory_space<semaphore_mem>>) src(%dma_wait3A_86 : memref<40xi32, #tpu.memory_space<hbm>>) dst(%arg10 : memref<40xi32, #tpu.memory_space<vmem>>)
    %dma_wait3A_87 = arith.constant 0 : i32
    %dma_wait3A_88 = arith.constant 0 : i32
    %dma_wait3A_89 = arith.constant 0 : i32
    %dma_wait3A_90 = tpu.memref_slice %arg3[%dma_wait3A_87, %dma_wait3A_88, %dma_wait3A_89] : memref<2x160000x128xf32, #tpu.memory_space<hbm>> -> memref<1x80x128xf32, #tpu.memory_space<hbm>>
    %dma_wait3A_91 = tpu.memref_squeeze %dma_wait3A_90 : memref<1x80x128xf32, #tpu.memory_space<hbm>> -> memref<80x128xf32, #tpu.memory_space<hbm>>
    %dma_wait3A_92 = arith.constant 0 : i32
    %dma_wait3A_93 = arith.constant 0 : i32
    %dma_wait3A_94 = tpu.memref_slice %arg3[%dma_wait3A_87, %dma_wait3A_92, %dma_wait3A_93] : memref<2x160000x128xf32, #tpu.memory_space<hbm>> -> memref<1x80x128xf32, #tpu.memory_space<hbm>>
    %dma_wait3A_95 = tpu.memref_squeeze %dma_wait3A_94 : memref<1x80x128xf32, #tpu.memory_space<hbm>> -> memref<80x128xf32, #tpu.memory_space<hbm>>
    tpu.wait_dma2 semaphore(%arg18 : memref<!tpu.dma_semaphore, #tpu.memory_space<semaphore_mem>>) src(%dma_wait3A_95 : memref<80x128xf32, #tpu.memory_space<hbm>>) dst(%arg14 : memref<80x128xf32, #tpu.memory_space<vmem>>)
    %dma_start3A_96 = arith.constant 0 : i32
    %dma_start3A_97 = arith.constant 0 : i32
    %dma_start3A_98 = tpu.memref_slice %arg14[%dma_start3A_96, %dma_start3A_97] : memref<80x128xf32, #tpu.memory_space<vmem>> -> memref<40x128xf32, #tpu.memory_space<vmem>>
    %dma_start3A_99 = arith.constant 0 : i32
    %dma_start3A_100 = arith.constant 0 : i32
    %dma_start3A_101 = tpu.memref_slice %arg26[%dma_start3A_99, %dma_start3A_100] : memref<10000x128xf32, #tpu.memory_space<vmem_shared>> -> memref<10000x128xf32, #tpu.memory_space<vmem_shared>>
    tpu.enqueue_indirect_dma source(%dma_start3A_98 : memref<40x128xf32, #tpu.memory_space<vmem>>) target(%dma_start3A_101 : memref<10000x128xf32, #tpu.memory_space<vmem_shared>>) offsets(%arg6 : memref<40xi32, #tpu.memory_space<vmem>>) semaphore(%arg22 : memref<!tpu.dma_semaphore, #tpu.memory_space<semaphore_mem>>) {add = true}
    %dma_start3A_102 = arith.constant 40 : i32
    %dma_start3A_103 = arith.constant 0 : i32
    %dma_start3A_104 = tpu.memref_slice %arg14[%dma_start3A_102, %dma_start3A_103] : memref<80x128xf32, #tpu.memory_space<vmem>> -> memref<40x128xf32, #tpu.memory_space<vmem>>
    %dma_start3A_105 = arith.constant 0 : i32
    %dma_start3A_106 = arith.constant 0 : i32
    %dma_start3A_107 = tpu.memref_slice %arg26[%dma_start3A_105, %dma_start3A_106] : memref<10000x128xf32, #tpu.memory_space<vmem_shared>> -> memref<10000x128xf32, #tpu.memory_space<vmem_shared>>
    tpu.enqueue_indirect_dma source(%dma_start3A_104 : memref<40x128xf32, #tpu.memory_space<vmem>>) target(%dma_start3A_107 : memref<10000x128xf32, #tpu.memory_space<vmem_shared>>) offsets(%arg10 : memref<40xi32, #tpu.memory_space<vmem>>) semaphore(%arg22 : memref<!tpu.dma_semaphore, #tpu.memory_space<semaphore_mem>>) {add = true}
    %dma_wait3A_108 = arith.constant 0 : i32
    %dma_wait3A_109 = arith.constant 0 : i32
    %dma_wait3A_110 = tpu.memref_slice %arg26[%dma_wait3A_108, %dma_wait3A_109] : memref<10000x128xf32, #tpu.memory_space<vmem_shared>> -> memref<80x128xf32, #tpu.memory_space<vmem_shared>>
    %dma_wait3A_111 = arith.constant 0 : i32
    %dma_wait3A_112 = arith.constant 0 : i32
    %dma_wait3A_113 = tpu.memref_slice %arg26[%dma_wait3A_111, %dma_wait3A_112] : memref<10000x128xf32, #tpu.memory_space<vmem_shared>> -> memref<80x128xf32, #tpu.memory_space<vmem_shared>>
    tpu.wait_dma2 semaphore(%arg22 : memref<!tpu.dma_semaphore, #tpu.memory_space<semaphore_mem>>) src(%arg14 : memref<80x128xf32, #tpu.memory_space<vmem>>) dst(%dma_wait3A_113 : memref<80x128xf32, #tpu.memory_space<vmem_shared>>)
    %barrier3A_114 = arith.constant 0 : index
    tpu.barrier barrier_id(%barrier3A_114)
    %mul3A_115 = arith.constant 624 : i32
    %mul3A_116 = arith.muli %arg1, %mul3A_115 : i32
    %mul3A_117 = arith.constant 624 : i32
    %mul3A_118 = arith.muli %arg1, %mul3A_117 : i32
    "tpu.region"() ({
      %run_scoped3A = tpu.sem_alloc : memref<!tpu.dma_semaphore, #tpu.memory_space<semaphore_mem>>
      %dma_start3A_124 = arith.constant 0 : i32
      %dma_start3A_125 = tpu.memref_slice %arg5[%arg0, %mul3A_118, %dma_start3A_124] : memref<2x10000x128xf32, #tpu.memory_space<hbm>> -> memref<1x624x128xf32, #tpu.memory_space<hbm>>
      %dma_start3A_126 = tpu.memref_squeeze %dma_start3A_125 : memref<1x624x128xf32, #tpu.memory_space<hbm>> -> memref<624x128xf32, #tpu.memory_space<hbm>>
      %dma_start3A_127 = arith.constant 0 : i32
      %dma_start3A_128 = tpu.memref_slice %arg26[%mul3A_116, %dma_start3A_127] : memref<10000x128xf32, #tpu.memory_space<vmem_shared>> -> memref<624x128xf32, #tpu.memory_space<vmem_shared>>
      tpu.enqueue_dma source(%dma_start3A_128 : memref<624x128xf32, #tpu.memory_space<vmem_shared>>) target(%dma_start3A_126 : memref<624x128xf32, #tpu.memory_space<hbm>>) target_semaphore(%run_scoped3A : memref<!tpu.dma_semaphore, #tpu.memory_space<semaphore_mem>>)
      %dma_wait3A_129 = arith.constant 0 : i32
      %dma_wait3A_130 = tpu.memref_slice %arg5[%arg0, %mul3A_118, %dma_wait3A_129] : memref<2x10000x128xf32, #tpu.memory_space<hbm>> -> memref<1x624x128xf32, #tpu.memory_space<hbm>>
      %dma_wait3A_131 = tpu.memref_squeeze %dma_wait3A_130 : memref<1x624x128xf32, #tpu.memory_space<hbm>> -> memref<624x128xf32, #tpu.memory_space<hbm>>
      %dma_wait3A_132 = arith.constant 0 : i32
      %dma_wait3A_133 = tpu.memref_slice %arg26[%mul3A_116, %dma_wait3A_132] : memref<10000x128xf32, #tpu.memory_space<vmem_shared>> -> memref<624x128xf32, #tpu.memory_space<vmem_shared>>
      tpu.wait_dma2 semaphore(%run_scoped3A : memref<!tpu.dma_semaphore, #tpu.memory_space<semaphore_mem>>) src(%dma_wait3A_133 : memref<624x128xf32, #tpu.memory_space<vmem_shared>>) dst(%dma_wait3A_131 : memref<624x128xf32, #tpu.memory_space<hbm>>)
      tpu.yield
    }) : () -> ()
    %eq3A_119 = arith.constant 0 : i32
    %eq3A_120 = arith.cmpi eq, %arg1, %eq3A_119 : i32
    %convert_element_type3A_121 = arith.extui %eq3A_120 : i1 to i32
    %cond3A_122 = arith.constant 0 : i32
    %cond3A_123 = arith.cmpi ne, %convert_element_type3A_121, %cond3A_122 : i32
    scf.if %cond3A_123 {
      "tpu.region"() ({
        %run_scoped3A = tpu.sem_alloc : memref<!tpu.dma_semaphore, #tpu.memory_space<semaphore_mem>>
        %dma_start3A_124 = arith.constant 9984 : i32
        %dma_start3A_125 = arith.constant 0 : i32
        %dma_start3A_126 = tpu.memref_slice %arg5[%arg0, %dma_start3A_124, %dma_start3A_125] : memref<2x10000x128xf32, #tpu.memory_space<hbm>> -> memref<1x16x128xf32, #tpu.memory_space<hbm>>
        %dma_start3A_127 = tpu.memref_squeeze %dma_start3A_126 : memref<1x16x128xf32, #tpu.memory_space<hbm>> -> memref<16x128xf32, #tpu.memory_space<hbm>>
        %dma_start3A_128 = arith.constant 9984 : i32
        %dma_start3A_129 = arith.constant 0 : i32
        %dma_start3A_130 = tpu.memref_slice %arg26[%dma_start3A_128, %dma_start3A_129] : memref<10000x128xf32, #tpu.memory_space<vmem_shared>> -> memref<16x128xf32, #tpu.memory_space<vmem_shared>>
        tpu.enqueue_dma source(%dma_start3A_130 : memref<16x128xf32, #tpu.memory_space<vmem_shared>>) target(%dma_start3A_127 : memref<16x128xf32, #tpu.memory_space<hbm>>) target_semaphore(%run_scoped3A : memref<!tpu.dma_semaphore, #tpu.memory_space<semaphore_mem>>)
        %dma_wait3A_131 = arith.constant 9984 : i32
        %dma_wait3A_132 = arith.constant 0 : i32
        %dma_wait3A_133 = tpu.memref_slice %arg5[%arg0, %dma_wait3A_131, %dma_wait3A_132] : memref<2x10000x128xf32, #tpu.memory_space<hbm>> -> memref<1x16x128xf32, #tpu.memory_space<hbm>>
        %dma_wait3A_134 = tpu.memref_squeeze %dma_wait3A_133 : memref<1x16x128xf32, #tpu.memory_space<hbm>> -> memref<16x128xf32, #tpu.memory_space<hbm>>
        %dma_wait3A_135 = arith.constant 9984 : i32
        %dma_wait3A_136 = arith.constant 0 : i32
        %dma_wait3A_137 = tpu.memref_slice %arg26[%dma_wait3A_135, %dma_wait3A_136] : memref<10000x128xf32, #tpu.memory_space<vmem_shared>> -> memref<16x128xf32, #tpu.memory_space<vmem_shared>>
        tpu.wait_dma2 semaphore(%run_scoped3A : memref<!tpu.dma_semaphore, #tpu.memory_space<semaphore_mem>>) src(%dma_wait3A_137 : memref<16x128xf32, #tpu.memory_space<vmem_shared>>) dst(%dma_wait3A_134 : memref<16x128xf32, #tpu.memory_space<hbm>>)
        tpu.yield
      }) : () -> ()
    } else {
    }
    return
  }
}

#map = affine_map<(d0, d1) -> (0)>
#map1 = affine_map<(d0, d1) -> (0, 0)>
module attributes {stable_mosaic.version = 14 : i64} {
  func.func @_sc_gather_body(%arg0: i32, %arg1: i32, %arg2: memref<160000xi32, #tpu.memory_space<hbm>>, %arg3: memref<160000xi32, #tpu.memory_space<hbm>>, %arg4: memref<10000x128xf32, #tpu.memory_space<hbm>>, %arg5: memref<10000x128xf32, #tpu.memory_space<hbm>>, %arg6: memref<160000x128xf32, #tpu.memory_space<hbm>>, %arg7: memref<160000x128xf32, #tpu.memory_space<hbm>>, %arg8: memref<5000xi32, #tpu.memory_space<vmem>>, %arg9: memref<5000xi32, #tpu.memory_space<vmem>>, %arg10: memref<40x128xf32, #tpu.memory_space<vmem>>, %arg11: memref<40x128xf32, #tpu.memory_space<vmem>>, %arg12: memref<40x128xf32, #tpu.memory_space<vmem>>, %arg13: memref<40x128xf32, #tpu.memory_space<vmem>>, %arg14: memref<40x128xf32, #tpu.memory_space<vmem>>, %arg15: memref<40x128xf32, #tpu.memory_space<vmem>>, %arg16: memref<40x128xf32, #tpu.memory_space<vmem>>, %arg17: memref<40x128xf32, #tpu.memory_space<vmem>>, %arg18: memref<!tpu.dma_semaphore, #tpu.memory_space<semaphore_mem>>, %arg19: memref<!tpu.dma_semaphore, #tpu.memory_space<semaphore_mem>>, %arg20: memref<!tpu.dma_semaphore, #tpu.memory_space<semaphore_mem>>, %arg21: memref<!tpu.dma_semaphore, #tpu.memory_space<semaphore_mem>>, %arg22: memref<!tpu.dma_semaphore, #tpu.memory_space<semaphore_mem>>, %arg23: memref<!tpu.dma_semaphore, #tpu.memory_space<semaphore_mem>>, %arg24: memref<!tpu.dma_semaphore, #tpu.memory_space<semaphore_mem>>, %arg25: memref<!tpu.dma_semaphore, #tpu.memory_space<semaphore_mem>>) attributes {dimension_semantics = [#tpu.dimension_semantics<core_parallel>, #tpu.dimension_semantics<subcore_parallel>], iteration_bounds = array<i64: 2, 16>, scalar_prefetch = 0 : i64, scratch_operands = 18 : i64, tpu.core_type = #tpu.core_type<sc_vector_subcore>, window_params = [{transform_indices = #map}, {transform_indices = #map}, {transform_indices = #map1}, {transform_indices = #map1}, {transform_indices = #map1}, {transform_indices = #map1}]} {
    %mul3A = arith.constant 2 : i32
    %mul3A_0 = arith.muli %arg1, %mul3A : i32
    %add3A = arith.addi %mul3A_0, %arg0 : i32
    %mul3A_1 = arith.constant 5000 : i32
    %mul3A_2 = arith.muli %add3A, %mul3A_1 : i32
    "tpu.region"() ({
      %run_scoped3A = tpu.sem_alloc : memref<!tpu.dma_semaphore, #tpu.memory_space<semaphore_mem>>
      %dma_start3A_90 = tpu.memref_slice %arg2[%mul3A_2] : memref<160000xi32, #tpu.memory_space<hbm>> -> memref<5000xi32, #tpu.memory_space<hbm>>
      %dma_start3A_91 = tpu.memref_slice %arg2[%mul3A_2] : memref<160000xi32, #tpu.memory_space<hbm>> -> memref<5000xi32, #tpu.memory_space<hbm>>
      tpu.enqueue_dma source(%dma_start3A_91 : memref<5000xi32, #tpu.memory_space<hbm>>) target(%arg8 : memref<5000xi32, #tpu.memory_space<vmem>>) target_semaphore(%run_scoped3A : memref<!tpu.dma_semaphore, #tpu.memory_space<semaphore_mem>>)
      %dma_wait3A_92 = tpu.memref_slice %arg2[%mul3A_2] : memref<160000xi32, #tpu.memory_space<hbm>> -> memref<5000xi32, #tpu.memory_space<hbm>>
      %dma_wait3A_93 = tpu.memref_slice %arg2[%mul3A_2] : memref<160000xi32, #tpu.memory_space<hbm>> -> memref<5000xi32, #tpu.memory_space<hbm>>
      tpu.wait_dma2 semaphore(%run_scoped3A : memref<!tpu.dma_semaphore, #tpu.memory_space<semaphore_mem>>) src(%dma_wait3A_93 : memref<5000xi32, #tpu.memory_space<hbm>>) dst(%arg8 : memref<5000xi32, #tpu.memory_space<vmem>>)
      tpu.yield
    }) : () -> ()
    "tpu.region"() ({
      %run_scoped3A = tpu.sem_alloc : memref<!tpu.dma_semaphore, #tpu.memory_space<semaphore_mem>>
      %dma_start3A_90 = tpu.memref_slice %arg3[%mul3A_2] : memref<160000xi32, #tpu.memory_space<hbm>> -> memref<5000xi32, #tpu.memory_space<hbm>>
      %dma_start3A_91 = tpu.memref_slice %arg3[%mul3A_2] : memref<160000xi32, #tpu.memory_space<hbm>> -> memref<5000xi32, #tpu.memory_space<hbm>>
      tpu.enqueue_dma source(%dma_start3A_91 : memref<5000xi32, #tpu.memory_space<hbm>>) target(%arg9 : memref<5000xi32, #tpu.memory_space<vmem>>) target_semaphore(%run_scoped3A : memref<!tpu.dma_semaphore, #tpu.memory_space<semaphore_mem>>)
      %dma_wait3A_92 = tpu.memref_slice %arg3[%mul3A_2] : memref<160000xi32, #tpu.memory_space<hbm>> -> memref<5000xi32, #tpu.memory_space<hbm>>
      %dma_wait3A_93 = tpu.memref_slice %arg3[%mul3A_2] : memref<160000xi32, #tpu.memory_space<hbm>> -> memref<5000xi32, #tpu.memory_space<hbm>>
      tpu.wait_dma2 semaphore(%run_scoped3A : memref<!tpu.dma_semaphore, #tpu.memory_space<semaphore_mem>>) src(%dma_wait3A_93 : memref<5000xi32, #tpu.memory_space<hbm>>) dst(%arg9 : memref<5000xi32, #tpu.memory_space<vmem>>)
      tpu.yield
    }) : () -> ()
    %multiple_of3A = arith.constant 0 : i32
    %multiple_of3A_3 = tpu.assume_multiple %multiple_of3A, 8 : i32
    %dma_start3A = tpu.memref_slice %arg8[%multiple_of3A_3] : memref<5000xi32, #tpu.memory_space<vmem>> -> memref<40xi32, #tpu.memory_space<vmem>>
    %dma_start3A_4 = arith.constant 0 : i32
    %dma_start3A_5 = arith.constant 0 : i32
    %dma_start3A_6 = tpu.memref_slice %arg4[%dma_start3A_4, %dma_start3A_5] : memref<10000x128xf32, #tpu.memory_space<hbm>> -> memref<10000x128xf32, #tpu.memory_space<hbm>>
    tpu.enqueue_indirect_dma source(%dma_start3A_6 : memref<10000x128xf32, #tpu.memory_space<hbm>>) target(%arg10 : memref<40x128xf32, #tpu.memory_space<vmem>>) offsets(%dma_start3A : memref<40xi32, #tpu.memory_space<vmem>>) semaphore(%arg18 : memref<!tpu.dma_semaphore, #tpu.memory_space<semaphore_mem>>)
    %dma_start3A_7 = tpu.memref_slice %arg9[%multiple_of3A_3] : memref<5000xi32, #tpu.memory_space<vmem>> -> memref<40xi32, #tpu.memory_space<vmem>>
    %dma_start3A_8 = arith.constant 0 : i32
    %dma_start3A_9 = arith.constant 0 : i32
    %dma_start3A_10 = tpu.memref_slice %arg5[%dma_start3A_8, %dma_start3A_9] : memref<10000x128xf32, #tpu.memory_space<hbm>> -> memref<10000x128xf32, #tpu.memory_space<hbm>>
    tpu.enqueue_indirect_dma source(%dma_start3A_10 : memref<10000x128xf32, #tpu.memory_space<hbm>>) target(%arg14 : memref<40x128xf32, #tpu.memory_space<vmem>>) offsets(%dma_start3A_7 : memref<40xi32, #tpu.memory_space<vmem>>) semaphore(%arg18 : memref<!tpu.dma_semaphore, #tpu.memory_space<semaphore_mem>>)
    %multiple_of3A_11 = arith.constant 40 : i32
    %multiple_of3A_12 = tpu.assume_multiple %multiple_of3A_11, 8 : i32
    %dma_start3A_13 = tpu.memref_slice %arg8[%multiple_of3A_12] : memref<5000xi32, #tpu.memory_space<vmem>> -> memref<40xi32, #tpu.memory_space<vmem>>
    %dma_start3A_14 = arith.constant 0 : i32
    %dma_start3A_15 = arith.constant 0 : i32
    %dma_start3A_16 = tpu.memref_slice %arg4[%dma_start3A_14, %dma_start3A_15] : memref<10000x128xf32, #tpu.memory_space<hbm>> -> memref<10000x128xf32, #tpu.memory_space<hbm>>
    tpu.enqueue_indirect_dma source(%dma_start3A_16 : memref<10000x128xf32, #tpu.memory_space<hbm>>) target(%arg11 : memref<40x128xf32, #tpu.memory_space<vmem>>) offsets(%dma_start3A_13 : memref<40xi32, #tpu.memory_space<vmem>>) semaphore(%arg19 : memref<!tpu.dma_semaphore, #tpu.memory_space<semaphore_mem>>)
    %dma_start3A_17 = tpu.memref_slice %arg9[%multiple_of3A_12] : memref<5000xi32, #tpu.memory_space<vmem>> -> memref<40xi32, #tpu.memory_space<vmem>>
    %dma_start3A_18 = arith.constant 0 : i32
    %dma_start3A_19 = arith.constant 0 : i32
    %dma_start3A_20 = tpu.memref_slice %arg5[%dma_start3A_18, %dma_start3A_19] : memref<10000x128xf32, #tpu.memory_space<hbm>> -> memref<10000x128xf32, #tpu.memory_space<hbm>>
    tpu.enqueue_indirect_dma source(%dma_start3A_20 : memref<10000x128xf32, #tpu.memory_space<hbm>>) target(%arg15 : memref<40x128xf32, #tpu.memory_space<vmem>>) offsets(%dma_start3A_17 : memref<40xi32, #tpu.memory_space<vmem>>) semaphore(%arg19 : memref<!tpu.dma_semaphore, #tpu.memory_space<semaphore_mem>>)
    %multiple_of3A_21 = arith.constant 80 : i32
    %multiple_of3A_22 = tpu.assume_multiple %multiple_of3A_21, 8 : i32
    %dma_start3A_23 = tpu.memref_slice %arg8[%multiple_of3A_22] : memref<5000xi32, #tpu.memory_space<vmem>> -> memref<40xi32, #tpu.memory_space<vmem>>
    %dma_start3A_24 = arith.constant 0 : i32
    %dma_start3A_25 = arith.constant 0 : i32
    %dma_start3A_26 = tpu.memref_slice %arg4[%dma_start3A_24, %dma_start3A_25] : memref<10000x128xf32, #tpu.memory_space<hbm>> -> memref<10000x128xf32, #tpu.memory_space<hbm>>
    tpu.enqueue_indirect_dma source(%dma_start3A_26 : memref<10000x128xf32, #tpu.memory_space<hbm>>) target(%arg12 : memref<40x128xf32, #tpu.memory_space<vmem>>) offsets(%dma_start3A_23 : memref<40xi32, #tpu.memory_space<vmem>>) semaphore(%arg20 : memref<!tpu.dma_semaphore, #tpu.memory_space<semaphore_mem>>)
    %dma_start3A_27 = tpu.memref_slice %arg9[%multiple_of3A_22] : memref<5000xi32, #tpu.memory_space<vmem>> -> memref<40xi32, #tpu.memory_space<vmem>>
    %dma_start3A_28 = arith.constant 0 : i32
    %dma_start3A_29 = arith.constant 0 : i32
    %dma_start3A_30 = tpu.memref_slice %arg5[%dma_start3A_28, %dma_start3A_29] : memref<10000x128xf32, #tpu.memory_space<hbm>> -> memref<10000x128xf32, #tpu.memory_space<hbm>>
    tpu.enqueue_indirect_dma source(%dma_start3A_30 : memref<10000x128xf32, #tpu.memory_space<hbm>>) target(%arg16 : memref<40x128xf32, #tpu.memory_space<vmem>>) offsets(%dma_start3A_27 : memref<40xi32, #tpu.memory_space<vmem>>) semaphore(%arg20 : memref<!tpu.dma_semaphore, #tpu.memory_space<semaphore_mem>>)
    %multiple_of3A_31 = arith.constant 120 : i32
    %multiple_of3A_32 = tpu.assume_multiple %multiple_of3A_31, 8 : i32
    %dma_start3A_33 = tpu.memref_slice %arg8[%multiple_of3A_32] : memref<5000xi32, #tpu.memory_space<vmem>> -> memref<40xi32, #tpu.memory_space<vmem>>
    %dma_start3A_34 = arith.constant 0 : i32
    %dma_start3A_35 = arith.constant 0 : i32
    %dma_start3A_36 = tpu.memref_slice %arg4[%dma_start3A_34, %dma_start3A_35] : memref<10000x128xf32, #tpu.memory_space<hbm>> -> memref<10000x128xf32, #tpu.memory_space<hbm>>
    tpu.enqueue_indirect_dma source(%dma_start3A_36 : memref<10000x128xf32, #tpu.memory_space<hbm>>) target(%arg13 : memref<40x128xf32, #tpu.memory_space<vmem>>) offsets(%dma_start3A_33 : memref<40xi32, #tpu.memory_space<vmem>>) semaphore(%arg21 : memref<!tpu.dma_semaphore, #tpu.memory_space<semaphore_mem>>)
    %dma_start3A_37 = tpu.memref_slice %arg9[%multiple_of3A_32] : memref<5000xi32, #tpu.memory_space<vmem>> -> memref<40xi32, #tpu.memory_space<vmem>>
    %dma_start3A_38 = arith.constant 0 : i32
    %dma_start3A_39 = arith.constant 0 : i32
    %dma_start3A_40 = tpu.memref_slice %arg5[%dma_start3A_38, %dma_start3A_39] : memref<10000x128xf32, #tpu.memory_space<hbm>> -> memref<10000x128xf32, #tpu.memory_space<hbm>>
    tpu.enqueue_indirect_dma source(%dma_start3A_40 : memref<10000x128xf32, #tpu.memory_space<hbm>>) target(%arg17 : memref<40x128xf32, #tpu.memory_space<vmem>>) offsets(%dma_start3A_37 : memref<40xi32, #tpu.memory_space<vmem>>) semaphore(%arg21 : memref<!tpu.dma_semaphore, #tpu.memory_space<semaphore_mem>>)
    %scan3A = arith.constant 0 : i32
    %scan3A_41 = arith.constant 0 : i32
    %scan3A_42 = arith.constant 31 : i32
    %scan3A_43 = arith.addi %scan3A_41, %scan3A_42 : i32
    %scan3A_44 = arith.constant 1 : i32
    scf.for %scan3A_90 = %scan3A_41 to %scan3A_43 step %scan3A_44  : i32 {
      %mul3A_91 = arith.constant 4 : i32
      %mul3A_92 = arith.muli %scan3A_90, %mul3A_91 : i32
      %dma_wait3A_93 = arith.constant 0 : i32
      %dma_wait3A_94 = arith.constant 0 : i32
      %dma_wait3A_95 = tpu.memref_slice %arg4[%dma_wait3A_93, %dma_wait3A_94] : memref<10000x128xf32, #tpu.memory_space<hbm>> -> memref<40x128xf32, #tpu.memory_space<hbm>>
      %dma_wait3A_96 = arith.constant 0 : i32
      %dma_wait3A_97 = arith.constant 0 : i32
      %dma_wait3A_98 = tpu.memref_slice %arg4[%dma_wait3A_96, %dma_wait3A_97] : memref<10000x128xf32, #tpu.memory_space<hbm>> -> memref<40x128xf32, #tpu.memory_space<hbm>>
      tpu.wait_dma2 semaphore(%arg18 : memref<!tpu.dma_semaphore, #tpu.memory_space<semaphore_mem>>) src(%dma_wait3A_98 : memref<40x128xf32, #tpu.memory_space<hbm>>) dst(%arg10 : memref<40x128xf32, #tpu.memory_space<vmem>>)
      %dma_wait3A_99 = arith.constant 0 : i32
      %dma_wait3A_100 = arith.constant 0 : i32
      %dma_wait3A_101 = tpu.memref_slice %arg5[%dma_wait3A_99, %dma_wait3A_100] : memref<10000x128xf32, #tpu.memory_space<hbm>> -> memref<40x128xf32, #tpu.memory_space<hbm>>
      %dma_wait3A_102 = arith.constant 0 : i32
      %dma_wait3A_103 = arith.constant 0 : i32
      %dma_wait3A_104 = tpu.memref_slice %arg5[%dma_wait3A_102, %dma_wait3A_103] : memref<10000x128xf32, #tpu.memory_space<hbm>> -> memref<40x128xf32, #tpu.memory_space<hbm>>
      tpu.wait_dma2 semaphore(%arg18 : memref<!tpu.dma_semaphore, #tpu.memory_space<semaphore_mem>>) src(%dma_wait3A_104 : memref<40x128xf32, #tpu.memory_space<hbm>>) dst(%arg14 : memref<40x128xf32, #tpu.memory_space<vmem>>)
      %add3A_105 = arith.constant 0 : i32
      %add3A_106 = arith.addi %mul3A_92, %add3A_105 : i32
      %mul3A_107 = arith.constant 40 : i32
      %mul3A_108 = arith.muli %add3A_106, %mul3A_107 : i32
      %multiple_of3A_109 = tpu.assume_multiple %mul3A_108, 8 : i32
      %add3A_110 = arith.addi %mul3A_2, %multiple_of3A_109 : i32
      %dma_start3A_111 = arith.constant 0 : i32
      %dma_start3A_112 = tpu.memref_slice %arg6[%add3A_110, %dma_start3A_111] : memref<160000x128xf32, #tpu.memory_space<hbm>> -> memref<40x128xf32, #tpu.memory_space<hbm>>
      %dma_start3A_113 = arith.constant 0 : i32
      %dma_start3A_114 = tpu.memref_slice %arg6[%add3A_110, %dma_start3A_113] : memref<160000x128xf32, #tpu.memory_space<hbm>> -> memref<40x128xf32, #tpu.memory_space<hbm>>
      tpu.enqueue_dma source(%arg10 : memref<40x128xf32, #tpu.memory_space<vmem>>) target(%dma_start3A_114 : memref<40x128xf32, #tpu.memory_space<hbm>>) target_semaphore(%arg22 : memref<!tpu.dma_semaphore, #tpu.memory_space<semaphore_mem>>)
      %dma_start3A_115 = arith.constant 0 : i32
      %dma_start3A_116 = tpu.memref_slice %arg7[%add3A_110, %dma_start3A_115] : memref<160000x128xf32, #tpu.memory_space<hbm>> -> memref<40x128xf32, #tpu.memory_space<hbm>>
      %dma_start3A_117 = arith.constant 0 : i32
      %dma_start3A_118 = tpu.memref_slice %arg7[%add3A_110, %dma_start3A_117] : memref<160000x128xf32, #tpu.memory_space<hbm>> -> memref<40x128xf32, #tpu.memory_space<hbm>>
      tpu.enqueue_dma source(%arg14 : memref<40x128xf32, #tpu.memory_space<vmem>>) target(%dma_start3A_118 : memref<40x128xf32, #tpu.memory_space<hbm>>) target_semaphore(%arg22 : memref<!tpu.dma_semaphore, #tpu.memory_space<semaphore_mem>>)
      %dma_wait3A_119 = arith.constant 0 : i32
      %dma_wait3A_120 = arith.constant 0 : i32
      %dma_wait3A_121 = tpu.memref_slice %arg4[%dma_wait3A_119, %dma_wait3A_120] : memref<10000x128xf32, #tpu.memory_space<hbm>> -> memref<40x128xf32, #tpu.memory_space<hbm>>
      %dma_wait3A_122 = arith.constant 0 : i32
      %dma_wait3A_123 = arith.constant 0 : i32
      %dma_wait3A_124 = tpu.memref_slice %arg4[%dma_wait3A_122, %dma_wait3A_123] : memref<10000x128xf32, #tpu.memory_space<hbm>> -> memref<40x128xf32, #tpu.memory_space<hbm>>
      tpu.wait_dma2 semaphore(%arg19 : memref<!tpu.dma_semaphore, #tpu.memory_space<semaphore_mem>>) src(%dma_wait3A_124 : memref<40x128xf32, #tpu.memory_space<hbm>>) dst(%arg11 : memref<40x128xf32, #tpu.memory_space<vmem>>)
      %dma_wait3A_125 = arith.constant 0 : i32
      %dma_wait3A_126 = arith.constant 0 : i32
      %dma_wait3A_127 = tpu.memref_slice %arg5[%dma_wait3A_125, %dma_wait3A_126] : memref<10000x128xf32, #tpu.memory_space<hbm>> -> memref<40x128xf32, #tpu.memory_space<hbm>>
      %dma_wait3A_128 = arith.constant 0 : i32
      %dma_wait3A_129 = arith.constant 0 : i32
      %dma_wait3A_130 = tpu.memref_slice %arg5[%dma_wait3A_128, %dma_wait3A_129] : memref<10000x128xf32, #tpu.memory_space<hbm>> -> memref<40x128xf32, #tpu.memory_space<hbm>>
      tpu.wait_dma2 semaphore(%arg19 : memref<!tpu.dma_semaphore, #tpu.memory_space<semaphore_mem>>) src(%dma_wait3A_130 : memref<40x128xf32, #tpu.memory_space<hbm>>) dst(%arg15 : memref<40x128xf32, #tpu.memory_space<vmem>>)
      %add3A_131 = arith.constant 1 : i32
      %add3A_132 = arith.addi %mul3A_92, %add3A_131 : i32
      %mul3A_133 = arith.constant 40 : i32
      %mul3A_134 = arith.muli %add3A_132, %mul3A_133 : i32
      %multiple_of3A_135 = tpu.assume_multiple %mul3A_134, 8 : i32
      %add3A_136 = arith.addi %mul3A_2, %multiple_of3A_135 : i32
      %dma_start3A_137 = arith.constant 0 : i32
      %dma_start3A_138 = tpu.memref_slice %arg6[%add3A_136, %dma_start3A_137] : memref<160000x128xf32, #tpu.memory_space<hbm>> -> memref<40x128xf32, #tpu.memory_space<hbm>>
      %dma_start3A_139 = arith.constant 0 : i32
      %dma_start3A_140 = tpu.memref_slice %arg6[%add3A_136, %dma_start3A_139] : memref<160000x128xf32, #tpu.memory_space<hbm>> -> memref<40x128xf32, #tpu.memory_space<hbm>>
      tpu.enqueue_dma source(%arg11 : memref<40x128xf32, #tpu.memory_space<vmem>>) target(%dma_start3A_140 : memref<40x128xf32, #tpu.memory_space<hbm>>) target_semaphore(%arg23 : memref<!tpu.dma_semaphore, #tpu.memory_space<semaphore_mem>>)
      %dma_start3A_141 = arith.constant 0 : i32
      %dma_start3A_142 = tpu.memref_slice %arg7[%add3A_136, %dma_start3A_141] : memref<160000x128xf32, #tpu.memory_space<hbm>> -> memref<40x128xf32, #tpu.memory_space<hbm>>
      %dma_start3A_143 = arith.constant 0 : i32
      %dma_start3A_144 = tpu.memref_slice %arg7[%add3A_136, %dma_start3A_143] : memref<160000x128xf32, #tpu.memory_space<hbm>> -> memref<40x128xf32, #tpu.memory_space<hbm>>
      tpu.enqueue_dma source(%arg15 : memref<40x128xf32, #tpu.memory_space<vmem>>) target(%dma_start3A_144 : memref<40x128xf32, #tpu.memory_space<hbm>>) target_semaphore(%arg23 : memref<!tpu.dma_semaphore, #tpu.memory_space<semaphore_mem>>)
      %dma_wait3A_145 = arith.constant 0 : i32
      %dma_wait3A_146 = arith.constant 0 : i32
      %dma_wait3A_147 = tpu.memref_slice %arg4[%dma_wait3A_145, %dma_wait3A_146] : memref<10000x128xf32, #tpu.memory_space<hbm>> -> memref<40x128xf32, #tpu.memory_space<hbm>>
      %dma_wait3A_148 = arith.constant 0 : i32
      %dma_wait3A_149 = arith.constant 0 : i32
      %dma_wait3A_150 = tpu.memref_slice %arg4[%dma_wait3A_148, %dma_wait3A_149] : memref<10000x128xf32, #tpu.memory_space<hbm>> -> memref<40x128xf32, #tpu.memory_space<hbm>>
      tpu.wait_dma2 semaphore(%arg20 : memref<!tpu.dma_semaphore, #tpu.memory_space<semaphore_mem>>) src(%dma_wait3A_150 : memref<40x128xf32, #tpu.memory_space<hbm>>) dst(%arg12 : memref<40x128xf32, #tpu.memory_space<vmem>>)
      %dma_wait3A_151 = arith.constant 0 : i32
      %dma_wait3A_152 = arith.constant 0 : i32
      %dma_wait3A_153 = tpu.memref_slice %arg5[%dma_wait3A_151, %dma_wait3A_152] : memref<10000x128xf32, #tpu.memory_space<hbm>> -> memref<40x128xf32, #tpu.memory_space<hbm>>
      %dma_wait3A_154 = arith.constant 0 : i32
      %dma_wait3A_155 = arith.constant 0 : i32
      %dma_wait3A_156 = tpu.memref_slice %arg5[%dma_wait3A_154, %dma_wait3A_155] : memref<10000x128xf32, #tpu.memory_space<hbm>> -> memref<40x128xf32, #tpu.memory_space<hbm>>
      tpu.wait_dma2 semaphore(%arg20 : memref<!tpu.dma_semaphore, #tpu.memory_space<semaphore_mem>>) src(%dma_wait3A_156 : memref<40x128xf32, #tpu.memory_space<hbm>>) dst(%arg16 : memref<40x128xf32, #tpu.memory_space<vmem>>)
      %add3A_157 = arith.constant 2 : i32
      %add3A_158 = arith.addi %mul3A_92, %add3A_157 : i32
      %mul3A_159 = arith.constant 40 : i32
      %mul3A_160 = arith.muli %add3A_158, %mul3A_159 : i32
      %multiple_of3A_161 = tpu.assume_multiple %mul3A_160, 8 : i32
      %add3A_162 = arith.addi %mul3A_2, %multiple_of3A_161 : i32
      %dma_start3A_163 = arith.constant 0 : i32
      %dma_start3A_164 = tpu.memref_slice %arg6[%add3A_162, %dma_start3A_163] : memref<160000x128xf32, #tpu.memory_space<hbm>> -> memref<40x128xf32, #tpu.memory_space<hbm>>
      %dma_start3A_165 = arith.constant 0 : i32
      %dma_start3A_166 = tpu.memref_slice %arg6[%add3A_162, %dma_start3A_165] : memref<160000x128xf32, #tpu.memory_space<hbm>> -> memref<40x128xf32, #tpu.memory_space<hbm>>
      tpu.enqueue_dma source(%arg12 : memref<40x128xf32, #tpu.memory_space<vmem>>) target(%dma_start3A_166 : memref<40x128xf32, #tpu.memory_space<hbm>>) target_semaphore(%arg24 : memref<!tpu.dma_semaphore, #tpu.memory_space<semaphore_mem>>)
      %dma_start3A_167 = arith.constant 0 : i32
      %dma_start3A_168 = tpu.memref_slice %arg7[%add3A_162, %dma_start3A_167] : memref<160000x128xf32, #tpu.memory_space<hbm>> -> memref<40x128xf32, #tpu.memory_space<hbm>>
      %dma_start3A_169 = arith.constant 0 : i32
      %dma_start3A_170 = tpu.memref_slice %arg7[%add3A_162, %dma_start3A_169] : memref<160000x128xf32, #tpu.memory_space<hbm>> -> memref<40x128xf32, #tpu.memory_space<hbm>>
      tpu.enqueue_dma source(%arg16 : memref<40x128xf32, #tpu.memory_space<vmem>>) target(%dma_start3A_170 : memref<40x128xf32, #tpu.memory_space<hbm>>) target_semaphore(%arg24 : memref<!tpu.dma_semaphore, #tpu.memory_space<semaphore_mem>>)
      %dma_wait3A_171 = arith.constant 0 : i32
      %dma_wait3A_172 = arith.constant 0 : i32
      %dma_wait3A_173 = tpu.memref_slice %arg4[%dma_wait3A_171, %dma_wait3A_172] : memref<10000x128xf32, #tpu.memory_space<hbm>> -> memref<40x128xf32, #tpu.memory_space<hbm>>
      %dma_wait3A_174 = arith.constant 0 : i32
      %dma_wait3A_175 = arith.constant 0 : i32
      %dma_wait3A_176 = tpu.memref_slice %arg4[%dma_wait3A_174, %dma_wait3A_175] : memref<10000x128xf32, #tpu.memory_space<hbm>> -> memref<40x128xf32, #tpu.memory_space<hbm>>
      tpu.wait_dma2 semaphore(%arg21 : memref<!tpu.dma_semaphore, #tpu.memory_space<semaphore_mem>>) src(%dma_wait3A_176 : memref<40x128xf32, #tpu.memory_space<hbm>>) dst(%arg13 : memref<40x128xf32, #tpu.memory_space<vmem>>)
      %dma_wait3A_177 = arith.constant 0 : i32
      %dma_wait3A_178 = arith.constant 0 : i32
      %dma_wait3A_179 = tpu.memref_slice %arg5[%dma_wait3A_177, %dma_wait3A_178] : memref<10000x128xf32, #tpu.memory_space<hbm>> -> memref<40x128xf32, #tpu.memory_space<hbm>>
      %dma_wait3A_180 = arith.constant 0 : i32
      %dma_wait3A_181 = arith.constant 0 : i32
      %dma_wait3A_182 = tpu.memref_slice %arg5[%dma_wait3A_180, %dma_wait3A_181] : memref<10000x128xf32, #tpu.memory_space<hbm>> -> memref<40x128xf32, #tpu.memory_space<hbm>>
      tpu.wait_dma2 semaphore(%arg21 : memref<!tpu.dma_semaphore, #tpu.memory_space<semaphore_mem>>) src(%dma_wait3A_182 : memref<40x128xf32, #tpu.memory_space<hbm>>) dst(%arg17 : memref<40x128xf32, #tpu.memory_space<vmem>>)
      %add3A_183 = arith.constant 3 : i32
      %add3A_184 = arith.addi %mul3A_92, %add3A_183 : i32
      %mul3A_185 = arith.constant 40 : i32
      %mul3A_186 = arith.muli %add3A_184, %mul3A_185 : i32
      %multiple_of3A_187 = tpu.assume_multiple %mul3A_186, 8 : i32
      %add3A_188 = arith.addi %mul3A_2, %multiple_of3A_187 : i32
      %dma_start3A_189 = arith.constant 0 : i32
      %dma_start3A_190 = tpu.memref_slice %arg6[%add3A_188, %dma_start3A_189] : memref<160000x128xf32, #tpu.memory_space<hbm>> -> memref<40x128xf32, #tpu.memory_space<hbm>>
      %dma_start3A_191 = arith.constant 0 : i32
      %dma_start3A_192 = tpu.memref_slice %arg6[%add3A_188, %dma_start3A_191] : memref<160000x128xf32, #tpu.memory_space<hbm>> -> memref<40x128xf32, #tpu.memory_space<hbm>>
      tpu.enqueue_dma source(%arg13 : memref<40x128xf32, #tpu.memory_space<vmem>>) target(%dma_start3A_192 : memref<40x128xf32, #tpu.memory_space<hbm>>) target_semaphore(%arg25 : memref<!tpu.dma_semaphore, #tpu.memory_space<semaphore_mem>>)
      %dma_start3A_193 = arith.constant 0 : i32
      %dma_start3A_194 = tpu.memref_slice %arg7[%add3A_188, %dma_start3A_193] : memref<160000x128xf32, #tpu.memory_space<hbm>> -> memref<40x128xf32, #tpu.memory_space<hbm>>
      %dma_start3A_195 = arith.constant 0 : i32
      %dma_start3A_196 = tpu.memref_slice %arg7[%add3A_188, %dma_start3A_195] : memref<160000x128xf32, #tpu.memory_space<hbm>> -> memref<40x128xf32, #tpu.memory_space<hbm>>
      tpu.enqueue_dma source(%arg17 : memref<40x128xf32, #tpu.memory_space<vmem>>) target(%dma_start3A_196 : memref<40x128xf32, #tpu.memory_space<hbm>>) target_semaphore(%arg25 : memref<!tpu.dma_semaphore, #tpu.memory_space<semaphore_mem>>)
      %dma_wait3A_197 = arith.constant 0 : i32
      %dma_wait3A_198 = arith.constant 0 : i32
      %dma_wait3A_199 = tpu.memref_slice %arg6[%dma_wait3A_197, %dma_wait3A_198] : memref<160000x128xf32, #tpu.memory_space<hbm>> -> memref<40x128xf32, #tpu.memory_space<hbm>>
      %dma_wait3A_200 = arith.constant 0 : i32
      %dma_wait3A_201 = arith.constant 0 : i32
      %dma_wait3A_202 = tpu.memref_slice %arg6[%dma_wait3A_200, %dma_wait3A_201] : memref<160000x128xf32, #tpu.memory_space<hbm>> -> memref<40x128xf32, #tpu.memory_space<hbm>>
      tpu.wait_dma2 semaphore(%arg22 : memref<!tpu.dma_semaphore, #tpu.memory_space<semaphore_mem>>) src(%arg10 : memref<40x128xf32, #tpu.memory_space<vmem>>) dst(%dma_wait3A_202 : memref<40x128xf32, #tpu.memory_space<hbm>>)
      %dma_wait3A_203 = arith.constant 0 : i32
      %dma_wait3A_204 = arith.constant 0 : i32
      %dma_wait3A_205 = tpu.memref_slice %arg7[%dma_wait3A_203, %dma_wait3A_204] : memref<160000x128xf32, #tpu.memory_space<hbm>> -> memref<40x128xf32, #tpu.memory_space<hbm>>
      %dma_wait3A_206 = arith.constant 0 : i32
      %dma_wait3A_207 = arith.constant 0 : i32
      %dma_wait3A_208 = tpu.memref_slice %arg7[%dma_wait3A_206, %dma_wait3A_207] : memref<160000x128xf32, #tpu.memory_space<hbm>> -> memref<40x128xf32, #tpu.memory_space<hbm>>
      tpu.wait_dma2 semaphore(%arg22 : memref<!tpu.dma_semaphore, #tpu.memory_space<semaphore_mem>>) src(%arg14 : memref<40x128xf32, #tpu.memory_space<vmem>>) dst(%dma_wait3A_208 : memref<40x128xf32, #tpu.memory_space<hbm>>)
      %add3A_209 = arith.constant 4 : i32
      %add3A_210 = arith.addi %mul3A_92, %add3A_209 : i32
      %add3A_211 = arith.constant 0 : i32
      %add3A_212 = arith.addi %add3A_210, %add3A_211 : i32
      %lt3A = arith.constant 124 : i32
      %lt3A_213 = arith.cmpi slt, %add3A_212, %lt3A : i32
      %add3A_214 = arith.constant 4 : i32
      %add3A_215 = arith.addi %mul3A_92, %add3A_214 : i32
      %add3A_216 = arith.constant 0 : i32
      %add3A_217 = arith.addi %add3A_215, %add3A_216 : i32
      %convert_element_type3A = arith.extui %lt3A_213 : i1 to i32
      %cond3A = arith.constant 0 : i32
      %cond3A_218 = arith.cmpi ne, %convert_element_type3A, %cond3A : i32
      scf.if %cond3A_218 {
        %mul3A_294 = arith.constant 40 : i32
        %mul3A_295 = arith.muli %add3A_217, %mul3A_294 : i32
        %multiple_of3A_296 = tpu.assume_multiple %mul3A_295, 8 : i32
        %dma_start3A_297 = tpu.memref_slice %arg8[%multiple_of3A_296] : memref<5000xi32, #tpu.memory_space<vmem>> -> memref<40xi32, #tpu.memory_space<vmem>>
        %dma_start3A_298 = arith.constant 0 : i32
        %dma_start3A_299 = arith.constant 0 : i32
        %dma_start3A_300 = tpu.memref_slice %arg4[%dma_start3A_298, %dma_start3A_299] : memref<10000x128xf32, #tpu.memory_space<hbm>> -> memref<10000x128xf32, #tpu.memory_space<hbm>>
        tpu.enqueue_indirect_dma source(%dma_start3A_300 : memref<10000x128xf32, #tpu.memory_space<hbm>>) target(%arg10 : memref<40x128xf32, #tpu.memory_space<vmem>>) offsets(%dma_start3A_297 : memref<40xi32, #tpu.memory_space<vmem>>) semaphore(%arg18 : memref<!tpu.dma_semaphore, #tpu.memory_space<semaphore_mem>>)
        %dma_start3A_301 = tpu.memref_slice %arg9[%multiple_of3A_296] : memref<5000xi32, #tpu.memory_space<vmem>> -> memref<40xi32, #tpu.memory_space<vmem>>
        %dma_start3A_302 = arith.constant 0 : i32
        %dma_start3A_303 = arith.constant 0 : i32
        %dma_start3A_304 = tpu.memref_slice %arg5[%dma_start3A_302, %dma_start3A_303] : memref<10000x128xf32, #tpu.memory_space<hbm>> -> memref<10000x128xf32, #tpu.memory_space<hbm>>
        tpu.enqueue_indirect_dma source(%dma_start3A_304 : memref<10000x128xf32, #tpu.memory_space<hbm>>) target(%arg14 : memref<40x128xf32, #tpu.memory_space<vmem>>) offsets(%dma_start3A_301 : memref<40xi32, #tpu.memory_space<vmem>>) semaphore(%arg18 : memref<!tpu.dma_semaphore, #tpu.memory_space<semaphore_mem>>)
      } else {
      }
      %dma_wait3A_219 = arith.constant 0 : i32
      %dma_wait3A_220 = arith.constant 0 : i32
      %dma_wait3A_221 = tpu.memref_slice %arg6[%dma_wait3A_219, %dma_wait3A_220] : memref<160000x128xf32, #tpu.memory_space<hbm>> -> memref<40x128xf32, #tpu.memory_space<hbm>>
      %dma_wait3A_222 = arith.constant 0 : i32
      %dma_wait3A_223 = arith.constant 0 : i32
      %dma_wait3A_224 = tpu.memref_slice %arg6[%dma_wait3A_222, %dma_wait3A_223] : memref<160000x128xf32, #tpu.memory_space<hbm>> -> memref<40x128xf32, #tpu.memory_space<hbm>>
      tpu.wait_dma2 semaphore(%arg23 : memref<!tpu.dma_semaphore, #tpu.memory_space<semaphore_mem>>) src(%arg11 : memref<40x128xf32, #tpu.memory_space<vmem>>) dst(%dma_wait3A_224 : memref<40x128xf32, #tpu.memory_space<hbm>>)
      %dma_wait3A_225 = arith.constant 0 : i32
      %dma_wait3A_226 = arith.constant 0 : i32
      %dma_wait3A_227 = tpu.memref_slice %arg7[%dma_wait3A_225, %dma_wait3A_226] : memref<160000x128xf32, #tpu.memory_space<hbm>> -> memref<40x128xf32, #tpu.memory_space<hbm>>
      %dma_wait3A_228 = arith.constant 0 : i32
      %dma_wait3A_229 = arith.constant 0 : i32
      %dma_wait3A_230 = tpu.memref_slice %arg7[%dma_wait3A_228, %dma_wait3A_229] : memref<160000x128xf32, #tpu.memory_space<hbm>> -> memref<40x128xf32, #tpu.memory_space<hbm>>
      tpu.wait_dma2 semaphore(%arg23 : memref<!tpu.dma_semaphore, #tpu.memory_space<semaphore_mem>>) src(%arg15 : memref<40x128xf32, #tpu.memory_space<vmem>>) dst(%dma_wait3A_230 : memref<40x128xf32, #tpu.memory_space<hbm>>)
      %add3A_231 = arith.constant 4 : i32
      %add3A_232 = arith.addi %mul3A_92, %add3A_231 : i32
      %add3A_233 = arith.constant 1 : i32
      %add3A_234 = arith.addi %add3A_232, %add3A_233 : i32
      %lt3A_235 = arith.constant 124 : i32
      %lt3A_236 = arith.cmpi slt, %add3A_234, %lt3A_235 : i32
      %add3A_237 = arith.constant 4 : i32
      %add3A_238 = arith.addi %mul3A_92, %add3A_237 : i32
      %add3A_239 = arith.constant 1 : i32
      %add3A_240 = arith.addi %add3A_238, %add3A_239 : i32
      %convert_element_type3A_241 = arith.extui %lt3A_236 : i1 to i32
      %cond3A_242 = arith.constant 0 : i32
      %cond3A_243 = arith.cmpi ne, %convert_element_type3A_241, %cond3A_242 : i32
      scf.if %cond3A_243 {
        %mul3A_294 = arith.constant 40 : i32
        %mul3A_295 = arith.muli %add3A_240, %mul3A_294 : i32
        %multiple_of3A_296 = tpu.assume_multiple %mul3A_295, 8 : i32
        %dma_start3A_297 = tpu.memref_slice %arg8[%multiple_of3A_296] : memref<5000xi32, #tpu.memory_space<vmem>> -> memref<40xi32, #tpu.memory_space<vmem>>
        %dma_start3A_298 = arith.constant 0 : i32
        %dma_start3A_299 = arith.constant 0 : i32
        %dma_start3A_300 = tpu.memref_slice %arg4[%dma_start3A_298, %dma_start3A_299] : memref<10000x128xf32, #tpu.memory_space<hbm>> -> memref<10000x128xf32, #tpu.memory_space<hbm>>
        tpu.enqueue_indirect_dma source(%dma_start3A_300 : memref<10000x128xf32, #tpu.memory_space<hbm>>) target(%arg11 : memref<40x128xf32, #tpu.memory_space<vmem>>) offsets(%dma_start3A_297 : memref<40xi32, #tpu.memory_space<vmem>>) semaphore(%arg19 : memref<!tpu.dma_semaphore, #tpu.memory_space<semaphore_mem>>)
        %dma_start3A_301 = tpu.memref_slice %arg9[%multiple_of3A_296] : memref<5000xi32, #tpu.memory_space<vmem>> -> memref<40xi32, #tpu.memory_space<vmem>>
        %dma_start3A_302 = arith.constant 0 : i32
        %dma_start3A_303 = arith.constant 0 : i32
        %dma_start3A_304 = tpu.memref_slice %arg5[%dma_start3A_302, %dma_start3A_303] : memref<10000x128xf32, #tpu.memory_space<hbm>> -> memref<10000x128xf32, #tpu.memory_space<hbm>>
        tpu.enqueue_indirect_dma source(%dma_start3A_304 : memref<10000x128xf32, #tpu.memory_space<hbm>>) target(%arg15 : memref<40x128xf32, #tpu.memory_space<vmem>>) offsets(%dma_start3A_301 : memref<40xi32, #tpu.memory_space<vmem>>) semaphore(%arg19 : memref<!tpu.dma_semaphore, #tpu.memory_space<semaphore_mem>>)
      } else {
      }
      %dma_wait3A_244 = arith.constant 0 : i32
      %dma_wait3A_245 = arith.constant 0 : i32
      %dma_wait3A_246 = tpu.memref_slice %arg6[%dma_wait3A_244, %dma_wait3A_245] : memref<160000x128xf32, #tpu.memory_space<hbm>> -> memref<40x128xf32, #tpu.memory_space<hbm>>
      %dma_wait3A_247 = arith.constant 0 : i32
      %dma_wait3A_248 = arith.constant 0 : i32
      %dma_wait3A_249 = tpu.memref_slice %arg6[%dma_wait3A_247, %dma_wait3A_248] : memref<160000x128xf32, #tpu.memory_space<hbm>> -> memref<40x128xf32, #tpu.memory_space<hbm>>
      tpu.wait_dma2 semaphore(%arg24 : memref<!tpu.dma_semaphore, #tpu.memory_space<semaphore_mem>>) src(%arg12 : memref<40x128xf32, #tpu.memory_space<vmem>>) dst(%dma_wait3A_249 : memref<40x128xf32, #tpu.memory_space<hbm>>)
      %dma_wait3A_250 = arith.constant 0 : i32
      %dma_wait3A_251 = arith.constant 0 : i32
      %dma_wait3A_252 = tpu.memref_slice %arg7[%dma_wait3A_250, %dma_wait3A_251] : memref<160000x128xf32, #tpu.memory_space<hbm>> -> memref<40x128xf32, #tpu.memory_space<hbm>>
      %dma_wait3A_253 = arith.constant 0 : i32
      %dma_wait3A_254 = arith.constant 0 : i32
      %dma_wait3A_255 = tpu.memref_slice %arg7[%dma_wait3A_253, %dma_wait3A_254] : memref<160000x128xf32, #tpu.memory_space<hbm>> -> memref<40x128xf32, #tpu.memory_space<hbm>>
      tpu.wait_dma2 semaphore(%arg24 : memref<!tpu.dma_semaphore, #tpu.memory_space<semaphore_mem>>) src(%arg16 : memref<40x128xf32, #tpu.memory_space<vmem>>) dst(%dma_wait3A_255 : memref<40x128xf32, #tpu.memory_space<hbm>>)
      %add3A_256 = arith.constant 4 : i32
      %add3A_257 = arith.addi %mul3A_92, %add3A_256 : i32
      %add3A_258 = arith.constant 2 : i32
      %add3A_259 = arith.addi %add3A_257, %add3A_258 : i32
      %lt3A_260 = arith.constant 124 : i32
      %lt3A_261 = arith.cmpi slt, %add3A_259, %lt3A_260 : i32
      %add3A_262 = arith.constant 4 : i32
      %add3A_263 = arith.addi %mul3A_92, %add3A_262 : i32
      %add3A_264 = arith.constant 2 : i32
      %add3A_265 = arith.addi %add3A_263, %add3A_264 : i32
      %convert_element_type3A_266 = arith.extui %lt3A_261 : i1 to i32
      %cond3A_267 = arith.constant 0 : i32
      %cond3A_268 = arith.cmpi ne, %convert_element_type3A_266, %cond3A_267 : i32
      scf.if %cond3A_268 {
        %mul3A_294 = arith.constant 40 : i32
        %mul3A_295 = arith.muli %add3A_265, %mul3A_294 : i32
        %multiple_of3A_296 = tpu.assume_multiple %mul3A_295, 8 : i32
        %dma_start3A_297 = tpu.memref_slice %arg8[%multiple_of3A_296] : memref<5000xi32, #tpu.memory_space<vmem>> -> memref<40xi32, #tpu.memory_space<vmem>>
        %dma_start3A_298 = arith.constant 0 : i32
        %dma_start3A_299 = arith.constant 0 : i32
        %dma_start3A_300 = tpu.memref_slice %arg4[%dma_start3A_298, %dma_start3A_299] : memref<10000x128xf32, #tpu.memory_space<hbm>> -> memref<10000x128xf32, #tpu.memory_space<hbm>>
        tpu.enqueue_indirect_dma source(%dma_start3A_300 : memref<10000x128xf32, #tpu.memory_space<hbm>>) target(%arg12 : memref<40x128xf32, #tpu.memory_space<vmem>>) offsets(%dma_start3A_297 : memref<40xi32, #tpu.memory_space<vmem>>) semaphore(%arg20 : memref<!tpu.dma_semaphore, #tpu.memory_space<semaphore_mem>>)
        %dma_start3A_301 = tpu.memref_slice %arg9[%multiple_of3A_296] : memref<5000xi32, #tpu.memory_space<vmem>> -> memref<40xi32, #tpu.memory_space<vmem>>
        %dma_start3A_302 = arith.constant 0 : i32
        %dma_start3A_303 = arith.constant 0 : i32
        %dma_start3A_304 = tpu.memref_slice %arg5[%dma_start3A_302, %dma_start3A_303] : memref<10000x128xf32, #tpu.memory_space<hbm>> -> memref<10000x128xf32, #tpu.memory_space<hbm>>
        tpu.enqueue_indirect_dma source(%dma_start3A_304 : memref<10000x128xf32, #tpu.memory_space<hbm>>) target(%arg16 : memref<40x128xf32, #tpu.memory_space<vmem>>) offsets(%dma_start3A_301 : memref<40xi32, #tpu.memory_space<vmem>>) semaphore(%arg20 : memref<!tpu.dma_semaphore, #tpu.memory_space<semaphore_mem>>)
      } else {
      }
      %dma_wait3A_269 = arith.constant 0 : i32
      %dma_wait3A_270 = arith.constant 0 : i32
      %dma_wait3A_271 = tpu.memref_slice %arg6[%dma_wait3A_269, %dma_wait3A_270] : memref<160000x128xf32, #tpu.memory_space<hbm>> -> memref<40x128xf32, #tpu.memory_space<hbm>>
      %dma_wait3A_272 = arith.constant 0 : i32
      %dma_wait3A_273 = arith.constant 0 : i32
      %dma_wait3A_274 = tpu.memref_slice %arg6[%dma_wait3A_272, %dma_wait3A_273] : memref<160000x128xf32, #tpu.memory_space<hbm>> -> memref<40x128xf32, #tpu.memory_space<hbm>>
      tpu.wait_dma2 semaphore(%arg25 : memref<!tpu.dma_semaphore, #tpu.memory_space<semaphore_mem>>) src(%arg13 : memref<40x128xf32, #tpu.memory_space<vmem>>) dst(%dma_wait3A_274 : memref<40x128xf32, #tpu.memory_space<hbm>>)
      %dma_wait3A_275 = arith.constant 0 : i32
      %dma_wait3A_276 = arith.constant 0 : i32
      %dma_wait3A_277 = tpu.memref_slice %arg7[%dma_wait3A_275, %dma_wait3A_276] : memref<160000x128xf32, #tpu.memory_space<hbm>> -> memref<40x128xf32, #tpu.memory_space<hbm>>
      %dma_wait3A_278 = arith.constant 0 : i32
      %dma_wait3A_279 = arith.constant 0 : i32
      %dma_wait3A_280 = tpu.memref_slice %arg7[%dma_wait3A_278, %dma_wait3A_279] : memref<160000x128xf32, #tpu.memory_space<hbm>> -> memref<40x128xf32, #tpu.memory_space<hbm>>
      tpu.wait_dma2 semaphore(%arg25 : memref<!tpu.dma_semaphore, #tpu.memory_space<semaphore_mem>>) src(%arg17 : memref<40x128xf32, #tpu.memory_space<vmem>>) dst(%dma_wait3A_280 : memref<40x128xf32, #tpu.memory_space<hbm>>)
      %add3A_281 = arith.constant 4 : i32
      %add3A_282 = arith.addi %mul3A_92, %add3A_281 : i32
      %add3A_283 = arith.constant 3 : i32
      %add3A_284 = arith.addi %add3A_282, %add3A_283 : i32
      %lt3A_285 = arith.constant 124 : i32
      %lt3A_286 = arith.cmpi slt, %add3A_284, %lt3A_285 : i32
      %add3A_287 = arith.constant 4 : i32
      %add3A_288 = arith.addi %mul3A_92, %add3A_287 : i32
      %add3A_289 = arith.constant 3 : i32
      %add3A_290 = arith.addi %add3A_288, %add3A_289 : i32
      %convert_element_type3A_291 = arith.extui %lt3A_286 : i1 to i32
      %cond3A_292 = arith.constant 0 : i32
      %cond3A_293 = arith.cmpi ne, %convert_element_type3A_291, %cond3A_292 : i32
      scf.if %cond3A_293 {
        %mul3A_294 = arith.constant 40 : i32
        %mul3A_295 = arith.muli %add3A_290, %mul3A_294 : i32
        %multiple_of3A_296 = tpu.assume_multiple %mul3A_295, 8 : i32
        %dma_start3A_297 = tpu.memref_slice %arg8[%multiple_of3A_296] : memref<5000xi32, #tpu.memory_space<vmem>> -> memref<40xi32, #tpu.memory_space<vmem>>
        %dma_start3A_298 = arith.constant 0 : i32
        %dma_start3A_299 = arith.constant 0 : i32
        %dma_start3A_300 = tpu.memref_slice %arg4[%dma_start3A_298, %dma_start3A_299] : memref<10000x128xf32, #tpu.memory_space<hbm>> -> memref<10000x128xf32, #tpu.memory_space<hbm>>
        tpu.enqueue_indirect_dma source(%dma_start3A_300 : memref<10000x128xf32, #tpu.memory_space<hbm>>) target(%arg13 : memref<40x128xf32, #tpu.memory_space<vmem>>) offsets(%dma_start3A_297 : memref<40xi32, #tpu.memory_space<vmem>>) semaphore(%arg21 : memref<!tpu.dma_semaphore, #tpu.memory_space<semaphore_mem>>)
        %dma_start3A_301 = tpu.memref_slice %arg9[%multiple_of3A_296] : memref<5000xi32, #tpu.memory_space<vmem>> -> memref<40xi32, #tpu.memory_space<vmem>>
        %dma_start3A_302 = arith.constant 0 : i32
        %dma_start3A_303 = arith.constant 0 : i32
        %dma_start3A_304 = tpu.memref_slice %arg5[%dma_start3A_302, %dma_start3A_303] : memref<10000x128xf32, #tpu.memory_space<hbm>> -> memref<10000x128xf32, #tpu.memory_space<hbm>>
        tpu.enqueue_indirect_dma source(%dma_start3A_304 : memref<10000x128xf32, #tpu.memory_space<hbm>>) target(%arg17 : memref<40x128xf32, #tpu.memory_space<vmem>>) offsets(%dma_start3A_301 : memref<40xi32, #tpu.memory_space<vmem>>) semaphore(%arg21 : memref<!tpu.dma_semaphore, #tpu.memory_space<semaphore_mem>>)
      } else {
      }
    }
    %scan3A_45 = arith.constant 31 : i32
    %multiple_of3A_46 = arith.constant 4960 : i32
    %multiple_of3A_47 = tpu.assume_multiple %multiple_of3A_46, 8 : i32
    %dma_start3A_48 = tpu.memref_slice %arg8[%multiple_of3A_47] : memref<5000xi32, #tpu.memory_space<vmem>> -> memref<40xi32, #tpu.memory_space<vmem>>
    %dma_start3A_49 = arith.constant 0 : i32
    %dma_start3A_50 = arith.constant 0 : i32
    %dma_start3A_51 = tpu.memref_slice %arg4[%dma_start3A_49, %dma_start3A_50] : memref<10000x128xf32, #tpu.memory_space<hbm>> -> memref<10000x128xf32, #tpu.memory_space<hbm>>
    tpu.enqueue_indirect_dma source(%dma_start3A_51 : memref<10000x128xf32, #tpu.memory_space<hbm>>) target(%arg10 : memref<40x128xf32, #tpu.memory_space<vmem>>) offsets(%dma_start3A_48 : memref<40xi32, #tpu.memory_space<vmem>>) semaphore(%arg18 : memref<!tpu.dma_semaphore, #tpu.memory_space<semaphore_mem>>)
    %dma_start3A_52 = tpu.memref_slice %arg9[%multiple_of3A_47] : memref<5000xi32, #tpu.memory_space<vmem>> -> memref<40xi32, #tpu.memory_space<vmem>>
    %dma_start3A_53 = arith.constant 0 : i32
    %dma_start3A_54 = arith.constant 0 : i32
    %dma_start3A_55 = tpu.memref_slice %arg5[%dma_start3A_53, %dma_start3A_54] : memref<10000x128xf32, #tpu.memory_space<hbm>> -> memref<10000x128xf32, #tpu.memory_space<hbm>>
    tpu.enqueue_indirect_dma source(%dma_start3A_55 : memref<10000x128xf32, #tpu.memory_space<hbm>>) target(%arg14 : memref<40x128xf32, #tpu.memory_space<vmem>>) offsets(%dma_start3A_52 : memref<40xi32, #tpu.memory_space<vmem>>) semaphore(%arg18 : memref<!tpu.dma_semaphore, #tpu.memory_space<semaphore_mem>>)
    %dma_wait3A = arith.constant 0 : i32
    %dma_wait3A_56 = arith.constant 0 : i32
    %dma_wait3A_57 = tpu.memref_slice %arg4[%dma_wait3A, %dma_wait3A_56] : memref<10000x128xf32, #tpu.memory_space<hbm>> -> memref<40x128xf32, #tpu.memory_space<hbm>>
    %dma_wait3A_58 = arith.constant 0 : i32
    %dma_wait3A_59 = arith.constant 0 : i32
    %dma_wait3A_60 = tpu.memref_slice %arg4[%dma_wait3A_58, %dma_wait3A_59] : memref<10000x128xf32, #tpu.memory_space<hbm>> -> memref<40x128xf32, #tpu.memory_space<hbm>>
    tpu.wait_dma2 semaphore(%arg18 : memref<!tpu.dma_semaphore, #tpu.memory_space<semaphore_mem>>) src(%dma_wait3A_60 : memref<40x128xf32, #tpu.memory_space<hbm>>) dst(%arg10 : memref<40x128xf32, #tpu.memory_space<vmem>>)
    %dma_wait3A_61 = arith.constant 0 : i32
    %dma_wait3A_62 = arith.constant 0 : i32
    %dma_wait3A_63 = tpu.memref_slice %arg5[%dma_wait3A_61, %dma_wait3A_62] : memref<10000x128xf32, #tpu.memory_space<hbm>> -> memref<40x128xf32, #tpu.memory_space<hbm>>
    %dma_wait3A_64 = arith.constant 0 : i32
    %dma_wait3A_65 = arith.constant 0 : i32
    %dma_wait3A_66 = tpu.memref_slice %arg5[%dma_wait3A_64, %dma_wait3A_65] : memref<10000x128xf32, #tpu.memory_space<hbm>> -> memref<40x128xf32, #tpu.memory_space<hbm>>
    tpu.wait_dma2 semaphore(%arg18 : memref<!tpu.dma_semaphore, #tpu.memory_space<semaphore_mem>>) src(%dma_wait3A_66 : memref<40x128xf32, #tpu.memory_space<hbm>>) dst(%arg14 : memref<40x128xf32, #tpu.memory_space<vmem>>)
    %multiple_of3A_67 = arith.constant 4960 : i32
    %multiple_of3A_68 = tpu.assume_multiple %multiple_of3A_67, 8 : i32
    %add3A_69 = arith.addi %mul3A_2, %multiple_of3A_68 : i32
    %dma_start3A_70 = arith.constant 0 : i32
    %dma_start3A_71 = tpu.memref_slice %arg6[%add3A_69, %dma_start3A_70] : memref<160000x128xf32, #tpu.memory_space<hbm>> -> memref<40x128xf32, #tpu.memory_space<hbm>>
    %dma_start3A_72 = arith.constant 0 : i32
    %dma_start3A_73 = tpu.memref_slice %arg6[%add3A_69, %dma_start3A_72] : memref<160000x128xf32, #tpu.memory_space<hbm>> -> memref<40x128xf32, #tpu.memory_space<hbm>>
    tpu.enqueue_dma source(%arg10 : memref<40x128xf32, #tpu.memory_space<vmem>>) target(%dma_start3A_73 : memref<40x128xf32, #tpu.memory_space<hbm>>) target_semaphore(%arg22 : memref<!tpu.dma_semaphore, #tpu.memory_space<semaphore_mem>>)
    %dma_start3A_74 = arith.constant 0 : i32
    %dma_start3A_75 = tpu.memref_slice %arg7[%add3A_69, %dma_start3A_74] : memref<160000x128xf32, #tpu.memory_space<hbm>> -> memref<40x128xf32, #tpu.memory_space<hbm>>
    %dma_start3A_76 = arith.constant 0 : i32
    %dma_start3A_77 = tpu.memref_slice %arg7[%add3A_69, %dma_start3A_76] : memref<160000x128xf32, #tpu.memory_space<hbm>> -> memref<40x128xf32, #tpu.memory_space<hbm>>
    tpu.enqueue_dma source(%arg14 : memref<40x128xf32, #tpu.memory_space<vmem>>) target(%dma_start3A_77 : memref<40x128xf32, #tpu.memory_space<hbm>>) target_semaphore(%arg22 : memref<!tpu.dma_semaphore, #tpu.memory_space<semaphore_mem>>)
    %dma_wait3A_78 = arith.constant 0 : i32
    %dma_wait3A_79 = arith.constant 0 : i32
    %dma_wait3A_80 = tpu.memref_slice %arg6[%dma_wait3A_78, %dma_wait3A_79] : memref<160000x128xf32, #tpu.memory_space<hbm>> -> memref<40x128xf32, #tpu.memory_space<hbm>>
    %dma_wait3A_81 = arith.constant 0 : i32
    %dma_wait3A_82 = arith.constant 0 : i32
    %dma_wait3A_83 = tpu.memref_slice %arg6[%dma_wait3A_81, %dma_wait3A_82] : memref<160000x128xf32, #tpu.memory_space<hbm>> -> memref<40x128xf32, #tpu.memory_space<hbm>>
    tpu.wait_dma2 semaphore(%arg22 : memref<!tpu.dma_semaphore, #tpu.memory_space<semaphore_mem>>) src(%arg10 : memref<40x128xf32, #tpu.memory_space<vmem>>) dst(%dma_wait3A_83 : memref<40x128xf32, #tpu.memory_space<hbm>>)
    %dma_wait3A_84 = arith.constant 0 : i32
    %dma_wait3A_85 = arith.constant 0 : i32
    %dma_wait3A_86 = tpu.memref_slice %arg7[%dma_wait3A_84, %dma_wait3A_85] : memref<160000x128xf32, #tpu.memory_space<hbm>> -> memref<40x128xf32, #tpu.memory_space<hbm>>
    %dma_wait3A_87 = arith.constant 0 : i32
    %dma_wait3A_88 = arith.constant 0 : i32
    %dma_wait3A_89 = tpu.memref_slice %arg7[%dma_wait3A_87, %dma_wait3A_88] : memref<160000x128xf32, #tpu.memory_space<hbm>> -> memref<40x128xf32, #tpu.memory_space<hbm>>
    tpu.wait_dma2 semaphore(%arg22 : memref<!tpu.dma_semaphore, #tpu.memory_space<semaphore_mem>>) src(%arg14 : memref<40x128xf32, #tpu.memory_space<vmem>>) dst(%dma_wait3A_89 : memref<40x128xf32, #tpu.memory_space<hbm>>)
    return
  }
}

#map = affine_map<(d0, d1) -> (0)>
#map1 = affine_map<(d0, d1) -> (0, 0, 0)>
#map2 = affine_map<(d0, d1) -> (0, 0)>
module attributes {stable_mosaic.version = 14 : i64} {
  func.func @_sc_scatter_body(%arg0: i32, %arg1: i32, %arg2: memref<160000xi32, #tpu.memory_space<hbm>>, %arg3: memref<2x160000x128xf32, #tpu.memory_space<hbm>>, %arg4: memref<10000x128xf32, #tpu.memory_space<hbm>>, %arg5: memref<2x10000x128xf32, #tpu.memory_space<hbm>>, %arg6: memref<40xi32, #tpu.memory_space<vmem>>, %arg7: memref<40xi32, #tpu.memory_space<vmem>>, %arg8: memref<40xi32, #tpu.memory_space<vmem>>, %arg9: memref<40xi32, #tpu.memory_space<vmem>>, %arg10: memref<40xi32, #tpu.memory_space<vmem>>, %arg11: memref<40xi32, #tpu.memory_space<vmem>>, %arg12: memref<40xi32, #tpu.memory_space<vmem>>, %arg13: memref<40xi32, #tpu.memory_space<vmem>>, %arg14: memref<80x128xf32, #tpu.memory_space<vmem>>, %arg15: memref<80x128xf32, #tpu.memory_space<vmem>>, %arg16: memref<80x128xf32, #tpu.memory_space<vmem>>, %arg17: memref<80x128xf32, #tpu.memory_space<vmem>>, %arg18: memref<!tpu.dma_semaphore, #tpu.memory_space<semaphore_mem>>, %arg19: memref<!tpu.dma_semaphore, #tpu.memory_space<semaphore_mem>>, %arg20: memref<!tpu.dma_semaphore, #tpu.memory_space<semaphore_mem>>, %arg21: memref<!tpu.dma_semaphore, #tpu.memory_space<semaphore_mem>>, %arg22: memref<!tpu.dma_semaphore, #tpu.memory_space<semaphore_mem>>, %arg23: memref<!tpu.dma_semaphore, #tpu.memory_space<semaphore_mem>>, %arg24: memref<!tpu.dma_semaphore, #tpu.memory_space<semaphore_mem>>, %arg25: memref<!tpu.dma_semaphore, #tpu.memory_space<semaphore_mem>>, %arg26: memref<10000x128xf32, #tpu.memory_space<vmem_shared>>) attributes {dimension_semantics = [#tpu.dimension_semantics<core_parallel>, #tpu.dimension_semantics<subcore_parallel>], iteration_bounds = array<i64: 2, 16>, scalar_prefetch = 0 : i64, scratch_operands = 21 : i64, tpu.core_type = #tpu.core_type<sc_vector_subcore>, window_params = [{transform_indices = #map}, {transform_indices = #map1}, {transform_indices = #map2}, {transform_indices = #map1}]} {
    %eq3A = arith.constant 0 : i32
    %eq3A_0 = arith.cmpi eq, %arg1, %eq3A : i32
    %convert_element_type3A = arith.extui %eq3A_0 : i1 to i32
    %cond3A = arith.constant 0 : i32
    %cond3A_1 = arith.cmpi ne, %convert_element_type3A, %cond3A : i32
    scf.if %cond3A_1 {
      "tpu.region"() ({
        %run_scoped3A = tpu.sem_alloc : memref<!tpu.dma_semaphore, #tpu.memory_space<semaphore_mem>>
        tpu.enqueue_dma source(%arg4 : memref<10000x128xf32, #tpu.memory_space<hbm>>) target(%arg26 : memref<10000x128xf32, #tpu.memory_space<vmem_shared>>) target_semaphore(%run_scoped3A : memref<!tpu.dma_semaphore, #tpu.memory_space<semaphore_mem>>)
        tpu.wait_dma2 semaphore(%run_scoped3A : memref<!tpu.dma_semaphore, #tpu.memory_space<semaphore_mem>>) src(%arg4 : memref<10000x128xf32, #tpu.memory_space<hbm>>) dst(%arg26 : memref<10000x128xf32, #tpu.memory_space<vmem_shared>>)
        tpu.yield
      }) : () -> ()
    } else {
    }
    %mul3A = arith.constant 10000 : i32
    %mul3A_2 = arith.muli %arg1, %mul3A : i32
    %barrier3A = arith.constant 0 : index
    tpu.barrier barrier_id(%barrier3A)
    %multiple_of3A = arith.constant 0 : i32
    %multiple_of3A_3 = tpu.assume_multiple %multiple_of3A, 8 : i32
    %add3A = arith.addi %mul3A_2, %multiple_of3A_3 : i32
    %dma_start3A = tpu.memref_slice %arg2[%add3A] : memref<160000xi32, #tpu.memory_space<hbm>> -> memref<40xi32, #tpu.memory_space<hbm>>
    %dma_start3A_4 = tpu.memref_slice %arg2[%add3A] : memref<160000xi32, #tpu.memory_space<hbm>> -> memref<40xi32, #tpu.memory_space<hbm>>
    tpu.enqueue_dma source(%dma_start3A_4 : memref<40xi32, #tpu.memory_space<hbm>>) target(%arg6 : memref<40xi32, #tpu.memory_space<vmem>>) target_semaphore(%arg18 : memref<!tpu.dma_semaphore, #tpu.memory_space<semaphore_mem>>)
    %add3A_5 = arith.constant 40 : i32
    %add3A_6 = arith.addi %add3A, %add3A_5 : i32
    %dma_start3A_7 = tpu.memref_slice %arg2[%add3A_6] : memref<160000xi32, #tpu.memory_space<hbm>> -> memref<40xi32, #tpu.memory_space<hbm>>
    %dma_start3A_8 = tpu.memref_slice %arg2[%add3A_6] : memref<160000xi32, #tpu.memory_space<hbm>> -> memref<40xi32, #tpu.memory_space<hbm>>
    tpu.enqueue_dma source(%dma_start3A_8 : memref<40xi32, #tpu.memory_space<hbm>>) target(%arg10 : memref<40xi32, #tpu.memory_space<vmem>>) target_semaphore(%arg18 : memref<!tpu.dma_semaphore, #tpu.memory_space<semaphore_mem>>)
    %dma_start3A_9 = arith.constant 0 : i32
    %dma_start3A_10 = tpu.memref_slice %arg3[%arg0, %add3A, %dma_start3A_9] : memref<2x160000x128xf32, #tpu.memory_space<hbm>> -> memref<1x80x128xf32, #tpu.memory_space<hbm>>
    %dma_start3A_11 = tpu.memref_squeeze %dma_start3A_10 : memref<1x80x128xf32, #tpu.memory_space<hbm>> -> memref<80x128xf32, #tpu.memory_space<hbm>>
    %dma_start3A_12 = arith.constant 0 : i32
    %dma_start3A_13 = tpu.memref_slice %arg3[%arg0, %add3A, %dma_start3A_12] : memref<2x160000x128xf32, #tpu.memory_space<hbm>> -> memref<1x80x128xf32, #tpu.memory_space<hbm>>
    %dma_start3A_14 = tpu.memref_squeeze %dma_start3A_13 : memref<1x80x128xf32, #tpu.memory_space<hbm>> -> memref<80x128xf32, #tpu.memory_space<hbm>>
    tpu.enqueue_dma source(%dma_start3A_14 : memref<80x128xf32, #tpu.memory_space<hbm>>) target(%arg14 : memref<80x128xf32, #tpu.memory_space<vmem>>) target_semaphore(%arg18 : memref<!tpu.dma_semaphore, #tpu.memory_space<semaphore_mem>>)
    %multiple_of3A_15 = arith.constant 80 : i32
    %multiple_of3A_16 = tpu.assume_multiple %multiple_of3A_15, 8 : i32
    %add3A_17 = arith.addi %mul3A_2, %multiple_of3A_16 : i32
    %dma_start3A_18 = tpu.memref_slice %arg2[%add3A_17] : memref<160000xi32, #tpu.memory_space<hbm>> -> memref<40xi32, #tpu.memory_space<hbm>>
    %dma_start3A_19 = tpu.memref_slice %arg2[%add3A_17] : memref<160000xi32, #tpu.memory_space<hbm>> -> memref<40xi32, #tpu.memory_space<hbm>>
    tpu.enqueue_dma source(%dma_start3A_19 : memref<40xi32, #tpu.memory_space<hbm>>) target(%arg7 : memref<40xi32, #tpu.memory_space<vmem>>) target_semaphore(%arg19 : memref<!tpu.dma_semaphore, #tpu.memory_space<semaphore_mem>>)
    %add3A_20 = arith.constant 40 : i32
    %add3A_21 = arith.addi %add3A_17, %add3A_20 : i32
    %dma_start3A_22 = tpu.memref_slice %arg2[%add3A_21] : memref<160000xi32, #tpu.memory_space<hbm>> -> memref<40xi32, #tpu.memory_space<hbm>>
    %dma_start3A_23 = tpu.memref_slice %arg2[%add3A_21] : memref<160000xi32, #tpu.memory_space<hbm>> -> memref<40xi32, #tpu.memory_space<hbm>>
    tpu.enqueue_dma source(%dma_start3A_23 : memref<40xi32, #tpu.memory_space<hbm>>) target(%arg11 : memref<40xi32, #tpu.memory_space<vmem>>) target_semaphore(%arg19 : memref<!tpu.dma_semaphore, #tpu.memory_space<semaphore_mem>>)
    %dma_start3A_24 = arith.constant 0 : i32
    %dma_start3A_25 = tpu.memref_slice %arg3[%arg0, %add3A_17, %dma_start3A_24] : memref<2x160000x128xf32, #tpu.memory_space<hbm>> -> memref<1x80x128xf32, #tpu.memory_space<hbm>>
    %dma_start3A_26 = tpu.memref_squeeze %dma_start3A_25 : memref<1x80x128xf32, #tpu.memory_space<hbm>> -> memref<80x128xf32, #tpu.memory_space<hbm>>
    %dma_start3A_27 = arith.constant 0 : i32
    %dma_start3A_28 = tpu.memref_slice %arg3[%arg0, %add3A_17, %dma_start3A_27] : memref<2x160000x128xf32, #tpu.memory_space<hbm>> -> memref<1x80x128xf32, #tpu.memory_space<hbm>>
    %dma_start3A_29 = tpu.memref_squeeze %dma_start3A_28 : memref<1x80x128xf32, #tpu.memory_space<hbm>> -> memref<80x128xf32, #tpu.memory_space<hbm>>
    tpu.enqueue_dma source(%dma_start3A_29 : memref<80x128xf32, #tpu.memory_space<hbm>>) target(%arg15 : memref<80x128xf32, #tpu.memory_space<vmem>>) target_semaphore(%arg19 : memref<!tpu.dma_semaphore, #tpu.memory_space<semaphore_mem>>)
    %multiple_of3A_30 = arith.constant 160 : i32
    %multiple_of3A_31 = tpu.assume_multiple %multiple_of3A_30, 8 : i32
    %add3A_32 = arith.addi %mul3A_2, %multiple_of3A_31 : i32
    %dma_start3A_33 = tpu.memref_slice %arg2[%add3A_32] : memref<160000xi32, #tpu.memory_space<hbm>> -> memref<40xi32, #tpu.memory_space<hbm>>
    %dma_start3A_34 = tpu.memref_slice %arg2[%add3A_32] : memref<160000xi32, #tpu.memory_space<hbm>> -> memref<40xi32, #tpu.memory_space<hbm>>
    tpu.enqueue_dma source(%dma_start3A_34 : memref<40xi32, #tpu.memory_space<hbm>>) target(%arg8 : memref<40xi32, #tpu.memory_space<vmem>>) target_semaphore(%arg20 : memref<!tpu.dma_semaphore, #tpu.memory_space<semaphore_mem>>)
    %add3A_35 = arith.constant 40 : i32
    %add3A_36 = arith.addi %add3A_32, %add3A_35 : i32
    %dma_start3A_37 = tpu.memref_slice %arg2[%add3A_36] : memref<160000xi32, #tpu.memory_space<hbm>> -> memref<40xi32, #tpu.memory_space<hbm>>
    %dma_start3A_38 = tpu.memref_slice %arg2[%add3A_36] : memref<160000xi32, #tpu.memory_space<hbm>> -> memref<40xi32, #tpu.memory_space<hbm>>
    tpu.enqueue_dma source(%dma_start3A_38 : memref<40xi32, #tpu.memory_space<hbm>>) target(%arg12 : memref<40xi32, #tpu.memory_space<vmem>>) target_semaphore(%arg20 : memref<!tpu.dma_semaphore, #tpu.memory_space<semaphore_mem>>)
    %dma_start3A_39 = arith.constant 0 : i32
    %dma_start3A_40 = tpu.memref_slice %arg3[%arg0, %add3A_32, %dma_start3A_39] : memref<2x160000x128xf32, #tpu.memory_space<hbm>> -> memref<1x80x128xf32, #tpu.memory_space<hbm>>
    %dma_start3A_41 = tpu.memref_squeeze %dma_start3A_40 : memref<1x80x128xf32, #tpu.memory_space<hbm>> -> memref<80x128xf32, #tpu.memory_space<hbm>>
    %dma_start3A_42 = arith.constant 0 : i32
    %dma_start3A_43 = tpu.memref_slice %arg3[%arg0, %add3A_32, %dma_start3A_42] : memref<2x160000x128xf32, #tpu.memory_space<hbm>> -> memref<1x80x128xf32, #tpu.memory_space<hbm>>
    %dma_start3A_44 = tpu.memref_squeeze %dma_start3A_43 : memref<1x80x128xf32, #tpu.memory_space<hbm>> -> memref<80x128xf32, #tpu.memory_space<hbm>>
    tpu.enqueue_dma source(%dma_start3A_44 : memref<80x128xf32, #tpu.memory_space<hbm>>) target(%arg16 : memref<80x128xf32, #tpu.memory_space<vmem>>) target_semaphore(%arg20 : memref<!tpu.dma_semaphore, #tpu.memory_space<semaphore_mem>>)
    %multiple_of3A_45 = arith.constant 240 : i32
    %multiple_of3A_46 = tpu.assume_multiple %multiple_of3A_45, 8 : i32
    %add3A_47 = arith.addi %mul3A_2, %multiple_of3A_46 : i32
    %dma_start3A_48 = tpu.memref_slice %arg2[%add3A_47] : memref<160000xi32, #tpu.memory_space<hbm>> -> memref<40xi32, #tpu.memory_space<hbm>>
    %dma_start3A_49 = tpu.memref_slice %arg2[%add3A_47] : memref<160000xi32, #tpu.memory_space<hbm>> -> memref<40xi32, #tpu.memory_space<hbm>>
    tpu.enqueue_dma source(%dma_start3A_49 : memref<40xi32, #tpu.memory_space<hbm>>) target(%arg9 : memref<40xi32, #tpu.memory_space<vmem>>) target_semaphore(%arg21 : memref<!tpu.dma_semaphore, #tpu.memory_space<semaphore_mem>>)
    %add3A_50 = arith.constant 40 : i32
    %add3A_51 = arith.addi %add3A_47, %add3A_50 : i32
    %dma_start3A_52 = tpu.memref_slice %arg2[%add3A_51] : memref<160000xi32, #tpu.memory_space<hbm>> -> memref<40xi32, #tpu.memory_space<hbm>>
    %dma_start3A_53 = tpu.memref_slice %arg2[%add3A_51] : memref<160000xi32, #tpu.memory_space<hbm>> -> memref<40xi32, #tpu.memory_space<hbm>>
    tpu.enqueue_dma source(%dma_start3A_53 : memref<40xi32, #tpu.memory_space<hbm>>) target(%arg13 : memref<40xi32, #tpu.memory_space<vmem>>) target_semaphore(%arg21 : memref<!tpu.dma_semaphore, #tpu.memory_space<semaphore_mem>>)
    %dma_start3A_54 = arith.constant 0 : i32
    %dma_start3A_55 = tpu.memref_slice %arg3[%arg0, %add3A_47, %dma_start3A_54] : memref<2x160000x128xf32, #tpu.memory_space<hbm>> -> memref<1x80x128xf32, #tpu.memory_space<hbm>>
    %dma_start3A_56 = tpu.memref_squeeze %dma_start3A_55 : memref<1x80x128xf32, #tpu.memory_space<hbm>> -> memref<80x128xf32, #tpu.memory_space<hbm>>
    %dma_start3A_57 = arith.constant 0 : i32
    %dma_start3A_58 = tpu.memref_slice %arg3[%arg0, %add3A_47, %dma_start3A_57] : memref<2x160000x128xf32, #tpu.memory_space<hbm>> -> memref<1x80x128xf32, #tpu.memory_space<hbm>>
    %dma_start3A_59 = tpu.memref_squeeze %dma_start3A_58 : memref<1x80x128xf32, #tpu.memory_space<hbm>> -> memref<80x128xf32, #tpu.memory_space<hbm>>
    tpu.enqueue_dma source(%dma_start3A_59 : memref<80x128xf32, #tpu.memory_space<hbm>>) target(%arg17 : memref<80x128xf32, #tpu.memory_space<vmem>>) target_semaphore(%arg21 : memref<!tpu.dma_semaphore, #tpu.memory_space<semaphore_mem>>)
    %scan3A = arith.constant 0 : i32
    %scan3A_60 = arith.constant 0 : i32
    %scan3A_61 = arith.constant 31 : i32
    %scan3A_62 = arith.addi %scan3A_60, %scan3A_61 : i32
    %scan3A_63 = arith.constant 1 : i32
    scf.for %scan3A_124 = %scan3A_60 to %scan3A_62 step %scan3A_63  : i32 {
      %mul3A_125 = arith.constant 4 : i32
      %mul3A_126 = arith.muli %scan3A_124, %mul3A_125 : i32
      %dma_wait3A_127 = arith.constant 0 : i32
      %dma_wait3A_128 = tpu.memref_slice %arg2[%dma_wait3A_127] : memref<160000xi32, #tpu.memory_space<hbm>> -> memref<40xi32, #tpu.memory_space<hbm>>
      %dma_wait3A_129 = arith.constant 0 : i32
      %dma_wait3A_130 = tpu.memref_slice %arg2[%dma_wait3A_129] : memref<160000xi32, #tpu.memory_space<hbm>> -> memref<40xi32, #tpu.memory_space<hbm>>
      tpu.wait_dma2 semaphore(%arg18 : memref<!tpu.dma_semaphore, #tpu.memory_space<semaphore_mem>>) src(%dma_wait3A_130 : memref<40xi32, #tpu.memory_space<hbm>>) dst(%arg6 : memref<40xi32, #tpu.memory_space<vmem>>)
      %dma_wait3A_131 = arith.constant 0 : i32
      %dma_wait3A_132 = tpu.memref_slice %arg2[%dma_wait3A_131] : memref<160000xi32, #tpu.memory_space<hbm>> -> memref<40xi32, #tpu.memory_space<hbm>>
      %dma_wait3A_133 = arith.constant 0 : i32
      %dma_wait3A_134 = tpu.memref_slice %arg2[%dma_wait3A_133] : memref<160000xi32, #tpu.memory_space<hbm>> -> memref<40xi32, #tpu.memory_space<hbm>>
      tpu.wait_dma2 semaphore(%arg18 : memref<!tpu.dma_semaphore, #tpu.memory_space<semaphore_mem>>) src(%dma_wait3A_134 : memref<40xi32, #tpu.memory_space<hbm>>) dst(%arg10 : memref<40xi32, #tpu.memory_space<vmem>>)
      %dma_wait3A_135 = arith.constant 0 : i32
      %dma_wait3A_136 = arith.constant 0 : i32
      %dma_wait3A_137 = arith.constant 0 : i32
      %dma_wait3A_138 = tpu.memref_slice %arg3[%dma_wait3A_135, %dma_wait3A_136, %dma_wait3A_137] : memref<2x160000x128xf32, #tpu.memory_space<hbm>> -> memref<1x80x128xf32, #tpu.memory_space<hbm>>
      %dma_wait3A_139 = tpu.memref_squeeze %dma_wait3A_138 : memref<1x80x128xf32, #tpu.memory_space<hbm>> -> memref<80x128xf32, #tpu.memory_space<hbm>>
      %dma_wait3A_140 = arith.constant 0 : i32
      %dma_wait3A_141 = arith.constant 0 : i32
      %dma_wait3A_142 = tpu.memref_slice %arg3[%dma_wait3A_135, %dma_wait3A_140, %dma_wait3A_141] : memref<2x160000x128xf32, #tpu.memory_space<hbm>> -> memref<1x80x128xf32, #tpu.memory_space<hbm>>
      %dma_wait3A_143 = tpu.memref_squeeze %dma_wait3A_142 : memref<1x80x128xf32, #tpu.memory_space<hbm>> -> memref<80x128xf32, #tpu.memory_space<hbm>>
      tpu.wait_dma2 semaphore(%arg18 : memref<!tpu.dma_semaphore, #tpu.memory_space<semaphore_mem>>) src(%dma_wait3A_143 : memref<80x128xf32, #tpu.memory_space<hbm>>) dst(%arg14 : memref<80x128xf32, #tpu.memory_space<vmem>>)
      %dma_start3A_144 = arith.constant 0 : i32
      %dma_start3A_145 = arith.constant 0 : i32
      %dma_start3A_146 = tpu.memref_slice %arg14[%dma_start3A_144, %dma_start3A_145] : memref<80x128xf32, #tpu.memory_space<vmem>> -> memref<40x128xf32, #tpu.memory_space<vmem>>
      %dma_start3A_147 = arith.constant 0 : i32
      %dma_start3A_148 = arith.constant 0 : i32
      %dma_start3A_149 = tpu.memref_slice %arg26[%dma_start3A_147, %dma_start3A_148] : memref<10000x128xf32, #tpu.memory_space<vmem_shared>> -> memref<10000x128xf32, #tpu.memory_space<vmem_shared>>
      tpu.enqueue_indirect_dma source(%dma_start3A_146 : memref<40x128xf32, #tpu.memory_space<vmem>>) target(%dma_start3A_149 : memref<10000x128xf32, #tpu.memory_space<vmem_shared>>) offsets(%arg6 : memref<40xi32, #tpu.memory_space<vmem>>) semaphore(%arg22 : memref<!tpu.dma_semaphore, #tpu.memory_space<semaphore_mem>>) {add = true}
      %dma_start3A_150 = arith.constant 40 : i32
      %dma_start3A_151 = arith.constant 0 : i32
      %dma_start3A_152 = tpu.memref_slice %arg14[%dma_start3A_150, %dma_start3A_151] : memref<80x128xf32, #tpu.memory_space<vmem>> -> memref<40x128xf32, #tpu.memory_space<vmem>>
      %dma_start3A_153 = arith.constant 0 : i32
      %dma_start3A_154 = arith.constant 0 : i32
      %dma_start3A_155 = tpu.memref_slice %arg26[%dma_start3A_153, %dma_start3A_154] : memref<10000x128xf32, #tpu.memory_space<vmem_shared>> -> memref<10000x128xf32, #tpu.memory_space<vmem_shared>>
      tpu.enqueue_indirect_dma source(%dma_start3A_152 : memref<40x128xf32, #tpu.memory_space<vmem>>) target(%dma_start3A_155 : memref<10000x128xf32, #tpu.memory_space<vmem_shared>>) offsets(%arg10 : memref<40xi32, #tpu.memory_space<vmem>>) semaphore(%arg22 : memref<!tpu.dma_semaphore, #tpu.memory_space<semaphore_mem>>) {add = true}
      %dma_wait3A_156 = arith.constant 0 : i32
      %dma_wait3A_157 = tpu.memref_slice %arg2[%dma_wait3A_156] : memref<160000xi32, #tpu.memory_space<hbm>> -> memref<40xi32, #tpu.memory_space<hbm>>
      %dma_wait3A_158 = arith.constant 0 : i32
      %dma_wait3A_159 = tpu.memref_slice %arg2[%dma_wait3A_158] : memref<160000xi32, #tpu.memory_space<hbm>> -> memref<40xi32, #tpu.memory_space<hbm>>
      tpu.wait_dma2 semaphore(%arg19 : memref<!tpu.dma_semaphore, #tpu.memory_space<semaphore_mem>>) src(%dma_wait3A_159 : memref<40xi32, #tpu.memory_space<hbm>>) dst(%arg7 : memref<40xi32, #tpu.memory_space<vmem>>)
      %dma_wait3A_160 = arith.constant 0 : i32
      %dma_wait3A_161 = tpu.memref_slice %arg2[%dma_wait3A_160] : memref<160000xi32, #tpu.memory_space<hbm>> -> memref<40xi32, #tpu.memory_space<hbm>>
      %dma_wait3A_162 = arith.constant 0 : i32
      %dma_wait3A_163 = tpu.memref_slice %arg2[%dma_wait3A_162] : memref<160000xi32, #tpu.memory_space<hbm>> -> memref<40xi32, #tpu.memory_space<hbm>>
      tpu.wait_dma2 semaphore(%arg19 : memref<!tpu.dma_semaphore, #tpu.memory_space<semaphore_mem>>) src(%dma_wait3A_163 : memref<40xi32, #tpu.memory_space<hbm>>) dst(%arg11 : memref<40xi32, #tpu.memory_space<vmem>>)
      %dma_wait3A_164 = arith.constant 0 : i32
      %dma_wait3A_165 = arith.constant 0 : i32
      %dma_wait3A_166 = arith.constant 0 : i32
      %dma_wait3A_167 = tpu.memref_slice %arg3[%dma_wait3A_164, %dma_wait3A_165, %dma_wait3A_166] : memref<2x160000x128xf32, #tpu.memory_space<hbm>> -> memref<1x80x128xf32, #tpu.memory_space<hbm>>
      %dma_wait3A_168 = tpu.memref_squeeze %dma_wait3A_167 : memref<1x80x128xf32, #tpu.memory_space<hbm>> -> memref<80x128xf32, #tpu.memory_space<hbm>>
      %dma_wait3A_169 = arith.constant 0 : i32
      %dma_wait3A_170 = arith.constant 0 : i32
      %dma_wait3A_171 = tpu.memref_slice %arg3[%dma_wait3A_164, %dma_wait3A_169, %dma_wait3A_170] : memref<2x160000x128xf32, #tpu.memory_space<hbm>> -> memref<1x80x128xf32, #tpu.memory_space<hbm>>
      %dma_wait3A_172 = tpu.memref_squeeze %dma_wait3A_171 : memref<1x80x128xf32, #tpu.memory_space<hbm>> -> memref<80x128xf32, #tpu.memory_space<hbm>>
      tpu.wait_dma2 semaphore(%arg19 : memref<!tpu.dma_semaphore, #tpu.memory_space<semaphore_mem>>) src(%dma_wait3A_172 : memref<80x128xf32, #tpu.memory_space<hbm>>) dst(%arg15 : memref<80x128xf32, #tpu.memory_space<vmem>>)
      %dma_start3A_173 = arith.constant 0 : i32
      %dma_start3A_174 = arith.constant 0 : i32
      %dma_start3A_175 = tpu.memref_slice %arg15[%dma_start3A_173, %dma_start3A_174] : memref<80x128xf32, #tpu.memory_space<vmem>> -> memref<40x128xf32, #tpu.memory_space<vmem>>
      %dma_start3A_176 = arith.constant 0 : i32
      %dma_start3A_177 = arith.constant 0 : i32
      %dma_start3A_178 = tpu.memref_slice %arg26[%dma_start3A_176, %dma_start3A_177] : memref<10000x128xf32, #tpu.memory_space<vmem_shared>> -> memref<10000x128xf32, #tpu.memory_space<vmem_shared>>
      tpu.enqueue_indirect_dma source(%dma_start3A_175 : memref<40x128xf32, #tpu.memory_space<vmem>>) target(%dma_start3A_178 : memref<10000x128xf32, #tpu.memory_space<vmem_shared>>) offsets(%arg7 : memref<40xi32, #tpu.memory_space<vmem>>) semaphore(%arg23 : memref<!tpu.dma_semaphore, #tpu.memory_space<semaphore_mem>>) {add = true}
      %dma_start3A_179 = arith.constant 40 : i32
      %dma_start3A_180 = arith.constant 0 : i32
      %dma_start3A_181 = tpu.memref_slice %arg15[%dma_start3A_179, %dma_start3A_180] : memref<80x128xf32, #tpu.memory_space<vmem>> -> memref<40x128xf32, #tpu.memory_space<vmem>>
      %dma_start3A_182 = arith.constant 0 : i32
      %dma_start3A_183 = arith.constant 0 : i32
      %dma_start3A_184 = tpu.memref_slice %arg26[%dma_start3A_182, %dma_start3A_183] : memref<10000x128xf32, #tpu.memory_space<vmem_shared>> -> memref<10000x128xf32, #tpu.memory_space<vmem_shared>>
      tpu.enqueue_indirect_dma source(%dma_start3A_181 : memref<40x128xf32, #tpu.memory_space<vmem>>) target(%dma_start3A_184 : memref<10000x128xf32, #tpu.memory_space<vmem_shared>>) offsets(%arg11 : memref<40xi32, #tpu.memory_space<vmem>>) semaphore(%arg23 : memref<!tpu.dma_semaphore, #tpu.memory_space<semaphore_mem>>) {add = true}
      %dma_wait3A_185 = arith.constant 0 : i32
      %dma_wait3A_186 = tpu.memref_slice %arg2[%dma_wait3A_185] : memref<160000xi32, #tpu.memory_space<hbm>> -> memref<40xi32, #tpu.memory_space<hbm>>
      %dma_wait3A_187 = arith.constant 0 : i32
      %dma_wait3A_188 = tpu.memref_slice %arg2[%dma_wait3A_187] : memref<160000xi32, #tpu.memory_space<hbm>> -> memref<40xi32, #tpu.memory_space<hbm>>
      tpu.wait_dma2 semaphore(%arg20 : memref<!tpu.dma_semaphore, #tpu.memory_space<semaphore_mem>>) src(%dma_wait3A_188 : memref<40xi32, #tpu.memory_space<hbm>>) dst(%arg8 : memref<40xi32, #tpu.memory_space<vmem>>)
      %dma_wait3A_189 = arith.constant 0 : i32
      %dma_wait3A_190 = tpu.memref_slice %arg2[%dma_wait3A_189] : memref<160000xi32, #tpu.memory_space<hbm>> -> memref<40xi32, #tpu.memory_space<hbm>>
      %dma_wait3A_191 = arith.constant 0 : i32
      %dma_wait3A_192 = tpu.memref_slice %arg2[%dma_wait3A_191] : memref<160000xi32, #tpu.memory_space<hbm>> -> memref<40xi32, #tpu.memory_space<hbm>>
      tpu.wait_dma2 semaphore(%arg20 : memref<!tpu.dma_semaphore, #tpu.memory_space<semaphore_mem>>) src(%dma_wait3A_192 : memref<40xi32, #tpu.memory_space<hbm>>) dst(%arg12 : memref<40xi32, #tpu.memory_space<vmem>>)
      %dma_wait3A_193 = arith.constant 0 : i32
      %dma_wait3A_194 = arith.constant 0 : i32
      %dma_wait3A_195 = arith.constant 0 : i32
      %dma_wait3A_196 = tpu.memref_slice %arg3[%dma_wait3A_193, %dma_wait3A_194, %dma_wait3A_195] : memref<2x160000x128xf32, #tpu.memory_space<hbm>> -> memref<1x80x128xf32, #tpu.memory_space<hbm>>
      %dma_wait3A_197 = tpu.memref_squeeze %dma_wait3A_196 : memref<1x80x128xf32, #tpu.memory_space<hbm>> -> memref<80x128xf32, #tpu.memory_space<hbm>>
      %dma_wait3A_198 = arith.constant 0 : i32
      %dma_wait3A_199 = arith.constant 0 : i32
      %dma_wait3A_200 = tpu.memref_slice %arg3[%dma_wait3A_193, %dma_wait3A_198, %dma_wait3A_199] : memref<2x160000x128xf32, #tpu.memory_space<hbm>> -> memref<1x80x128xf32, #tpu.memory_space<hbm>>
      %dma_wait3A_201 = tpu.memref_squeeze %dma_wait3A_200 : memref<1x80x128xf32, #tpu.memory_space<hbm>> -> memref<80x128xf32, #tpu.memory_space<hbm>>
      tpu.wait_dma2 semaphore(%arg20 : memref<!tpu.dma_semaphore, #tpu.memory_space<semaphore_mem>>) src(%dma_wait3A_201 : memref<80x128xf32, #tpu.memory_space<hbm>>) dst(%arg16 : memref<80x128xf32, #tpu.memory_space<vmem>>)
      %dma_start3A_202 = arith.constant 0 : i32
      %dma_start3A_203 = arith.constant 0 : i32
      %dma_start3A_204 = tpu.memref_slice %arg16[%dma_start3A_202, %dma_start3A_203] : memref<80x128xf32, #tpu.memory_space<vmem>> -> memref<40x128xf32, #tpu.memory_space<vmem>>
      %dma_start3A_205 = arith.constant 0 : i32
      %dma_start3A_206 = arith.constant 0 : i32
      %dma_start3A_207 = tpu.memref_slice %arg26[%dma_start3A_205, %dma_start3A_206] : memref<10000x128xf32, #tpu.memory_space<vmem_shared>> -> memref<10000x128xf32, #tpu.memory_space<vmem_shared>>
      tpu.enqueue_indirect_dma source(%dma_start3A_204 : memref<40x128xf32, #tpu.memory_space<vmem>>) target(%dma_start3A_207 : memref<10000x128xf32, #tpu.memory_space<vmem_shared>>) offsets(%arg8 : memref<40xi32, #tpu.memory_space<vmem>>) semaphore(%arg24 : memref<!tpu.dma_semaphore, #tpu.memory_space<semaphore_mem>>) {add = true}
      %dma_start3A_208 = arith.constant 40 : i32
      %dma_start3A_209 = arith.constant 0 : i32
      %dma_start3A_210 = tpu.memref_slice %arg16[%dma_start3A_208, %dma_start3A_209] : memref<80x128xf32, #tpu.memory_space<vmem>> -> memref<40x128xf32, #tpu.memory_space<vmem>>
      %dma_start3A_211 = arith.constant 0 : i32
      %dma_start3A_212 = arith.constant 0 : i32
      %dma_start3A_213 = tpu.memref_slice %arg26[%dma_start3A_211, %dma_start3A_212] : memref<10000x128xf32, #tpu.memory_space<vmem_shared>> -> memref<10000x128xf32, #tpu.memory_space<vmem_shared>>
      tpu.enqueue_indirect_dma source(%dma_start3A_210 : memref<40x128xf32, #tpu.memory_space<vmem>>) target(%dma_start3A_213 : memref<10000x128xf32, #tpu.memory_space<vmem_shared>>) offsets(%arg12 : memref<40xi32, #tpu.memory_space<vmem>>) semaphore(%arg24 : memref<!tpu.dma_semaphore, #tpu.memory_space<semaphore_mem>>) {add = true}
      %dma_wait3A_214 = arith.constant 0 : i32
      %dma_wait3A_215 = tpu.memref_slice %arg2[%dma_wait3A_214] : memref<160000xi32, #tpu.memory_space<hbm>> -> memref<40xi32, #tpu.memory_space<hbm>>
      %dma_wait3A_216 = arith.constant 0 : i32
      %dma_wait3A_217 = tpu.memref_slice %arg2[%dma_wait3A_216] : memref<160000xi32, #tpu.memory_space<hbm>> -> memref<40xi32, #tpu.memory_space<hbm>>
      tpu.wait_dma2 semaphore(%arg21 : memref<!tpu.dma_semaphore, #tpu.memory_space<semaphore_mem>>) src(%dma_wait3A_217 : memref<40xi32, #tpu.memory_space<hbm>>) dst(%arg9 : memref<40xi32, #tpu.memory_space<vmem>>)
      %dma_wait3A_218 = arith.constant 0 : i32
      %dma_wait3A_219 = tpu.memref_slice %arg2[%dma_wait3A_218] : memref<160000xi32, #tpu.memory_space<hbm>> -> memref<40xi32, #tpu.memory_space<hbm>>
      %dma_wait3A_220 = arith.constant 0 : i32
      %dma_wait3A_221 = tpu.memref_slice %arg2[%dma_wait3A_220] : memref<160000xi32, #tpu.memory_space<hbm>> -> memref<40xi32, #tpu.memory_space<hbm>>
      tpu.wait_dma2 semaphore(%arg21 : memref<!tpu.dma_semaphore, #tpu.memory_space<semaphore_mem>>) src(%dma_wait3A_221 : memref<40xi32, #tpu.memory_space<hbm>>) dst(%arg13 : memref<40xi32, #tpu.memory_space<vmem>>)
      %dma_wait3A_222 = arith.constant 0 : i32
      %dma_wait3A_223 = arith.constant 0 : i32
      %dma_wait3A_224 = arith.constant 0 : i32
      %dma_wait3A_225 = tpu.memref_slice %arg3[%dma_wait3A_222, %dma_wait3A_223, %dma_wait3A_224] : memref<2x160000x128xf32, #tpu.memory_space<hbm>> -> memref<1x80x128xf32, #tpu.memory_space<hbm>>
      %dma_wait3A_226 = tpu.memref_squeeze %dma_wait3A_225 : memref<1x80x128xf32, #tpu.memory_space<hbm>> -> memref<80x128xf32, #tpu.memory_space<hbm>>
      %dma_wait3A_227 = arith.constant 0 : i32
      %dma_wait3A_228 = arith.constant 0 : i32
      %dma_wait3A_229 = tpu.memref_slice %arg3[%dma_wait3A_222, %dma_wait3A_227, %dma_wait3A_228] : memref<2x160000x128xf32, #tpu.memory_space<hbm>> -> memref<1x80x128xf32, #tpu.memory_space<hbm>>
      %dma_wait3A_230 = tpu.memref_squeeze %dma_wait3A_229 : memref<1x80x128xf32, #tpu.memory_space<hbm>> -> memref<80x128xf32, #tpu.memory_space<hbm>>
      tpu.wait_dma2 semaphore(%arg21 : memref<!tpu.dma_semaphore, #tpu.memory_space<semaphore_mem>>) src(%dma_wait3A_230 : memref<80x128xf32, #tpu.memory_space<hbm>>) dst(%arg17 : memref<80x128xf32, #tpu.memory_space<vmem>>)
      %dma_start3A_231 = arith.constant 0 : i32
      %dma_start3A_232 = arith.constant 0 : i32
      %dma_start3A_233 = tpu.memref_slice %arg17[%dma_start3A_231, %dma_start3A_232] : memref<80x128xf32, #tpu.memory_space<vmem>> -> memref<40x128xf32, #tpu.memory_space<vmem>>
      %dma_start3A_234 = arith.constant 0 : i32
      %dma_start3A_235 = arith.constant 0 : i32
      %dma_start3A_236 = tpu.memref_slice %arg26[%dma_start3A_234, %dma_start3A_235] : memref<10000x128xf32, #tpu.memory_space<vmem_shared>> -> memref<10000x128xf32, #tpu.memory_space<vmem_shared>>
      tpu.enqueue_indirect_dma source(%dma_start3A_233 : memref<40x128xf32, #tpu.memory_space<vmem>>) target(%dma_start3A_236 : memref<10000x128xf32, #tpu.memory_space<vmem_shared>>) offsets(%arg9 : memref<40xi32, #tpu.memory_space<vmem>>) semaphore(%arg25 : memref<!tpu.dma_semaphore, #tpu.memory_space<semaphore_mem>>) {add = true}
      %dma_start3A_237 = arith.constant 40 : i32
      %dma_start3A_238 = arith.constant 0 : i32
      %dma_start3A_239 = tpu.memref_slice %arg17[%dma_start3A_237, %dma_start3A_238] : memref<80x128xf32, #tpu.memory_space<vmem>> -> memref<40x128xf32, #tpu.memory_space<vmem>>
      %dma_start3A_240 = arith.constant 0 : i32
      %dma_start3A_241 = arith.constant 0 : i32
      %dma_start3A_242 = tpu.memref_slice %arg26[%dma_start3A_240, %dma_start3A_241] : memref<10000x128xf32, #tpu.memory_space<vmem_shared>> -> memref<10000x128xf32, #tpu.memory_space<vmem_shared>>
      tpu.enqueue_indirect_dma source(%dma_start3A_239 : memref<40x128xf32, #tpu.memory_space<vmem>>) target(%dma_start3A_242 : memref<10000x128xf32, #tpu.memory_space<vmem_shared>>) offsets(%arg13 : memref<40xi32, #tpu.memory_space<vmem>>) semaphore(%arg25 : memref<!tpu.dma_semaphore, #tpu.memory_space<semaphore_mem>>) {add = true}
      %dma_wait3A_243 = arith.constant 0 : i32
      %dma_wait3A_244 = arith.constant 0 : i32
      %dma_wait3A_245 = tpu.memref_slice %arg26[%dma_wait3A_243, %dma_wait3A_244] : memref<10000x128xf32, #tpu.memory_space<vmem_shared>> -> memref<80x128xf32, #tpu.memory_space<vmem_shared>>
      %dma_wait3A_246 = arith.constant 0 : i32
      %dma_wait3A_247 = arith.constant 0 : i32
      %dma_wait3A_248 = tpu.memref_slice %arg26[%dma_wait3A_246, %dma_wait3A_247] : memref<10000x128xf32, #tpu.memory_space<vmem_shared>> -> memref<80x128xf32, #tpu.memory_space<vmem_shared>>
      tpu.wait_dma2 semaphore(%arg22 : memref<!tpu.dma_semaphore, #tpu.memory_space<semaphore_mem>>) src(%arg14 : memref<80x128xf32, #tpu.memory_space<vmem>>) dst(%dma_wait3A_248 : memref<80x128xf32, #tpu.memory_space<vmem_shared>>)
      %add3A_249 = arith.constant 4 : i32
      %add3A_250 = arith.addi %mul3A_126, %add3A_249 : i32
      %add3A_251 = arith.constant 0 : i32
      %add3A_252 = arith.addi %add3A_250, %add3A_251 : i32
      %lt3A = arith.constant 124 : i32
      %lt3A_253 = arith.cmpi slt, %add3A_252, %lt3A : i32
      %add3A_254 = arith.constant 4 : i32
      %add3A_255 = arith.addi %mul3A_126, %add3A_254 : i32
      %add3A_256 = arith.constant 0 : i32
      %add3A_257 = arith.addi %add3A_255, %add3A_256 : i32
      %convert_element_type3A_258 = arith.extui %lt3A_253 : i1 to i32
      %cond3A_259 = arith.constant 0 : i32
      %cond3A_260 = arith.cmpi ne, %convert_element_type3A_258, %cond3A_259 : i32
      scf.if %cond3A_260 {
        %mul3A_318 = arith.constant 80 : i32
        %mul3A_319 = arith.muli %add3A_257, %mul3A_318 : i32
        %multiple_of3A_320 = tpu.assume_multiple %mul3A_319, 8 : i32
        %add3A_321 = arith.addi %mul3A_2, %multiple_of3A_320 : i32
        %dma_start3A_322 = tpu.memref_slice %arg2[%add3A_321] : memref<160000xi32, #tpu.memory_space<hbm>> -> memref<40xi32, #tpu.memory_space<hbm>>
        %dma_start3A_323 = tpu.memref_slice %arg2[%add3A_321] : memref<160000xi32, #tpu.memory_space<hbm>> -> memref<40xi32, #tpu.memory_space<hbm>>
        tpu.enqueue_dma source(%dma_start3A_323 : memref<40xi32, #tpu.memory_space<hbm>>) target(%arg6 : memref<40xi32, #tpu.memory_space<vmem>>) target_semaphore(%arg18 : memref<!tpu.dma_semaphore, #tpu.memory_space<semaphore_mem>>)
        %add3A_324 = arith.constant 40 : i32
        %add3A_325 = arith.addi %add3A_321, %add3A_324 : i32
        %dma_start3A_326 = tpu.memref_slice %arg2[%add3A_325] : memref<160000xi32, #tpu.memory_space<hbm>> -> memref<40xi32, #tpu.memory_space<hbm>>
        %dma_start3A_327 = tpu.memref_slice %arg2[%add3A_325] : memref<160000xi32, #tpu.memory_space<hbm>> -> memref<40xi32, #tpu.memory_space<hbm>>
        tpu.enqueue_dma source(%dma_start3A_327 : memref<40xi32, #tpu.memory_space<hbm>>) target(%arg10 : memref<40xi32, #tpu.memory_space<vmem>>) target_semaphore(%arg18 : memref<!tpu.dma_semaphore, #tpu.memory_space<semaphore_mem>>)
        %dma_start3A_328 = arith.constant 0 : i32
        %dma_start3A_329 = tpu.memref_slice %arg3[%arg0, %add3A_321, %dma_start3A_328] : memref<2x160000x128xf32, #tpu.memory_space<hbm>> -> memref<1x80x128xf32, #tpu.memory_space<hbm>>
        %dma_start3A_330 = tpu.memref_squeeze %dma_start3A_329 : memref<1x80x128xf32, #tpu.memory_space<hbm>> -> memref<80x128xf32, #tpu.memory_space<hbm>>
        %dma_start3A_331 = arith.constant 0 : i32
        %dma_start3A_332 = tpu.memref_slice %arg3[%arg0, %add3A_321, %dma_start3A_331] : memref<2x160000x128xf32, #tpu.memory_space<hbm>> -> memref<1x80x128xf32, #tpu.memory_space<hbm>>
        %dma_start3A_333 = tpu.memref_squeeze %dma_start3A_332 : memref<1x80x128xf32, #tpu.memory_space<hbm>> -> memref<80x128xf32, #tpu.memory_space<hbm>>
        tpu.enqueue_dma source(%dma_start3A_333 : memref<80x128xf32, #tpu.memory_space<hbm>>) target(%arg14 : memref<80x128xf32, #tpu.memory_space<vmem>>) target_semaphore(%arg18 : memref<!tpu.dma_semaphore, #tpu.memory_space<semaphore_mem>>)
      } else {
      }
      %dma_wait3A_261 = arith.constant 0 : i32
      %dma_wait3A_262 = arith.constant 0 : i32
      %dma_wait3A_263 = tpu.memref_slice %arg26[%dma_wait3A_261, %dma_wait3A_262] : memref<10000x128xf32, #tpu.memory_space<vmem_shared>> -> memref<80x128xf32, #tpu.memory_space<vmem_shared>>
      %dma_wait3A_264 = arith.constant 0 : i32
      %dma_wait3A_265 = arith.constant 0 : i32
      %dma_wait3A_266 = tpu.memref_slice %arg26[%dma_wait3A_264, %dma_wait3A_265] : memref<10000x128xf32, #tpu.memory_space<vmem_shared>> -> memref<80x128xf32, #tpu.memory_space<vmem_shared>>
      tpu.wait_dma2 semaphore(%arg23 : memref<!tpu.dma_semaphore, #tpu.memory_space<semaphore_mem>>) src(%arg15 : memref<80x128xf32, #tpu.memory_space<vmem>>) dst(%dma_wait3A_266 : memref<80x128xf32, #tpu.memory_space<vmem_shared>>)
      %add3A_267 = arith.constant 4 : i32
      %add3A_268 = arith.addi %mul3A_126, %add3A_267 : i32
      %add3A_269 = arith.constant 1 : i32
      %add3A_270 = arith.addi %add3A_268, %add3A_269 : i32
      %lt3A_271 = arith.constant 124 : i32
      %lt3A_272 = arith.cmpi slt, %add3A_270, %lt3A_271 : i32
      %add3A_273 = arith.constant 4 : i32
      %add3A_274 = arith.addi %mul3A_126, %add3A_273 : i32
      %add3A_275 = arith.constant 1 : i32
      %add3A_276 = arith.addi %add3A_274, %add3A_275 : i32
      %convert_element_type3A_277 = arith.extui %lt3A_272 : i1 to i32
      %cond3A_278 = arith.constant 0 : i32
      %cond3A_279 = arith.cmpi ne, %convert_element_type3A_277, %cond3A_278 : i32
      scf.if %cond3A_279 {
        %mul3A_318 = arith.constant 80 : i32
        %mul3A_319 = arith.muli %add3A_276, %mul3A_318 : i32
        %multiple_of3A_320 = tpu.assume_multiple %mul3A_319, 8 : i32
        %add3A_321 = arith.addi %mul3A_2, %multiple_of3A_320 : i32
        %dma_start3A_322 = tpu.memref_slice %arg2[%add3A_321] : memref<160000xi32, #tpu.memory_space<hbm>> -> memref<40xi32, #tpu.memory_space<hbm>>
        %dma_start3A_323 = tpu.memref_slice %arg2[%add3A_321] : memref<160000xi32, #tpu.memory_space<hbm>> -> memref<40xi32, #tpu.memory_space<hbm>>
        tpu.enqueue_dma source(%dma_start3A_323 : memref<40xi32, #tpu.memory_space<hbm>>) target(%arg7 : memref<40xi32, #tpu.memory_space<vmem>>) target_semaphore(%arg19 : memref<!tpu.dma_semaphore, #tpu.memory_space<semaphore_mem>>)
        %add3A_324 = arith.constant 40 : i32
        %add3A_325 = arith.addi %add3A_321, %add3A_324 : i32
        %dma_start3A_326 = tpu.memref_slice %arg2[%add3A_325] : memref<160000xi32, #tpu.memory_space<hbm>> -> memref<40xi32, #tpu.memory_space<hbm>>
        %dma_start3A_327 = tpu.memref_slice %arg2[%add3A_325] : memref<160000xi32, #tpu.memory_space<hbm>> -> memref<40xi32, #tpu.memory_space<hbm>>
        tpu.enqueue_dma source(%dma_start3A_327 : memref<40xi32, #tpu.memory_space<hbm>>) target(%arg11 : memref<40xi32, #tpu.memory_space<vmem>>) target_semaphore(%arg19 : memref<!tpu.dma_semaphore, #tpu.memory_space<semaphore_mem>>)
        %dma_start3A_328 = arith.constant 0 : i32
        %dma_start3A_329 = tpu.memref_slice %arg3[%arg0, %add3A_321, %dma_start3A_328] : memref<2x160000x128xf32, #tpu.memory_space<hbm>> -> memref<1x80x128xf32, #tpu.memory_space<hbm>>
        %dma_start3A_330 = tpu.memref_squeeze %dma_start3A_329 : memref<1x80x128xf32, #tpu.memory_space<hbm>> -> memref<80x128xf32, #tpu.memory_space<hbm>>
        %dma_start3A_331 = arith.constant 0 : i32
        %dma_start3A_332 = tpu.memref_slice %arg3[%arg0, %add3A_321, %dma_start3A_331] : memref<2x160000x128xf32, #tpu.memory_space<hbm>> -> memref<1x80x128xf32, #tpu.memory_space<hbm>>
        %dma_start3A_333 = tpu.memref_squeeze %dma_start3A_332 : memref<1x80x128xf32, #tpu.memory_space<hbm>> -> memref<80x128xf32, #tpu.memory_space<hbm>>
        tpu.enqueue_dma source(%dma_start3A_333 : memref<80x128xf32, #tpu.memory_space<hbm>>) target(%arg15 : memref<80x128xf32, #tpu.memory_space<vmem>>) target_semaphore(%arg19 : memref<!tpu.dma_semaphore, #tpu.memory_space<semaphore_mem>>)
      } else {
      }
      %dma_wait3A_280 = arith.constant 0 : i32
      %dma_wait3A_281 = arith.constant 0 : i32
      %dma_wait3A_282 = tpu.memref_slice %arg26[%dma_wait3A_280, %dma_wait3A_281] : memref<10000x128xf32, #tpu.memory_space<vmem_shared>> -> memref<80x128xf32, #tpu.memory_space<vmem_shared>>
      %dma_wait3A_283 = arith.constant 0 : i32
      %dma_wait3A_284 = arith.constant 0 : i32
      %dma_wait3A_285 = tpu.memref_slice %arg26[%dma_wait3A_283, %dma_wait3A_284] : memref<10000x128xf32, #tpu.memory_space<vmem_shared>> -> memref<80x128xf32, #tpu.memory_space<vmem_shared>>
      tpu.wait_dma2 semaphore(%arg24 : memref<!tpu.dma_semaphore, #tpu.memory_space<semaphore_mem>>) src(%arg16 : memref<80x128xf32, #tpu.memory_space<vmem>>) dst(%dma_wait3A_285 : memref<80x128xf32, #tpu.memory_space<vmem_shared>>)
      %add3A_286 = arith.constant 4 : i32
      %add3A_287 = arith.addi %mul3A_126, %add3A_286 : i32
      %add3A_288 = arith.constant 2 : i32
      %add3A_289 = arith.addi %add3A_287, %add3A_288 : i32
      %lt3A_290 = arith.constant 124 : i32
      %lt3A_291 = arith.cmpi slt, %add3A_289, %lt3A_290 : i32
      %add3A_292 = arith.constant 4 : i32
      %add3A_293 = arith.addi %mul3A_126, %add3A_292 : i32
      %add3A_294 = arith.constant 2 : i32
      %add3A_295 = arith.addi %add3A_293, %add3A_294 : i32
      %convert_element_type3A_296 = arith.extui %lt3A_291 : i1 to i32
      %cond3A_297 = arith.constant 0 : i32
      %cond3A_298 = arith.cmpi ne, %convert_element_type3A_296, %cond3A_297 : i32
      scf.if %cond3A_298 {
        %mul3A_318 = arith.constant 80 : i32
        %mul3A_319 = arith.muli %add3A_295, %mul3A_318 : i32
        %multiple_of3A_320 = tpu.assume_multiple %mul3A_319, 8 : i32
        %add3A_321 = arith.addi %mul3A_2, %multiple_of3A_320 : i32
        %dma_start3A_322 = tpu.memref_slice %arg2[%add3A_321] : memref<160000xi32, #tpu.memory_space<hbm>> -> memref<40xi32, #tpu.memory_space<hbm>>
        %dma_start3A_323 = tpu.memref_slice %arg2[%add3A_321] : memref<160000xi32, #tpu.memory_space<hbm>> -> memref<40xi32, #tpu.memory_space<hbm>>
        tpu.enqueue_dma source(%dma_start3A_323 : memref<40xi32, #tpu.memory_space<hbm>>) target(%arg8 : memref<40xi32, #tpu.memory_space<vmem>>) target_semaphore(%arg20 : memref<!tpu.dma_semaphore, #tpu.memory_space<semaphore_mem>>)
        %add3A_324 = arith.constant 40 : i32
        %add3A_325 = arith.addi %add3A_321, %add3A_324 : i32
        %dma_start3A_326 = tpu.memref_slice %arg2[%add3A_325] : memref<160000xi32, #tpu.memory_space<hbm>> -> memref<40xi32, #tpu.memory_space<hbm>>
        %dma_start3A_327 = tpu.memref_slice %arg2[%add3A_325] : memref<160000xi32, #tpu.memory_space<hbm>> -> memref<40xi32, #tpu.memory_space<hbm>>
        tpu.enqueue_dma source(%dma_start3A_327 : memref<40xi32, #tpu.memory_space<hbm>>) target(%arg12 : memref<40xi32, #tpu.memory_space<vmem>>) target_semaphore(%arg20 : memref<!tpu.dma_semaphore, #tpu.memory_space<semaphore_mem>>)
        %dma_start3A_328 = arith.constant 0 : i32
        %dma_start3A_329 = tpu.memref_slice %arg3[%arg0, %add3A_321, %dma_start3A_328] : memref<2x160000x128xf32, #tpu.memory_space<hbm>> -> memref<1x80x128xf32, #tpu.memory_space<hbm>>
        %dma_start3A_330 = tpu.memref_squeeze %dma_start3A_329 : memref<1x80x128xf32, #tpu.memory_space<hbm>> -> memref<80x128xf32, #tpu.memory_space<hbm>>
        %dma_start3A_331 = arith.constant 0 : i32
        %dma_start3A_332 = tpu.memref_slice %arg3[%arg0, %add3A_321, %dma_start3A_331] : memref<2x160000x128xf32, #tpu.memory_space<hbm>> -> memref<1x80x128xf32, #tpu.memory_space<hbm>>
        %dma_start3A_333 = tpu.memref_squeeze %dma_start3A_332 : memref<1x80x128xf32, #tpu.memory_space<hbm>> -> memref<80x128xf32, #tpu.memory_space<hbm>>
        tpu.enqueue_dma source(%dma_start3A_333 : memref<80x128xf32, #tpu.memory_space<hbm>>) target(%arg16 : memref<80x128xf32, #tpu.memory_space<vmem>>) target_semaphore(%arg20 : memref<!tpu.dma_semaphore, #tpu.memory_space<semaphore_mem>>)
      } else {
      }
      %dma_wait3A_299 = arith.constant 0 : i32
      %dma_wait3A_300 = arith.constant 0 : i32
      %dma_wait3A_301 = tpu.memref_slice %arg26[%dma_wait3A_299, %dma_wait3A_300] : memref<10000x128xf32, #tpu.memory_space<vmem_shared>> -> memref<80x128xf32, #tpu.memory_space<vmem_shared>>
      %dma_wait3A_302 = arith.constant 0 : i32
      %dma_wait3A_303 = arith.constant 0 : i32
      %dma_wait3A_304 = tpu.memref_slice %arg26[%dma_wait3A_302, %dma_wait3A_303] : memref<10000x128xf32, #tpu.memory_space<vmem_shared>> -> memref<80x128xf32, #tpu.memory_space<vmem_shared>>
      tpu.wait_dma2 semaphore(%arg25 : memref<!tpu.dma_semaphore, #tpu.memory_space<semaphore_mem>>) src(%arg17 : memref<80x128xf32, #tpu.memory_space<vmem>>) dst(%dma_wait3A_304 : memref<80x128xf32, #tpu.memory_space<vmem_shared>>)
      %add3A_305 = arith.constant 4 : i32
      %add3A_306 = arith.addi %mul3A_126, %add3A_305 : i32
      %add3A_307 = arith.constant 3 : i32
      %add3A_308 = arith.addi %add3A_306, %add3A_307 : i32
      %lt3A_309 = arith.constant 124 : i32
      %lt3A_310 = arith.cmpi slt, %add3A_308, %lt3A_309 : i32
      %add3A_311 = arith.constant 4 : i32
      %add3A_312 = arith.addi %mul3A_126, %add3A_311 : i32
      %add3A_313 = arith.constant 3 : i32
      %add3A_314 = arith.addi %add3A_312, %add3A_313 : i32
      %convert_element_type3A_315 = arith.extui %lt3A_310 : i1 to i32
      %cond3A_316 = arith.constant 0 : i32
      %cond3A_317 = arith.cmpi ne, %convert_element_type3A_315, %cond3A_316 : i32
      scf.if %cond3A_317 {
        %mul3A_318 = arith.constant 80 : i32
        %mul3A_319 = arith.muli %add3A_314, %mul3A_318 : i32
        %multiple_of3A_320 = tpu.assume_multiple %mul3A_319, 8 : i32
        %add3A_321 = arith.addi %mul3A_2, %multiple_of3A_320 : i32
        %dma_start3A_322 = tpu.memref_slice %arg2[%add3A_321] : memref<160000xi32, #tpu.memory_space<hbm>> -> memref<40xi32, #tpu.memory_space<hbm>>
        %dma_start3A_323 = tpu.memref_slice %arg2[%add3A_321] : memref<160000xi32, #tpu.memory_space<hbm>> -> memref<40xi32, #tpu.memory_space<hbm>>
        tpu.enqueue_dma source(%dma_start3A_323 : memref<40xi32, #tpu.memory_space<hbm>>) target(%arg9 : memref<40xi32, #tpu.memory_space<vmem>>) target_semaphore(%arg21 : memref<!tpu.dma_semaphore, #tpu.memory_space<semaphore_mem>>)
        %add3A_324 = arith.constant 40 : i32
        %add3A_325 = arith.addi %add3A_321, %add3A_324 : i32
        %dma_start3A_326 = tpu.memref_slice %arg2[%add3A_325] : memref<160000xi32, #tpu.memory_space<hbm>> -> memref<40xi32, #tpu.memory_space<hbm>>
        %dma_start3A_327 = tpu.memref_slice %arg2[%add3A_325] : memref<160000xi32, #tpu.memory_space<hbm>> -> memref<40xi32, #tpu.memory_space<hbm>>
        tpu.enqueue_dma source(%dma_start3A_327 : memref<40xi32, #tpu.memory_space<hbm>>) target(%arg13 : memref<40xi32, #tpu.memory_space<vmem>>) target_semaphore(%arg21 : memref<!tpu.dma_semaphore, #tpu.memory_space<semaphore_mem>>)
        %dma_start3A_328 = arith.constant 0 : i32
        %dma_start3A_329 = tpu.memref_slice %arg3[%arg0, %add3A_321, %dma_start3A_328] : memref<2x160000x128xf32, #tpu.memory_space<hbm>> -> memref<1x80x128xf32, #tpu.memory_space<hbm>>
        %dma_start3A_330 = tpu.memref_squeeze %dma_start3A_329 : memref<1x80x128xf32, #tpu.memory_space<hbm>> -> memref<80x128xf32, #tpu.memory_space<hbm>>
        %dma_start3A_331 = arith.constant 0 : i32
        %dma_start3A_332 = tpu.memref_slice %arg3[%arg0, %add3A_321, %dma_start3A_331] : memref<2x160000x128xf32, #tpu.memory_space<hbm>> -> memref<1x80x128xf32, #tpu.memory_space<hbm>>
        %dma_start3A_333 = tpu.memref_squeeze %dma_start3A_332 : memref<1x80x128xf32, #tpu.memory_space<hbm>> -> memref<80x128xf32, #tpu.memory_space<hbm>>
        tpu.enqueue_dma source(%dma_start3A_333 : memref<80x128xf32, #tpu.memory_space<hbm>>) target(%arg17 : memref<80x128xf32, #tpu.memory_space<vmem>>) target_semaphore(%arg21 : memref<!tpu.dma_semaphore, #tpu.memory_space<semaphore_mem>>)
      } else {
      }
    }
    %scan3A_64 = arith.constant 31 : i32
    %multiple_of3A_65 = arith.constant 9920 : i32
    %multiple_of3A_66 = tpu.assume_multiple %multiple_of3A_65, 8 : i32
    %add3A_67 = arith.addi %mul3A_2, %multiple_of3A_66 : i32
    %dma_start3A_68 = tpu.memref_slice %arg2[%add3A_67] : memref<160000xi32, #tpu.memory_space<hbm>> -> memref<40xi32, #tpu.memory_space<hbm>>
    %dma_start3A_69 = tpu.memref_slice %arg2[%add3A_67] : memref<160000xi32, #tpu.memory_space<hbm>> -> memref<40xi32, #tpu.memory_space<hbm>>
    tpu.enqueue_dma source(%dma_start3A_69 : memref<40xi32, #tpu.memory_space<hbm>>) target(%arg6 : memref<40xi32, #tpu.memory_space<vmem>>) target_semaphore(%arg18 : memref<!tpu.dma_semaphore, #tpu.memory_space<semaphore_mem>>)
    %add3A_70 = arith.constant 40 : i32
    %add3A_71 = arith.addi %add3A_67, %add3A_70 : i32
    %dma_start3A_72 = tpu.memref_slice %arg2[%add3A_71] : memref<160000xi32, #tpu.memory_space<hbm>> -> memref<40xi32, #tpu.memory_space<hbm>>
    %dma_start3A_73 = tpu.memref_slice %arg2[%add3A_71] : memref<160000xi32, #tpu.memory_space<hbm>> -> memref<40xi32, #tpu.memory_space<hbm>>
    tpu.enqueue_dma source(%dma_start3A_73 : memref<40xi32, #tpu.memory_space<hbm>>) target(%arg10 : memref<40xi32, #tpu.memory_space<vmem>>) target_semaphore(%arg18 : memref<!tpu.dma_semaphore, #tpu.memory_space<semaphore_mem>>)
    %dma_start3A_74 = arith.constant 0 : i32
    %dma_start3A_75 = tpu.memref_slice %arg3[%arg0, %add3A_67, %dma_start3A_74] : memref<2x160000x128xf32, #tpu.memory_space<hbm>> -> memref<1x80x128xf32, #tpu.memory_space<hbm>>
    %dma_start3A_76 = tpu.memref_squeeze %dma_start3A_75 : memref<1x80x128xf32, #tpu.memory_space<hbm>> -> memref<80x128xf32, #tpu.memory_space<hbm>>
    %dma_start3A_77 = arith.constant 0 : i32
    %dma_start3A_78 = tpu.memref_slice %arg3[%arg0, %add3A_67, %dma_start3A_77] : memref<2x160000x128xf32, #tpu.memory_space<hbm>> -> memref<1x80x128xf32, #tpu.memory_space<hbm>>
    %dma_start3A_79 = tpu.memref_squeeze %dma_start3A_78 : memref<1x80x128xf32, #tpu.memory_space<hbm>> -> memref<80x128xf32, #tpu.memory_space<hbm>>
    tpu.enqueue_dma source(%dma_start3A_79 : memref<80x128xf32, #tpu.memory_space<hbm>>) target(%arg14 : memref<80x128xf32, #tpu.memory_space<vmem>>) target_semaphore(%arg18 : memref<!tpu.dma_semaphore, #tpu.memory_space<semaphore_mem>>)
    %dma_wait3A = arith.constant 0 : i32
    %dma_wait3A_80 = tpu.memref_slice %arg2[%dma_wait3A] : memref<160000xi32, #tpu.memory_space<hbm>> -> memref<40xi32, #tpu.memory_space<hbm>>
    %dma_wait3A_81 = arith.constant 0 : i32
    %dma_wait3A_82 = tpu.memref_slice %arg2[%dma_wait3A_81] : memref<160000xi32, #tpu.memory_space<hbm>> -> memref<40xi32, #tpu.memory_space<hbm>>
    tpu.wait_dma2 semaphore(%arg18 : memref<!tpu.dma_semaphore, #tpu.memory_space<semaphore_mem>>) src(%dma_wait3A_82 : memref<40xi32, #tpu.memory_space<hbm>>) dst(%arg6 : memref<40xi32, #tpu.memory_space<vmem>>)
    %dma_wait3A_83 = arith.constant 0 : i32
    %dma_wait3A_84 = tpu.memref_slice %arg2[%dma_wait3A_83] : memref<160000xi32, #tpu.memory_space<hbm>> -> memref<40xi32, #tpu.memory_space<hbm>>
    %dma_wait3A_85 = arith.constant 0 : i32
    %dma_wait3A_86 = tpu.memref_slice %arg2[%dma_wait3A_85] : memref<160000xi32, #tpu.memory_space<hbm>> -> memref<40xi32, #tpu.memory_space<hbm>>
    tpu.wait_dma2 semaphore(%arg18 : memref<!tpu.dma_semaphore, #tpu.memory_space<semaphore_mem>>) src(%dma_wait3A_86 : memref<40xi32, #tpu.memory_space<hbm>>) dst(%arg10 : memref<40xi32, #tpu.memory_space<vmem>>)
    %dma_wait3A_87 = arith.constant 0 : i32
    %dma_wait3A_88 = arith.constant 0 : i32
    %dma_wait3A_89 = arith.constant 0 : i32
    %dma_wait3A_90 = tpu.memref_slice %arg3[%dma_wait3A_87, %dma_wait3A_88, %dma_wait3A_89] : memref<2x160000x128xf32, #tpu.memory_space<hbm>> -> memref<1x80x128xf32, #tpu.memory_space<hbm>>
    %dma_wait3A_91 = tpu.memref_squeeze %dma_wait3A_90 : memref<1x80x128xf32, #tpu.memory_space<hbm>> -> memref<80x128xf32, #tpu.memory_space<hbm>>
    %dma_wait3A_92 = arith.constant 0 : i32
    %dma_wait3A_93 = arith.constant 0 : i32
    %dma_wait3A_94 = tpu.memref_slice %arg3[%dma_wait3A_87, %dma_wait3A_92, %dma_wait3A_93] : memref<2x160000x128xf32, #tpu.memory_space<hbm>> -> memref<1x80x128xf32, #tpu.memory_space<hbm>>
    %dma_wait3A_95 = tpu.memref_squeeze %dma_wait3A_94 : memref<1x80x128xf32, #tpu.memory_space<hbm>> -> memref<80x128xf32, #tpu.memory_space<hbm>>
    tpu.wait_dma2 semaphore(%arg18 : memref<!tpu.dma_semaphore, #tpu.memory_space<semaphore_mem>>) src(%dma_wait3A_95 : memref<80x128xf32, #tpu.memory_space<hbm>>) dst(%arg14 : memref<80x128xf32, #tpu.memory_space<vmem>>)
    %dma_start3A_96 = arith.constant 0 : i32
    %dma_start3A_97 = arith.constant 0 : i32
    %dma_start3A_98 = tpu.memref_slice %arg14[%dma_start3A_96, %dma_start3A_97] : memref<80x128xf32, #tpu.memory_space<vmem>> -> memref<40x128xf32, #tpu.memory_space<vmem>>
    %dma_start3A_99 = arith.constant 0 : i32
    %dma_start3A_100 = arith.constant 0 : i32
    %dma_start3A_101 = tpu.memref_slice %arg26[%dma_start3A_99, %dma_start3A_100] : memref<10000x128xf32, #tpu.memory_space<vmem_shared>> -> memref<10000x128xf32, #tpu.memory_space<vmem_shared>>
    tpu.enqueue_indirect_dma source(%dma_start3A_98 : memref<40x128xf32, #tpu.memory_space<vmem>>) target(%dma_start3A_101 : memref<10000x128xf32, #tpu.memory_space<vmem_shared>>) offsets(%arg6 : memref<40xi32, #tpu.memory_space<vmem>>) semaphore(%arg22 : memref<!tpu.dma_semaphore, #tpu.memory_space<semaphore_mem>>) {add = true}
    %dma_start3A_102 = arith.constant 40 : i32
    %dma_start3A_103 = arith.constant 0 : i32
    %dma_start3A_104 = tpu.memref_slice %arg14[%dma_start3A_102, %dma_start3A_103] : memref<80x128xf32, #tpu.memory_space<vmem>> -> memref<40x128xf32, #tpu.memory_space<vmem>>
    %dma_start3A_105 = arith.constant 0 : i32
    %dma_start3A_106 = arith.constant 0 : i32
    %dma_start3A_107 = tpu.memref_slice %arg26[%dma_start3A_105, %dma_start3A_106] : memref<10000x128xf32, #tpu.memory_space<vmem_shared>> -> memref<10000x128xf32, #tpu.memory_space<vmem_shared>>
    tpu.enqueue_indirect_dma source(%dma_start3A_104 : memref<40x128xf32, #tpu.memory_space<vmem>>) target(%dma_start3A_107 : memref<10000x128xf32, #tpu.memory_space<vmem_shared>>) offsets(%arg10 : memref<40xi32, #tpu.memory_space<vmem>>) semaphore(%arg22 : memref<!tpu.dma_semaphore, #tpu.memory_space<semaphore_mem>>) {add = true}
    %dma_wait3A_108 = arith.constant 0 : i32
    %dma_wait3A_109 = arith.constant 0 : i32
    %dma_wait3A_110 = tpu.memref_slice %arg26[%dma_wait3A_108, %dma_wait3A_109] : memref<10000x128xf32, #tpu.memory_space<vmem_shared>> -> memref<80x128xf32, #tpu.memory_space<vmem_shared>>
    %dma_wait3A_111 = arith.constant 0 : i32
    %dma_wait3A_112 = arith.constant 0 : i32
    %dma_wait3A_113 = tpu.memref_slice %arg26[%dma_wait3A_111, %dma_wait3A_112] : memref<10000x128xf32, #tpu.memory_space<vmem_shared>> -> memref<80x128xf32, #tpu.memory_space<vmem_shared>>
    tpu.wait_dma2 semaphore(%arg22 : memref<!tpu.dma_semaphore, #tpu.memory_space<semaphore_mem>>) src(%arg14 : memref<80x128xf32, #tpu.memory_space<vmem>>) dst(%dma_wait3A_113 : memref<80x128xf32, #tpu.memory_space<vmem_shared>>)
    %barrier3A_114 = arith.constant 0 : index
    tpu.barrier barrier_id(%barrier3A_114)
    %mul3A_115 = arith.constant 624 : i32
    %mul3A_116 = arith.muli %arg1, %mul3A_115 : i32
    %mul3A_117 = arith.constant 624 : i32
    %mul3A_118 = arith.muli %arg1, %mul3A_117 : i32
    "tpu.region"() ({
      %run_scoped3A = tpu.sem_alloc : memref<!tpu.dma_semaphore, #tpu.memory_space<semaphore_mem>>
      %dma_start3A_124 = arith.constant 0 : i32
      %dma_start3A_125 = tpu.memref_slice %arg5[%arg0, %mul3A_118, %dma_start3A_124] : memref<2x10000x128xf32, #tpu.memory_space<hbm>> -> memref<1x624x128xf32, #tpu.memory_space<hbm>>
      %dma_start3A_126 = tpu.memref_squeeze %dma_start3A_125 : memref<1x624x128xf32, #tpu.memory_space<hbm>> -> memref<624x128xf32, #tpu.memory_space<hbm>>
      %dma_start3A_127 = arith.constant 0 : i32
      %dma_start3A_128 = tpu.memref_slice %arg26[%mul3A_116, %dma_start3A_127] : memref<10000x128xf32, #tpu.memory_space<vmem_shared>> -> memref<624x128xf32, #tpu.memory_space<vmem_shared>>
      tpu.enqueue_dma source(%dma_start3A_128 : memref<624x128xf32, #tpu.memory_space<vmem_shared>>) target(%dma_start3A_126 : memref<624x128xf32, #tpu.memory_space<hbm>>) target_semaphore(%run_scoped3A : memref<!tpu.dma_semaphore, #tpu.memory_space<semaphore_mem>>)
      %dma_wait3A_129 = arith.constant 0 : i32
      %dma_wait3A_130 = tpu.memref_slice %arg5[%arg0, %mul3A_118, %dma_wait3A_129] : memref<2x10000x128xf32, #tpu.memory_space<hbm>> -> memref<1x624x128xf32, #tpu.memory_space<hbm>>
      %dma_wait3A_131 = tpu.memref_squeeze %dma_wait3A_130 : memref<1x624x128xf32, #tpu.memory_space<hbm>> -> memref<624x128xf32, #tpu.memory_space<hbm>>
      %dma_wait3A_132 = arith.constant 0 : i32
      %dma_wait3A_133 = tpu.memref_slice %arg26[%mul3A_116, %dma_wait3A_132] : memref<10000x128xf32, #tpu.memory_space<vmem_shared>> -> memref<624x128xf32, #tpu.memory_space<vmem_shared>>
      tpu.wait_dma2 semaphore(%run_scoped3A : memref<!tpu.dma_semaphore, #tpu.memory_space<semaphore_mem>>) src(%dma_wait3A_133 : memref<624x128xf32, #tpu.memory_space<vmem_shared>>) dst(%dma_wait3A_131 : memref<624x128xf32, #tpu.memory_space<hbm>>)
      tpu.yield
    }) : () -> ()
    %eq3A_119 = arith.constant 0 : i32
    %eq3A_120 = arith.cmpi eq, %arg1, %eq3A_119 : i32
    %convert_element_type3A_121 = arith.extui %eq3A_120 : i1 to i32
    %cond3A_122 = arith.constant 0 : i32
    %cond3A_123 = arith.cmpi ne, %convert_element_type3A_121, %cond3A_122 : i32
    scf.if %cond3A_123 {
      "tpu.region"() ({
        %run_scoped3A = tpu.sem_alloc : memref<!tpu.dma_semaphore, #tpu.memory_space<semaphore_mem>>
        %dma_start3A_124 = arith.constant 9984 : i32
        %dma_start3A_125 = arith.constant 0 : i32
        %dma_start3A_126 = tpu.memref_slice %arg5[%arg0, %dma_start3A_124, %dma_start3A_125] : memref<2x10000x128xf32, #tpu.memory_space<hbm>> -> memref<1x16x128xf32, #tpu.memory_space<hbm>>
        %dma_start3A_127 = tpu.memref_squeeze %dma_start3A_126 : memref<1x16x128xf32, #tpu.memory_space<hbm>> -> memref<16x128xf32, #tpu.memory_space<hbm>>
        %dma_start3A_128 = arith.constant 9984 : i32
        %dma_start3A_129 = arith.constant 0 : i32
        %dma_start3A_130 = tpu.memref_slice %arg26[%dma_start3A_128, %dma_start3A_129] : memref<10000x128xf32, #tpu.memory_space<vmem_shared>> -> memref<16x128xf32, #tpu.memory_space<vmem_shared>>
        tpu.enqueue_dma source(%dma_start3A_130 : memref<16x128xf32, #tpu.memory_space<vmem_shared>>) target(%dma_start3A_127 : memref<16x128xf32, #tpu.memory_space<hbm>>) target_semaphore(%run_scoped3A : memref<!tpu.dma_semaphore, #tpu.memory_space<semaphore_mem>>)
        %dma_wait3A_131 = arith.constant 9984 : i32
        %dma_wait3A_132 = arith.constant 0 : i32
        %dma_wait3A_133 = tpu.memref_slice %arg5[%arg0, %dma_wait3A_131, %dma_wait3A_132] : memref<2x10000x128xf32, #tpu.memory_space<hbm>> -> memref<1x16x128xf32, #tpu.memory_space<hbm>>
        %dma_wait3A_134 = tpu.memref_squeeze %dma_wait3A_133 : memref<1x16x128xf32, #tpu.memory_space<hbm>> -> memref<16x128xf32, #tpu.memory_space<hbm>>
        %dma_wait3A_135 = arith.constant 9984 : i32
        %dma_wait3A_136 = arith.constant 0 : i32
        %dma_wait3A_137 = tpu.memref_slice %arg26[%dma_wait3A_135, %dma_wait3A_136] : memref<10000x128xf32, #tpu.memory_space<vmem_shared>> -> memref<16x128xf32, #tpu.memory_space<vmem_shared>>
        tpu.wait_dma2 semaphore(%run_scoped3A : memref<!tpu.dma_semaphore, #tpu.memory_space<semaphore_mem>>) src(%dma_wait3A_137 : memref<16x128xf32, #tpu.memory_space<vmem_shared>>) dst(%dma_wait3A_134 : memref<16x128xf32, #tpu.memory_space<hbm>>)
        tpu.yield
      }) : () -> ()
    } else {
    }
    return
  }
}

#map = affine_map<(d0, d1) -> (0)>
#map1 = affine_map<(d0, d1) -> (0, 0)>
module attributes {stable_mosaic.version = 14 : i64} {
  func.func @_sc_gather_body(%arg0: i32, %arg1: i32, %arg2: memref<160000xi32, #tpu.memory_space<hbm>>, %arg3: memref<160000xi32, #tpu.memory_space<hbm>>, %arg4: memref<10000x128xf32, #tpu.memory_space<hbm>>, %arg5: memref<10000x128xf32, #tpu.memory_space<hbm>>, %arg6: memref<160000x128xf32, #tpu.memory_space<hbm>>, %arg7: memref<160000x128xf32, #tpu.memory_space<hbm>>, %arg8: memref<5000xi32, #tpu.memory_space<vmem>>, %arg9: memref<5000xi32, #tpu.memory_space<vmem>>, %arg10: memref<40x128xf32, #tpu.memory_space<vmem>>, %arg11: memref<40x128xf32, #tpu.memory_space<vmem>>, %arg12: memref<40x128xf32, #tpu.memory_space<vmem>>, %arg13: memref<40x128xf32, #tpu.memory_space<vmem>>, %arg14: memref<40x128xf32, #tpu.memory_space<vmem>>, %arg15: memref<40x128xf32, #tpu.memory_space<vmem>>, %arg16: memref<40x128xf32, #tpu.memory_space<vmem>>, %arg17: memref<40x128xf32, #tpu.memory_space<vmem>>, %arg18: memref<!tpu.dma_semaphore, #tpu.memory_space<semaphore_mem>>, %arg19: memref<!tpu.dma_semaphore, #tpu.memory_space<semaphore_mem>>, %arg20: memref<!tpu.dma_semaphore, #tpu.memory_space<semaphore_mem>>, %arg21: memref<!tpu.dma_semaphore, #tpu.memory_space<semaphore_mem>>, %arg22: memref<!tpu.dma_semaphore, #tpu.memory_space<semaphore_mem>>, %arg23: memref<!tpu.dma_semaphore, #tpu.memory_space<semaphore_mem>>, %arg24: memref<!tpu.dma_semaphore, #tpu.memory_space<semaphore_mem>>, %arg25: memref<!tpu.dma_semaphore, #tpu.memory_space<semaphore_mem>>) attributes {dimension_semantics = [#tpu.dimension_semantics<core_parallel>, #tpu.dimension_semantics<subcore_parallel>], iteration_bounds = array<i64: 2, 16>, scalar_prefetch = 0 : i64, scratch_operands = 18 : i64, tpu.core_type = #tpu.core_type<sc_vector_subcore>, window_params = [{transform_indices = #map}, {transform_indices = #map}, {transform_indices = #map1}, {transform_indices = #map1}, {transform_indices = #map1}, {transform_indices = #map1}]} {
    %mul3A = arith.constant 2 : i32
    %mul3A_0 = arith.muli %arg1, %mul3A : i32
    %add3A = arith.addi %mul3A_0, %arg0 : i32
    %mul3A_1 = arith.constant 5000 : i32
    %mul3A_2 = arith.muli %add3A, %mul3A_1 : i32
    "tpu.region"() ({
      %run_scoped3A = tpu.sem_alloc : memref<!tpu.dma_semaphore, #tpu.memory_space<semaphore_mem>>
      %dma_start3A_90 = tpu.memref_slice %arg2[%mul3A_2] : memref<160000xi32, #tpu.memory_space<hbm>> -> memref<5000xi32, #tpu.memory_space<hbm>>
      %dma_start3A_91 = tpu.memref_slice %arg2[%mul3A_2] : memref<160000xi32, #tpu.memory_space<hbm>> -> memref<5000xi32, #tpu.memory_space<hbm>>
      tpu.enqueue_dma source(%dma_start3A_91 : memref<5000xi32, #tpu.memory_space<hbm>>) target(%arg8 : memref<5000xi32, #tpu.memory_space<vmem>>) target_semaphore(%run_scoped3A : memref<!tpu.dma_semaphore, #tpu.memory_space<semaphore_mem>>)
      %dma_wait3A_92 = tpu.memref_slice %arg2[%mul3A_2] : memref<160000xi32, #tpu.memory_space<hbm>> -> memref<5000xi32, #tpu.memory_space<hbm>>
      %dma_wait3A_93 = tpu.memref_slice %arg2[%mul3A_2] : memref<160000xi32, #tpu.memory_space<hbm>> -> memref<5000xi32, #tpu.memory_space<hbm>>
      tpu.wait_dma2 semaphore(%run_scoped3A : memref<!tpu.dma_semaphore, #tpu.memory_space<semaphore_mem>>) src(%dma_wait3A_93 : memref<5000xi32, #tpu.memory_space<hbm>>) dst(%arg8 : memref<5000xi32, #tpu.memory_space<vmem>>)
      tpu.yield
    }) : () -> ()
    "tpu.region"() ({
      %run_scoped3A = tpu.sem_alloc : memref<!tpu.dma_semaphore, #tpu.memory_space<semaphore_mem>>
      %dma_start3A_90 = tpu.memref_slice %arg3[%mul3A_2] : memref<160000xi32, #tpu.memory_space<hbm>> -> memref<5000xi32, #tpu.memory_space<hbm>>
      %dma_start3A_91 = tpu.memref_slice %arg3[%mul3A_2] : memref<160000xi32, #tpu.memory_space<hbm>> -> memref<5000xi32, #tpu.memory_space<hbm>>
      tpu.enqueue_dma source(%dma_start3A_91 : memref<5000xi32, #tpu.memory_space<hbm>>) target(%arg9 : memref<5000xi32, #tpu.memory_space<vmem>>) target_semaphore(%run_scoped3A : memref<!tpu.dma_semaphore, #tpu.memory_space<semaphore_mem>>)
      %dma_wait3A_92 = tpu.memref_slice %arg3[%mul3A_2] : memref<160000xi32, #tpu.memory_space<hbm>> -> memref<5000xi32, #tpu.memory_space<hbm>>
      %dma_wait3A_93 = tpu.memref_slice %arg3[%mul3A_2] : memref<160000xi32, #tpu.memory_space<hbm>> -> memref<5000xi32, #tpu.memory_space<hbm>>
      tpu.wait_dma2 semaphore(%run_scoped3A : memref<!tpu.dma_semaphore, #tpu.memory_space<semaphore_mem>>) src(%dma_wait3A_93 : memref<5000xi32, #tpu.memory_space<hbm>>) dst(%arg9 : memref<5000xi32, #tpu.memory_space<vmem>>)
      tpu.yield
    }) : () -> ()
    %multiple_of3A = arith.constant 0 : i32
    %multiple_of3A_3 = tpu.assume_multiple %multiple_of3A, 8 : i32
    %dma_start3A = tpu.memref_slice %arg8[%multiple_of3A_3] : memref<5000xi32, #tpu.memory_space<vmem>> -> memref<40xi32, #tpu.memory_space<vmem>>
    %dma_start3A_4 = arith.constant 0 : i32
    %dma_start3A_5 = arith.constant 0 : i32
    %dma_start3A_6 = tpu.memref_slice %arg4[%dma_start3A_4, %dma_start3A_5] : memref<10000x128xf32, #tpu.memory_space<hbm>> -> memref<10000x128xf32, #tpu.memory_space<hbm>>
    tpu.enqueue_indirect_dma source(%dma_start3A_6 : memref<10000x128xf32, #tpu.memory_space<hbm>>) target(%arg10 : memref<40x128xf32, #tpu.memory_space<vmem>>) offsets(%dma_start3A : memref<40xi32, #tpu.memory_space<vmem>>) semaphore(%arg18 : memref<!tpu.dma_semaphore, #tpu.memory_space<semaphore_mem>>)
    %dma_start3A_7 = tpu.memref_slice %arg9[%multiple_of3A_3] : memref<5000xi32, #tpu.memory_space<vmem>> -> memref<40xi32, #tpu.memory_space<vmem>>
    %dma_start3A_8 = arith.constant 0 : i32
    %dma_start3A_9 = arith.constant 0 : i32
    %dma_start3A_10 = tpu.memref_slice %arg5[%dma_start3A_8, %dma_start3A_9] : memref<10000x128xf32, #tpu.memory_space<hbm>> -> memref<10000x128xf32, #tpu.memory_space<hbm>>
    tpu.enqueue_indirect_dma source(%dma_start3A_10 : memref<10000x128xf32, #tpu.memory_space<hbm>>) target(%arg14 : memref<40x128xf32, #tpu.memory_space<vmem>>) offsets(%dma_start3A_7 : memref<40xi32, #tpu.memory_space<vmem>>) semaphore(%arg18 : memref<!tpu.dma_semaphore, #tpu.memory_space<semaphore_mem>>)
    %multiple_of3A_11 = arith.constant 40 : i32
    %multiple_of3A_12 = tpu.assume_multiple %multiple_of3A_11, 8 : i32
    %dma_start3A_13 = tpu.memref_slice %arg8[%multiple_of3A_12] : memref<5000xi32, #tpu.memory_space<vmem>> -> memref<40xi32, #tpu.memory_space<vmem>>
    %dma_start3A_14 = arith.constant 0 : i32
    %dma_start3A_15 = arith.constant 0 : i32
    %dma_start3A_16 = tpu.memref_slice %arg4[%dma_start3A_14, %dma_start3A_15] : memref<10000x128xf32, #tpu.memory_space<hbm>> -> memref<10000x128xf32, #tpu.memory_space<hbm>>
    tpu.enqueue_indirect_dma source(%dma_start3A_16 : memref<10000x128xf32, #tpu.memory_space<hbm>>) target(%arg11 : memref<40x128xf32, #tpu.memory_space<vmem>>) offsets(%dma_start3A_13 : memref<40xi32, #tpu.memory_space<vmem>>) semaphore(%arg19 : memref<!tpu.dma_semaphore, #tpu.memory_space<semaphore_mem>>)
    %dma_start3A_17 = tpu.memref_slice %arg9[%multiple_of3A_12] : memref<5000xi32, #tpu.memory_space<vmem>> -> memref<40xi32, #tpu.memory_space<vmem>>
    %dma_start3A_18 = arith.constant 0 : i32
    %dma_start3A_19 = arith.constant 0 : i32
    %dma_start3A_20 = tpu.memref_slice %arg5[%dma_start3A_18, %dma_start3A_19] : memref<10000x128xf32, #tpu.memory_space<hbm>> -> memref<10000x128xf32, #tpu.memory_space<hbm>>
    tpu.enqueue_indirect_dma source(%dma_start3A_20 : memref<10000x128xf32, #tpu.memory_space<hbm>>) target(%arg15 : memref<40x128xf32, #tpu.memory_space<vmem>>) offsets(%dma_start3A_17 : memref<40xi32, #tpu.memory_space<vmem>>) semaphore(%arg19 : memref<!tpu.dma_semaphore, #tpu.memory_space<semaphore_mem>>)
    %multiple_of3A_21 = arith.constant 80 : i32
    %multiple_of3A_22 = tpu.assume_multiple %multiple_of3A_21, 8 : i32
    %dma_start3A_23 = tpu.memref_slice %arg8[%multiple_of3A_22] : memref<5000xi32, #tpu.memory_space<vmem>> -> memref<40xi32, #tpu.memory_space<vmem>>
    %dma_start3A_24 = arith.constant 0 : i32
    %dma_start3A_25 = arith.constant 0 : i32
    %dma_start3A_26 = tpu.memref_slice %arg4[%dma_start3A_24, %dma_start3A_25] : memref<10000x128xf32, #tpu.memory_space<hbm>> -> memref<10000x128xf32, #tpu.memory_space<hbm>>
    tpu.enqueue_indirect_dma source(%dma_start3A_26 : memref<10000x128xf32, #tpu.memory_space<hbm>>) target(%arg12 : memref<40x128xf32, #tpu.memory_space<vmem>>) offsets(%dma_start3A_23 : memref<40xi32, #tpu.memory_space<vmem>>) semaphore(%arg20 : memref<!tpu.dma_semaphore, #tpu.memory_space<semaphore_mem>>)
    %dma_start3A_27 = tpu.memref_slice %arg9[%multiple_of3A_22] : memref<5000xi32, #tpu.memory_space<vmem>> -> memref<40xi32, #tpu.memory_space<vmem>>
    %dma_start3A_28 = arith.constant 0 : i32
    %dma_start3A_29 = arith.constant 0 : i32
    %dma_start3A_30 = tpu.memref_slice %arg5[%dma_start3A_28, %dma_start3A_29] : memref<10000x128xf32, #tpu.memory_space<hbm>> -> memref<10000x128xf32, #tpu.memory_space<hbm>>
    tpu.enqueue_indirect_dma source(%dma_start3A_30 : memref<10000x128xf32, #tpu.memory_space<hbm>>) target(%arg16 : memref<40x128xf32, #tpu.memory_space<vmem>>) offsets(%dma_start3A_27 : memref<40xi32, #tpu.memory_space<vmem>>) semaphore(%arg20 : memref<!tpu.dma_semaphore, #tpu.memory_space<semaphore_mem>>)
    %multiple_of3A_31 = arith.constant 120 : i32
    %multiple_of3A_32 = tpu.assume_multiple %multiple_of3A_31, 8 : i32
    %dma_start3A_33 = tpu.memref_slice %arg8[%multiple_of3A_32] : memref<5000xi32, #tpu.memory_space<vmem>> -> memref<40xi32, #tpu.memory_space<vmem>>
    %dma_start3A_34 = arith.constant 0 : i32
    %dma_start3A_35 = arith.constant 0 : i32
    %dma_start3A_36 = tpu.memref_slice %arg4[%dma_start3A_34, %dma_start3A_35] : memref<10000x128xf32, #tpu.memory_space<hbm>> -> memref<10000x128xf32, #tpu.memory_space<hbm>>
    tpu.enqueue_indirect_dma source(%dma_start3A_36 : memref<10000x128xf32, #tpu.memory_space<hbm>>) target(%arg13 : memref<40x128xf32, #tpu.memory_space<vmem>>) offsets(%dma_start3A_33 : memref<40xi32, #tpu.memory_space<vmem>>) semaphore(%arg21 : memref<!tpu.dma_semaphore, #tpu.memory_space<semaphore_mem>>)
    %dma_start3A_37 = tpu.memref_slice %arg9[%multiple_of3A_32] : memref<5000xi32, #tpu.memory_space<vmem>> -> memref<40xi32, #tpu.memory_space<vmem>>
    %dma_start3A_38 = arith.constant 0 : i32
    %dma_start3A_39 = arith.constant 0 : i32
    %dma_start3A_40 = tpu.memref_slice %arg5[%dma_start3A_38, %dma_start3A_39] : memref<10000x128xf32, #tpu.memory_space<hbm>> -> memref<10000x128xf32, #tpu.memory_space<hbm>>
    tpu.enqueue_indirect_dma source(%dma_start3A_40 : memref<10000x128xf32, #tpu.memory_space<hbm>>) target(%arg17 : memref<40x128xf32, #tpu.memory_space<vmem>>) offsets(%dma_start3A_37 : memref<40xi32, #tpu.memory_space<vmem>>) semaphore(%arg21 : memref<!tpu.dma_semaphore, #tpu.memory_space<semaphore_mem>>)
    %scan3A = arith.constant 0 : i32
    %scan3A_41 = arith.constant 0 : i32
    %scan3A_42 = arith.constant 31 : i32
    %scan3A_43 = arith.addi %scan3A_41, %scan3A_42 : i32
    %scan3A_44 = arith.constant 1 : i32
    scf.for %scan3A_90 = %scan3A_41 to %scan3A_43 step %scan3A_44  : i32 {
      %mul3A_91 = arith.constant 4 : i32
      %mul3A_92 = arith.muli %scan3A_90, %mul3A_91 : i32
      %dma_wait3A_93 = arith.constant 0 : i32
      %dma_wait3A_94 = arith.constant 0 : i32
      %dma_wait3A_95 = tpu.memref_slice %arg4[%dma_wait3A_93, %dma_wait3A_94] : memref<10000x128xf32, #tpu.memory_space<hbm>> -> memref<40x128xf32, #tpu.memory_space<hbm>>
      %dma_wait3A_96 = arith.constant 0 : i32
      %dma_wait3A_97 = arith.constant 0 : i32
      %dma_wait3A_98 = tpu.memref_slice %arg4[%dma_wait3A_96, %dma_wait3A_97] : memref<10000x128xf32, #tpu.memory_space<hbm>> -> memref<40x128xf32, #tpu.memory_space<hbm>>
      tpu.wait_dma2 semaphore(%arg18 : memref<!tpu.dma_semaphore, #tpu.memory_space<semaphore_mem>>) src(%dma_wait3A_98 : memref<40x128xf32, #tpu.memory_space<hbm>>) dst(%arg10 : memref<40x128xf32, #tpu.memory_space<vmem>>)
      %dma_wait3A_99 = arith.constant 0 : i32
      %dma_wait3A_100 = arith.constant 0 : i32
      %dma_wait3A_101 = tpu.memref_slice %arg5[%dma_wait3A_99, %dma_wait3A_100] : memref<10000x128xf32, #tpu.memory_space<hbm>> -> memref<40x128xf32, #tpu.memory_space<hbm>>
      %dma_wait3A_102 = arith.constant 0 : i32
      %dma_wait3A_103 = arith.constant 0 : i32
      %dma_wait3A_104 = tpu.memref_slice %arg5[%dma_wait3A_102, %dma_wait3A_103] : memref<10000x128xf32, #tpu.memory_space<hbm>> -> memref<40x128xf32, #tpu.memory_space<hbm>>
      tpu.wait_dma2 semaphore(%arg18 : memref<!tpu.dma_semaphore, #tpu.memory_space<semaphore_mem>>) src(%dma_wait3A_104 : memref<40x128xf32, #tpu.memory_space<hbm>>) dst(%arg14 : memref<40x128xf32, #tpu.memory_space<vmem>>)
      %add3A_105 = arith.constant 0 : i32
      %add3A_106 = arith.addi %mul3A_92, %add3A_105 : i32
      %mul3A_107 = arith.constant 40 : i32
      %mul3A_108 = arith.muli %add3A_106, %mul3A_107 : i32
      %multiple_of3A_109 = tpu.assume_multiple %mul3A_108, 8 : i32
      %add3A_110 = arith.addi %mul3A_2, %multiple_of3A_109 : i32
      %dma_start3A_111 = arith.constant 0 : i32
      %dma_start3A_112 = tpu.memref_slice %arg6[%add3A_110, %dma_start3A_111] : memref<160000x128xf32, #tpu.memory_space<hbm>> -> memref<40x128xf32, #tpu.memory_space<hbm>>
      %dma_start3A_113 = arith.constant 0 : i32
      %dma_start3A_114 = tpu.memref_slice %arg6[%add3A_110, %dma_start3A_113] : memref<160000x128xf32, #tpu.memory_space<hbm>> -> memref<40x128xf32, #tpu.memory_space<hbm>>
      tpu.enqueue_dma source(%arg10 : memref<40x128xf32, #tpu.memory_space<vmem>>) target(%dma_start3A_114 : memref<40x128xf32, #tpu.memory_space<hbm>>) target_semaphore(%arg22 : memref<!tpu.dma_semaphore, #tpu.memory_space<semaphore_mem>>)
      %dma_start3A_115 = arith.constant 0 : i32
      %dma_start3A_116 = tpu.memref_slice %arg7[%add3A_110, %dma_start3A_115] : memref<160000x128xf32, #tpu.memory_space<hbm>> -> memref<40x128xf32, #tpu.memory_space<hbm>>
      %dma_start3A_117 = arith.constant 0 : i32
      %dma_start3A_118 = tpu.memref_slice %arg7[%add3A_110, %dma_start3A_117] : memref<160000x128xf32, #tpu.memory_space<hbm>> -> memref<40x128xf32, #tpu.memory_space<hbm>>
      tpu.enqueue_dma source(%arg14 : memref<40x128xf32, #tpu.memory_space<vmem>>) target(%dma_start3A_118 : memref<40x128xf32, #tpu.memory_space<hbm>>) target_semaphore(%arg22 : memref<!tpu.dma_semaphore, #tpu.memory_space<semaphore_mem>>)
      %dma_wait3A_119 = arith.constant 0 : i32
      %dma_wait3A_120 = arith.constant 0 : i32
      %dma_wait3A_121 = tpu.memref_slice %arg4[%dma_wait3A_119, %dma_wait3A_120] : memref<10000x128xf32, #tpu.memory_space<hbm>> -> memref<40x128xf32, #tpu.memory_space<hbm>>
      %dma_wait3A_122 = arith.constant 0 : i32
      %dma_wait3A_123 = arith.constant 0 : i32
      %dma_wait3A_124 = tpu.memref_slice %arg4[%dma_wait3A_122, %dma_wait3A_123] : memref<10000x128xf32, #tpu.memory_space<hbm>> -> memref<40x128xf32, #tpu.memory_space<hbm>>
      tpu.wait_dma2 semaphore(%arg19 : memref<!tpu.dma_semaphore, #tpu.memory_space<semaphore_mem>>) src(%dma_wait3A_124 : memref<40x128xf32, #tpu.memory_space<hbm>>) dst(%arg11 : memref<40x128xf32, #tpu.memory_space<vmem>>)
      %dma_wait3A_125 = arith.constant 0 : i32
      %dma_wait3A_126 = arith.constant 0 : i32
      %dma_wait3A_127 = tpu.memref_slice %arg5[%dma_wait3A_125, %dma_wait3A_126] : memref<10000x128xf32, #tpu.memory_space<hbm>> -> memref<40x128xf32, #tpu.memory_space<hbm>>
      %dma_wait3A_128 = arith.constant 0 : i32
      %dma_wait3A_129 = arith.constant 0 : i32
      %dma_wait3A_130 = tpu.memref_slice %arg5[%dma_wait3A_128, %dma_wait3A_129] : memref<10000x128xf32, #tpu.memory_space<hbm>> -> memref<40x128xf32, #tpu.memory_space<hbm>>
      tpu.wait_dma2 semaphore(%arg19 : memref<!tpu.dma_semaphore, #tpu.memory_space<semaphore_mem>>) src(%dma_wait3A_130 : memref<40x128xf32, #tpu.memory_space<hbm>>) dst(%arg15 : memref<40x128xf32, #tpu.memory_space<vmem>>)
      %add3A_131 = arith.constant 1 : i32
      %add3A_132 = arith.addi %mul3A_92, %add3A_131 : i32
      %mul3A_133 = arith.constant 40 : i32
      %mul3A_134 = arith.muli %add3A_132, %mul3A_133 : i32
      %multiple_of3A_135 = tpu.assume_multiple %mul3A_134, 8 : i32
      %add3A_136 = arith.addi %mul3A_2, %multiple_of3A_135 : i32
      %dma_start3A_137 = arith.constant 0 : i32
      %dma_start3A_138 = tpu.memref_slice %arg6[%add3A_136, %dma_start3A_137] : memref<160000x128xf32, #tpu.memory_space<hbm>> -> memref<40x128xf32, #tpu.memory_space<hbm>>
      %dma_start3A_139 = arith.constant 0 : i32
      %dma_start3A_140 = tpu.memref_slice %arg6[%add3A_136, %dma_start3A_139] : memref<160000x128xf32, #tpu.memory_space<hbm>> -> memref<40x128xf32, #tpu.memory_space<hbm>>
      tpu.enqueue_dma source(%arg11 : memref<40x128xf32, #tpu.memory_space<vmem>>) target(%dma_start3A_140 : memref<40x128xf32, #tpu.memory_space<hbm>>) target_semaphore(%arg23 : memref<!tpu.dma_semaphore, #tpu.memory_space<semaphore_mem>>)
      %dma_start3A_141 = arith.constant 0 : i32
      %dma_start3A_142 = tpu.memref_slice %arg7[%add3A_136, %dma_start3A_141] : memref<160000x128xf32, #tpu.memory_space<hbm>> -> memref<40x128xf32, #tpu.memory_space<hbm>>
      %dma_start3A_143 = arith.constant 0 : i32
      %dma_start3A_144 = tpu.memref_slice %arg7[%add3A_136, %dma_start3A_143] : memref<160000x128xf32, #tpu.memory_space<hbm>> -> memref<40x128xf32, #tpu.memory_space<hbm>>
      tpu.enqueue_dma source(%arg15 : memref<40x128xf32, #tpu.memory_space<vmem>>) target(%dma_start3A_144 : memref<40x128xf32, #tpu.memory_space<hbm>>) target_semaphore(%arg23 : memref<!tpu.dma_semaphore, #tpu.memory_space<semaphore_mem>>)
      %dma_wait3A_145 = arith.constant 0 : i32
      %dma_wait3A_146 = arith.constant 0 : i32
      %dma_wait3A_147 = tpu.memref_slice %arg4[%dma_wait3A_145, %dma_wait3A_146] : memref<10000x128xf32, #tpu.memory_space<hbm>> -> memref<40x128xf32, #tpu.memory_space<hbm>>
      %dma_wait3A_148 = arith.constant 0 : i32
      %dma_wait3A_149 = arith.constant 0 : i32
      %dma_wait3A_150 = tpu.memref_slice %arg4[%dma_wait3A_148, %dma_wait3A_149] : memref<10000x128xf32, #tpu.memory_space<hbm>> -> memref<40x128xf32, #tpu.memory_space<hbm>>
      tpu.wait_dma2 semaphore(%arg20 : memref<!tpu.dma_semaphore, #tpu.memory_space<semaphore_mem>>) src(%dma_wait3A_150 : memref<40x128xf32, #tpu.memory_space<hbm>>) dst(%arg12 : memref<40x128xf32, #tpu.memory_space<vmem>>)
      %dma_wait3A_151 = arith.constant 0 : i32
      %dma_wait3A_152 = arith.constant 0 : i32
      %dma_wait3A_153 = tpu.memref_slice %arg5[%dma_wait3A_151, %dma_wait3A_152] : memref<10000x128xf32, #tpu.memory_space<hbm>> -> memref<40x128xf32, #tpu.memory_space<hbm>>
      %dma_wait3A_154 = arith.constant 0 : i32
      %dma_wait3A_155 = arith.constant 0 : i32
      %dma_wait3A_156 = tpu.memref_slice %arg5[%dma_wait3A_154, %dma_wait3A_155] : memref<10000x128xf32, #tpu.memory_space<hbm>> -> memref<40x128xf32, #tpu.memory_space<hbm>>
      tpu.wait_dma2 semaphore(%arg20 : memref<!tpu.dma_semaphore, #tpu.memory_space<semaphore_mem>>) src(%dma_wait3A_156 : memref<40x128xf32, #tpu.memory_space<hbm>>) dst(%arg16 : memref<40x128xf32, #tpu.memory_space<vmem>>)
      %add3A_157 = arith.constant 2 : i32
      %add3A_158 = arith.addi %mul3A_92, %add3A_157 : i32
      %mul3A_159 = arith.constant 40 : i32
      %mul3A_160 = arith.muli %add3A_158, %mul3A_159 : i32
      %multiple_of3A_161 = tpu.assume_multiple %mul3A_160, 8 : i32
      %add3A_162 = arith.addi %mul3A_2, %multiple_of3A_161 : i32
      %dma_start3A_163 = arith.constant 0 : i32
      %dma_start3A_164 = tpu.memref_slice %arg6[%add3A_162, %dma_start3A_163] : memref<160000x128xf32, #tpu.memory_space<hbm>> -> memref<40x128xf32, #tpu.memory_space<hbm>>
      %dma_start3A_165 = arith.constant 0 : i32
      %dma_start3A_166 = tpu.memref_slice %arg6[%add3A_162, %dma_start3A_165] : memref<160000x128xf32, #tpu.memory_space<hbm>> -> memref<40x128xf32, #tpu.memory_space<hbm>>
      tpu.enqueue_dma source(%arg12 : memref<40x128xf32, #tpu.memory_space<vmem>>) target(%dma_start3A_166 : memref<40x128xf32, #tpu.memory_space<hbm>>) target_semaphore(%arg24 : memref<!tpu.dma_semaphore, #tpu.memory_space<semaphore_mem>>)
      %dma_start3A_167 = arith.constant 0 : i32
      %dma_start3A_168 = tpu.memref_slice %arg7[%add3A_162, %dma_start3A_167] : memref<160000x128xf32, #tpu.memory_space<hbm>> -> memref<40x128xf32, #tpu.memory_space<hbm>>
      %dma_start3A_169 = arith.constant 0 : i32
      %dma_start3A_170 = tpu.memref_slice %arg7[%add3A_162, %dma_start3A_169] : memref<160000x128xf32, #tpu.memory_space<hbm>> -> memref<40x128xf32, #tpu.memory_space<hbm>>
      tpu.enqueue_dma source(%arg16 : memref<40x128xf32, #tpu.memory_space<vmem>>) target(%dma_start3A_170 : memref<40x128xf32, #tpu.memory_space<hbm>>) target_semaphore(%arg24 : memref<!tpu.dma_semaphore, #tpu.memory_space<semaphore_mem>>)
      %dma_wait3A_171 = arith.constant 0 : i32
      %dma_wait3A_172 = arith.constant 0 : i32
      %dma_wait3A_173 = tpu.memref_slice %arg4[%dma_wait3A_171, %dma_wait3A_172] : memref<10000x128xf32, #tpu.memory_space<hbm>> -> memref<40x128xf32, #tpu.memory_space<hbm>>
      %dma_wait3A_174 = arith.constant 0 : i32
      %dma_wait3A_175 = arith.constant 0 : i32
      %dma_wait3A_176 = tpu.memref_slice %arg4[%dma_wait3A_174, %dma_wait3A_175] : memref<10000x128xf32, #tpu.memory_space<hbm>> -> memref<40x128xf32, #tpu.memory_space<hbm>>
      tpu.wait_dma2 semaphore(%arg21 : memref<!tpu.dma_semaphore, #tpu.memory_space<semaphore_mem>>) src(%dma_wait3A_176 : memref<40x128xf32, #tpu.memory_space<hbm>>) dst(%arg13 : memref<40x128xf32, #tpu.memory_space<vmem>>)
      %dma_wait3A_177 = arith.constant 0 : i32
      %dma_wait3A_178 = arith.constant 0 : i32
      %dma_wait3A_179 = tpu.memref_slice %arg5[%dma_wait3A_177, %dma_wait3A_178] : memref<10000x128xf32, #tpu.memory_space<hbm>> -> memref<40x128xf32, #tpu.memory_space<hbm>>
      %dma_wait3A_180 = arith.constant 0 : i32
      %dma_wait3A_181 = arith.constant 0 : i32
      %dma_wait3A_182 = tpu.memref_slice %arg5[%dma_wait3A_180, %dma_wait3A_181] : memref<10000x128xf32, #tpu.memory_space<hbm>> -> memref<40x128xf32, #tpu.memory_space<hbm>>
      tpu.wait_dma2 semaphore(%arg21 : memref<!tpu.dma_semaphore, #tpu.memory_space<semaphore_mem>>) src(%dma_wait3A_182 : memref<40x128xf32, #tpu.memory_space<hbm>>) dst(%arg17 : memref<40x128xf32, #tpu.memory_space<vmem>>)
      %add3A_183 = arith.constant 3 : i32
      %add3A_184 = arith.addi %mul3A_92, %add3A_183 : i32
      %mul3A_185 = arith.constant 40 : i32
      %mul3A_186 = arith.muli %add3A_184, %mul3A_185 : i32
      %multiple_of3A_187 = tpu.assume_multiple %mul3A_186, 8 : i32
      %add3A_188 = arith.addi %mul3A_2, %multiple_of3A_187 : i32
      %dma_start3A_189 = arith.constant 0 : i32
      %dma_start3A_190 = tpu.memref_slice %arg6[%add3A_188, %dma_start3A_189] : memref<160000x128xf32, #tpu.memory_space<hbm>> -> memref<40x128xf32, #tpu.memory_space<hbm>>
      %dma_start3A_191 = arith.constant 0 : i32
      %dma_start3A_192 = tpu.memref_slice %arg6[%add3A_188, %dma_start3A_191] : memref<160000x128xf32, #tpu.memory_space<hbm>> -> memref<40x128xf32, #tpu.memory_space<hbm>>
      tpu.enqueue_dma source(%arg13 : memref<40x128xf32, #tpu.memory_space<vmem>>) target(%dma_start3A_192 : memref<40x128xf32, #tpu.memory_space<hbm>>) target_semaphore(%arg25 : memref<!tpu.dma_semaphore, #tpu.memory_space<semaphore_mem>>)
      %dma_start3A_193 = arith.constant 0 : i32
      %dma_start3A_194 = tpu.memref_slice %arg7[%add3A_188, %dma_start3A_193] : memref<160000x128xf32, #tpu.memory_space<hbm>> -> memref<40x128xf32, #tpu.memory_space<hbm>>
      %dma_start3A_195 = arith.constant 0 : i32
      %dma_start3A_196 = tpu.memref_slice %arg7[%add3A_188, %dma_start3A_195] : memref<160000x128xf32, #tpu.memory_space<hbm>> -> memref<40x128xf32, #tpu.memory_space<hbm>>
      tpu.enqueue_dma source(%arg17 : memref<40x128xf32, #tpu.memory_space<vmem>>) target(%dma_start3A_196 : memref<40x128xf32, #tpu.memory_space<hbm>>) target_semaphore(%arg25 : memref<!tpu.dma_semaphore, #tpu.memory_space<semaphore_mem>>)
      %dma_wait3A_197 = arith.constant 0 : i32
      %dma_wait3A_198 = arith.constant 0 : i32
      %dma_wait3A_199 = tpu.memref_slice %arg6[%dma_wait3A_197, %dma_wait3A_198] : memref<160000x128xf32, #tpu.memory_space<hbm>> -> memref<40x128xf32, #tpu.memory_space<hbm>>
      %dma_wait3A_200 = arith.constant 0 : i32
      %dma_wait3A_201 = arith.constant 0 : i32
      %dma_wait3A_202 = tpu.memref_slice %arg6[%dma_wait3A_200, %dma_wait3A_201] : memref<160000x128xf32, #tpu.memory_space<hbm>> -> memref<40x128xf32, #tpu.memory_space<hbm>>
      tpu.wait_dma2 semaphore(%arg22 : memref<!tpu.dma_semaphore, #tpu.memory_space<semaphore_mem>>) src(%arg10 : memref<40x128xf32, #tpu.memory_space<vmem>>) dst(%dma_wait3A_202 : memref<40x128xf32, #tpu.memory_space<hbm>>)
      %dma_wait3A_203 = arith.constant 0 : i32
      %dma_wait3A_204 = arith.constant 0 : i32
      %dma_wait3A_205 = tpu.memref_slice %arg7[%dma_wait3A_203, %dma_wait3A_204] : memref<160000x128xf32, #tpu.memory_space<hbm>> -> memref<40x128xf32, #tpu.memory_space<hbm>>
      %dma_wait3A_206 = arith.constant 0 : i32
      %dma_wait3A_207 = arith.constant 0 : i32
      %dma_wait3A_208 = tpu.memref_slice %arg7[%dma_wait3A_206, %dma_wait3A_207] : memref<160000x128xf32, #tpu.memory_space<hbm>> -> memref<40x128xf32, #tpu.memory_space<hbm>>
      tpu.wait_dma2 semaphore(%arg22 : memref<!tpu.dma_semaphore, #tpu.memory_space<semaphore_mem>>) src(%arg14 : memref<40x128xf32, #tpu.memory_space<vmem>>) dst(%dma_wait3A_208 : memref<40x128xf32, #tpu.memory_space<hbm>>)
      %add3A_209 = arith.constant 4 : i32
      %add3A_210 = arith.addi %mul3A_92, %add3A_209 : i32
      %add3A_211 = arith.constant 0 : i32
      %add3A_212 = arith.addi %add3A_210, %add3A_211 : i32
      %lt3A = arith.constant 124 : i32
      %lt3A_213 = arith.cmpi slt, %add3A_212, %lt3A : i32
      %add3A_214 = arith.constant 4 : i32
      %add3A_215 = arith.addi %mul3A_92, %add3A_214 : i32
      %add3A_216 = arith.constant 0 : i32
      %add3A_217 = arith.addi %add3A_215, %add3A_216 : i32
      %convert_element_type3A = arith.extui %lt3A_213 : i1 to i32
      %cond3A = arith.constant 0 : i32
      %cond3A_218 = arith.cmpi ne, %convert_element_type3A, %cond3A : i32
      scf.if %cond3A_218 {
        %mul3A_294 = arith.constant 40 : i32
        %mul3A_295 = arith.muli %add3A_217, %mul3A_294 : i32
        %multiple_of3A_296 = tpu.assume_multiple %mul3A_295, 8 : i32
        %dma_start3A_297 = tpu.memref_slice %arg8[%multiple_of3A_296] : memref<5000xi32, #tpu.memory_space<vmem>> -> memref<40xi32, #tpu.memory_space<vmem>>
        %dma_start3A_298 = arith.constant 0 : i32
        %dma_start3A_299 = arith.constant 0 : i32
        %dma_start3A_300 = tpu.memref_slice %arg4[%dma_start3A_298, %dma_start3A_299] : memref<10000x128xf32, #tpu.memory_space<hbm>> -> memref<10000x128xf32, #tpu.memory_space<hbm>>
        tpu.enqueue_indirect_dma source(%dma_start3A_300 : memref<10000x128xf32, #tpu.memory_space<hbm>>) target(%arg10 : memref<40x128xf32, #tpu.memory_space<vmem>>) offsets(%dma_start3A_297 : memref<40xi32, #tpu.memory_space<vmem>>) semaphore(%arg18 : memref<!tpu.dma_semaphore, #tpu.memory_space<semaphore_mem>>)
        %dma_start3A_301 = tpu.memref_slice %arg9[%multiple_of3A_296] : memref<5000xi32, #tpu.memory_space<vmem>> -> memref<40xi32, #tpu.memory_space<vmem>>
        %dma_start3A_302 = arith.constant 0 : i32
        %dma_start3A_303 = arith.constant 0 : i32
        %dma_start3A_304 = tpu.memref_slice %arg5[%dma_start3A_302, %dma_start3A_303] : memref<10000x128xf32, #tpu.memory_space<hbm>> -> memref<10000x128xf32, #tpu.memory_space<hbm>>
        tpu.enqueue_indirect_dma source(%dma_start3A_304 : memref<10000x128xf32, #tpu.memory_space<hbm>>) target(%arg14 : memref<40x128xf32, #tpu.memory_space<vmem>>) offsets(%dma_start3A_301 : memref<40xi32, #tpu.memory_space<vmem>>) semaphore(%arg18 : memref<!tpu.dma_semaphore, #tpu.memory_space<semaphore_mem>>)
      } else {
      }
      %dma_wait3A_219 = arith.constant 0 : i32
      %dma_wait3A_220 = arith.constant 0 : i32
      %dma_wait3A_221 = tpu.memref_slice %arg6[%dma_wait3A_219, %dma_wait3A_220] : memref<160000x128xf32, #tpu.memory_space<hbm>> -> memref<40x128xf32, #tpu.memory_space<hbm>>
      %dma_wait3A_222 = arith.constant 0 : i32
      %dma_wait3A_223 = arith.constant 0 : i32
      %dma_wait3A_224 = tpu.memref_slice %arg6[%dma_wait3A_222, %dma_wait3A_223] : memref<160000x128xf32, #tpu.memory_space<hbm>> -> memref<40x128xf32, #tpu.memory_space<hbm>>
      tpu.wait_dma2 semaphore(%arg23 : memref<!tpu.dma_semaphore, #tpu.memory_space<semaphore_mem>>) src(%arg11 : memref<40x128xf32, #tpu.memory_space<vmem>>) dst(%dma_wait3A_224 : memref<40x128xf32, #tpu.memory_space<hbm>>)
      %dma_wait3A_225 = arith.constant 0 : i32
      %dma_wait3A_226 = arith.constant 0 : i32
      %dma_wait3A_227 = tpu.memref_slice %arg7[%dma_wait3A_225, %dma_wait3A_226] : memref<160000x128xf32, #tpu.memory_space<hbm>> -> memref<40x128xf32, #tpu.memory_space<hbm>>
      %dma_wait3A_228 = arith.constant 0 : i32
      %dma_wait3A_229 = arith.constant 0 : i32
      %dma_wait3A_230 = tpu.memref_slice %arg7[%dma_wait3A_228, %dma_wait3A_229] : memref<160000x128xf32, #tpu.memory_space<hbm>> -> memref<40x128xf32, #tpu.memory_space<hbm>>
      tpu.wait_dma2 semaphore(%arg23 : memref<!tpu.dma_semaphore, #tpu.memory_space<semaphore_mem>>) src(%arg15 : memref<40x128xf32, #tpu.memory_space<vmem>>) dst(%dma_wait3A_230 : memref<40x128xf32, #tpu.memory_space<hbm>>)
      %add3A_231 = arith.constant 4 : i32
      %add3A_232 = arith.addi %mul3A_92, %add3A_231 : i32
      %add3A_233 = arith.constant 1 : i32
      %add3A_234 = arith.addi %add3A_232, %add3A_233 : i32
      %lt3A_235 = arith.constant 124 : i32
      %lt3A_236 = arith.cmpi slt, %add3A_234, %lt3A_235 : i32
      %add3A_237 = arith.constant 4 : i32
      %add3A_238 = arith.addi %mul3A_92, %add3A_237 : i32
      %add3A_239 = arith.constant 1 : i32
      %add3A_240 = arith.addi %add3A_238, %add3A_239 : i32
      %convert_element_type3A_241 = arith.extui %lt3A_236 : i1 to i32
      %cond3A_242 = arith.constant 0 : i32
      %cond3A_243 = arith.cmpi ne, %convert_element_type3A_241, %cond3A_242 : i32
      scf.if %cond3A_243 {
        %mul3A_294 = arith.constant 40 : i32
        %mul3A_295 = arith.muli %add3A_240, %mul3A_294 : i32
        %multiple_of3A_296 = tpu.assume_multiple %mul3A_295, 8 : i32
        %dma_start3A_297 = tpu.memref_slice %arg8[%multiple_of3A_296] : memref<5000xi32, #tpu.memory_space<vmem>> -> memref<40xi32, #tpu.memory_space<vmem>>
        %dma_start3A_298 = arith.constant 0 : i32
        %dma_start3A_299 = arith.constant 0 : i32
        %dma_start3A_300 = tpu.memref_slice %arg4[%dma_start3A_298, %dma_start3A_299] : memref<10000x128xf32, #tpu.memory_space<hbm>> -> memref<10000x128xf32, #tpu.memory_space<hbm>>
        tpu.enqueue_indirect_dma source(%dma_start3A_300 : memref<10000x128xf32, #tpu.memory_space<hbm>>) target(%arg11 : memref<40x128xf32, #tpu.memory_space<vmem>>) offsets(%dma_start3A_297 : memref<40xi32, #tpu.memory_space<vmem>>) semaphore(%arg19 : memref<!tpu.dma_semaphore, #tpu.memory_space<semaphore_mem>>)
        %dma_start3A_301 = tpu.memref_slice %arg9[%multiple_of3A_296] : memref<5000xi32, #tpu.memory_space<vmem>> -> memref<40xi32, #tpu.memory_space<vmem>>
        %dma_start3A_302 = arith.constant 0 : i32
        %dma_start3A_303 = arith.constant 0 : i32
        %dma_start3A_304 = tpu.memref_slice %arg5[%dma_start3A_302, %dma_start3A_303] : memref<10000x128xf32, #tpu.memory_space<hbm>> -> memref<10000x128xf32, #tpu.memory_space<hbm>>
        tpu.enqueue_indirect_dma source(%dma_start3A_304 : memref<10000x128xf32, #tpu.memory_space<hbm>>) target(%arg15 : memref<40x128xf32, #tpu.memory_space<vmem>>) offsets(%dma_start3A_301 : memref<40xi32, #tpu.memory_space<vmem>>) semaphore(%arg19 : memref<!tpu.dma_semaphore, #tpu.memory_space<semaphore_mem>>)
      } else {
      }
      %dma_wait3A_244 = arith.constant 0 : i32
      %dma_wait3A_245 = arith.constant 0 : i32
      %dma_wait3A_246 = tpu.memref_slice %arg6[%dma_wait3A_244, %dma_wait3A_245] : memref<160000x128xf32, #tpu.memory_space<hbm>> -> memref<40x128xf32, #tpu.memory_space<hbm>>
      %dma_wait3A_247 = arith.constant 0 : i32
      %dma_wait3A_248 = arith.constant 0 : i32
      %dma_wait3A_249 = tpu.memref_slice %arg6[%dma_wait3A_247, %dma_wait3A_248] : memref<160000x128xf32, #tpu.memory_space<hbm>> -> memref<40x128xf32, #tpu.memory_space<hbm>>
      tpu.wait_dma2 semaphore(%arg24 : memref<!tpu.dma_semaphore, #tpu.memory_space<semaphore_mem>>) src(%arg12 : memref<40x128xf32, #tpu.memory_space<vmem>>) dst(%dma_wait3A_249 : memref<40x128xf32, #tpu.memory_space<hbm>>)
      %dma_wait3A_250 = arith.constant 0 : i32
      %dma_wait3A_251 = arith.constant 0 : i32
      %dma_wait3A_252 = tpu.memref_slice %arg7[%dma_wait3A_250, %dma_wait3A_251] : memref<160000x128xf32, #tpu.memory_space<hbm>> -> memref<40x128xf32, #tpu.memory_space<hbm>>
      %dma_wait3A_253 = arith.constant 0 : i32
      %dma_wait3A_254 = arith.constant 0 : i32
      %dma_wait3A_255 = tpu.memref_slice %arg7[%dma_wait3A_253, %dma_wait3A_254] : memref<160000x128xf32, #tpu.memory_space<hbm>> -> memref<40x128xf32, #tpu.memory_space<hbm>>
      tpu.wait_dma2 semaphore(%arg24 : memref<!tpu.dma_semaphore, #tpu.memory_space<semaphore_mem>>) src(%arg16 : memref<40x128xf32, #tpu.memory_space<vmem>>) dst(%dma_wait3A_255 : memref<40x128xf32, #tpu.memory_space<hbm>>)
      %add3A_256 = arith.constant 4 : i32
      %add3A_257 = arith.addi %mul3A_92, %add3A_256 : i32
      %add3A_258 = arith.constant 2 : i32
      %add3A_259 = arith.addi %add3A_257, %add3A_258 : i32
      %lt3A_260 = arith.constant 124 : i32
      %lt3A_261 = arith.cmpi slt, %add3A_259, %lt3A_260 : i32
      %add3A_262 = arith.constant 4 : i32
      %add3A_263 = arith.addi %mul3A_92, %add3A_262 : i32
      %add3A_264 = arith.constant 2 : i32
      %add3A_265 = arith.addi %add3A_263, %add3A_264 : i32
      %convert_element_type3A_266 = arith.extui %lt3A_261 : i1 to i32
      %cond3A_267 = arith.constant 0 : i32
      %cond3A_268 = arith.cmpi ne, %convert_element_type3A_266, %cond3A_267 : i32
      scf.if %cond3A_268 {
        %mul3A_294 = arith.constant 40 : i32
        %mul3A_295 = arith.muli %add3A_265, %mul3A_294 : i32
        %multiple_of3A_296 = tpu.assume_multiple %mul3A_295, 8 : i32
        %dma_start3A_297 = tpu.memref_slice %arg8[%multiple_of3A_296] : memref<5000xi32, #tpu.memory_space<vmem>> -> memref<40xi32, #tpu.memory_space<vmem>>
        %dma_start3A_298 = arith.constant 0 : i32
        %dma_start3A_299 = arith.constant 0 : i32
        %dma_start3A_300 = tpu.memref_slice %arg4[%dma_start3A_298, %dma_start3A_299] : memref<10000x128xf32, #tpu.memory_space<hbm>> -> memref<10000x128xf32, #tpu.memory_space<hbm>>
        tpu.enqueue_indirect_dma source(%dma_start3A_300 : memref<10000x128xf32, #tpu.memory_space<hbm>>) target(%arg12 : memref<40x128xf32, #tpu.memory_space<vmem>>) offsets(%dma_start3A_297 : memref<40xi32, #tpu.memory_space<vmem>>) semaphore(%arg20 : memref<!tpu.dma_semaphore, #tpu.memory_space<semaphore_mem>>)
        %dma_start3A_301 = tpu.memref_slice %arg9[%multiple_of3A_296] : memref<5000xi32, #tpu.memory_space<vmem>> -> memref<40xi32, #tpu.memory_space<vmem>>
        %dma_start3A_302 = arith.constant 0 : i32
        %dma_start3A_303 = arith.constant 0 : i32
        %dma_start3A_304 = tpu.memref_slice %arg5[%dma_start3A_302, %dma_start3A_303] : memref<10000x128xf32, #tpu.memory_space<hbm>> -> memref<10000x128xf32, #tpu.memory_space<hbm>>
        tpu.enqueue_indirect_dma source(%dma_start3A_304 : memref<10000x128xf32, #tpu.memory_space<hbm>>) target(%arg16 : memref<40x128xf32, #tpu.memory_space<vmem>>) offsets(%dma_start3A_301 : memref<40xi32, #tpu.memory_space<vmem>>) semaphore(%arg20 : memref<!tpu.dma_semaphore, #tpu.memory_space<semaphore_mem>>)
      } else {
      }
      %dma_wait3A_269 = arith.constant 0 : i32
      %dma_wait3A_270 = arith.constant 0 : i32
      %dma_wait3A_271 = tpu.memref_slice %arg6[%dma_wait3A_269, %dma_wait3A_270] : memref<160000x128xf32, #tpu.memory_space<hbm>> -> memref<40x128xf32, #tpu.memory_space<hbm>>
      %dma_wait3A_272 = arith.constant 0 : i32
      %dma_wait3A_273 = arith.constant 0 : i32
      %dma_wait3A_274 = tpu.memref_slice %arg6[%dma_wait3A_272, %dma_wait3A_273] : memref<160000x128xf32, #tpu.memory_space<hbm>> -> memref<40x128xf32, #tpu.memory_space<hbm>>
      tpu.wait_dma2 semaphore(%arg25 : memref<!tpu.dma_semaphore, #tpu.memory_space<semaphore_mem>>) src(%arg13 : memref<40x128xf32, #tpu.memory_space<vmem>>) dst(%dma_wait3A_274 : memref<40x128xf32, #tpu.memory_space<hbm>>)
      %dma_wait3A_275 = arith.constant 0 : i32
      %dma_wait3A_276 = arith.constant 0 : i32
      %dma_wait3A_277 = tpu.memref_slice %arg7[%dma_wait3A_275, %dma_wait3A_276] : memref<160000x128xf32, #tpu.memory_space<hbm>> -> memref<40x128xf32, #tpu.memory_space<hbm>>
      %dma_wait3A_278 = arith.constant 0 : i32
      %dma_wait3A_279 = arith.constant 0 : i32
      %dma_wait3A_280 = tpu.memref_slice %arg7[%dma_wait3A_278, %dma_wait3A_279] : memref<160000x128xf32, #tpu.memory_space<hbm>> -> memref<40x128xf32, #tpu.memory_space<hbm>>
      tpu.wait_dma2 semaphore(%arg25 : memref<!tpu.dma_semaphore, #tpu.memory_space<semaphore_mem>>) src(%arg17 : memref<40x128xf32, #tpu.memory_space<vmem>>) dst(%dma_wait3A_280 : memref<40x128xf32, #tpu.memory_space<hbm>>)
      %add3A_281 = arith.constant 4 : i32
      %add3A_282 = arith.addi %mul3A_92, %add3A_281 : i32
      %add3A_283 = arith.constant 3 : i32
      %add3A_284 = arith.addi %add3A_282, %add3A_283 : i32
      %lt3A_285 = arith.constant 124 : i32
      %lt3A_286 = arith.cmpi slt, %add3A_284, %lt3A_285 : i32
      %add3A_287 = arith.constant 4 : i32
      %add3A_288 = arith.addi %mul3A_92, %add3A_287 : i32
      %add3A_289 = arith.constant 3 : i32
      %add3A_290 = arith.addi %add3A_288, %add3A_289 : i32
      %convert_element_type3A_291 = arith.extui %lt3A_286 : i1 to i32
      %cond3A_292 = arith.constant 0 : i32
      %cond3A_293 = arith.cmpi ne, %convert_element_type3A_291, %cond3A_292 : i32
      scf.if %cond3A_293 {
        %mul3A_294 = arith.constant 40 : i32
        %mul3A_295 = arith.muli %add3A_290, %mul3A_294 : i32
        %multiple_of3A_296 = tpu.assume_multiple %mul3A_295, 8 : i32
        %dma_start3A_297 = tpu.memref_slice %arg8[%multiple_of3A_296] : memref<5000xi32, #tpu.memory_space<vmem>> -> memref<40xi32, #tpu.memory_space<vmem>>
        %dma_start3A_298 = arith.constant 0 : i32
        %dma_start3A_299 = arith.constant 0 : i32
        %dma_start3A_300 = tpu.memref_slice %arg4[%dma_start3A_298, %dma_start3A_299] : memref<10000x128xf32, #tpu.memory_space<hbm>> -> memref<10000x128xf32, #tpu.memory_space<hbm>>
        tpu.enqueue_indirect_dma source(%dma_start3A_300 : memref<10000x128xf32, #tpu.memory_space<hbm>>) target(%arg13 : memref<40x128xf32, #tpu.memory_space<vmem>>) offsets(%dma_start3A_297 : memref<40xi32, #tpu.memory_space<vmem>>) semaphore(%arg21 : memref<!tpu.dma_semaphore, #tpu.memory_space<semaphore_mem>>)
        %dma_start3A_301 = tpu.memref_slice %arg9[%multiple_of3A_296] : memref<5000xi32, #tpu.memory_space<vmem>> -> memref<40xi32, #tpu.memory_space<vmem>>
        %dma_start3A_302 = arith.constant 0 : i32
        %dma_start3A_303 = arith.constant 0 : i32
        %dma_start3A_304 = tpu.memref_slice %arg5[%dma_start3A_302, %dma_start3A_303] : memref<10000x128xf32, #tpu.memory_space<hbm>> -> memref<10000x128xf32, #tpu.memory_space<hbm>>
        tpu.enqueue_indirect_dma source(%dma_start3A_304 : memref<10000x128xf32, #tpu.memory_space<hbm>>) target(%arg17 : memref<40x128xf32, #tpu.memory_space<vmem>>) offsets(%dma_start3A_301 : memref<40xi32, #tpu.memory_space<vmem>>) semaphore(%arg21 : memref<!tpu.dma_semaphore, #tpu.memory_space<semaphore_mem>>)
      } else {
      }
    }
    %scan3A_45 = arith.constant 31 : i32
    %multiple_of3A_46 = arith.constant 4960 : i32
    %multiple_of3A_47 = tpu.assume_multiple %multiple_of3A_46, 8 : i32
    %dma_start3A_48 = tpu.memref_slice %arg8[%multiple_of3A_47] : memref<5000xi32, #tpu.memory_space<vmem>> -> memref<40xi32, #tpu.memory_space<vmem>>
    %dma_start3A_49 = arith.constant 0 : i32
    %dma_start3A_50 = arith.constant 0 : i32
    %dma_start3A_51 = tpu.memref_slice %arg4[%dma_start3A_49, %dma_start3A_50] : memref<10000x128xf32, #tpu.memory_space<hbm>> -> memref<10000x128xf32, #tpu.memory_space<hbm>>
    tpu.enqueue_indirect_dma source(%dma_start3A_51 : memref<10000x128xf32, #tpu.memory_space<hbm>>) target(%arg10 : memref<40x128xf32, #tpu.memory_space<vmem>>) offsets(%dma_start3A_48 : memref<40xi32, #tpu.memory_space<vmem>>) semaphore(%arg18 : memref<!tpu.dma_semaphore, #tpu.memory_space<semaphore_mem>>)
    %dma_start3A_52 = tpu.memref_slice %arg9[%multiple_of3A_47] : memref<5000xi32, #tpu.memory_space<vmem>> -> memref<40xi32, #tpu.memory_space<vmem>>
    %dma_start3A_53 = arith.constant 0 : i32
    %dma_start3A_54 = arith.constant 0 : i32
    %dma_start3A_55 = tpu.memref_slice %arg5[%dma_start3A_53, %dma_start3A_54] : memref<10000x128xf32, #tpu.memory_space<hbm>> -> memref<10000x128xf32, #tpu.memory_space<hbm>>
    tpu.enqueue_indirect_dma source(%dma_start3A_55 : memref<10000x128xf32, #tpu.memory_space<hbm>>) target(%arg14 : memref<40x128xf32, #tpu.memory_space<vmem>>) offsets(%dma_start3A_52 : memref<40xi32, #tpu.memory_space<vmem>>) semaphore(%arg18 : memref<!tpu.dma_semaphore, #tpu.memory_space<semaphore_mem>>)
    %dma_wait3A = arith.constant 0 : i32
    %dma_wait3A_56 = arith.constant 0 : i32
    %dma_wait3A_57 = tpu.memref_slice %arg4[%dma_wait3A, %dma_wait3A_56] : memref<10000x128xf32, #tpu.memory_space<hbm>> -> memref<40x128xf32, #tpu.memory_space<hbm>>
    %dma_wait3A_58 = arith.constant 0 : i32
    %dma_wait3A_59 = arith.constant 0 : i32
    %dma_wait3A_60 = tpu.memref_slice %arg4[%dma_wait3A_58, %dma_wait3A_59] : memref<10000x128xf32, #tpu.memory_space<hbm>> -> memref<40x128xf32, #tpu.memory_space<hbm>>
    tpu.wait_dma2 semaphore(%arg18 : memref<!tpu.dma_semaphore, #tpu.memory_space<semaphore_mem>>) src(%dma_wait3A_60 : memref<40x128xf32, #tpu.memory_space<hbm>>) dst(%arg10 : memref<40x128xf32, #tpu.memory_space<vmem>>)
    %dma_wait3A_61 = arith.constant 0 : i32
    %dma_wait3A_62 = arith.constant 0 : i32
    %dma_wait3A_63 = tpu.memref_slice %arg5[%dma_wait3A_61, %dma_wait3A_62] : memref<10000x128xf32, #tpu.memory_space<hbm>> -> memref<40x128xf32, #tpu.memory_space<hbm>>
    %dma_wait3A_64 = arith.constant 0 : i32
    %dma_wait3A_65 = arith.constant 0 : i32
    %dma_wait3A_66 = tpu.memref_slice %arg5[%dma_wait3A_64, %dma_wait3A_65] : memref<10000x128xf32, #tpu.memory_space<hbm>> -> memref<40x128xf32, #tpu.memory_space<hbm>>
    tpu.wait_dma2 semaphore(%arg18 : memref<!tpu.dma_semaphore, #tpu.memory_space<semaphore_mem>>) src(%dma_wait3A_66 : memref<40x128xf32, #tpu.memory_space<hbm>>) dst(%arg14 : memref<40x128xf32, #tpu.memory_space<vmem>>)
    %multiple_of3A_67 = arith.constant 4960 : i32
    %multiple_of3A_68 = tpu.assume_multiple %multiple_of3A_67, 8 : i32
    %add3A_69 = arith.addi %mul3A_2, %multiple_of3A_68 : i32
    %dma_start3A_70 = arith.constant 0 : i32
    %dma_start3A_71 = tpu.memref_slice %arg6[%add3A_69, %dma_start3A_70] : memref<160000x128xf32, #tpu.memory_space<hbm>> -> memref<40x128xf32, #tpu.memory_space<hbm>>
    %dma_start3A_72 = arith.constant 0 : i32
    %dma_start3A_73 = tpu.memref_slice %arg6[%add3A_69, %dma_start3A_72] : memref<160000x128xf32, #tpu.memory_space<hbm>> -> memref<40x128xf32, #tpu.memory_space<hbm>>
    tpu.enqueue_dma source(%arg10 : memref<40x128xf32, #tpu.memory_space<vmem>>) target(%dma_start3A_73 : memref<40x128xf32, #tpu.memory_space<hbm>>) target_semaphore(%arg22 : memref<!tpu.dma_semaphore, #tpu.memory_space<semaphore_mem>>)
    %dma_start3A_74 = arith.constant 0 : i32
    %dma_start3A_75 = tpu.memref_slice %arg7[%add3A_69, %dma_start3A_74] : memref<160000x128xf32, #tpu.memory_space<hbm>> -> memref<40x128xf32, #tpu.memory_space<hbm>>
    %dma_start3A_76 = arith.constant 0 : i32
    %dma_start3A_77 = tpu.memref_slice %arg7[%add3A_69, %dma_start3A_76] : memref<160000x128xf32, #tpu.memory_space<hbm>> -> memref<40x128xf32, #tpu.memory_space<hbm>>
    tpu.enqueue_dma source(%arg14 : memref<40x128xf32, #tpu.memory_space<vmem>>) target(%dma_start3A_77 : memref<40x128xf32, #tpu.memory_space<hbm>>) target_semaphore(%arg22 : memref<!tpu.dma_semaphore, #tpu.memory_space<semaphore_mem>>)
    %dma_wait3A_78 = arith.constant 0 : i32
    %dma_wait3A_79 = arith.constant 0 : i32
    %dma_wait3A_80 = tpu.memref_slice %arg6[%dma_wait3A_78, %dma_wait3A_79] : memref<160000x128xf32, #tpu.memory_space<hbm>> -> memref<40x128xf32, #tpu.memory_space<hbm>>
    %dma_wait3A_81 = arith.constant 0 : i32
    %dma_wait3A_82 = arith.constant 0 : i32
    %dma_wait3A_83 = tpu.memref_slice %arg6[%dma_wait3A_81, %dma_wait3A_82] : memref<160000x128xf32, #tpu.memory_space<hbm>> -> memref<40x128xf32, #tpu.memory_space<hbm>>
    tpu.wait_dma2 semaphore(%arg22 : memref<!tpu.dma_semaphore, #tpu.memory_space<semaphore_mem>>) src(%arg10 : memref<40x128xf32, #tpu.memory_space<vmem>>) dst(%dma_wait3A_83 : memref<40x128xf32, #tpu.memory_space<hbm>>)
    %dma_wait3A_84 = arith.constant 0 : i32
    %dma_wait3A_85 = arith.constant 0 : i32
    %dma_wait3A_86 = tpu.memref_slice %arg7[%dma_wait3A_84, %dma_wait3A_85] : memref<160000x128xf32, #tpu.memory_space<hbm>> -> memref<40x128xf32, #tpu.memory_space<hbm>>
    %dma_wait3A_87 = arith.constant 0 : i32
    %dma_wait3A_88 = arith.constant 0 : i32
    %dma_wait3A_89 = tpu.memref_slice %arg7[%dma_wait3A_87, %dma_wait3A_88] : memref<160000x128xf32, #tpu.memory_space<hbm>> -> memref<40x128xf32, #tpu.memory_space<hbm>>
    tpu.wait_dma2 semaphore(%arg22 : memref<!tpu.dma_semaphore, #tpu.memory_space<semaphore_mem>>) src(%arg14 : memref<40x128xf32, #tpu.memory_space<vmem>>) dst(%dma_wait3A_89 : memref<40x128xf32, #tpu.memory_space<hbm>>)
    return
  }
}

module attributes {stable_mosaic.version = 14 : i64} {
  func.func @_node_kernel(%arg0: i32, %arg1: memref<2000x128xf32, #tpu.memory_space<vmem>>, %arg2: memref<2000x16xf32, #tpu.memory_space<vmem>>, %arg3: memref<128x128xf32, #tpu.memory_space<vmem>>, %arg4: memref<1x128xf32, #tpu.memory_space<vmem>>, %arg5: memref<128x128xf32, #tpu.memory_space<vmem>>, %arg6: memref<128x128xf32, #tpu.memory_space<vmem>>, %arg7: memref<128x128xf32, #tpu.memory_space<vmem>>, %arg8: memref<1x64xf32, #tpu.memory_space<vmem>>, %arg9: memref<64x128xf32, #tpu.memory_space<vmem>>, %arg10: memref<1x128xf32, #tpu.memory_space<vmem>>, %arg11: memref<128x64xf32, #tpu.memory_space<vmem>>, %arg12: memref<1x64xf32, #tpu.memory_space<vmem>>, %arg13: memref<64x128xf32, #tpu.memory_space<vmem>>, %arg14: memref<1x128xf32, #tpu.memory_space<vmem>>, %arg15: memref<2000x128xf32, #tpu.memory_space<vmem>>, %arg16: memref<2000x128xf32, #tpu.memory_space<vmem>>, %arg17: memref<2000x128xf32, #tpu.memory_space<vmem>>, %arg18: memref<2000x128xf32, #tpu.memory_space<vmem>>, %arg19: memref<64x64xf32, #tpu.memory_space<vmem>>, %arg20: memref<1x192xf32, #tpu.memory_space<vmem>>) attributes {dimension_semantics = [#tpu.dimension_semantics<arbitrary>], iteration_bounds = array<i64: 5>, scalar_prefetch = 0 : i64, scratch_operands = 0 : i64, tpu.core_type = #tpu.core_type<tc>, window_params = [{transform_indices = @transform_0, window_bounds = array<i64: 2000, 128>}, {transform_indices = @transform_1, window_bounds = array<i64: 2000, 16>}, {pipeline_mode = #tpu.pipeline_mode<synchronous>, transform_indices = @transform_2, window_bounds = array<i64: 128, 128>}, {pipeline_mode = #tpu.pipeline_mode<synchronous>, transform_indices = @transform_3, window_bounds = array<i64: 1, 128>}, {pipeline_mode = #tpu.pipeline_mode<synchronous>, transform_indices = @transform_4, window_bounds = array<i64: 128, 128>}, {pipeline_mode = #tpu.pipeline_mode<synchronous>, transform_indices = @transform_5, window_bounds = array<i64: 128, 128>}, {pipeline_mode = #tpu.pipeline_mode<synchronous>, transform_indices = @transform_6, window_bounds = array<i64: 128, 128>}, {pipeline_mode = #tpu.pipeline_mode<synchronous>, transform_indices = @transform_7, window_bounds = array<i64: 1, 64>}, {pipeline_mode = #tpu.pipeline_mode<synchronous>, transform_indices = @transform_8, window_bounds = array<i64: 64, 128>}, {pipeline_mode = #tpu.pipeline_mode<synchronous>, transform_indices = @transform_9, window_bounds = array<i64: 1, 128>}, {pipeline_mode = #tpu.pipeline_mode<synchronous>, transform_indices = @transform_10, window_bounds = array<i64: 128, 64>}, {pipeline_mode = #tpu.pipeline_mode<synchronous>, transform_indices = @transform_11, window_bounds = array<i64: 1, 64>}, {pipeline_mode = #tpu.pipeline_mode<synchronous>, transform_indices = @transform_12, window_bounds = array<i64: 64, 128>}, {pipeline_mode = #tpu.pipeline_mode<synchronous>, transform_indices = @transform_13, window_bounds = array<i64: 1, 128>}, {transform_indices = @transform_14, window_bounds = array<i64: 2000, 128>}, {transform_indices = @transform_15, window_bounds = array<i64: 2000, 128>}, {transform_indices = @transform_16, window_bounds = array<i64: 2000, 128>}, {transform_indices = @transform_17, window_bounds = array<i64: 2000, 128>}, {pipeline_mode = #tpu.pipeline_mode<synchronous>, transform_indices = @transform_18, window_bounds = array<i64: 64, 64>}, {pipeline_mode = #tpu.pipeline_mode<synchronous>, transform_indices = @transform_19, window_bounds = array<i64: 1, 192>}]} {
    %get3A = arith.constant 0 : index
    %get3A_0 = arith.constant 0 : index
    %get3A_1 = vector.load %arg1[%get3A, %get3A_0] : memref<2000x128xf32, #tpu.memory_space<vmem>>, vector<2000x128xf32>
    %get3A_2 = arith.constant 0 : index
    %get3A_3 = arith.constant 0 : index
    %get3A_4 = vector.load %arg2[%get3A_2, %get3A_3] : memref<2000x16xf32, #tpu.memory_space<vmem>>, vector<2000x16xf32>
    %get3A_5 = arith.constant 0 : index
    %get3A_6 = arith.constant 0 : index
    %get3A_7 = vector.load %arg3[%get3A_5, %get3A_6] : memref<128x128xf32, #tpu.memory_space<vmem>>, vector<128x128xf32>
    %dot_general3A = arith.constant dense<0.000000e+00> : vector<2000x128xf32>
    %dot_general3A_8 = tpu.matmul %get3A_1, %get3A_7, %dot_general3A {dimension_numbers = #tpu.dot_dimension_numbers<[1], [0], [0], [1], [0, 0, 1, 1], [], []>, transpose_lhs_hint = false} : vector<2000x128xf32>, vector<128x128xf32>, vector<2000x128xf32> -> vector<2000x128xf32>
    %get3A_9 = arith.constant 0 : index
    %get3A_10 = arith.constant 0 : index
    %get3A_11 = vector.load %arg4[%get3A_9, %get3A_10] : memref<1x128xf32, #tpu.memory_space<vmem>>, vector<1x128xf32>
    %add3A = vector.broadcast %get3A_11 : vector<1x128xf32> to vector<2000x128xf32>
    %add3A_12 = arith.addf %dot_general3A_8, %add3A : vector<2000x128xf32>
    %max3A = arith.constant 0.000000e+00 : f32
    %max3A_13 = vector.broadcast %max3A : f32 to vector<2000x128xf32>
    %max3A_14 = arith.maximumf %add3A_12, %max3A_13 : vector<2000x128xf32>
    %get3A_15 = arith.constant 0 : index
    %get3A_16 = arith.constant 0 : index
    %get3A_17 = vector.load %arg6[%get3A_15, %get3A_16] : memref<128x128xf32, #tpu.memory_space<vmem>>, vector<128x128xf32>
    %dot_general3A_18 = arith.constant dense<0.000000e+00> : vector<2000x128xf32>
    %dot_general3A_19 = tpu.matmul %max3A_14, %get3A_17, %dot_general3A_18 {dimension_numbers = #tpu.dot_dimension_numbers<[1], [0], [0], [1], [0, 0, 1, 1], [], []>, transpose_lhs_hint = false} : vector<2000x128xf32>, vector<128x128xf32>, vector<2000x128xf32> -> vector<2000x128xf32>
    %get3A_20 = arith.constant 0 : index
    %get3A_21 = arith.constant 0 : index
    %get3A_22 = vector.load %arg7[%get3A_20, %get3A_21] : memref<128x128xf32, #tpu.memory_space<vmem>>, vector<128x128xf32>
    %dot_general3A_23 = arith.constant dense<0.000000e+00> : vector<2000x128xf32>
    %dot_general3A_24 = tpu.matmul %max3A_14, %get3A_22, %dot_general3A_23 {dimension_numbers = #tpu.dot_dimension_numbers<[1], [0], [0], [1], [0, 0, 1, 1], [], []>, transpose_lhs_hint = false} : vector<2000x128xf32>, vector<128x128xf32>, vector<2000x128xf32> -> vector<2000x128xf32>
    %get3A_25 = arith.constant 0 : index
    %get3A_26 = arith.constant 0 : index
    %get3A_27 = vector.load %arg5[%get3A_25, %get3A_26] : memref<128x128xf32, #tpu.memory_space<vmem>>, vector<128x128xf32>
    %dot_general3A_28 = arith.constant dense<0.000000e+00> : vector<2000x128xf32>
    %dot_general3A_29 = tpu.matmul %max3A_14, %get3A_27, %dot_general3A_28 {dimension_numbers = #tpu.dot_dimension_numbers<[1], [0], [0], [1], [0, 0, 1, 1], [], []>, transpose_lhs_hint = false} : vector<2000x128xf32>, vector<128x128xf32>, vector<2000x128xf32> -> vector<2000x128xf32>
    %get3A_30 = arith.constant 0 : index
    %get3A_31 = arith.constant 0 : index
    %get3A_32 = vector.load %arg11[%get3A_30, %get3A_31] : memref<128x64xf32, #tpu.memory_space<vmem>>, vector<128x64xf32>
    %dot_general3A_33 = arith.constant dense<0.000000e+00> : vector<2000x64xf32>
    %dot_general3A_34 = tpu.matmul %dot_general3A_19, %get3A_32, %dot_general3A_33 {dimension_numbers = #tpu.dot_dimension_numbers<[1], [0], [0], [1], [0, 0, 1, 1], [], []>, transpose_lhs_hint = false} : vector<2000x128xf32>, vector<128x64xf32>, vector<2000x64xf32> -> vector<2000x64xf32>
    %dot_general3A_35 = arith.constant dense<0.000000e+00> : vector<2000x64xf32>
    %dot_general3A_36 = tpu.matmul %dot_general3A_24, %get3A_32, %dot_general3A_35 {dimension_numbers = #tpu.dot_dimension_numbers<[1], [0], [0], [1], [0, 0, 1, 1], [], []>, transpose_lhs_hint = false} : vector<2000x128xf32>, vector<128x64xf32>, vector<2000x64xf32> -> vector<2000x64xf32>
    %broadcast_in_dim3A = arith.constant 0.000000e+00 : f32
    %broadcast_in_dim3A_37 = vector.broadcast %broadcast_in_dim3A : f32 to vector<2000x48xf32>
    %concatenate3A = tpu.concatenate %get3A_4, %dot_general3A_34, %broadcast_in_dim3A_37 in 1 : vector<2000x16xf32>, vector<2000x64xf32>, vector<2000x48xf32> -> vector<2000x128xf32>
    %bitcast_convert_type3A = tpu.bitcast %concatenate3A : vector<2000x128xf32> -> vector<2000x128xi32>
    %bitcast_convert_type3A_38 = tpu.bitcast %dot_general3A_29 : vector<2000x128xf32> -> vector<2000x128xi32>
    %add3A_39 = arith.constant 32768 : i32
    %add3A_40 = vector.broadcast %add3A_39 : i32 to vector<2000x128xi32>
    %add3A_41 = arith.addi %bitcast_convert_type3A, %add3A_40 : vector<2000x128xi32>
    %and3A = arith.constant -65536 : i32
    %and3A_42 = vector.broadcast %and3A : i32 to vector<2000x128xi32>
    %and3A_43 = arith.andi %add3A_41, %and3A_42 : vector<2000x128xi32>
    %add3A_44 = arith.constant 32768 : i32
    %add3A_45 = vector.broadcast %add3A_44 : i32 to vector<2000x128xi32>
    %add3A_46 = arith.addi %bitcast_convert_type3A_38, %add3A_45 : vector<2000x128xi32>
    %shift_right_logical3A = arith.constant 16 : i32
    %shift_right_logical3A_47 = vector.broadcast %shift_right_logical3A : i32 to vector<2000x128xi32>
    %shift_right_logical3A_48 = arith.shrui %add3A_46, %shift_right_logical3A_47 : vector<2000x128xi32>
    %or3A = arith.ori %and3A_43, %shift_right_logical3A_48 : vector<2000x128xi32>
    %bitcast_convert_type3A_49 = tpu.bitcast %or3A : vector<2000x128xi32> -> vector<2000x128xf32>
    %swap3A = arith.constant 0 : index
    %swap3A_50 = arith.constant 0 : index
    %swap3A_51 = vector.load %arg15[%swap3A, %swap3A_50] : memref<2000x128xf32, #tpu.memory_space<vmem>>, vector<2000x128xf32>
    tpu.vector_store %arg15[%swap3A, %swap3A_50], %bitcast_convert_type3A_49 {strides = array<i32>} : memref<2000x128xf32, #tpu.memory_space<vmem>>, vector<2000x128xf32>,
    %concatenate3A_52 = tpu.concatenate %get3A_4, %dot_general3A_36, %broadcast_in_dim3A_37 in 1 : vector<2000x16xf32>, vector<2000x64xf32>, vector<2000x48xf32> -> vector<2000x128xf32>
    %swap3A_53 = arith.constant 0 : index
    %swap3A_54 = arith.constant 0 : index
    %swap3A_55 = vector.load %arg16[%swap3A_53, %swap3A_54] : memref<2000x128xf32, #tpu.memory_space<vmem>>, vector<2000x128xf32>
    tpu.vector_store %arg16[%swap3A_53, %swap3A_54], %concatenate3A_52 {strides = array<i32>} : memref<2000x128xf32, #tpu.memory_space<vmem>>, vector<2000x128xf32>,
    %get3A_56 = arith.constant 0 : index
    %get3A_57 = arith.constant 0 : index
    %get3A_58 = vector.load %arg9[%get3A_56, %get3A_57] : memref<64x128xf32, #tpu.memory_space<vmem>>, vector<64x128xf32>
    %dot_general3A_59 = arith.constant dense<0.000000e+00> : vector<64x64xf32>
    %dot_general3A_60 = tpu.matmul %get3A_58, %get3A_32, %dot_general3A_59 {dimension_numbers = #tpu.dot_dimension_numbers<[1], [0], [0], [1], [0, 0, 1, 1], [], []>, transpose_lhs_hint = false} : vector<64x128xf32>, vector<128x64xf32>, vector<64x64xf32> -> vector<64x64xf32>
    %swap3A_61 = arith.constant 0 : index
    %swap3A_62 = arith.constant 0 : index
    %swap3A_63 = vector.load %arg19[%swap3A_61, %swap3A_62] : memref<64x64xf32, #tpu.memory_space<vmem>>, vector<64x64xf32>
    tpu.vector_store %arg19[%swap3A_61, %swap3A_62], %dot_general3A_60 {strides = array<i32>} : memref<64x64xf32, #tpu.memory_space<vmem>>, vector<64x64xf32>,
    %get3A_64 = arith.constant 0 : index
    %get3A_65 = arith.constant 0 : index
    %get3A_66 = vector.load %arg8[%get3A_64, %get3A_65] : memref<1x64xf32, #tpu.memory_space<vmem>>, vector<1x64xf32>
    %max3A_67 = arith.constant 0.000000e+00 : f32
    %max3A_68 = vector.broadcast %max3A_67 : f32 to vector<1x64xf32>
    %max3A_69 = arith.maximumf %get3A_66, %max3A_68 : vector<1x64xf32>
    %dot_general3A_70 = arith.constant dense<0.000000e+00> : vector<1x128xf32>
    %dot_general3A_71 = tpu.matmul %max3A_69, %get3A_58, %dot_general3A_70 {dimension_numbers = #tpu.dot_dimension_numbers<[1], [0], [0], [1], [0, 0, 1, 1], [], []>, transpose_lhs_hint = false} : vector<1x64xf32>, vector<64x128xf32>, vector<1x128xf32> -> vector<1x128xf32>
    %get3A_72 = arith.constant 0 : index
    %get3A_73 = arith.constant 0 : index
    %get3A_74 = vector.load %arg10[%get3A_72, %get3A_73] : memref<1x128xf32, #tpu.memory_space<vmem>>, vector<1x128xf32>
    %add3A_75 = arith.addf %dot_general3A_71, %get3A_74 : vector<1x128xf32>
    %get3A_76 = arith.constant 0 : index
    %get3A_77 = arith.constant 0 : index
    %get3A_78 = vector.load %arg10[%get3A_76, %get3A_77] : memref<1x128xf32, #tpu.memory_space<vmem>>, vector<1x128xf32>
    %dot_general3A_79 = arith.constant dense<0.000000e+00> : vector<1x64xf32>
    %dot_general3A_80 = tpu.matmul %get3A_78, %get3A_32, %dot_general3A_79 {dimension_numbers = #tpu.dot_dimension_numbers<[1], [0], [0], [1], [0, 0, 1, 1], [], []>, transpose_lhs_hint = false} : vector<1x128xf32>, vector<128x64xf32>, vector<1x64xf32> -> vector<1x64xf32>
    %get3A_81 = arith.constant 0 : index
    %get3A_82 = arith.constant 0 : index
    %get3A_83 = vector.load %arg12[%get3A_81, %get3A_82] : memref<1x64xf32, #tpu.memory_space<vmem>>, vector<1x64xf32>
    %add3A_84 = arith.addf %dot_general3A_80, %get3A_83 : vector<1x64xf32>
    %concatenate3A_85 = tpu.concatenate %add3A_84, %add3A_75 in 1 : vector<1x64xf32>, vector<1x128xf32> -> vector<1x192xf32>
    %swap3A_86 = arith.constant 0 : index
    %swap3A_87 = arith.constant 0 : index
    %swap3A_88 = vector.load %arg20[%swap3A_86, %swap3A_87] : memref<1x192xf32, #tpu.memory_space<vmem>>, vector<1x192xf32>
    tpu.vector_store %arg20[%swap3A_86, %swap3A_87], %concatenate3A_85 {strides = array<i32>} : memref<1x192xf32, #tpu.memory_space<vmem>>, vector<1x192xf32>,
    %sub3A = arith.subf %dot_general3A_36, %dot_general3A_34 : vector<2000x64xf32>
    %dot_general3A_89 = arith.constant dense<0.000000e+00> : vector<1x64xf32>
    %dot_general3A_90 = tpu.matmul %add3A_75, %get3A_32, %dot_general3A_89 {dimension_numbers = #tpu.dot_dimension_numbers<[1], [0], [0], [1], [0, 0, 1, 1], [], []>, transpose_lhs_hint = false} : vector<1x128xf32>, vector<128x64xf32>, vector<1x64xf32> -> vector<1x64xf32>
    %add3A_91 = vector.broadcast %dot_general3A_90 : vector<1x64xf32> to vector<2000x64xf32>
    %add3A_92 = arith.addf %sub3A, %add3A_91 : vector<2000x64xf32>
    %get3A_93 = arith.constant 0 : index
    %get3A_94 = arith.constant 0 : index
    %get3A_95 = vector.load %arg12[%get3A_93, %get3A_94] : memref<1x64xf32, #tpu.memory_space<vmem>>, vector<1x64xf32>
    %add3A_96 = vector.broadcast %get3A_95 : vector<1x64xf32> to vector<2000x64xf32>
    %add3A_97 = arith.addf %add3A_92, %add3A_96 : vector<2000x64xf32>
    %max3A_98 = arith.constant 0.000000e+00 : f32
    %max3A_99 = vector.broadcast %max3A_98 : f32 to vector<2000x64xf32>
    %max3A_100 = arith.maximumf %add3A_97, %max3A_99 : vector<2000x64xf32>
    %get3A_101 = arith.constant 0 : index
    %get3A_102 = arith.constant 0 : index
    %get3A_103 = vector.load %arg13[%get3A_101, %get3A_102] : memref<64x128xf32, #tpu.memory_space<vmem>>, vector<64x128xf32>
    %dot_general3A_104 = arith.constant dense<0.000000e+00> : vector<2000x128xf32>
    %dot_general3A_105 = tpu.matmul %max3A_100, %get3A_103, %dot_general3A_104 {dimension_numbers = #tpu.dot_dimension_numbers<[1], [0], [0], [1], [0, 0, 1, 1], [], []>, transpose_lhs_hint = false} : vector<2000x64xf32>, vector<64x128xf32>, vector<2000x128xf32> -> vector<2000x128xf32>
    %get3A_106 = arith.constant 0 : index
    %get3A_107 = arith.constant 0 : index
    %get3A_108 = vector.load %arg14[%get3A_106, %get3A_107] : memref<1x128xf32, #tpu.memory_space<vmem>>, vector<1x128xf32>
    %add3A_109 = vector.broadcast %get3A_108 : vector<1x128xf32> to vector<2000x128xf32>
    %add3A_110 = arith.addf %dot_general3A_105, %add3A_109 : vector<2000x128xf32>
    %exp3A = math.exp %add3A_110 : vector<2000x128xf32>
    %swap3A_111 = arith.constant 0 : index
    %swap3A_112 = arith.constant 0 : index
    %swap3A_113 = vector.load %arg17[%swap3A_111, %swap3A_112] : memref<2000x128xf32, #tpu.memory_space<vmem>>, vector<2000x128xf32>
    tpu.vector_store %arg17[%swap3A_111, %swap3A_112], %exp3A {strides = array<i32>} : memref<2000x128xf32, #tpu.memory_space<vmem>>, vector<2000x128xf32>,
    %add3A_114 = vector.broadcast %add3A_75 : vector<1x128xf32> to vector<2000x128xf32>
    %add3A_115 = arith.addf %dot_general3A_29, %add3A_114 : vector<2000x128xf32>
    %mul3A = arith.mulf %exp3A, %add3A_115 : vector<2000x128xf32>
    %swap3A_116 = arith.constant 0 : index
    %swap3A_117 = arith.constant 0 : index
    %swap3A_118 = vector.load %arg18[%swap3A_116, %swap3A_117] : memref<2000x128xf32, #tpu.memory_space<vmem>>, vector<2000x128xf32>
    tpu.vector_store %arg18[%swap3A_116, %swap3A_117], %mul3A {strides = array<i32>} : memref<2000x128xf32, #tpu.memory_space<vmem>>, vector<2000x128xf32>,
    return
  }
  func.func @transform_0(%arg0: i32) -> (i32, i32) {
    %c0_i32 = arith.constant 0 : i32
    %c0_i32_0 = arith.constant 0 : i32
    return %arg0, %c0_i32 : i32, i32
  }
  func.func @transform_1(%arg0: i32) -> (i32, i32) {
    %c0_i32 = arith.constant 0 : i32
    %c0_i32_0 = arith.constant 0 : i32
    return %arg0, %c0_i32 : i32, i32
  }
  func.func @transform_2(%arg0: i32) -> (i32, i32) {
    %c0_i32 = arith.constant 0 : i32
    %c0_i32_0 = arith.constant 0 : i32
    %c0_i32_1 = arith.constant 0 : i32
    return %c0_i32, %c0_i32_0 : i32, i32
  }
  func.func @transform_3(%arg0: i32) -> (i32, i32) {
    %c0_i32 = arith.constant 0 : i32
    %c0_i32_0 = arith.constant 0 : i32
    %c0_i32_1 = arith.constant 0 : i32
    return %c0_i32, %c0_i32_0 : i32, i32
  }
  func.func @transform_4(%arg0: i32) -> (i32, i32) {
    %c0_i32 = arith.constant 0 : i32
    %c0_i32_0 = arith.constant 0 : i32
    %c0_i32_1 = arith.constant 0 : i32
    return %c0_i32, %c0_i32_0 : i32, i32
  }
  func.func @transform_5(%arg0: i32) -> (i32, i32) {
    %c0_i32 = arith.constant 0 : i32
    %c0_i32_0 = arith.constant 0 : i32
    %c0_i32_1 = arith.constant 0 : i32
    return %c0_i32, %c0_i32_0 : i32, i32
  }
  func.func @transform_6(%arg0: i32) -> (i32, i32) {
    %c0_i32 = arith.constant 0 : i32
    %c0_i32_0 = arith.constant 0 : i32
    %c0_i32_1 = arith.constant 0 : i32
    return %c0_i32, %c0_i32_0 : i32, i32
  }
  func.func @transform_7(%arg0: i32) -> (i32, i32) {
    %c0_i32 = arith.constant 0 : i32
    %c0_i32_0 = arith.constant 0 : i32
    %c0_i32_1 = arith.constant 0 : i32
    return %c0_i32, %c0_i32_0 : i32, i32
  }
  func.func @transform_8(%arg0: i32) -> (i32, i32) {
    %c0_i32 = arith.constant 0 : i32
    %c0_i32_0 = arith.constant 0 : i32
    %c0_i32_1 = arith.constant 0 : i32
    return %c0_i32, %c0_i32_0 : i32, i32
  }
  func.func @transform_9(%arg0: i32) -> (i32, i32) {
    %c0_i32 = arith.constant 0 : i32
    %c0_i32_0 = arith.constant 0 : i32
    %c0_i32_1 = arith.constant 0 : i32
    return %c0_i32, %c0_i32_0 : i32, i32
  }
  func.func @transform_10(%arg0: i32) -> (i32, i32) {
    %c0_i32 = arith.constant 0 : i32
    %c0_i32_0 = arith.constant 0 : i32
    %c0_i32_1 = arith.constant 0 : i32
    return %c0_i32, %c0_i32_0 : i32, i32
  }
  func.func @transform_11(%arg0: i32) -> (i32, i32) {
    %c0_i32 = arith.constant 0 : i32
    %c0_i32_0 = arith.constant 0 : i32
    %c0_i32_1 = arith.constant 0 : i32
    return %c0_i32, %c0_i32_0 : i32, i32
  }
  func.func @transform_12(%arg0: i32) -> (i32, i32) {
    %c0_i32 = arith.constant 0 : i32
    %c0_i32_0 = arith.constant 0 : i32
    %c0_i32_1 = arith.constant 0 : i32
    return %c0_i32, %c0_i32_0 : i32, i32
  }
  func.func @transform_13(%arg0: i32) -> (i32, i32) {
    %c0_i32 = arith.constant 0 : i32
    %c0_i32_0 = arith.constant 0 : i32
    %c0_i32_1 = arith.constant 0 : i32
    return %c0_i32, %c0_i32_0 : i32, i32
  }
  func.func @transform_14(%arg0: i32) -> (i32, i32) {
    %c0_i32 = arith.constant 0 : i32
    %c0_i32_0 = arith.constant 0 : i32
    return %arg0, %c0_i32 : i32, i32
  }
  func.func @transform_15(%arg0: i32) -> (i32, i32) {
    %c0_i32 = arith.constant 0 : i32
    %c0_i32_0 = arith.constant 0 : i32
    return %arg0, %c0_i32 : i32, i32
  }
  func.func @transform_16(%arg0: i32) -> (i32, i32) {
    %c0_i32 = arith.constant 0 : i32
    %c0_i32_0 = arith.constant 0 : i32
    return %arg0, %c0_i32 : i32, i32
  }
  func.func @transform_17(%arg0: i32) -> (i32, i32) {
    %c0_i32 = arith.constant 0 : i32
    %c0_i32_0 = arith.constant 0 : i32
    return %arg0, %c0_i32 : i32, i32
  }
  func.func @transform_18(%arg0: i32) -> (i32, i32) {
    %c0_i32 = arith.constant 0 : i32
    %c0_i32_0 = arith.constant 0 : i32
    %c0_i32_1 = arith.constant 0 : i32
    return %c0_i32, %c0_i32_0 : i32, i32
  }
  func.func @transform_19(%arg0: i32) -> (i32, i32) {
    %c0_i32 = arith.constant 0 : i32
    %c0_i32_0 = arith.constant 0 : i32
    %c0_i32_1 = arith.constant 0 : i32
    return %c0_i32, %c0_i32_0 : i32, i32
  }
}

module attributes {stable_mosaic.version = 14 : i64} {
  func.func @_edge_kernel(%arg0: i32, %arg1: memref<3200x128xf32, #tpu.memory_space<vmem>>, %arg2: memref<3200x128xf32, #tpu.memory_space<vmem>>, %arg3: memref<1x64xf32, #tpu.memory_space<vmem>>, %arg4: memref<16x64xf32, #tpu.memory_space<vmem>>, %arg5: memref<64x128xf32, #tpu.memory_space<vmem>>, %arg6: memref<1x128xf32, #tpu.memory_space<vmem>>, %arg7: memref<64x64xf32, #tpu.memory_space<vmem>>, %arg8: memref<1x192xf32, #tpu.memory_space<vmem>>, %arg9: memref<64x128xf32, #tpu.memory_space<vmem>>, %arg10: memref<1x128xf32, #tpu.memory_space<vmem>>, %arg11: memref<2x3200x128xf32, #tpu.memory_space<vmem>>) attributes {dimension_semantics = [#tpu.dimension_semantics<arbitrary>], iteration_bounds = array<i64: 50>, scalar_prefetch = 0 : i64, scratch_operands = 0 : i64, tpu.core_type = #tpu.core_type<tc>, window_params = [{transform_indices = @transform_0, window_bounds = array<i64: 3200, 128>}, {transform_indices = @transform_1, window_bounds = array<i64: 3200, 128>}, {pipeline_mode = #tpu.pipeline_mode<synchronous>, transform_indices = @transform_2, window_bounds = array<i64: 1, 64>}, {pipeline_mode = #tpu.pipeline_mode<synchronous>, transform_indices = @transform_3, window_bounds = array<i64: 16, 64>}, {pipeline_mode = #tpu.pipeline_mode<synchronous>, transform_indices = @transform_4, window_bounds = array<i64: 64, 128>}, {pipeline_mode = #tpu.pipeline_mode<synchronous>, transform_indices = @transform_5, window_bounds = array<i64: 1, 128>}, {pipeline_mode = #tpu.pipeline_mode<synchronous>, transform_indices = @transform_6, window_bounds = array<i64: 64, 64>}, {pipeline_mode = #tpu.pipeline_mode<synchronous>, transform_indices = @transform_7, window_bounds = array<i64: 1, 192>}, {pipeline_mode = #tpu.pipeline_mode<synchronous>, transform_indices = @transform_8, window_bounds = array<i64: 64, 128>}, {pipeline_mode = #tpu.pipeline_mode<synchronous>, transform_indices = @transform_9, window_bounds = array<i64: 1, 128>}, {transform_indices = @transform_10, window_bounds = array<i64: 2, 3200, 128>}]} {
    %get3A = arith.constant 0 : index
    %get3A_0 = arith.constant 0 : index
    %get3A_1 = vector.load %arg1[%get3A, %get3A_0] : memref<3200x128xf32, #tpu.memory_space<vmem>>, vector<3200x128xf32>
    %bitcast_convert_type3A = tpu.bitcast %get3A_1 : vector<3200x128xf32> -> vector<3200x128xi32>
    %and3A = arith.constant -65536 : i32
    %and3A_2 = vector.broadcast %and3A : i32 to vector<3200x128xi32>
    %and3A_3 = arith.andi %bitcast_convert_type3A, %and3A_2 : vector<3200x128xi32>
    %bitcast_convert_type3A_4 = tpu.bitcast %and3A_3 : vector<3200x128xi32> -> vector<3200x128xf32>
    %shift_left3A = arith.constant 16 : i32
    %shift_left3A_5 = vector.broadcast %shift_left3A : i32 to vector<3200x128xi32>
    %shift_left3A_6 = arith.shli %bitcast_convert_type3A, %shift_left3A_5 : vector<3200x128xi32>
    %bitcast_convert_type3A_7 = tpu.bitcast %shift_left3A_6 : vector<3200x128xi32> -> vector<3200x128xf32>
    %get3A_8 = arith.constant 0 : index
    %get3A_9 = arith.constant 0 : index
    %get3A_10 = vector.load %arg2[%get3A_8, %get3A_9] : memref<3200x128xf32, #tpu.memory_space<vmem>>, vector<3200x128xf32>
    %slice3A = vector.extract_strided_slice %get3A_10 {offsets = [0, 0], sizes = [3200, 16], strides = [1, 1]} : vector<3200x128xf32> to vector<3200x16xf32>
    %slice3A_11 = vector.extract_strided_slice %bitcast_convert_type3A_4 {offsets = [0, 0], sizes = [3200, 16], strides = [1, 1]} : vector<3200x128xf32> to vector<3200x16xf32>
    %sub3A = arith.subf %slice3A, %slice3A_11 : vector<3200x16xf32>
    %slice3A_12 = vector.extract_strided_slice %get3A_10 {offsets = [0, 16], sizes = [3200, 64], strides = [1, 1]} : vector<3200x128xf32> to vector<3200x64xf32>
    %slice3A_13 = vector.extract_strided_slice %bitcast_convert_type3A_4 {offsets = [0, 16], sizes = [3200, 64], strides = [1, 1]} : vector<3200x128xf32> to vector<3200x64xf32>
    %sub3A_14 = arith.subf %slice3A_12, %slice3A_13 : vector<3200x64xf32>
    %get3A_15 = arith.constant 0 : index
    %get3A_16 = arith.constant 0 : index
    %get3A_17 = vector.load %arg8[%get3A_15, %get3A_16] : memref<1x192xf32, #tpu.memory_space<vmem>>, vector<1x192xf32>
    %get3A_18 = arith.constant 0 : index
    %get3A_19 = arith.constant 0 : index
    %get3A_20 = vector.load %arg4[%get3A_18, %get3A_19] : memref<16x64xf32, #tpu.memory_space<vmem>>, vector<16x64xf32>
    %dot_general3A = arith.constant dense<0.000000e+00> : vector<3200x64xf32>
    %dot_general3A_21 = tpu.matmul %sub3A, %get3A_20, %dot_general3A {dimension_numbers = #tpu.dot_dimension_numbers<[1], [0], [0], [1], [0, 0, 1, 1], [], []>, transpose_lhs_hint = false} : vector<3200x16xf32>, vector<16x64xf32>, vector<3200x64xf32> -> vector<3200x64xf32>
    %get3A_22 = arith.constant 0 : index
    %get3A_23 = arith.constant 0 : index
    %get3A_24 = vector.load %arg3[%get3A_22, %get3A_23] : memref<1x64xf32, #tpu.memory_space<vmem>>, vector<1x64xf32>
    %add3A = vector.broadcast %get3A_24 : vector<1x64xf32> to vector<3200x64xf32>
    %add3A_25 = arith.addf %dot_general3A_21, %add3A : vector<3200x64xf32>
    %max3A = arith.constant 0.000000e+00 : f32
    %max3A_26 = vector.broadcast %max3A : f32 to vector<3200x64xf32>
    %max3A_27 = arith.maximumf %add3A_25, %max3A_26 : vector<3200x64xf32>
    %get3A_28 = arith.constant 0 : index
    %get3A_29 = arith.constant 0 : index
    %get3A_30 = vector.load %arg5[%get3A_28, %get3A_29] : memref<64x128xf32, #tpu.memory_space<vmem>>, vector<64x128xf32>
    %dot_general3A_31 = arith.constant dense<0.000000e+00> : vector<3200x128xf32>
    %dot_general3A_32 = tpu.matmul %max3A_27, %get3A_30, %dot_general3A_31 {dimension_numbers = #tpu.dot_dimension_numbers<[1], [0], [0], [1], [0, 0, 1, 1], [], []>, transpose_lhs_hint = false} : vector<3200x64xf32>, vector<64x128xf32>, vector<3200x128xf32> -> vector<3200x128xf32>
    %get3A_33 = arith.constant 0 : index
    %get3A_34 = arith.constant 0 : index
    %get3A_35 = vector.load %arg6[%get3A_33, %get3A_34] : memref<1x128xf32, #tpu.memory_space<vmem>>, vector<1x128xf32>
    %add3A_36 = vector.broadcast %get3A_35 : vector<1x128xf32> to vector<3200x128xf32>
    %add3A_37 = arith.addf %dot_general3A_32, %add3A_36 : vector<3200x128xf32>
    %get3A_38 = arith.constant 0 : index
    %get3A_39 = arith.constant 0 : index
    %get3A_40 = vector.load %arg7[%get3A_38, %get3A_39] : memref<64x64xf32, #tpu.memory_space<vmem>>, vector<64x64xf32>
    %dot_general3A_41 = arith.constant dense<0.000000e+00> : vector<3200x64xf32>
    %dot_general3A_42 = tpu.matmul %max3A_27, %get3A_40, %dot_general3A_41 {dimension_numbers = #tpu.dot_dimension_numbers<[1], [0], [0], [1], [0, 0, 1, 1], [], []>, transpose_lhs_hint = false} : vector<3200x64xf32>, vector<64x64xf32>, vector<3200x64xf32> -> vector<3200x64xf32>
    %add3A_43 = arith.addf %sub3A_14, %dot_general3A_42 : vector<3200x64xf32>
    %slice3A_44 = vector.extract_strided_slice %get3A_17 {offsets = [0, 0], sizes = [1, 64], strides = [1, 1]} : vector<1x192xf32> to vector<1x64xf32>
    %add3A_45 = vector.broadcast %slice3A_44 : vector<1x64xf32> to vector<3200x64xf32>
    %add3A_46 = arith.addf %add3A_43, %add3A_45 : vector<3200x64xf32>
    %max3A_47 = arith.constant 0.000000e+00 : f32
    %max3A_48 = vector.broadcast %max3A_47 : f32 to vector<3200x64xf32>
    %max3A_49 = arith.maximumf %add3A_46, %max3A_48 : vector<3200x64xf32>
    %get3A_50 = arith.constant 0 : index
    %get3A_51 = arith.constant 0 : index
    %get3A_52 = vector.load %arg9[%get3A_50, %get3A_51] : memref<64x128xf32, #tpu.memory_space<vmem>>, vector<64x128xf32>
    %dot_general3A_53 = arith.constant dense<0.000000e+00> : vector<3200x128xf32>
    %dot_general3A_54 = tpu.matmul %max3A_49, %get3A_52, %dot_general3A_53 {dimension_numbers = #tpu.dot_dimension_numbers<[1], [0], [0], [1], [0, 0, 1, 1], [], []>, transpose_lhs_hint = false} : vector<3200x64xf32>, vector<64x128xf32>, vector<3200x128xf32> -> vector<3200x128xf32>
    %get3A_55 = arith.constant 0 : index
    %get3A_56 = arith.constant 0 : index
    %get3A_57 = vector.load %arg10[%get3A_55, %get3A_56] : memref<1x128xf32, #tpu.memory_space<vmem>>, vector<1x128xf32>
    %add3A_58 = vector.broadcast %get3A_57 : vector<1x128xf32> to vector<3200x128xf32>
    %add3A_59 = arith.addf %dot_general3A_54, %add3A_58 : vector<3200x128xf32>
    %exp3A = math.exp %add3A_59 : vector<3200x128xf32>
    %swap3A = arith.constant 0 : index
    %swap3A_60 = arith.constant 0 : index
    %swap3A_61 = arith.constant 0 : index
    %swap3A_62 = vector.load %arg11[%swap3A, %swap3A_60, %swap3A_61] : memref<2x3200x128xf32, #tpu.memory_space<vmem>>, vector<1x3200x128xf32>
    %swap3A_63 = vector.shape_cast %swap3A_62 : vector<1x3200x128xf32> to vector<3200x128xf32>
    %swap3A_64 = vector.shape_cast %exp3A : vector<3200x128xf32> to vector<1x3200x128xf32>
    tpu.vector_store %arg11[%swap3A, %swap3A_60, %swap3A_61], %swap3A_64 {strides = array<i32>} : memref<2x3200x128xf32, #tpu.memory_space<vmem>>, vector<1x3200x128xf32>,
    %add3A_65 = arith.addf %bitcast_convert_type3A_7, %add3A_37 : vector<3200x128xf32>
    %mul3A = arith.mulf %exp3A, %add3A_65 : vector<3200x128xf32>
    %swap3A_66 = arith.constant 1 : index
    %swap3A_67 = arith.constant 0 : index
    %swap3A_68 = arith.constant 0 : index
    %swap3A_69 = vector.load %arg11[%swap3A_66, %swap3A_67, %swap3A_68] : memref<2x3200x128xf32, #tpu.memory_space<vmem>>, vector<1x3200x128xf32>
    %swap3A_70 = vector.shape_cast %swap3A_69 : vector<1x3200x128xf32> to vector<3200x128xf32>
    %swap3A_71 = vector.shape_cast %mul3A : vector<3200x128xf32> to vector<1x3200x128xf32>
    tpu.vector_store %arg11[%swap3A_66, %swap3A_67, %swap3A_68], %swap3A_71 {strides = array<i32>} : memref<2x3200x128xf32, #tpu.memory_space<vmem>>, vector<1x3200x128xf32>,
    return
  }
  func.func @transform_0(%arg0: i32) -> (i32, i32) {
    %c0_i32 = arith.constant 0 : i32
    %c0_i32_0 = arith.constant 0 : i32
    return %arg0, %c0_i32 : i32, i32
  }
  func.func @transform_1(%arg0: i32) -> (i32, i32) {
    %c0_i32 = arith.constant 0 : i32
    %c0_i32_0 = arith.constant 0 : i32
    return %arg0, %c0_i32 : i32, i32
  }
  func.func @transform_2(%arg0: i32) -> (i32, i32) {
    %c0_i32 = arith.constant 0 : i32
    %c0_i32_0 = arith.constant 0 : i32
    %c0_i32_1 = arith.constant 0 : i32
    return %c0_i32, %c0_i32_0 : i32, i32
  }
  func.func @transform_3(%arg0: i32) -> (i32, i32) {
    %c0_i32 = arith.constant 0 : i32
    %c0_i32_0 = arith.constant 0 : i32
    %c0_i32_1 = arith.constant 0 : i32
    return %c0_i32, %c0_i32_0 : i32, i32
  }
  func.func @transform_4(%arg0: i32) -> (i32, i32) {
    %c0_i32 = arith.constant 0 : i32
    %c0_i32_0 = arith.constant 0 : i32
    %c0_i32_1 = arith.constant 0 : i32
    return %c0_i32, %c0_i32_0 : i32, i32
  }
  func.func @transform_5(%arg0: i32) -> (i32, i32) {
    %c0_i32 = arith.constant 0 : i32
    %c0_i32_0 = arith.constant 0 : i32
    %c0_i32_1 = arith.constant 0 : i32
    return %c0_i32, %c0_i32_0 : i32, i32
  }
  func.func @transform_6(%arg0: i32) -> (i32, i32) {
    %c0_i32 = arith.constant 0 : i32
    %c0_i32_0 = arith.constant 0 : i32
    %c0_i32_1 = arith.constant 0 : i32
    return %c0_i32, %c0_i32_0 : i32, i32
  }
  func.func @transform_7(%arg0: i32) -> (i32, i32) {
    %c0_i32 = arith.constant 0 : i32
    %c0_i32_0 = arith.constant 0 : i32
    %c0_i32_1 = arith.constant 0 : i32
    return %c0_i32, %c0_i32_0 : i32, i32
  }
  func.func @transform_8(%arg0: i32) -> (i32, i32) {
    %c0_i32 = arith.constant 0 : i32
    %c0_i32_0 = arith.constant 0 : i32
    %c0_i32_1 = arith.constant 0 : i32
    return %c0_i32, %c0_i32_0 : i32, i32
  }
  func.func @transform_9(%arg0: i32) -> (i32, i32) {
    %c0_i32 = arith.constant 0 : i32
    %c0_i32_0 = arith.constant 0 : i32
    %c0_i32_1 = arith.constant 0 : i32
    return %c0_i32, %c0_i32_0 : i32, i32
  }
  func.func @transform_10(%arg0: i32) -> (i32, i32, i32) {
    %c0_i32 = arith.constant 0 : i32
    %c0_i32_0 = arith.constant 0 : i32
    %c0_i32_1 = arith.constant 0 : i32
    return %c0_i32, %arg0, %c0_i32_0 : i32, i32, i32
  }
}

module attributes {stable_mosaic.version = 14 : i64} {
  func.func @_final_kernel(%arg0: i32, %arg1: memref<1x2000x128xf32, #tpu.memory_space<vmem>>, %arg2: memref<1x2000x128xf32, #tpu.memory_space<vmem>>, %arg3: memref<1x2000x128xf32, #tpu.memory_space<vmem>>, %arg4: memref<1x2000x128xf32, #tpu.memory_space<vmem>>, %arg5: memref<2000x128xf32, #tpu.memory_space<vmem>>, %arg6: memref<2000x128xf32, #tpu.memory_space<vmem>>, %arg7: memref<128x128xf32, #tpu.memory_space<vmem>>, %arg8: memref<1x128xf32, #tpu.memory_space<vmem>>, %arg9: memref<2000x128xf32, #tpu.memory_space<vmem>>) attributes {dimension_semantics = [#tpu.dimension_semantics<arbitrary>], iteration_bounds = array<i64: 5>, scalar_prefetch = 0 : i64, scratch_operands = 0 : i64, tpu.core_type = #tpu.core_type<tc>, window_params = [{transform_indices = @transform_0, window_bounds = array<i64: 1, 2000, 128>}, {transform_indices = @transform_1, window_bounds = array<i64: 1, 2000, 128>}, {transform_indices = @transform_2, window_bounds = array<i64: 1, 2000, 128>}, {transform_indices = @transform_3, window_bounds = array<i64: 1, 2000, 128>}, {transform_indices = @transform_4, window_bounds = array<i64: 2000, 128>}, {transform_indices = @transform_5, window_bounds = array<i64: 2000, 128>}, {pipeline_mode = #tpu.pipeline_mode<synchronous>, transform_indices = @transform_6, window_bounds = array<i64: 128, 128>}, {pipeline_mode = #tpu.pipeline_mode<synchronous>, transform_indices = @transform_7, window_bounds = array<i64: 1, 128>}, {transform_indices = @transform_8, window_bounds = array<i64: 2000, 128>}]} {
    %get3A = arith.constant 0 : index
    %get3A_0 = arith.constant 0 : index
    %get3A_1 = arith.constant 0 : index
    %get3A_2 = vector.load %arg1[%get3A, %get3A_0, %get3A_1] : memref<1x2000x128xf32, #tpu.memory_space<vmem>>, vector<1x2000x128xf32>
    %get3A_3 = vector.shape_cast %get3A_2 : vector<1x2000x128xf32> to vector<2000x128xf32>
    %get3A_4 = arith.constant 0 : index
    %get3A_5 = arith.constant 0 : index
    %get3A_6 = arith.constant 0 : index
    %get3A_7 = vector.load %arg3[%get3A_4, %get3A_5, %get3A_6] : memref<1x2000x128xf32, #tpu.memory_space<vmem>>, vector<1x2000x128xf32>
    %get3A_8 = vector.shape_cast %get3A_7 : vector<1x2000x128xf32> to vector<2000x128xf32>
    %add3A = arith.addf %get3A_3, %get3A_8 : vector<2000x128xf32>
    %get3A_9 = arith.constant 0 : index
    %get3A_10 = arith.constant 0 : index
    %get3A_11 = vector.load %arg5[%get3A_9, %get3A_10] : memref<2000x128xf32, #tpu.memory_space<vmem>>, vector<2000x128xf32>
    %add3A_12 = arith.addf %add3A, %get3A_11 : vector<2000x128xf32>
    %get3A_13 = arith.constant 0 : index
    %get3A_14 = arith.constant 0 : index
    %get3A_15 = arith.constant 0 : index
    %get3A_16 = vector.load %arg2[%get3A_13, %get3A_14, %get3A_15] : memref<1x2000x128xf32, #tpu.memory_space<vmem>>, vector<1x2000x128xf32>
    %get3A_17 = vector.shape_cast %get3A_16 : vector<1x2000x128xf32> to vector<2000x128xf32>
    %get3A_18 = arith.constant 0 : index
    %get3A_19 = arith.constant 0 : index
    %get3A_20 = arith.constant 0 : index
    %get3A_21 = vector.load %arg4[%get3A_18, %get3A_19, %get3A_20] : memref<1x2000x128xf32, #tpu.memory_space<vmem>>, vector<1x2000x128xf32>
    %get3A_22 = vector.shape_cast %get3A_21 : vector<1x2000x128xf32> to vector<2000x128xf32>
    %add3A_23 = arith.addf %get3A_17, %get3A_22 : vector<2000x128xf32>
    %get3A_24 = arith.constant 0 : index
    %get3A_25 = arith.constant 0 : index
    %get3A_26 = vector.load %arg6[%get3A_24, %get3A_25] : memref<2000x128xf32, #tpu.memory_space<vmem>>, vector<2000x128xf32>
    %add3A_27 = arith.addf %add3A_23, %get3A_26 : vector<2000x128xf32>
    %add3A_28 = arith.constant 1.000000e-16 : f32
    %add3A_29 = vector.broadcast %add3A_28 : f32 to vector<2000x128xf32>
    %add3A_30 = arith.addf %add3A_12, %add3A_29 : vector<2000x128xf32>
    %div3A = arith.divf %add3A_27, %add3A_30 : vector<2000x128xf32>
    %get3A_31 = arith.constant 0 : index
    %get3A_32 = arith.constant 0 : index
    %get3A_33 = vector.load %arg7[%get3A_31, %get3A_32] : memref<128x128xf32, #tpu.memory_space<vmem>>, vector<128x128xf32>
    %dot_general3A = arith.constant dense<0.000000e+00> : vector<2000x128xf32>
    %dot_general3A_34 = tpu.matmul %div3A, %get3A_33, %dot_general3A {dimension_numbers = #tpu.dot_dimension_numbers<[1], [0], [0], [1], [0, 0, 1, 1], [], []>, transpose_lhs_hint = false} : vector<2000x128xf32>, vector<128x128xf32>, vector<2000x128xf32> -> vector<2000x128xf32>
    %get3A_35 = arith.constant 0 : index
    %get3A_36 = arith.constant 0 : index
    %get3A_37 = vector.load %arg8[%get3A_35, %get3A_36] : memref<1x128xf32, #tpu.memory_space<vmem>>, vector<1x128xf32>
    %add3A_38 = vector.broadcast %get3A_37 : vector<1x128xf32> to vector<2000x128xf32>
    %add3A_39 = arith.addf %dot_general3A_34, %add3A_38 : vector<2000x128xf32>
    %max3A = arith.constant 0.000000e+00 : f32
    %max3A_40 = vector.broadcast %max3A : f32 to vector<2000x128xf32>
    %max3A_41 = arith.maximumf %add3A_39, %max3A_40 : vector<2000x128xf32>
    %swap3A = arith.constant 0 : index
    %swap3A_42 = arith.constant 0 : index
    %swap3A_43 = vector.load %arg9[%swap3A, %swap3A_42] : memref<2000x128xf32, #tpu.memory_space<vmem>>, vector<2000x128xf32>
    tpu.vector_store %arg9[%swap3A, %swap3A_42], %max3A_41 {strides = array<i32>} : memref<2000x128xf32, #tpu.memory_space<vmem>>, vector<2000x128xf32>,
    return
  }
  func.func @transform_0(%arg0: i32) -> (i32, i32, i32) {
    %c0_i32 = arith.constant 0 : i32
    %c0_i32_0 = arith.constant 0 : i32
    %c0_i32_1 = arith.constant 0 : i32
    return %c0_i32, %arg0, %c0_i32_0 : i32, i32, i32
  }
  func.func @transform_1(%arg0: i32) -> (i32, i32, i32) {
    %c1_i32 = arith.constant 1 : i32
    %c0_i32 = arith.constant 0 : i32
    %c0_i32_0 = arith.constant 0 : i32
    return %c1_i32, %arg0, %c0_i32 : i32, i32, i32
  }
  func.func @transform_2(%arg0: i32) -> (i32, i32, i32) {
    %c0_i32 = arith.constant 0 : i32
    %c0_i32_0 = arith.constant 0 : i32
    %c0_i32_1 = arith.constant 0 : i32
    return %c0_i32, %arg0, %c0_i32_0 : i32, i32, i32
  }
  func.func @transform_3(%arg0: i32) -> (i32, i32, i32) {
    %c1_i32 = arith.constant 1 : i32
    %c0_i32 = arith.constant 0 : i32
    %c0_i32_0 = arith.constant 0 : i32
    return %c1_i32, %arg0, %c0_i32 : i32, i32, i32
  }
  func.func @transform_4(%arg0: i32) -> (i32, i32) {
    %c0_i32 = arith.constant 0 : i32
    %c0_i32_0 = arith.constant 0 : i32
    return %arg0, %c0_i32 : i32, i32
  }
  func.func @transform_5(%arg0: i32) -> (i32, i32) {
    %c0_i32 = arith.constant 0 : i32
    %c0_i32_0 = arith.constant 0 : i32
    return %arg0, %c0_i32 : i32, i32
  }
  func.func @transform_6(%arg0: i32) -> (i32, i32) {
    %c0_i32 = arith.constant 0 : i32
    %c0_i32_0 = arith.constant 0 : i32
    %c0_i32_1 = arith.constant 0 : i32
    return %c0_i32, %c0_i32_0 : i32, i32
  }
  func.func @transform_7(%arg0: i32) -> (i32, i32) {
    %c0_i32 = arith.constant 0 : i32
    %c0_i32_0 = arith.constant 0 : i32
    %c0_i32_1 = arith.constant 0 : i32
    return %c0_i32, %c0_i32_0 : i32, i32
  }
  func.func @transform_8(%arg0: i32) -> (i32, i32) {
    %c0_i32 = arith.constant 0 : i32
    %c0_i32_0 = arith.constant 0 : i32
    return %arg0, %c0_i32 : i32, i32
  }
}

</mosaic_0001>

<sc_bundles>
// kernel: kernel.10.cloned.1.call-start
scs
__scs_entry_jumppad:
0x0: {  	(pc) =	sbr.rel $0x88, $3  }
0x1: {  	(tag) =	ssettag $0x0;
	lr =	simm.s32 $0x1  }
0x2: {  	[smem:$0x3F8F] =	sst lr;
	_ =	strace $0xD0000000  }
0x3: {  	_ = 	snop  }
0x4: {  	_ = 	snop  }
0x5: {  	_ = 	snop  }
0x6: {  	_ = 	snop  }
0x7: {  	_ = 	snop  }
__scs_overlays_trampoline_lowered:
0x8: {  	[smem:$0x3F9E] =	sst s0  }
0x9: {  	[smem:$0x3F9F] =	sst s1  }
0xa: {  	[smem:$0x3FA0] =	sst s2  }
0xb: {  	[smem:$0x3FA1] =	sst s3  }
0xc: {  	[smem:$0x3FA2] =	sst s4  }
0xd: {  	[smem:$0x3FA3] =	sst s5  }
0xe: {  	[smem:$0x3FA4] =	sst s6  }
0xf: {  	[smem:$0x3FA5] =	sst s7  }
0x10: {  	[smem:$0x3FA6] =	sst s8  }
0x11: {  	[smem:$0x3FA7] =	sst s9;
	s0 =	simm.s32 @!p0 $0x0  }
0x12: {  	s1 =	sld [smem:$0x3F8D];
	s0 =	simm.s32 @p0 $0x1  }
0x13: {  	[smem:$0x3FA8] =	sst s0;
	s0 =	simm.s32 @!p1 $0x0  }
0x14: {  	s2 =	sld [smem:$0x3F8C];
	s0 =	simm.s32 @p1 $0x1  }
0x15: {  	[smem:$0x3FA9] =	sst s0;
	s0 =	simm.s32 @!p2 $0x0  }
0x16: {  	s3 =	sld [smem:$0x3FDB];
	s0 =	simm.s32 @p2 $0x1  }
0x17: {  	s4 =	simm.s32 $0x1BF5;
	[smem:$0x3FAB] =	sst s0  }
0x18: {  	s0 =	sld [smem:$0x3F8E];
	_ =	swait.ge [sflag:s4], $0x0  }
0x19: {  	s7 =	sld [smem:$0x3F8F]  }
0x1a: {  	s8 =	sadd.s32 $0xFFFFE003, lr  }
0x1b: {  	s9 =	sadd.s32 $0xFFFFFEF7, lr;
	s5 =	simm.s32 $0xFFFFFFFF;
	p2 =	slt.u32 s8, $0xFFFFF086  }
0x1c: {  	p1 =	slt.u32 s9, $0xF7A;
	s5 =	simm.s32 @!p2 $0x0  }
0x1d: {  	s5 =	simm.s32 @p1 $0x1;
	p0 =	seq.s32 s7, s2  }
0x1e: {  	s7 =	smul.u32 @!p0 $0xF7A, s2;
	p2 =	seq.s32 @!p0 s5, $0x0  }
0x1f: {  	s9 =	smul.u32 $0xF7A, s1;
	s8 =	simm.s32 @!p0 $0x1BF5;
	p2 =	por !p2, p0  }
0x20: {  	[sflag:s8] =	ssyncset.s32 @!p0 $0xFFFFF086;
	s6 =	sadd.s32 @!p0 s3, s7;
	s7 =	simm.s32 @!p0 $0x108  }
0x21: {  	s3 =	sadd.s32 s3, s9;
	s6 =	sadd.s32 @!p0 $0x88, s6;
	s7 =	simm.s32 @p2 $0x1082  }
0x22: {  	[simem:s7], [sflag:s8] =	dma.local @!p0 [hbm:s6], $0xF7A  }
0x23: {  	s9 =	sor.u32 $0xD0000000, s2;
	s6 =	simm.s32 $0x108;
	_ =	swait.ge @!p0 [sflag:s8], $0x0  }
0x24: {  	s3 =	sadd.s32 $0x88, s3;
	s6 =	simm.s32 @!p1 $0x1082;
	[sflag:s4] =	ssyncset.s32 $0xFFFFF086  }
0x25: {  	[simem:s6], [sflag:s4] =	dma.local [hbm:s3], $0xF7A  }
0x26: {  	[smem:$0x3F8F] =	sst s1;
	(tag) =	ssettag s2;
	_ =	strace s9  }
0x27: {  	s1 =	sld [smem:$0x3F9F]  }
0x28: {  	s2 =	sld [smem:$0x3FA0]  }
0x29: {  	s4 =	sld [smem:$0x3FA2]  }
0x2a: {  	p0 =	seq.s32 s5, $0x0;
	s5 =	sld [smem:$0x3FA3]  }
0x2b: {  	s6 =	sld [smem:$0x3FA4]  }
0x2c: {  	s7 =	sld [smem:$0x3FA5]  }
0x2d: {  	s3 =	simm.s32 $0x108;
	s8 =	sld [smem:$0x3FA6]  }
0x2e: {  	s3 =	simm.s32 @!p0 $0x1082;
	s9 =	sld [smem:$0x3FA7]  }
0x2f: {  	lr =	sadd.s32 s0, s3;
	s0 =	sld [smem:$0x3F9E]  }
0x30: {  	s3 =	sld [smem:$0x3FA1]  }
0x31: {  	[smem:$0x3FAA] =	sst s10  }
0x32: {  	s10 =	sld [smem:$0x3FA8];
	_ =	sdelay $0x3  }
0x33: {  	p0 =	seq.s32 s10, $0x1;
	s10 =	sld [smem:$0x3FAA];
	_ =	sdelay $0x3  }
0x34: {  	[smem:$0x3FAA] =	sst s10  }
0x35: {  	s10 =	sld [smem:$0x3FA9];
	_ =	sdelay $0x3  }
0x36: {  	p1 =	seq.s32 s10, $0x1;
	s10 =	sld [smem:$0x3FAA];
	_ =	sdelay $0x3  }
0x37: {  	[smem:$0x3FAA] =	sst s10  }
0x38: {  	s10 =	sld [smem:$0x3FAB]  }
0x39: {  	_ = 	snop;
	(pc) =	sbr.ind lr, $3  }
0x3a: {  	_ = 	snop  }
0x3b: {  	_ = 	snop  }
0x3c: {  	p2 =	seq.s32 s10, $0x1;
	s10 =	sld [smem:$0x3FAA]  }
0x3d: {  	_ =	shalt  }
0x3e: {  	_ =	shalt  }
0x3f: {  	_ =	shalt  }
0x40: {  	_ =	shalt  }
0x41: {  	_ =	shalt  }
0x42: {  	_ =	shalt  }
0x43: {  	_ =	shalt  }
0x44: {  	_ =	shalt  }
0x45: {  	_ =	shalt  }
0x46: {  	_ =	shalt  }
0x47: {  	_ =	shalt  }
0x48: {  	_ =	shalt  }
0x49: {  	_ =	shalt  }
0x4a: {  	_ =	shalt  }
0x4b: {  	_ =	shalt  }
0x4c: {  	_ =	shalt  }
0x4d: {  	_ =	shalt  }
0x4e: {  	_ =	shalt  }
0x4f: {  	_ =	shalt  }
0x50: {  	_ =	shalt  }
0x51: {  	_ =	shalt  }
0x52: {  	_ =	shalt  }
0x53: {  	_ =	shalt  }
0x54: {  	_ =	shalt  }
0x55: {  	_ =	shalt  }
0x56: {  	_ =	shalt  }
0x57: {  	_ =	shalt  }
0x58: {  	_ =	shalt  }
0x59: {  	_ =	shalt  }
0x5a: {  	_ =	shalt  }
0x5b: {  	_ =	shalt  }
0x5c: {  	_ =	shalt  }
0x5d: {  	_ =	shalt  }
0x5e: {  	_ =	shalt  }
0x5f: {  	_ =	shalt  }
0x60: {  	_ =	shalt  }
0x61: {  	_ =	shalt  }
0x62: {  	_ =	shalt  }
0x63: {  	_ =	shalt  }
0x64: {  	_ =	shalt  }
0x65: {  	_ =	shalt  }
0x66: {  	_ =	shalt  }
0x67: {  	_ =	shalt  }
0x68: {  	_ =	shalt  }
0x69: {  	_ =	shalt  }
0x6a: {  	_ =	shalt  }
0x6b: {  	_ =	shalt  }
0x6c: {  	_ =	shalt  }
0x6d: {  	_ =	shalt  }
0x6e: {  	_ =	shalt  }
0x6f: {  	_ =	shalt  }
0x70: {  	_ =	shalt  }
0x71: {  	_ =	shalt  }
0x72: {  	_ =	shalt  }
0x73: {  	_ =	shalt  }
0x74: {  	_ =	shalt  }
0x75: {  	_ =	shalt  }
0x76: {  	_ =	shalt  }
0x77: {  	_ =	shalt  }
0x78: {  	_ =	shalt  }
0x79: {  	_ =	shalt  }
0x7a: {  	_ =	shalt  }
0x7b: {  	_ =	shalt  }
0x7c: {  	_ =	shalt  }
0x7d: {  	_ =	shalt  }
0x7e: {  	_ =	shalt  }
0x7f: {  	_ =	shalt  }
0x80: {  	_ =	shalt  }
0x81: {  	_ =	shalt  }
0x82: {  	_ =	shalt  }
0x83: {  	_ =	shalt  }
0x84: {  	_ =	shalt  }
0x85: {  	_ =	shalt  }
0x86: {  	_ =	shalt  }
0x87: {  	_ =	shalt  }
.Lfunc_end0:
.L_simem_size_0:
called_computation_lowered:
.L_overlay_start_0:
0x88: {  	s2 =	sld [smem:$0x3FD9]  }
0x89: {  	s3 =	sld [smem:$0x3FFE];
	_ =	sdelay $0x1  }
0x8a: {  	s1 =	srdreg.scid  }
0x8b: {  	s0 =	sand.u32 $0x1, s1  }
0x8c: {  	s17 =	sshll.u32 s0, $0xA;
	s2 =	sadd.s32 s3, s2  }
0x8d: {  	s2 =	sadd.s32 s2, s17  }
0x8e: {  	[smem:$0x3FB6] =	sst s2  }
0x8f: {  	_ = 	snop  }
0x90: {  	s18 =	sld [smem:$0x3FD0];
	(tm) =	ssettm $0x1  }
0x91: {  	s19 =	sld [smem:$0x3FFB];
	_ =	sdelay $0x3  }
0x92: {  	_ =	strace s19  }
0x93: {  	s2 =	sld [smem:$0x3FFC];
	_ =	sdelay $0x3  }
0x94: {  	_ =	strace s2  }
0x95: {  	s2 =	sld [smem:$0x3FFD];
	_ =	sdelay $0x3  }
0x96: {  	_ =	strace s2  }
0x97: {  	_ =	strace $0x8FFFFFFF  }
0x98: {  	s20 =	sld [smem:$0x3FDB];
	_ =	sdelay $0x1  }
0x99: {  	s4 =	simm.s32 $_scs_section_size  }
0x9a: {  	s5 =	simm.s32 $_size__tile_overlayer_lowered;
	s6 =	simm.s32 $_tile_overlayer_lowered  }
0x9b: {  	s7 =	simm.s32 $0x1BFF;
	s21 =	sshll.u32 s6, $0x1;
	s4 =	sadd.s32 s4, s20  }
0x9c: {  	s22 =	simm.s32 $0x0;
	s5 =	sshll.u32 s5, $0x1;
	s6 =	sadd.s32 s21, s4  }
0x9d: {  	[timem:s22], [sflag:s7] =	dma.local [hbm:s6], s5  }
0x9e: {  	_ =	swait.ge [sflag:s7], s5  }
0x9f: {  	s5 =	ssub.s32 $0x0, s5;
	[sflag:s7] =	ssyncset.done $0x0  }
0xa0: {  	[sflag:s7] =	ssyncadd.s32 s5;
	_ =	sdelay $0x1  }
0xa1: {  	s23 =	simm.s32 $0x1B8B  }
0xa2: {  	_ =	swait.ge [sflag:s23], $0x1  }
0xa3: {  	[sflag:s23] =	ssyncset.done $0x0  }
0xa4: {  	[sflag:s23] =	ssyncadd.s32 $0xFFFFFFFF  }
0xa5: {  	s5 =	sld [smem:$0x0]  }
0xa6: {  	s6 =	sand.u32 $0xFFFFFFFE, s1  }
0xa7: {  	p0 =	sne.s32 s1, s6  }
0xa8: {  	s6 =	sshll.u32 @p0 s6, $0xE  }
0xa9: {  	s6 =	sadd.s32 @p0 $0x11B8D, s6;
	s7 =	sshll.u32 @p0 s5, $0x11  }
0xaa: {  	s6 =	sor.u32 @p0 s7, s6  }
0xab: {  	[sflag:s6] =	ssyncadd.remote.s32 @p0 $0x1;
	_ =	sdelay $0x1  }
0xac: {  	s6 =	simm.s32 @p0 $0x1B8D  }
0xad: {  	_ =	swait.eq @p0 [sflag:s6], $0x1  }
0xae: {  	[sflag:s6] =	ssyncadd.s32 @p0 $0xFFFFFFFF  }
0xaf: {  	s7 =	sshll.u32 @!p0 s1, $0xE  }
0xb0: {  	s7 =	sor.u32 @!p0 $0x4000, s7;
	s6 =	simm.s32 @!p0 $0x1B8D  }
0xb1: {  	s5 =	sshll.u32 @!p0 s5, $0x11;
	s7 =	sadd.s32 @!p0 $0x11B8D, s7;
	_ =	swait.eq @!p0 [sflag:s6], $0x1  }
0xb2: {  	s5 =	sor.u32 @!p0 s5, s7;
	[sflag:s6] =	ssyncadd.s32 @!p0 $0xFFFFFFFF  }
0xb3: {  	s25 =	simm.s32 $0x1B8E;
	s24 =	sld [smem:$0x3FFE];
	[sflag:s5] =	ssyncadd.remote.s32 @!p0 $0x1  }
0xb4: {  	s26 =	simm.s32 $execute0_lowered;
	[smem:$0x3FD2] =	sst s25  }
0xb5: {  	s6 =	sshll.u32 s26, $0x1;
	_ =	strace $0x80000049;
	[dreg:$0x1] =	wrdreg $0xFFFFFFFF  }
0xb6: {  	s28 =	simm.s32 $_size_execute0_lowered;
	s4 =	sadd.s32 s4, s6;
	[dreg:$0x0] =	wrdreg $0x0  }
0xb7: {  	s6 =	sshll.u32 s28, $0x1;
	[dreg:$0x2] =	wrdreg s4  }
0xb8: {  	[dreg:$0x3] =	wrdreg s6  }
0xb9: {  	[dreg:$0x4] =	wrdreg $0xC0  }
0xba: {  	_ =	task [dreg:s22], $0x5FFFF  }
0xbb: {  	[dreg:$0x1] =	wrdreg $0xFFFFFFFF  }
0xbc: {  	[dreg:$0x0] =	wrdreg $0x60  }
0xbd: {  	[dreg:$0x2] =	wrdreg s24  }
0xbe: {  	[dreg:$0x3] =	wrdreg s18  }
0xbf: {  	[dreg:$0x4] =	wrdreg $0x9  }
0xc0: {  	_ =	task.clear_ibuf [dreg:s22], $0x5FFFF;
	_ =	strace $0x90000049  }
0xc1: {  	s29 =	simm.s32 $0x9;
	_ =	strace $0x8000004B  }
0xc2: {  	_ =	swait.ge [sflag:s29], $0x1  }
0xc3: {  	[sflag:s29] =	ssyncadd.s32 $0xFFFFFFFF  }
0xc4: {  	_ =	strace $0x9000004B  }
0xc5: {  	_ =	sfence  }
0xc6: {  	s30 =	sld [smem:$0x0];
	_ =	sdelay $0x2  }
0xc7: {  	s31 =	sshll.u32 s1, $0xD;
	s1 =	sshrl.u32 s1, $0x2  }
0xc8: {  	s4 =	sand.u32 $0x4000, s31;
	s1 =	sadd.s32 s1, s30  }
0xc9: {  	s0 =	sor.u32 s4, s0;
	s1 =	sshll.u32 s1, $0x11  }
0xca: {  	s0 =	sor.u32 s1, s0  }
0xcb: {  	s0 =	sadd.s32 $0x8F2B, s0  }
0xcc: {  	[sflag:s0] =	ssyncadd.remote.s32 $0x1  }
0xcd: {  	_ =	sfence.sel $0xFFFF  }
0xce: {  	[dreg:$0x0] =	wrdreg $0xFFFFFFFF;
	(pc) =	sbr.abs _section_cstart, $3  }
0xcf: {  	[dreg:$0x1] =	wrdreg $0xFFFFFFFF  }
0xd0: {  	_ =	task.clear_ibuf [dreg:s22], $0x2FFFF;
	_ =	strace $0x9FFFFFFF  }
0xd1: {  	(tm) =	ssettm $0x7FFFFFFF  }
tec
execute0_lowered:
.L_overlay_start_1:
0x0: {  	(tag) =	ssettag $0x1  }
0x1: {  	s0 =	srdreg.scid  }
0x2: {  	s12 =	stileid.u32;
	s5 =	rddreg [dreg:$0x0]  }
0x3: {  	s2 =	rddreg [dreg:$0x1];
	s3 =	simm.s32 $0x0;
	s13 =	simm.s32 $0x1400  }
0x4: {  	s14 =	simm.s32 $0x28;
	s15 =	simm.s32 $0x2800;
	s16 =	simm.s32 $0x7800  }
0x5: {  	s17 =	simm.s32 $0x3C00;
	s19 =	simm.s32 $0x8C00;
	s21 =	simm.s32 $0x5000  }
0x6: {  	s28 =	simm.s32 $0xB400;
	s29 =	simm.s32 $0x1;
	s30 =	simm.s32 $0x2  }
0x7: {  	s31 =	simm.s32 $0x3;
	s18 =	simm.s32 $0x7;
	s0 =	sand.u32 $0x1, s0  }
0x8: {  	s1 =	sshll.u32 s12, $0x1;
	s9 =	sadd.s32 $0x570800, s5;
	s12 =	smul.u32 $0x27100, s12  }
0x9: {  	s1 =	sor.u32 s0, s1;
	s7 =	ssub.s32 $0x2, s0;
	s0 =	smul.u32 $0x13880, s0  }
0xa: {  	[smem:$0x7FF] =	sst s3;
	s11 =	sadd.s32 $0x7E1800, s5;
	s4 =	smul.u32 $0x1388, s1  }
0xb: {  	s20 =	simm.s32 $0x8;
	_ =	strace $0x8000004A;
	s1 =	smul.u32 $0x9C400, s1  }
0xc: {  	s8 =	sshrl.u32 s7, $0x1;
	s25 =	sadd.s32 s12, s9;
	s26 =	sadd.s32 s12, s11  }
0xd: {  	s12 =	simm.s32 $0x9;
	s4 =	sshrl.u32 s4, $0x3;
	s1 =	sshrl.u32 s1, $0x3  }
0xe: {  	s6 =	sadd.s32 s4, s5;
	s4 =	sadd.s32 $0xEC00, s5;
	s1 =	sadd.s32 $0x13600, s1  }
0xf: {  	s10 =	ssub.s32 s7, s8;
	s22 =	sadd.s32 $0x566800, s6;
	s23 =	sadd.s32 $0x56B800, s6  }
.Ltmp0:
0x10: {  	s24 =	sadd.s32 s9, s1;
	s1 =	sadd.s32 s11, s1;
	(pc) =	sbr.rel .LBB2_1-.Ltmp0, $4  }
0x11: {  	s9 =	smax.u32 s10, $0x1;
	s10 =	sadd.s32 s0, s25;
	[dreg:$0x3] =	wrdreg s22  }
0x12: {  	s11 =	sadd.s32 s0, s26;
	s25 =	simm.s32 $0x6400;
	[dreg:$0x4] =	wrdreg s23  }
0x13: {  	s0 =	simm.s32 $0x5;
	s26 =	simm.s32 $0x0;
	[dreg:$0x5] =	wrdreg s24  }
0x14: {  	[dreg:$0x6] =	wrdreg s1;
	s23 =	simm.s32 $0xA000;
	s1 =	simm.s32 $0x4  }
.LBB2_4:
0x15: {  	_ =	swait.ge [sflag:s20], $0x1400  }
0x16: {  	[sflag:s20] =	ssyncset.done $0x0  }
0x17: {  	[sflag:s20] =	ssyncadd.s32 $0xFFFFEC00  }
0x18: {  	_ =	swait.ge [sflag:s20], $0x1400  }
0x19: {  	[sflag:s20] =	ssyncset.done $0x0  }
0x1a: {  	s5 =	simm.s32 $0x1360;
	[sflag:s20] =	ssyncadd.s32 $0xFFFFEC00  }
0x1b: {  	[tilespmem:s15], [sflag:$0x1] =	stream.indirect.gather [hbm4b:s2+s14], $0x80, s5, s14, $0xb8;
	[tilespmem:$0xC800] =	vst v63  }
0x1c: {  	s8 =	simm.s32 $0x2760  }
0x1d: {  	[tilespmem:s16], [sflag:$0x1] =	stream.indirect.gather [hbm4b:s4+s14], $0x80, s8, s14, $0xb8;
	[tilespmem:$0xC800] =	vst v63  }
0x1e: {  	_ =	swait.ge [sflag:s29], $0x1400  }
0x1f: {  	[sflag:s29] =	ssyncset.done $0x0  }
0x20: {  	[sflag:s29] =	ssyncadd.s32 $0xFFFFEC00  }
0x21: {  	_ =	swait.ge [sflag:s29], $0x1400  }
0x22: {  	[sflag:s29] =	ssyncset.done $0x0  }
0x23: {  	s22 =	rddreg [dreg:$0x5];
	[sflag:s29] =	ssyncadd.s32 $0xFFFFEC00  }
0x24: {  	[hbm4b:s22+s3] =	stream.linear.scatter [tilespmem:s15], [sflag:$0x5], $0x1400, $0x38;
	[tilespmem:$0xC800] =	vst v63  }
0x25: {  	s26 =	sadd.s32 $0x1, s26;
	s24 =	rddreg [dreg:$0x6]  }
0x26: {  	[hbm4b:s24+s3] =	stream.linear.scatter [tilespmem:s16], [sflag:$0x5], $0x1400, $0x38;
	[tilespmem:$0xC800] =	vst v63  }
0x27: {  	p0 =	sne.s32 s26, s9;
	_ =	swait.ge [sflag:s0], $0x1400  }
.Ltmp1:
0x28: {  	[sflag:s0] =	ssyncset.done $0x0;
	(pc) =	sbr.rel @!p0 .LBB2_5-.Ltmp1, $4  }
0x29: {  	[sflag:s0] =	ssyncadd.s32 $0xFFFFEC00  }
0x2a: {  	_ =	swait.ge [sflag:s0], $0x1400  }
0x2b: {  	[sflag:s0] =	ssyncset.done $0x0  }
0x2c: {  	[sflag:s0] =	ssyncadd.s32 $0xFFFFEC00  }
.LBB2_1:
0x2d: {  	s5 =	rddreg [dreg:$0x3]  }
0x2e: {  	[tilespmem:s3], [sflag:$0x9] =	stream.linear.gather [hbm4b:s5+s3], $0x1388, $0x38;
	[tilespmem:$0xC800] =	vst v63  }
0x2f: {  	_ =	swait.ge [sflag:s12], $0x1388  }
0x30: {  	[sflag:s12] =	ssyncset.done $0x0  }
0x31: {  	s24 =	rddreg [dreg:$0x4];
	[sflag:s12] =	ssyncadd.s32 $0xFFFFEC78  }
0x32: {  	[tilespmem:s13], [sflag:$0x9] =	stream.linear.gather [hbm4b:s24+s3], $0x1388, $0x38;
	[tilespmem:$0xC800] =	vst v63  }
0x33: {  	_ =	swait.ge [sflag:s12], $0x1388  }
0x34: {  	[sflag:s12] =	ssyncset.done $0x0  }
0x35: {  	[sflag:s12] =	ssyncadd.s32 $0xFFFFEC78  }
0x36: {  	[tilespmem:s15], [sflag:$0x1] =	stream.indirect.gather [hbm4b:s2+s14], $0x80, s3, s14, $0xb8;
	[tilespmem:$0xC800] =	vst v63  }
0x37: {  	_ = 	snop  }
0x38: {  	[tilespmem:s16], [sflag:$0x1] =	stream.indirect.gather [hbm4b:s4+s14], $0x80, s13, s14, $0xb8;
	[tilespmem:$0xC800] =	vst v63  }
0x39: {  	_ = 	snop  }
0x3a: {  	[tilespmem:s17], [sflag:$0x2] =	stream.indirect.gather [hbm4b:s2+s14], $0x80, s14, s14, $0xb8;
	[tilespmem:$0xC800] =	vst v63  }
0x3b: {  	s6 =	simm.s32 $0x1428  }
0x3c: {  	[tilespmem:s19], [sflag:$0x2] =	stream.indirect.gather [hbm4b:s4+s14], $0x80, s6, s14, $0xb8;
	[tilespmem:$0xC800] =	vst v63  }
0x3d: {  	s7 =	simm.s32 $0x50  }
0x3e: {  	[tilespmem:s21], [sflag:$0x3] =	stream.indirect.gather [hbm4b:s2+s14], $0x80, s7, s14, $0xb8;
	[tilespmem:$0xC800] =	vst v63  }
0x3f: {  	s8 =	simm.s32 $0x1450  }
0x40: {  	[tilespmem:s23], [sflag:$0x3] =	stream.indirect.gather [hbm4b:s4+s14], $0x80, s8, s14, $0xb8;
	[tilespmem:$0xC800] =	vst v63  }
0x41: {  	s22 =	simm.s32 $0x78  }
0x42: {  	[tilespmem:s25], [sflag:$0x4] =	stream.indirect.gather [hbm4b:s2+s14], $0x80, s22, s14, $0xb8;
	[tilespmem:$0xC800] =	vst v63  }
0x43: {  	s24 =	simm.s32 $0x1478  }
0x44: {  	[tilespmem:s28], [sflag:$0x4] =	stream.indirect.gather [hbm4b:s4+s14], $0x80, s24, s14, $0xb8;
	[tilespmem:$0xC800] =	vst v63  }
0x45: {  	s22 =	simm.s32 $0x0;
	s24 =	simm.s32 $0x0  }
.LBB2_2:
0x46: {  	_ =	swait.ge [sflag:s29], $0x1400  }
0x47: {  	[sflag:s29] =	ssyncset.done $0x0  }
0x48: {  	[sflag:s29] =	ssyncadd.s32 $0xFFFFEC00  }
0x49: {  	_ =	swait.ge [sflag:s29], $0x1400  }
0x4a: {  	[sflag:s29] =	ssyncset.done $0x0  }
0x4b: {  	s5 =	sadd.s32 s24, s10;
	[sflag:s29] =	ssyncadd.s32 $0xFFFFEC00  }
0x4c: {  	[hbm4b:s5+s3] =	stream.linear.scatter [tilespmem:s15], [sflag:$0x5], $0x1400, $0x38;
	[tilespmem:$0xC800] =	vst v63  }
0x4d: {  	s6 =	sadd.s32 s24, s11  }
0x4e: {  	[hbm4b:s6+s3] =	stream.linear.scatter [tilespmem:s16], [sflag:$0x5], $0x1400, $0x38;
	[tilespmem:$0xC800] =	vst v63  }
0x4f: {  	_ =	swait.ge [sflag:s30], $0x1400  }
0x50: {  	[sflag:s30] =	ssyncset.done $0x0  }
0x51: {  	[sflag:s30] =	ssyncadd.s32 $0xFFFFEC00  }
0x52: {  	_ =	swait.ge [sflag:s30], $0x1400  }
0x53: {  	[sflag:s30] =	ssyncset.done $0x0  }
0x54: {  	s7 =	sadd.s32 $0x280, s5;
	[sflag:s30] =	ssyncadd.s32 $0xFFFFEC00  }
0x55: {  	[hbm4b:s7+s3] =	stream.linear.scatter [tilespmem:s17], [sflag:$0x6], $0x1400, $0x38;
	[tilespmem:$0xC800] =	vst v63  }
0x56: {  	s8 =	sadd.s32 $0x280, s6  }
0x57: {  	[hbm4b:s8+s3] =	stream.linear.scatter [tilespmem:s19], [sflag:$0x6], $0x1400, $0x38;
	[tilespmem:$0xC800] =	vst v63  }
0x58: {  	_ =	swait.ge [sflag:s31], $0x1400  }
0x59: {  	[sflag:s31] =	ssyncset.done $0x0  }
0x5a: {  	[sflag:s31] =	ssyncadd.s32 $0xFFFFEC00  }
0x5b: {  	_ =	swait.ge [sflag:s31], $0x1400  }
0x5c: {  	[sflag:s31] =	ssyncset.done $0x0  }
0x5d: {  	s8 =	sadd.s32 $0x500, s5;
	[sflag:s31] =	ssyncadd.s32 $0xFFFFEC00  }
0x5e: {  	[hbm4b:s8+s3] =	stream.linear.scatter [tilespmem:s21], [sflag:$0x7], $0x1400, $0x38;
	[tilespmem:$0xC800] =	vst v63  }
0x5f: {  	s8 =	sadd.s32 $0x500, s6  }
0x60: {  	[hbm4b:s8+s3] =	stream.linear.scatter [tilespmem:s23], [sflag:$0x7], $0x1400, $0x38;
	[tilespmem:$0xC800] =	vst v63  }
0x61: {  	_ =	swait.ge [sflag:s1], $0x1400  }
0x62: {  	[sflag:s1] =	ssyncset.done $0x0  }
0x63: {  	[sflag:s1] =	ssyncadd.s32 $0xFFFFEC00  }
0x64: {  	_ =	swait.ge [sflag:s1], $0x1400  }
0x65: {  	[sflag:s1] =	ssyncset.done $0x0  }
0x66: {  	s5 =	sadd.s32 $0x780, s5;
	[sflag:s1] =	ssyncadd.s32 $0xFFFFEC00  }
0x67: {  	[hbm4b:s5+s3] =	stream.linear.scatter [tilespmem:s25], [sflag:$0x8], $0x1400, $0x38;
	[tilespmem:$0xC800] =	vst v63  }
0x68: {  	s8 =	sadd.s32 $0x780, s6  }
0x69: {  	[hbm4b:s8+s3] =	stream.linear.scatter [tilespmem:s28], [sflag:$0x8], $0x1400, $0x38;
	[tilespmem:$0xC800] =	vst v63  }
0x6a: {  	_ =	swait.ge [sflag:s0], $0x1400  }
0x6b: {  	[sflag:s0] =	ssyncset.done $0x0  }
0x6c: {  	[sflag:s0] =	ssyncadd.s32 $0xFFFFEC00  }
0x6d: {  	_ =	swait.ge [sflag:s0], $0x1400  }
0x6e: {  	p0 =	seq.s32 s24, $0x12C00;
	[sflag:s0] =	ssyncset.done $0x0  }
0x6f: {  	s5 =	simm.s32 @p0 $0x6;
	[sflag:s0] =	ssyncadd.s32 $0xFFFFEC00  }
0x70: {  	_ =	swait.ge @p0 [sflag:s5], $0x1400  }
0x71: {  	[sflag:s5] =	ssyncset.done @p0 $0x0  }
0x72: {  	[sflag:s5] =	ssyncadd.s32 @p0 $0xFFFFEC00  }
0x73: {  	_ =	swait.ge @p0 [sflag:s5], $0x1400  }
0x74: {  	[sflag:s5] =	ssyncset.done @p0 $0x0  }
0x75: {  	[sflag:s5] =	ssyncadd.s32 @p0 $0xFFFFEC00;
	s5 =	sshra.s32 @!p0 s22, $0x2  }
0x76: {  	s7 =	simm.s32 @!p0 $0x28;
	s8 =	simm.s32 @!p0 $0x2800;
	s6 =	sadd.s32 @!p0 $0xA0, s5  }
0x77: {  	[tilespmem:s8], [sflag:$0x1] =	stream.indirect.gather @!p0 [hbm4b:s2+s7], $0x80, s6, s7, $0xb8;
	[tilespmem:$0xC800] =	vst v63  }
0x78: {  	s6 =	sadd.s32 @!p0 $0x14A0, s5;
	s8 =	simm.s32 @!p0 $0x7800  }
0x79: {  	[tilespmem:s8], [sflag:$0x1] =	stream.indirect.gather @!p0 [hbm4b:s4+s7], $0x80, s6, s7, $0xb8;
	[tilespmem:$0xC800] =	vst v63  }
0x7a: {  	s6 =	simm.s32 @!p0 $0x6  }
0x7b: {  	_ =	swait.ge @!p0 [sflag:s6], $0x1400  }
0x7c: {  	[sflag:s6] =	ssyncset.done @!p0 $0x0  }
0x7d: {  	[sflag:s6] =	ssyncadd.s32 @!p0 $0xFFFFEC00  }
0x7e: {  	_ =	swait.ge @!p0 [sflag:s6], $0x1400  }
0x7f: {  	[sflag:s6] =	ssyncset.done @!p0 $0x0  }
0x80: {  	s8 =	simm.s32 @!p0 $0x3C00;
	[sflag:s6] =	ssyncadd.s32 @!p0 $0xFFFFEC00;
	s6 =	sadd.s32 @!p0 $0xC8, s5  }
0x81: {  	[tilespmem:s8], [sflag:$0x2] =	stream.indirect.gather @!p0 [hbm4b:s2+s7], $0x80, s6, s7, $0xb8;
	[tilespmem:$0xC800] =	vst v63  }
0x82: {  	s5 =	sadd.s32 @!p0 $0x14C8, s5;
	s6 =	simm.s32 @!p0 $0x8C00  }
0x83: {  	[tilespmem:s6], [sflag:$0x2] =	stream.indirect.gather @!p0 [hbm4b:s4+s7], $0x80, s5, s7, $0xb8;
	[tilespmem:$0xC800] =	vst v63  }
0x84: {  	_ =	swait.ge [sflag:s18], $0x1400  }
.Ltmp2:
0x85: {  	[sflag:s18] =	ssyncset.done $0x0;
	(pc) =	sbr.rel @p0 .LBB2_4-.Ltmp2, $4  }
0x86: {  	[sflag:s18] =	ssyncadd.s32 $0xFFFFEC00  }
0x87: {  	_ =	swait.ge [sflag:s18], $0x1400  }
0x88: {  	[sflag:s18] =	ssyncset.done $0x0  }
0x89: {  	[sflag:s18] =	ssyncadd.s32 $0xFFFFEC00  }
0x8a: {  	s5 =	sshra.s32 s22, $0x2  }
0x8b: {  	s6 =	sadd.s32 $0xF0, s5  }
0x8c: {  	[tilespmem:s21], [sflag:$0x3] =	stream.indirect.gather [hbm4b:s2+s14], $0x80, s6, s14, $0xb8;
	[tilespmem:$0xC800] =	vst v63  }
0x8d: {  	s7 =	sadd.s32 $0x14F0, s5  }
0x8e: {  	[tilespmem:s23], [sflag:$0x3] =	stream.indirect.gather [hbm4b:s4+s14], $0x80, s7, s14, $0xb8;
	[tilespmem:$0xC800] =	vst v63  }
0x8f: {  	_ =	swait.ge [sflag:s20], $0x1400  }
0x90: {  	[sflag:s20] =	ssyncset.done $0x0  }
0x91: {  	[sflag:s20] =	ssyncadd.s32 $0xFFFFEC00  }
0x92: {  	_ =	swait.ge [sflag:s20], $0x1400  }
.Ltmp3:
0x93: {  	[sflag:s20] =	ssyncset.done $0x0;
	(pc) =	sbr.rel .LBB2_2-.Ltmp3, $4  }
0x94: {  	s8 =	sadd.s32 $0x118, s5;
	[sflag:s20] =	ssyncadd.s32 $0xFFFFEC00  }
0x95: {  	[tilespmem:s25], [sflag:$0x4] =	stream.indirect.gather [hbm4b:s2+s14], $0x80, s8, s14, $0xb8;
	[tilespmem:$0xC800] =	vst v63  }
0x96: {  	s24 =	sadd.s32 $0xA00, s24;
	s22 =	sadd.s32 $0x280, s22;
	s5 =	sadd.s32 $0x1518, s5  }
0x97: {  	[tilespmem:s28], [sflag:$0x4] =	stream.indirect.gather [hbm4b:s4+s14], $0x80, s5, s14, $0xb8;
	[tilespmem:$0xC800] =	vst v63  }
.LBB2_5:
0x98: {  	_ =	sfence.sel $0x180000  }
0x99: {  	[bflag:$0x0] =	sbarrier.arrive $0xFFFF  }
0x9a: {  	_ =	strace $0x9000004A  }
0x9b: {  	s0 =	stileid.u32;
	[bflag:$0x2] =	sbarrier.arrive $0xFFFF  }
0x9c: {  	p0 =	sne.s32 s0, $0x0;
	s0 =	rddreg [dreg:$0x2]  }
0x9d: {  	s0 =	sadd.s32 @!p0 $0x100000, s0  }
0x9e: {  	[sflag:s0] =	ssyncadd.tile.s32 @!p0 $0x1;
	_ =	shalt  }
.Lfunc_end2:
_tile_overlayer_lowered:
.L_overlay_start_2:
0x9f: {  	(tag) =	ssettag $0x2  }
0xa0: {  	s0 =	rddreg [dreg:$0x0];
	s2 =	stileid.u32  }
0xa1: {  	s1 =	rddreg [dreg:$0x1];
	p0 =	sne.s32 s2, $0x0  }
0xa2: {  	s3 =	rddreg [dreg:$0x2];
	[bflag:$0x3] =	sbarrier.arrive $0xFFFF;
	s2 =	simm.s32 @!p0 $0x1C09  }
0xa3: {  	[timem:s3], [sflag:s2] =	dma.local @!p0 [hbm:s0], s1  }
0xa4: {  	s0 =	simm.s32 @!p0 $0x9  }
0xa5: {  	_ =	swait.ge @!p0 [sflag:s0], s1  }
0xa6: {  	s1 =	ssub.s32 @!p0 $0x0, s1;
	[sflag:s0] =	ssyncset.done @!p0 $0x0  }
0xa7: {  	[sflag:s0] =	ssyncadd.s32 @!p0 s1  }
0xa8: {  	[bflag:$0x3] =	sbarrier.arrive $0xFFFF  }
0xa9: {  	_ =	shalt  }

// kernel: kernel.13.cloned.1.call-start
scs
__scs_entry_jumppad:
0x0: {  	(pc) =	sbr.rel $0x88, $3  }
0x1: {  	(tag) =	ssettag $0x0;
	lr =	simm.s32 $0x1  }
0x2: {  	[smem:$0x3F8F] =	sst lr;
	_ =	strace $0xD0000000  }
0x3: {  	_ = 	snop  }
0x4: {  	_ = 	snop  }
0x5: {  	_ = 	snop  }
0x6: {  	_ = 	snop  }
0x7: {  	_ = 	snop  }
__scs_overlays_trampoline_lowered:
0x8: {  	[smem:$0x3F9E] =	sst s0  }
0x9: {  	[smem:$0x3F9F] =	sst s1  }
0xa: {  	[smem:$0x3FA0] =	sst s2  }
0xb: {  	[smem:$0x3FA1] =	sst s3  }
0xc: {  	[smem:$0x3FA2] =	sst s4  }
0xd: {  	[smem:$0x3FA3] =	sst s5  }
0xe: {  	[smem:$0x3FA4] =	sst s6  }
0xf: {  	[smem:$0x3FA5] =	sst s7  }
0x10: {  	[smem:$0x3FA6] =	sst s8  }
0x11: {  	[smem:$0x3FA7] =	sst s9;
	s0 =	simm.s32 @!p0 $0x0  }
0x12: {  	s1 =	sld [smem:$0x3F8D];
	s0 =	simm.s32 @p0 $0x1  }
0x13: {  	[smem:$0x3FA8] =	sst s0;
	s0 =	simm.s32 @!p1 $0x0  }
0x14: {  	s2 =	sld [smem:$0x3F8C];
	s0 =	simm.s32 @p1 $0x1  }
0x15: {  	[smem:$0x3FA9] =	sst s0;
	s0 =	simm.s32 @!p2 $0x0  }
0x16: {  	s3 =	sld [smem:$0x3FDB];
	s0 =	simm.s32 @p2 $0x1  }
0x17: {  	s4 =	simm.s32 $0x1BF5;
	[smem:$0x3FAB] =	sst s0  }
0x18: {  	s0 =	sld [smem:$0x3F8E];
	_ =	swait.ge [sflag:s4], $0x0  }
0x19: {  	s7 =	sld [smem:$0x3F8F]  }
0x1a: {  	s8 =	sadd.s32 $0xFFFFE003, lr  }
0x1b: {  	s9 =	sadd.s32 $0xFFFFFEF7, lr;
	s5 =	simm.s32 $0xFFFFFFFF;
	p2 =	slt.u32 s8, $0xFFFFF086  }
0x1c: {  	p1 =	slt.u32 s9, $0xF7A;
	s5 =	simm.s32 @!p2 $0x0  }
0x1d: {  	s5 =	simm.s32 @p1 $0x1;
	p0 =	seq.s32 s7, s2  }
0x1e: {  	s7 =	smul.u32 @!p0 $0xF7A, s2;
	p2 =	seq.s32 @!p0 s5, $0x0  }
0x1f: {  	s9 =	smul.u32 $0xF7A, s1;
	s8 =	simm.s32 @!p0 $0x1BF5;
	p2 =	por !p2, p0  }
0x20: {  	[sflag:s8] =	ssyncset.s32 @!p0 $0xFFFFF086;
	s6 =	sadd.s32 @!p0 s3, s7;
	s7 =	simm.s32 @!p0 $0x108  }
0x21: {  	s3 =	sadd.s32 s3, s9;
	s6 =	sadd.s32 @!p0 $0x88, s6;
	s7 =	simm.s32 @p2 $0x1082  }
0x22: {  	[simem:s7], [sflag:s8] =	dma.local @!p0 [hbm:s6], $0xF7A  }
0x23: {  	s9 =	sor.u32 $0xD0000000, s2;
	s6 =	simm.s32 $0x108;
	_ =	swait.ge @!p0 [sflag:s8], $0x0  }
0x24: {  	s3 =	sadd.s32 $0x88, s3;
	s6 =	simm.s32 @!p1 $0x1082;
	[sflag:s4] =	ssyncset.s32 $0xFFFFF086  }
0x25: {  	[simem:s6], [sflag:s4] =	dma.local [hbm:s3], $0xF7A  }
0x26: {  	[smem:$0x3F8F] =	sst s1;
	(tag) =	ssettag s2;
	_ =	strace s9  }
0x27: {  	s1 =	sld [smem:$0x3F9F]  }
0x28: {  	s2 =	sld [smem:$0x3FA0]  }
0x29: {  	s4 =	sld [smem:$0x3FA2]  }
0x2a: {  	p0 =	seq.s32 s5, $0x0;
	s5 =	sld [smem:$0x3FA3]  }
0x2b: {  	s6 =	sld [smem:$0x3FA4]  }
0x2c: {  	s7 =	sld [smem:$0x3FA5]  }
0x2d: {  	s3 =	simm.s32 $0x108;
	s8 =	sld [smem:$0x3FA6]  }
0x2e: {  	s3 =	simm.s32 @!p0 $0x1082;
	s9 =	sld [smem:$0x3FA7]  }
0x2f: {  	lr =	sadd.s32 s0, s3;
	s0 =	sld [smem:$0x3F9E]  }
0x30: {  	s3 =	sld [smem:$0x3FA1]  }
0x31: {  	[smem:$0x3FAA] =	sst s10  }
0x32: {  	s10 =	sld [smem:$0x3FA8];
	_ =	sdelay $0x3  }
0x33: {  	p0 =	seq.s32 s10, $0x1;
	s10 =	sld [smem:$0x3FAA];
	_ =	sdelay $0x3  }
0x34: {  	[smem:$0x3FAA] =	sst s10  }
0x35: {  	s10 =	sld [smem:$0x3FA9];
	_ =	sdelay $0x3  }
0x36: {  	p1 =	seq.s32 s10, $0x1;
	s10 =	sld [smem:$0x3FAA];
	_ =	sdelay $0x3  }
0x37: {  	[smem:$0x3FAA] =	sst s10  }
0x38: {  	s10 =	sld [smem:$0x3FAB]  }
0x39: {  	_ = 	snop;
	(pc) =	sbr.ind lr, $3  }
0x3a: {  	_ = 	snop  }
0x3b: {  	_ = 	snop  }
0x3c: {  	p2 =	seq.s32 s10, $0x1;
	s10 =	sld [smem:$0x3FAA]  }
0x3d: {  	_ =	shalt  }
0x3e: {  	_ =	shalt  }
0x3f: {  	_ =	shalt  }
0x40: {  	_ =	shalt  }
0x41: {  	_ =	shalt  }
0x42: {  	_ =	shalt  }
0x43: {  	_ =	shalt  }
0x44: {  	_ =	shalt  }
0x45: {  	_ =	shalt  }
0x46: {  	_ =	shalt  }
0x47: {  	_ =	shalt  }
0x48: {  	_ =	shalt  }
0x49: {  	_ =	shalt  }
0x4a: {  	_ =	shalt  }
0x4b: {  	_ =	shalt  }
0x4c: {  	_ =	shalt  }
0x4d: {  	_ =	shalt  }
0x4e: {  	_ =	shalt  }
0x4f: {  	_ =	shalt  }
0x50: {  	_ =	shalt  }
0x51: {  	_ =	shalt  }
0x52: {  	_ =	shalt  }
0x53: {  	_ =	shalt  }
0x54: {  	_ =	shalt  }
0x55: {  	_ =	shalt  }
0x56: {  	_ =	shalt  }
0x57: {  	_ =	shalt  }
0x58: {  	_ =	shalt  }
0x59: {  	_ =	shalt  }
0x5a: {  	_ =	shalt  }
0x5b: {  	_ =	shalt  }
0x5c: {  	_ =	shalt  }
0x5d: {  	_ =	shalt  }
0x5e: {  	_ =	shalt  }
0x5f: {  	_ =	shalt  }
0x60: {  	_ =	shalt  }
0x61: {  	_ =	shalt  }
0x62: {  	_ =	shalt  }
0x63: {  	_ =	shalt  }
0x64: {  	_ =	shalt  }
0x65: {  	_ =	shalt  }
0x66: {  	_ =	shalt  }
0x67: {  	_ =	shalt  }
0x68: {  	_ =	shalt  }
0x69: {  	_ =	shalt  }
0x6a: {  	_ =	shalt  }
0x6b: {  	_ =	shalt  }
0x6c: {  	_ =	shalt  }
0x6d: {  	_ =	shalt  }
0x6e: {  	_ =	shalt  }
0x6f: {  	_ =	shalt  }
0x70: {  	_ =	shalt  }
0x71: {  	_ =	shalt  }
0x72: {  	_ =	shalt  }
0x73: {  	_ =	shalt  }
0x74: {  	_ =	shalt  }
0x75: {  	_ =	shalt  }
0x76: {  	_ =	shalt  }
0x77: {  	_ =	shalt  }
0x78: {  	_ =	shalt  }
0x79: {  	_ =	shalt  }
0x7a: {  	_ =	shalt  }
0x7b: {  	_ =	shalt  }
0x7c: {  	_ =	shalt  }
0x7d: {  	_ =	shalt  }
0x7e: {  	_ =	shalt  }
0x7f: {  	_ =	shalt  }
0x80: {  	_ =	shalt  }
0x81: {  	_ =	shalt  }
0x82: {  	_ =	shalt  }
0x83: {  	_ =	shalt  }
0x84: {  	_ =	shalt  }
0x85: {  	_ =	shalt  }
0x86: {  	_ =	shalt  }
0x87: {  	_ =	shalt  }
.Lfunc_end0:
.L_simem_size_0:
called_computation.1_lowered:
.L_overlay_start_0:
0x88: {  	s2 =	sld [smem:$0x3FD9]  }
0x89: {  	s3 =	sld [smem:$0x3FFE];
	_ =	sdelay $0x1  }
0x8a: {  	s1 =	srdreg.scid  }
0x8b: {  	s0 =	sand.u32 $0x1, s1  }
0x8c: {  	s17 =	sshll.u32 s0, $0xA;
	s2 =	sadd.s32 s3, s2  }
0x8d: {  	s2 =	sadd.s32 s2, s17  }
0x8e: {  	[smem:$0x3FB6] =	sst s2  }
0x8f: {  	_ = 	snop  }
0x90: {  	s2 =	sld [smem:$0x3FD0];
	(tm) =	ssettm $0x1  }
0x91: {  	s18 =	sld [smem:$0x3FFB];
	_ =	sdelay $0x3  }
0x92: {  	_ =	strace s18  }
0x93: {  	s3 =	sld [smem:$0x3FFC];
	_ =	sdelay $0x3  }
0x94: {  	_ =	strace s3  }
0x95: {  	s3 =	sld [smem:$0x3FFD];
	_ =	sdelay $0x3  }
0x96: {  	_ =	strace s3  }
0x97: {  	_ =	strace $0x8FFFFFFF  }
0x98: {  	s19 =	sld [smem:$0x3FDB];
	_ =	sdelay $0x1  }
0x99: {  	s4 =	simm.s32 $_scs_section_size  }
0x9a: {  	s5 =	simm.s32 $_size__tile_overlayer_lowered;
	s6 =	simm.s32 $_tile_overlayer_lowered  }
0x9b: {  	s22 =	simm.s32 $0x1BFF;
	s21 =	sshll.u32 s6, $0x1;
	s3 =	sadd.s32 s4, s19  }
0x9c: {  	s7 =	simm.s32 $0x0;
	s20 =	sshll.u32 s5, $0x1;
	s5 =	sadd.s32 s21, s3  }
0x9d: {  	[timem:s7], [sflag:s22] =	dma.local [hbm:s5], s20  }
0x9e: {  	_ =	swait.ge [sflag:s22], s20  }
0x9f: {  	s4 =	ssub.s32 $0x0, s20;
	[sflag:s22] =	ssyncset.done $0x0  }
0xa0: {  	[sflag:s22] =	ssyncadd.s32 s4;
	_ =	sdelay $0x1  }
0xa1: {  	s23 =	simm.s32 $0x1B8B  }
0xa2: {  	_ =	swait.ge [sflag:s23], $0x1  }
0xa3: {  	[sflag:s23] =	ssyncset.done $0x0  }
0xa4: {  	s25 =	simm.s32 $0x1B8E;
	s24 =	sld [smem:$0x3FFE];
	[sflag:s23] =	ssyncadd.s32 $0xFFFFFFFF  }
0xa5: {  	s26 =	simm.s32 $execute0_lowered;
	[smem:$0x3FD2] =	sst s25  }
0xa6: {  	s5 =	sshll.u32 s26, $0x1;
	_ =	strace $0x80000046;
	[dreg:$0x1] =	wrdreg $0xFFFFFFFF  }
0xa7: {  	s28 =	simm.s32 $_size_execute0_lowered;
	s3 =	sadd.s32 s3, s5;
	[dreg:$0x0] =	wrdreg $0x0  }
0xa8: {  	s5 =	sshll.u32 s28, $0x1;
	[dreg:$0x2] =	wrdreg s3  }
0xa9: {  	[dreg:$0x3] =	wrdreg s5  }
0xaa: {  	[dreg:$0x4] =	wrdreg $0xC0  }
0xab: {  	_ =	task [dreg:s7], $0x5FFFF  }
0xac: {  	[dreg:$0x1] =	wrdreg $0xFFFFFFFF  }
0xad: {  	[dreg:$0x0] =	wrdreg $0x60  }
0xae: {  	[dreg:$0x2] =	wrdreg s24  }
0xaf: {  	[dreg:$0x3] =	wrdreg s2  }
0xb0: {  	[dreg:$0x4] =	wrdreg $0xA  }
0xb1: {  	_ =	task.clear_ibuf [dreg:s7], $0x5FFFF;
	_ =	strace $0x90000046  }
0xb2: {  	s29 =	simm.s32 $0xA;
	_ =	strace $0x80000048  }
0xb3: {  	_ =	swait.ge [sflag:s29], $0x1  }
0xb4: {  	[sflag:s29] =	ssyncadd.s32 $0xFFFFFFFF  }
0xb5: {  	_ =	strace $0x90000048  }
0xb6: {  	_ =	sfence  }
0xb7: {  	s30 =	sld [smem:$0x0];
	_ =	sdelay $0x2  }
0xb8: {  	s31 =	sshll.u32 s1, $0xD;
	s1 =	sshrl.u32 s1, $0x2  }
0xb9: {  	s3 =	sand.u32 $0x4000, s31;
	s1 =	sadd.s32 s1, s30  }
0xba: {  	s0 =	sor.u32 s3, s0;
	s1 =	sshll.u32 s1, $0x11  }
0xbb: {  	s0 =	sor.u32 s1, s0  }
0xbc: {  	s0 =	sadd.s32 $0x8F2B, s0  }
0xbd: {  	[sflag:s0] =	ssyncadd.remote.s32 $0x1  }
0xbe: {  	_ =	sfence.sel $0xFFFF  }
0xbf: {  	[dreg:$0x0] =	wrdreg $0xFFFFFFFF;
	(pc) =	sbr.abs _section_cstart, $3  }
0xc0: {  	[dreg:$0x1] =	wrdreg $0xFFFFFFFF  }
0xc1: {  	_ =	task.clear_ibuf [dreg:s7], $0x2FFFF;
	_ =	strace $0x9FFFFFFF  }
0xc2: {  	(tm) =	ssettm $0x7FFFFFFF  }
0xc3: {  	_ =	shalt  }
tec
execute0_lowered:
.L_overlay_start_1:
0x0: {  	(tag) =	ssettag $0x1  }
0x1: {  	s0 =	srdreg.scid  }
0x2: {  	s12 =	stileid.u32;
	s5 =	rddreg [dreg:$0x0]  }
0x3: {  	s2 =	rddreg [dreg:$0x1];
	s3 =	simm.s32 $0x0;
	s13 =	simm.s32 $0x1400  }
0x4: {  	s14 =	simm.s32 $0x28;
	s15 =	simm.s32 $0x2800;
	s16 =	simm.s32 $0x7800  }
0x5: {  	s17 =	simm.s32 $0x3C00;
	s19 =	simm.s32 $0x8C00;
	s21 =	simm.s32 $0x5000  }
0x6: {  	s28 =	simm.s32 $0xB400;
	s29 =	simm.s32 $0x1;
	s30 =	simm.s32 $0x2  }
0x7: {  	s31 =	simm.s32 $0x3;
	s18 =	simm.s32 $0x7;
	s20 =	simm.s32 $0x8  }
0x8: {  	s0 =	sand.u32 $0x1, s0;
	s1 =	sshll.u32 s12, $0x1;
	[smem:$0x7FF] =	sst s3  }
0x9: {  	s9 =	sadd.s32 $0x84800, s5;
	s11 =	sadd.s32 $0x2F5800, s5;
	s12 =	smul.u32 $0x27100, s12  }
0xa: {  	s1 =	sor.u32 s0, s1;
	s7 =	ssub.s32 $0x2, s0;
	s0 =	smul.u32 $0x13880, s0  }
0xb: {  	_ =	strace $0x80000047;
	s4 =	smul.u32 $0x1388, s1;
	s8 =	sshrl.u32 s7, $0x1  }
0xc: {  	s1 =	smul.u32 $0x9C400, s1;
	s25 =	sadd.s32 s12, s9;
	s26 =	sadd.s32 s12, s11  }
0xd: {  	s12 =	simm.s32 $0x9;
	s10 =	ssub.s32 s7, s8;
	s4 =	sshrl.u32 s4, $0x3  }
0xe: {  	s1 =	sshrl.u32 s1, $0x3;
	s6 =	sadd.s32 s4, s5;
	s4 =	sadd.s32 $0xEC00, s5  }
0xf: {  	s1 =	sadd.s32 $0x13600, s1;
	s22 =	sadd.s32 $0x9C00, s6;
	s23 =	sadd.s32 $0x4C00, s6  }
.Ltmp0:
0x10: {  	s24 =	sadd.s32 s9, s1;
	s1 =	sadd.s32 s11, s1;
	(pc) =	sbr.rel .LBB2_1-.Ltmp0, $4  }
0x11: {  	s9 =	smax.u32 s10, $0x1;
	s10 =	sadd.s32 s0, s25;
	[dreg:$0x3] =	wrdreg s22  }
0x12: {  	s11 =	sadd.s32 s0, s26;
	s25 =	simm.s32 $0x6400;
	[dreg:$0x4] =	wrdreg s23  }
0x13: {  	s0 =	simm.s32 $0x5;
	s26 =	simm.s32 $0x0;
	[dreg:$0x5] =	wrdreg s24  }
0x14: {  	[dreg:$0x6] =	wrdreg s1;
	s23 =	simm.s32 $0xA000;
	s1 =	simm.s32 $0x4  }
.LBB2_4:
0x15: {  	_ =	swait.ge [sflag:s20], $0x1400  }
0x16: {  	[sflag:s20] =	ssyncset.done $0x0  }
0x17: {  	[sflag:s20] =	ssyncadd.s32 $0xFFFFEC00  }
0x18: {  	_ =	swait.ge [sflag:s20], $0x1400  }
0x19: {  	[sflag:s20] =	ssyncset.done $0x0  }
0x1a: {  	s5 =	simm.s32 $0x1360;
	[sflag:s20] =	ssyncadd.s32 $0xFFFFEC00  }
0x1b: {  	[tilespmem:s15], [sflag:$0x1] =	stream.indirect.gather [hbm4b:s2+s14], $0x80, s5, s14, $0xb8;
	[tilespmem:$0xC800] =	vst v63  }
0x1c: {  	s8 =	simm.s32 $0x2760  }
0x1d: {  	[tilespmem:s16], [sflag:$0x1] =	stream.indirect.gather [hbm4b:s4+s14], $0x80, s8, s14, $0xb8;
	[tilespmem:$0xC800] =	vst v63  }
0x1e: {  	_ =	swait.ge [sflag:s29], $0x1400  }
0x1f: {  	[sflag:s29] =	ssyncset.done $0x0  }
0x20: {  	[sflag:s29] =	ssyncadd.s32 $0xFFFFEC00  }
0x21: {  	_ =	swait.ge [sflag:s29], $0x1400  }
0x22: {  	[sflag:s29] =	ssyncset.done $0x0  }
0x23: {  	s22 =	rddreg [dreg:$0x5];
	[sflag:s29] =	ssyncadd.s32 $0xFFFFEC00  }
0x24: {  	[hbm4b:s22+s3] =	stream.linear.scatter [tilespmem:s15], [sflag:$0x5], $0x1400, $0x38;
	[tilespmem:$0xC800] =	vst v63  }
0x25: {  	s26 =	sadd.s32 $0x1, s26;
	s24 =	rddreg [dreg:$0x6]  }
0x26: {  	[hbm4b:s24+s3] =	stream.linear.scatter [tilespmem:s16], [sflag:$0x5], $0x1400, $0x38;
	[tilespmem:$0xC800] =	vst v63  }
0x27: {  	p0 =	sne.s32 s26, s9;
	_ =	swait.ge [sflag:s0], $0x1400  }
.Ltmp1:
0x28: {  	[sflag:s0] =	ssyncset.done $0x0;
	(pc) =	sbr.rel @!p0 .LBB2_5-.Ltmp1, $4  }
0x29: {  	[sflag:s0] =	ssyncadd.s32 $0xFFFFEC00  }
0x2a: {  	_ =	swait.ge [sflag:s0], $0x1400  }
0x2b: {  	[sflag:s0] =	ssyncset.done $0x0  }
0x2c: {  	[sflag:s0] =	ssyncadd.s32 $0xFFFFEC00  }
.LBB2_1:
0x2d: {  	s5 =	rddreg [dreg:$0x3]  }
0x2e: {  	[tilespmem:s3], [sflag:$0x9] =	stream.linear.gather [hbm4b:s5+s3], $0x1388, $0x38;
	[tilespmem:$0xC800] =	vst v63  }
0x2f: {  	_ =	swait.ge [sflag:s12], $0x1388  }
0x30: {  	[sflag:s12] =	ssyncset.done $0x0  }
0x31: {  	s24 =	rddreg [dreg:$0x4];
	[sflag:s12] =	ssyncadd.s32 $0xFFFFEC78  }
0x32: {  	[tilespmem:s13], [sflag:$0x9] =	stream.linear.gather [hbm4b:s24+s3], $0x1388, $0x38;
	[tilespmem:$0xC800] =	vst v63  }
0x33: {  	_ =	swait.ge [sflag:s12], $0x1388  }
0x34: {  	[sflag:s12] =	ssyncset.done $0x0  }
0x35: {  	[sflag:s12] =	ssyncadd.s32 $0xFFFFEC78  }
0x36: {  	[tilespmem:s15], [sflag:$0x1] =	stream.indirect.gather [hbm4b:s2+s14], $0x80, s3, s14, $0xb8;
	[tilespmem:$0xC800] =	vst v63  }
0x37: {  	_ = 	snop  }
0x38: {  	[tilespmem:s16], [sflag:$0x1] =	stream.indirect.gather [hbm4b:s4+s14], $0x80, s13, s14, $0xb8;
	[tilespmem:$0xC800] =	vst v63  }
0x39: {  	_ = 	snop  }
0x3a: {  	[tilespmem:s17], [sflag:$0x2] =	stream.indirect.gather [hbm4b:s2+s14], $0x80, s14, s14, $0xb8;
	[tilespmem:$0xC800] =	vst v63  }
0x3b: {  	s6 =	simm.s32 $0x1428  }
0x3c: {  	[tilespmem:s19], [sflag:$0x2] =	stream.indirect.gather [hbm4b:s4+s14], $0x80, s6, s14, $0xb8;
	[tilespmem:$0xC800] =	vst v63  }
0x3d: {  	s7 =	simm.s32 $0x50  }
0x3e: {  	[tilespmem:s21], [sflag:$0x3] =	stream.indirect.gather [hbm4b:s2+s14], $0x80, s7, s14, $0xb8;
	[tilespmem:$0xC800] =	vst v63  }
0x3f: {  	s8 =	simm.s32 $0x1450  }
0x40: {  	[tilespmem:s23], [sflag:$0x3] =	stream.indirect.gather [hbm4b:s4+s14], $0x80, s8, s14, $0xb8;
	[tilespmem:$0xC800] =	vst v63  }
0x41: {  	s22 =	simm.s32 $0x78  }
0x42: {  	[tilespmem:s25], [sflag:$0x4] =	stream.indirect.gather [hbm4b:s2+s14], $0x80, s22, s14, $0xb8;
	[tilespmem:$0xC800] =	vst v63  }
0x43: {  	s24 =	simm.s32 $0x1478  }
0x44: {  	[tilespmem:s28], [sflag:$0x4] =	stream.indirect.gather [hbm4b:s4+s14], $0x80, s24, s14, $0xb8;
	[tilespmem:$0xC800] =	vst v63  }
0x45: {  	s22 =	simm.s32 $0x0;
	s24 =	simm.s32 $0x0  }
.LBB2_2:
0x46: {  	_ =	swait.ge [sflag:s29], $0x1400  }
0x47: {  	[sflag:s29] =	ssyncset.done $0x0  }
0x48: {  	[sflag:s29] =	ssyncadd.s32 $0xFFFFEC00  }
0x49: {  	_ =	swait.ge [sflag:s29], $0x1400  }
0x4a: {  	[sflag:s29] =	ssyncset.done $0x0  }
0x4b: {  	s5 =	sadd.s32 s24, s10;
	[sflag:s29] =	ssyncadd.s32 $0xFFFFEC00  }
0x4c: {  	[hbm4b:s5+s3] =	stream.linear.scatter [tilespmem:s15], [sflag:$0x5], $0x1400, $0x38;
	[tilespmem:$0xC800] =	vst v63  }
0x4d: {  	s6 =	sadd.s32 s24, s11  }
0x4e: {  	[hbm4b:s6+s3] =	stream.linear.scatter [tilespmem:s16], [sflag:$0x5], $0x1400, $0x38;
	[tilespmem:$0xC800] =	vst v63  }
0x4f: {  	_ =	swait.ge [sflag:s30], $0x1400  }
0x50: {  	[sflag:s30] =	ssyncset.done $0x0  }
0x51: {  	[sflag:s30] =	ssyncadd.s32 $0xFFFFEC00  }
0x52: {  	_ =	swait.ge [sflag:s30], $0x1400  }
0x53: {  	[sflag:s30] =	ssyncset.done $0x0  }
0x54: {  	s7 =	sadd.s32 $0x280, s5;
	[sflag:s30] =	ssyncadd.s32 $0xFFFFEC00  }
0x55: {  	[hbm4b:s7+s3] =	stream.linear.scatter [tilespmem:s17], [sflag:$0x6], $0x1400, $0x38;
	[tilespmem:$0xC800] =	vst v63  }
0x56: {  	s8 =	sadd.s32 $0x280, s6  }
0x57: {  	[hbm4b:s8+s3] =	stream.linear.scatter [tilespmem:s19], [sflag:$0x6], $0x1400, $0x38;
	[tilespmem:$0xC800] =	vst v63  }
0x58: {  	_ =	swait.ge [sflag:s31], $0x1400  }
0x59: {  	[sflag:s31] =	ssyncset.done $0x0  }
0x5a: {  	[sflag:s31] =	ssyncadd.s32 $0xFFFFEC00  }
0x5b: {  	_ =	swait.ge [sflag:s31], $0x1400  }
0x5c: {  	[sflag:s31] =	ssyncset.done $0x0  }
0x5d: {  	s8 =	sadd.s32 $0x500, s5;
	[sflag:s31] =	ssyncadd.s32 $0xFFFFEC00  }
0x5e: {  	[hbm4b:s8+s3] =	stream.linear.scatter [tilespmem:s21], [sflag:$0x7], $0x1400, $0x38;
	[tilespmem:$0xC800] =	vst v63  }
0x5f: {  	s8 =	sadd.s32 $0x500, s6  }
0x60: {  	[hbm4b:s8+s3] =	stream.linear.scatter [tilespmem:s23], [sflag:$0x7], $0x1400, $0x38;
	[tilespmem:$0xC800] =	vst v63  }
0x61: {  	_ =	swait.ge [sflag:s1], $0x1400  }
0x62: {  	[sflag:s1] =	ssyncset.done $0x0  }
0x63: {  	[sflag:s1] =	ssyncadd.s32 $0xFFFFEC00  }
0x64: {  	_ =	swait.ge [sflag:s1], $0x1400  }
0x65: {  	[sflag:s1] =	ssyncset.done $0x0  }
0x66: {  	s5 =	sadd.s32 $0x780, s5;
	[sflag:s1] =	ssyncadd.s32 $0xFFFFEC00  }
0x67: {  	[hbm4b:s5+s3] =	stream.linear.scatter [tilespmem:s25], [sflag:$0x8], $0x1400, $0x38;
	[tilespmem:$0xC800] =	vst v63  }
0x68: {  	s8 =	sadd.s32 $0x780, s6  }
0x69: {  	[hbm4b:s8+s3] =	stream.linear.scatter [tilespmem:s28], [sflag:$0x8], $0x1400, $0x38;
	[tilespmem:$0xC800] =	vst v63  }
0x6a: {  	_ =	swait.ge [sflag:s0], $0x1400  }
0x6b: {  	[sflag:s0] =	ssyncset.done $0x0  }
0x6c: {  	[sflag:s0] =	ssyncadd.s32 $0xFFFFEC00  }
0x6d: {  	_ =	swait.ge [sflag:s0], $0x1400  }
0x6e: {  	p0 =	seq.s32 s24, $0x12C00;
	[sflag:s0] =	ssyncset.done $0x0  }
0x6f: {  	s5 =	simm.s32 @p0 $0x6;
	[sflag:s0] =	ssyncadd.s32 $0xFFFFEC00  }
0x70: {  	_ =	swait.ge @p0 [sflag:s5], $0x1400  }
0x71: {  	[sflag:s5] =	ssyncset.done @p0 $0x0  }
0x72: {  	[sflag:s5] =	ssyncadd.s32 @p0 $0xFFFFEC00  }
0x73: {  	_ =	swait.ge @p0 [sflag:s5], $0x1400  }
0x74: {  	[sflag:s5] =	ssyncset.done @p0 $0x0  }
0x75: {  	[sflag:s5] =	ssyncadd.s32 @p0 $0xFFFFEC00;
	s5 =	sshra.s32 @!p0 s22, $0x2  }
0x76: {  	s7 =	simm.s32 @!p0 $0x28;
	s8 =	simm.s32 @!p0 $0x2800;
	s6 =	sadd.s32 @!p0 $0xA0, s5  }
0x77: {  	[tilespmem:s8], [sflag:$0x1] =	stream.indirect.gather @!p0 [hbm4b:s2+s7], $0x80, s6, s7, $0xb8;
	[tilespmem:$0xC800] =	vst v63  }
0x78: {  	s6 =	sadd.s32 @!p0 $0x14A0, s5;
	s8 =	simm.s32 @!p0 $0x7800  }
0x79: {  	[tilespmem:s8], [sflag:$0x1] =	stream.indirect.gather @!p0 [hbm4b:s4+s7], $0x80, s6, s7, $0xb8;
	[tilespmem:$0xC800] =	vst v63  }
0x7a: {  	s6 =	simm.s32 @!p0 $0x6  }
0x7b: {  	_ =	swait.ge @!p0 [sflag:s6], $0x1400  }
0x7c: {  	[sflag:s6] =	ssyncset.done @!p0 $0x0  }
0x7d: {  	[sflag:s6] =	ssyncadd.s32 @!p0 $0xFFFFEC00  }
0x7e: {  	_ =	swait.ge @!p0 [sflag:s6], $0x1400  }
0x7f: {  	[sflag:s6] =	ssyncset.done @!p0 $0x0  }
0x80: {  	s8 =	simm.s32 @!p0 $0x3C00;
	[sflag:s6] =	ssyncadd.s32 @!p0 $0xFFFFEC00;
	s6 =	sadd.s32 @!p0 $0xC8, s5  }
0x81: {  	[tilespmem:s8], [sflag:$0x2] =	stream.indirect.gather @!p0 [hbm4b:s2+s7], $0x80, s6, s7, $0xb8;
	[tilespmem:$0xC800] =	vst v63  }
0x82: {  	s5 =	sadd.s32 @!p0 $0x14C8, s5;
	s6 =	simm.s32 @!p0 $0x8C00  }
0x83: {  	[tilespmem:s6], [sflag:$0x2] =	stream.indirect.gather @!p0 [hbm4b:s4+s7], $0x80, s5, s7, $0xb8;
	[tilespmem:$0xC800] =	vst v63  }
0x84: {  	_ =	swait.ge [sflag:s18], $0x1400  }
.Ltmp2:
0x85: {  	[sflag:s18] =	ssyncset.done $0x0;
	(pc) =	sbr.rel @p0 .LBB2_4-.Ltmp2, $4  }
0x86: {  	[sflag:s18] =	ssyncadd.s32 $0xFFFFEC00  }
0x87: {  	_ =	swait.ge [sflag:s18], $0x1400  }
0x88: {  	[sflag:s18] =	ssyncset.done $0x0  }
0x89: {  	[sflag:s18] =	ssyncadd.s32 $0xFFFFEC00  }
0x8a: {  	s5 =	sshra.s32 s22, $0x2  }
0x8b: {  	s6 =	sadd.s32 $0xF0, s5  }
0x8c: {  	[tilespmem:s21], [sflag:$0x3] =	stream.indirect.gather [hbm4b:s2+s14], $0x80, s6, s14, $0xb8;
	[tilespmem:$0xC800] =	vst v63  }
0x8d: {  	s7 =	sadd.s32 $0x14F0, s5  }
0x8e: {  	[tilespmem:s23], [sflag:$0x3] =	stream.indirect.gather [hbm4b:s4+s14], $0x80, s7, s14, $0xb8;
	[tilespmem:$0xC800] =	vst v63  }
0x8f: {  	_ =	swait.ge [sflag:s20], $0x1400  }
0x90: {  	[sflag:s20] =	ssyncset.done $0x0  }
0x91: {  	[sflag:s20] =	ssyncadd.s32 $0xFFFFEC00  }
0x92: {  	_ =	swait.ge [sflag:s20], $0x1400  }
.Ltmp3:
0x93: {  	[sflag:s20] =	ssyncset.done $0x0;
	(pc) =	sbr.rel .LBB2_2-.Ltmp3, $4  }
0x94: {  	s8 =	sadd.s32 $0x118, s5;
	[sflag:s20] =	ssyncadd.s32 $0xFFFFEC00  }
0x95: {  	[tilespmem:s25], [sflag:$0x4] =	stream.indirect.gather [hbm4b:s2+s14], $0x80, s8, s14, $0xb8;
	[tilespmem:$0xC800] =	vst v63  }
0x96: {  	s24 =	sadd.s32 $0xA00, s24;
	s22 =	sadd.s32 $0x280, s22;
	s5 =	sadd.s32 $0x1518, s5  }
0x97: {  	[tilespmem:s28], [sflag:$0x4] =	stream.indirect.gather [hbm4b:s4+s14], $0x80, s5, s14, $0xb8;
	[tilespmem:$0xC800] =	vst v63  }
.LBB2_5:
0x98: {  	_ =	sfence.sel $0x180000  }
0x99: {  	[bflag:$0x0] =	sbarrier.arrive $0xFFFF  }
0x9a: {  	_ =	strace $0x90000047  }
0x9b: {  	s0 =	stileid.u32;
	[bflag:$0x2] =	sbarrier.arrive $0xFFFF  }
0x9c: {  	p0 =	sne.s32 s0, $0x0;
	s0 =	rddreg [dreg:$0x2]  }
0x9d: {  	s0 =	sadd.s32 @!p0 $0x100000, s0  }
0x9e: {  	[sflag:s0] =	ssyncadd.tile.s32 @!p0 $0x1;
	_ =	shalt  }
.Lfunc_end2:
_tile_overlayer_lowered:
.L_overlay_start_2:
0x9f: {  	(tag) =	ssettag $0x2  }
0xa0: {  	s0 =	rddreg [dreg:$0x0];
	s2 =	stileid.u32  }
0xa1: {  	s1 =	rddreg [dreg:$0x1];
	p0 =	sne.s32 s2, $0x0  }
0xa2: {  	s3 =	rddreg [dreg:$0x2];
	[bflag:$0x3] =	sbarrier.arrive $0xFFFF;
	s2 =	simm.s32 @!p0 $0x1C09  }
0xa3: {  	[timem:s3], [sflag:s2] =	dma.local @!p0 [hbm:s0], s1  }
0xa4: {  	s0 =	simm.s32 @!p0 $0x9  }
0xa5: {  	_ =	swait.ge @!p0 [sflag:s0], s1  }
0xa6: {  	s1 =	ssub.s32 @!p0 $0x0, s1;
	[sflag:s0] =	ssyncset.done @!p0 $0x0  }
0xa7: {  	[sflag:s0] =	ssyncadd.s32 @!p0 s1  }
0xa8: {  	[bflag:$0x3] =	sbarrier.arrive $0xFFFF  }
0xa9: {  	_ =	shalt  }

// kernel: kernel.16.cloned.1.call-start
scs
__scs_entry_jumppad:
0x0: {  	(pc) =	sbr.rel $0x88, $3  }
0x1: {  	(tag) =	ssettag $0x0;
	lr =	simm.s32 $0x1  }
0x2: {  	[smem:$0x3F8F] =	sst lr;
	_ =	strace $0xD0000000  }
0x3: {  	_ = 	snop  }
0x4: {  	_ = 	snop  }
0x5: {  	_ = 	snop  }
0x6: {  	_ = 	snop  }
0x7: {  	_ = 	snop  }
__scs_overlays_trampoline_lowered:
0x8: {  	[smem:$0x3F9E] =	sst s0  }
0x9: {  	[smem:$0x3F9F] =	sst s1  }
0xa: {  	[smem:$0x3FA0] =	sst s2  }
0xb: {  	[smem:$0x3FA1] =	sst s3  }
0xc: {  	[smem:$0x3FA2] =	sst s4  }
0xd: {  	[smem:$0x3FA3] =	sst s5  }
0xe: {  	[smem:$0x3FA4] =	sst s6  }
0xf: {  	[smem:$0x3FA5] =	sst s7  }
0x10: {  	[smem:$0x3FA6] =	sst s8  }
0x11: {  	[smem:$0x3FA7] =	sst s9;
	s0 =	simm.s32 @!p0 $0x0  }
0x12: {  	s1 =	sld [smem:$0x3F8D];
	s0 =	simm.s32 @p0 $0x1  }
0x13: {  	[smem:$0x3FA8] =	sst s0;
	s0 =	simm.s32 @!p1 $0x0  }
0x14: {  	s2 =	sld [smem:$0x3F8C];
	s0 =	simm.s32 @p1 $0x1  }
0x15: {  	[smem:$0x3FA9] =	sst s0;
	s0 =	simm.s32 @!p2 $0x0  }
0x16: {  	s3 =	sld [smem:$0x3FDB];
	s0 =	simm.s32 @p2 $0x1  }
0x17: {  	s4 =	simm.s32 $0x1BF5;
	[smem:$0x3FAB] =	sst s0  }
0x18: {  	s0 =	sld [smem:$0x3F8E];
	_ =	swait.ge [sflag:s4], $0x0  }
0x19: {  	s7 =	sld [smem:$0x3F8F]  }
0x1a: {  	s8 =	sadd.s32 $0xFFFFE003, lr  }
0x1b: {  	s9 =	sadd.s32 $0xFFFFFEF7, lr;
	s5 =	simm.s32 $0xFFFFFFFF;
	p2 =	slt.u32 s8, $0xFFFFF086  }
0x1c: {  	p1 =	slt.u32 s9, $0xF7A;
	s5 =	simm.s32 @!p2 $0x0  }
0x1d: {  	s5 =	simm.s32 @p1 $0x1;
	p0 =	seq.s32 s7, s2  }
0x1e: {  	s7 =	smul.u32 @!p0 $0xF7A, s2;
	p2 =	seq.s32 @!p0 s5, $0x0  }
0x1f: {  	s9 =	smul.u32 $0xF7A, s1;
	s8 =	simm.s32 @!p0 $0x1BF5;
	p2 =	por !p2, p0  }
0x20: {  	[sflag:s8] =	ssyncset.s32 @!p0 $0xFFFFF086;
	s6 =	sadd.s32 @!p0 s3, s7;
	s7 =	simm.s32 @!p0 $0x108  }
0x21: {  	s3 =	sadd.s32 s3, s9;
	s6 =	sadd.s32 @!p0 $0x88, s6;
	s7 =	simm.s32 @p2 $0x1082  }
0x22: {  	[simem:s7], [sflag:s8] =	dma.local @!p0 [hbm:s6], $0xF7A  }
0x23: {  	s9 =	sor.u32 $0xD0000000, s2;
	s6 =	simm.s32 $0x108;
	_ =	swait.ge @!p0 [sflag:s8], $0x0  }
0x24: {  	s3 =	sadd.s32 $0x88, s3;
	s6 =	simm.s32 @!p1 $0x1082;
	[sflag:s4] =	ssyncset.s32 $0xFFFFF086  }
0x25: {  	[simem:s6], [sflag:s4] =	dma.local [hbm:s3], $0xF7A  }
0x26: {  	[smem:$0x3F8F] =	sst s1;
	(tag) =	ssettag s2;
	_ =	strace s9  }
0x27: {  	s1 =	sld [smem:$0x3F9F]  }
0x28: {  	s2 =	sld [smem:$0x3FA0]  }
0x29: {  	s4 =	sld [smem:$0x3FA2]  }
0x2a: {  	p0 =	seq.s32 s5, $0x0;
	s5 =	sld [smem:$0x3FA3]  }
0x2b: {  	s6 =	sld [smem:$0x3FA4]  }
0x2c: {  	s7 =	sld [smem:$0x3FA5]  }
0x2d: {  	s3 =	simm.s32 $0x108;
	s8 =	sld [smem:$0x3FA6]  }
0x2e: {  	s3 =	simm.s32 @!p0 $0x1082;
	s9 =	sld [smem:$0x3FA7]  }
0x2f: {  	lr =	sadd.s32 s0, s3;
	s0 =	sld [smem:$0x3F9E]  }
0x30: {  	s3 =	sld [smem:$0x3FA1]  }
0x31: {  	[smem:$0x3FAA] =	sst s10  }
0x32: {  	s10 =	sld [smem:$0x3FA8];
	_ =	sdelay $0x3  }
0x33: {  	p0 =	seq.s32 s10, $0x1;
	s10 =	sld [smem:$0x3FAA];
	_ =	sdelay $0x3  }
0x34: {  	[smem:$0x3FAA] =	sst s10  }
0x35: {  	s10 =	sld [smem:$0x3FA9];
	_ =	sdelay $0x3  }
0x36: {  	p1 =	seq.s32 s10, $0x1;
	s10 =	sld [smem:$0x3FAA];
	_ =	sdelay $0x3  }
0x37: {  	[smem:$0x3FAA] =	sst s10  }
0x38: {  	s10 =	sld [smem:$0x3FAB]  }
0x39: {  	_ = 	snop;
	(pc) =	sbr.ind lr, $3  }
0x3a: {  	_ = 	snop  }
0x3b: {  	_ = 	snop  }
0x3c: {  	p2 =	seq.s32 s10, $0x1;
	s10 =	sld [smem:$0x3FAA]  }
0x3d: {  	_ =	shalt  }
0x3e: {  	_ =	shalt  }
0x3f: {  	_ =	shalt  }
0x40: {  	_ =	shalt  }
0x41: {  	_ =	shalt  }
0x42: {  	_ =	shalt  }
0x43: {  	_ =	shalt  }
0x44: {  	_ =	shalt  }
0x45: {  	_ =	shalt  }
0x46: {  	_ =	shalt  }
0x47: {  	_ =	shalt  }
0x48: {  	_ =	shalt  }
0x49: {  	_ =	shalt  }
0x4a: {  	_ =	shalt  }
0x4b: {  	_ =	shalt  }
0x4c: {  	_ =	shalt  }
0x4d: {  	_ =	shalt  }
0x4e: {  	_ =	shalt  }
0x4f: {  	_ =	shalt  }
0x50: {  	_ =	shalt  }
0x51: {  	_ =	shalt  }
0x52: {  	_ =	shalt  }
0x53: {  	_ =	shalt  }
0x54: {  	_ =	shalt  }
0x55: {  	_ =	shalt  }
0x56: {  	_ =	shalt  }
0x57: {  	_ =	shalt  }
0x58: {  	_ =	shalt  }
0x59: {  	_ =	shalt  }
0x5a: {  	_ =	shalt  }
0x5b: {  	_ =	shalt  }
0x5c: {  	_ =	shalt  }
0x5d: {  	_ =	shalt  }
0x5e: {  	_ =	shalt  }
0x5f: {  	_ =	shalt  }
0x60: {  	_ =	shalt  }
0x61: {  	_ =	shalt  }
0x62: {  	_ =	shalt  }
0x63: {  	_ =	shalt  }
0x64: {  	_ =	shalt  }
0x65: {  	_ =	shalt  }
0x66: {  	_ =	shalt  }
0x67: {  	_ =	shalt  }
0x68: {  	_ =	shalt  }
0x69: {  	_ =	shalt  }
0x6a: {  	_ =	shalt  }
0x6b: {  	_ =	shalt  }
0x6c: {  	_ =	shalt  }
0x6d: {  	_ =	shalt  }
0x6e: {  	_ =	shalt  }
0x6f: {  	_ =	shalt  }
0x70: {  	_ =	shalt  }
0x71: {  	_ =	shalt  }
0x72: {  	_ =	shalt  }
0x73: {  	_ =	shalt  }
0x74: {  	_ =	shalt  }
0x75: {  	_ =	shalt  }
0x76: {  	_ =	shalt  }
0x77: {  	_ =	shalt  }
0x78: {  	_ =	shalt  }
0x79: {  	_ =	shalt  }
0x7a: {  	_ =	shalt  }
0x7b: {  	_ =	shalt  }
0x7c: {  	_ =	shalt  }
0x7d: {  	_ =	shalt  }
0x7e: {  	_ =	shalt  }
0x7f: {  	_ =	shalt  }
0x80: {  	_ =	shalt  }
0x81: {  	_ =	shalt  }
0x82: {  	_ =	shalt  }
0x83: {  	_ =	shalt  }
0x84: {  	_ =	shalt  }
0x85: {  	_ =	shalt  }
0x86: {  	_ =	shalt  }
0x87: {  	_ =	shalt  }
.Lfunc_end0:
.L_simem_size_0:
called_computation.2_lowered:
.L_overlay_start_0:
0x88: {  	s2 =	sld [smem:$0x3FD9]  }
0x89: {  	s3 =	sld [smem:$0x3FFE];
	_ =	sdelay $0x1  }
0x8a: {  	s1 =	srdreg.scid  }
0x8b: {  	s0 =	sand.u32 $0x1, s1  }
0x8c: {  	s17 =	sshll.u32 s0, $0xA;
	s2 =	sadd.s32 s3, s2  }
0x8d: {  	s2 =	sadd.s32 s2, s17  }
0x8e: {  	[smem:$0x3FB6] =	sst s2  }
0x8f: {  	_ = 	snop  }
0x90: {  	(tm) =	ssettm $0x1  }
0x91: {  	s18 =	sld [smem:$0x3FFB];
	_ =	sdelay $0x3  }
0x92: {  	_ =	strace s18  }
0x93: {  	s2 =	sld [smem:$0x3FFC];
	_ =	sdelay $0x3  }
0x94: {  	_ =	strace s2  }
0x95: {  	s2 =	sld [smem:$0x3FFD];
	_ =	sdelay $0x3  }
0x96: {  	_ =	strace s2  }
0x97: {  	_ =	strace $0x8FFFFFFF  }
0x98: {  	s19 =	sld [smem:$0x3FDB];
	_ =	sdelay $0x1  }
0x99: {  	s20 =	simm.s32 $_scs_section_size  }
0x9a: {  	s4 =	simm.s32 $_size__tile_overlayer_lowered;
	s5 =	simm.s32 $_tile_overlayer_lowered  }
0x9b: {  	s6 =	simm.s32 $0x1BFF;
	s21 =	sshll.u32 s5, $0x1;
	s3 =	sadd.s32 s20, s19  }
0x9c: {  	s22 =	simm.s32 $0x0;
	s4 =	sshll.u32 s4, $0x1;
	s5 =	sadd.s32 s21, s3  }
0x9d: {  	[timem:s22], [sflag:s6] =	dma.local [hbm:s5], s4  }
0x9e: {  	_ =	swait.ge [sflag:s6], s4  }
0x9f: {  	s4 =	ssub.s32 $0x0, s4;
	[sflag:s6] =	ssyncset.done $0x0  }
0xa0: {  	[sflag:s6] =	ssyncadd.s32 s4;
	_ =	sdelay $0x1  }
0xa1: {  	s23 =	simm.s32 $0x1B8B  }
0xa2: {  	_ =	swait.ge [sflag:s23], $0x1  }
0xa3: {  	[sflag:s23] =	ssyncset.done $0x0  }
0xa4: {  	[sflag:s23] =	ssyncadd.s32 $0xFFFFFFFF  }
0xa5: {  	s4 =	sld [smem:$0x0]  }
0xa6: {  	s5 =	sand.u32 $0xFFFFFFFE, s1  }
0xa7: {  	p0 =	sne.s32 s1, s5  }
0xa8: {  	s5 =	sshll.u32 @p0 s5, $0xE  }
0xa9: {  	s5 =	sadd.s32 @p0 $0x11B8D, s5;
	s6 =	sshll.u32 @p0 s4, $0x11  }
0xaa: {  	s5 =	sor.u32 @p0 s6, s5  }
0xab: {  	[sflag:s5] =	ssyncadd.remote.s32 @p0 $0x1;
	_ =	sdelay $0x1  }
0xac: {  	s5 =	simm.s32 @p0 $0x1B8D  }
0xad: {  	_ =	swait.eq @p0 [sflag:s5], $0x1  }
0xae: {  	[sflag:s5] =	ssyncadd.s32 @p0 $0xFFFFFFFF  }
0xaf: {  	s6 =	sshll.u32 @!p0 s1, $0xE  }
0xb0: {  	s6 =	sor.u32 @!p0 $0x4000, s6;
	s5 =	simm.s32 @!p0 $0x1B8D  }
0xb1: {  	s4 =	sshll.u32 @!p0 s4, $0x11;
	s6 =	sadd.s32 @!p0 $0x11B8D, s6;
	_ =	swait.eq @!p0 [sflag:s5], $0x1  }
0xb2: {  	s4 =	sor.u32 @!p0 s4, s6;
	[sflag:s5] =	ssyncadd.s32 @!p0 $0xFFFFFFFF  }
0xb3: {  	s25 =	simm.s32 $0x1B8E;
	s24 =	sld [smem:$0x3FFE];
	[sflag:s4] =	ssyncadd.remote.s32 @!p0 $0x1  }
0xb4: {  	s26 =	simm.s32 $execute0_lowered;
	[smem:$0x3FD2] =	sst s25  }
0xb5: {  	s5 =	sshll.u32 s26, $0x1;
	_ =	strace $0x8000004F;
	[dreg:$0x1] =	wrdreg $0xFFFFFFFF  }
0xb6: {  	s28 =	simm.s32 $_size_execute0_lowered;
	s3 =	sadd.s32 s3, s5;
	[dreg:$0x0] =	wrdreg $0x0  }
0xb7: {  	s5 =	sshll.u32 s28, $0x1;
	[dreg:$0x2] =	wrdreg s3  }
0xb8: {  	[dreg:$0x3] =	wrdreg s5  }
0xb9: {  	[dreg:$0x4] =	wrdreg $0xC0  }
0xba: {  	_ =	task [dreg:s22], $0x5FFFF  }
0xbb: {  	[dreg:$0x1] =	wrdreg $0xFFFFFFFF  }
0xbc: {  	[dreg:$0x0] =	wrdreg $0x60  }
0xbd: {  	[dreg:$0x2] =	wrdreg s24  }
0xbe: {  	[dreg:$0x3] =	wrdreg $0xA4000  }
0xbf: {  	[dreg:$0x4] =	wrdreg $0x9  }
0xc0: {  	_ =	task.clear_ibuf [dreg:s22], $0x5FFFF;
	_ =	strace $0x9000004F  }
0xc1: {  	s29 =	simm.s32 $0x9;
	_ =	strace $0x80000051  }
0xc2: {  	_ =	swait.ge [sflag:s29], $0x1  }
0xc3: {  	[sflag:s29] =	ssyncadd.s32 $0xFFFFFFFF  }
0xc4: {  	_ =	strace $0x90000051  }
0xc5: {  	_ =	sfence  }
0xc6: {  	s30 =	sld [smem:$0x0];
	_ =	sdelay $0x2  }
0xc7: {  	s31 =	sshll.u32 s1, $0xD;
	s1 =	sshrl.u32 s1, $0x2  }
0xc8: {  	s4 =	sand.u32 $0x4000, s31;
	s1 =	sadd.s32 s1, s30  }
0xc9: {  	s0 =	sor.u32 s4, s0;
	s1 =	sshll.u32 s1, $0x11  }
0xca: {  	s0 =	sor.u32 s1, s0  }
0xcb: {  	s0 =	sadd.s32 $0x8F2B, s0  }
0xcc: {  	[sflag:s0] =	ssyncadd.remote.s32 $0x1  }
0xcd: {  	_ =	sfence.sel $0xFFFF  }
0xce: {  	[dreg:$0x0] =	wrdreg $0xFFFFFFFF;
	(pc) =	sbr.abs _section_cstart, $3  }
0xcf: {  	[dreg:$0x1] =	wrdreg $0xFFFFFFFF  }
0xd0: {  	_ =	task.clear_ibuf [dreg:s22], $0x2FFFF;
	_ =	strace $0x9FFFFFFF  }
0xd1: {  	(tm) =	ssettm $0x7FFFFFFF  }
tec
execute0_lowered:
.L_overlay_start_1:
0x0: {  	(tag) =	ssettag $0x1  }
0x1: {  	s0 =	rddreg [dreg:$0x0]  }
0x2: {  	s1 =	rddreg [dreg:$0x1];
	s2 =	simm.s32 $0x0  }
0x3: {  	s3 =	srdreg.scid;
	s16 =	stileid.u32;
	s28 =	simm.s32 $0x8  }
0x4: {  	[smem:$0x7FF] =	sst s2;
	s5 =	sadd.s32 $0x56B800, s0;
	s7 =	smul.u32 $0x2710, s16  }
0x5: {  	s6 =	sand.u32 $0x1, s3;
	s4 =	sadd.s32 $0xF34A00, s0;
	s11 =	smul.u32 $0x138800, s16  }
0x6: {  	s8 =	sadd.s32 $0x84800, s0;
	s31 =	sadd.s32 $0xF9C00, s0;
	s15 =	smul.u32 $0x13800, s16  }
0x7: {  	p0 =	sne.s32 s16, $0x0;
	_ =	strace $0x80000050;
	s9 =	smul.u32 $0x1388000, s6  }
0x8: {  	s3 =	ssub.s32 $0x2, s6;
	[dreg:$0x3] =	wrdreg s8;
	s6 =	smul.u32 $0x138800, s6  }
0x9: {  	s17 =	sshrl.u32 s3, $0x1;
	s18 =	sadd.s32 $0x28, s7;
	s10 =	sshrl.u32 s7, $0x3  }
0xa: {  	s19 =	sadd.s32 $0x50, s7;
	s12 =	sadd.s32 $0x78, s7;
	s22 =	sadd.s32 $0xA0, s7  }
0xb: {  	s24 =	sadd.s32 $0xC8, s7;
	s13 =	sadd.s32 $0xF0, s7;
	s29 =	sadd.s32 $0x26C0, s7  }
0xc: {  	s30 =	sadd.s32 $0x118, s7;
	s7 =	sadd.s32 $0x26E8, s7;
	s3 =	ssub.s32 s3, s17  }
0xd: {  	s0 =	sshrl.u32 s18, $0x3;
	s10 =	sadd.s32 s5, s10;
	s20 =	sshrl.u32 s19, $0x3  }
0xe: {  	s21 =	sshrl.u32 s12, $0x3;
	s23 =	sshrl.u32 s22, $0x3;
	s12 =	sshll.u32 s22, $0x7  }
0xf: {  	s26 =	sshrl.u32 s13, $0x3;
	s13 =	sshll.u32 s13, $0x7;
	s14 =	sshll.u32 s29, $0x7  }
0x10: {  	s15 =	sadd.s32 s15, s6;
	s6 =	sshrl.u32 s6, $0x3;
	s7 =	sshrl.u32 s7, $0x3  }
0x11: {  	[dreg:$0x4] =	wrdreg s10;
	s0 =	sadd.s32 s5, s0;
	s10 =	sshll.u32 s19, $0x7  }
0x12: {  	s25 =	sadd.s32 s9, s12;
	s12 =	sadd.s32 s5, s26;
	s13 =	sadd.s32 s9, s13  }
0x13: {  	s15 =	sshrl.u32 s15, $0x3;
	s6 =	sadd.s32 s31, s6;
	s7 =	sadd.s32 s5, s7  }
0x14: {  	s3 =	smax.u32 s3, $0x1;
	[dreg:$0x5] =	wrdreg s0;
	s0 =	sadd.s32 s11, s9  }
0x15: {  	s11 =	sadd.s32 s5, s20;
	s10 =	sadd.s32 s9, s10;
	[dreg:$0xa] =	wrdreg s12  }
0x16: {  	s9 =	sadd.s32 s9, s14;
	s14 =	sshrl.u32 s30, $0x3;
	s12 =	sshrl.u32 s29, $0x3  }
0x17: {  	s15 =	sadd.s32 s31, s15;
	s31 =	smul.u32 $0x4E2, s16;
	[dreg:$0xe] =	wrdreg s7  }
0x18: {  	s18 =	sshrl.u32 s13, $0x3;
	s6 =	sadd.s32 $0x27000, s6;
	[dreg:$0x15] =	wrdreg s3  }
0x19: {  	s7 =	simm.s32 $0x2C00;
	s13 =	simm.s32 $0x7C00;
	[dreg:$0x6] =	wrdreg s11  }
0x1a: {  	s11 =	sadd.s32 s5, s21;
	[dreg:$0xb] =	wrdreg s15;
	s14 =	sadd.s32 s5, s14  }
0x1b: {  	s12 =	sadd.s32 s5, s12;
	s8 =	sshrl.u32 s0, $0x3;
	[dreg:$0x14] =	wrdreg s6  }
0x1c: {  	s10 =	sshrl.u32 s10, $0x3;
	s19 =	sshrl.u32 s9, $0x3;
	[dreg:$0x7] =	wrdreg s11  }
0x1d: {  	s6 =	simm.s32 $0x280;
	s9 =	simm.s32 $0x300;
	[dreg:$0xc] =	wrdreg s14  }
0x1e: {  	s11 =	sadd.s32 s5, s23;
	[dreg:$0xd] =	wrdreg s12;
	s17 =	sadd.s32 s31, s5  }
0x1f: {  	s12 =	smul.u32 $0x4E000, s16;
	s14 =	sadd.s32 s4, s10;
	[dreg:$0x8] =	wrdreg s11  }
0x20: {  	s21 =	sadd.s32 s4, s19;
	s23 =	sadd.s32 $0x11800, s0;
	[dreg:$0x10] =	wrdreg s14  }
0x21: {  	s10 =	simm.s32 $0x5400;
	s11 =	sshrl.u32 s24, $0x3;
	[dreg:$0x13] =	wrdreg s21  }
0x22: {  	s3 =	sshrl.u32 s23, $0x3;
	s24 =	sadd.s32 $0xF000, s0;
	s14 =	simm.s32 $0x1  }
0x23: {  	s21 =	simm.s32 $0x0;
	s11 =	sadd.s32 s5, s11;
	s5 =	sadd.s32 s4, s8  }
0x24: {  	s20 =	sshrl.u32 s12, $0x2;
	s3 =	sadd.s32 s3, s4;
	s26 =	sshrl.u32 s24, $0x3  }
0x25: {  	s8 =	simm.s32 $0x100;
	s12 =	simm.s32 $0x380;
	[dreg:$0x9] =	wrdreg s11  }
0x26: {  	s24 =	simm.s32 $0x5;
	s11 =	sshrl.u32 s25, $0x3;
	[dreg:$0xf] =	wrdreg s5  }
0x27: {  	s5 =	sadd.s32 s4, s18;
	s22 =	sadd.s32 s20, s1;
	s25 =	sadd.s32 $0xC800, s0  }
0x28: {  	[dreg:$0x16] =	wrdreg s3;
	s3 =	sadd.s32 s26, s4;
	s0 =	sadd.s32 $0xA000, s0  }
0x29: {  	s18 =	simm.s32 $0x2;
	s20 =	simm.s32 $0x3;
	[dreg:$0x12] =	wrdreg s5  }
0x2a: {  	s26 =	simm.s32 $0x7;
	s15 =	sadd.s32 s4, s11;
	[dreg:$0x17] =	wrdreg s3  }
0x2b: {  	s29 =	sshrl.u32 s25, $0x3;
	[dreg:$0x19] =	wrdreg s0;
	s31 =	sshrl.u32 s22, $0x3  }
.Ltmp0:
0x2c: {  	s0 =	sadd.s32 $0x138000, s1;
	s3 =	simm.s32 $0x400;
	(pc) =	sbr.rel .LBB2_1-.Ltmp0, $4  }
0x2d: {  	s5 =	simm.s32 $0x80;
	s11 =	simm.s32 $0x180;
	[dreg:$0x11] =	wrdreg s15  }
0x2e: {  	s22 =	simm.s32 $0x4;
	s30 =	sadd.s32 s29, s4;
	[dreg:$0x1a] =	wrdreg s31  }
0x2f: {  	s25 =	simm.s32 $0x6;
	s0 =	sshrl.u32 @!p0 s0, $0x3;
	[dreg:$0x18] =	wrdreg s30  }
0x30: {  	s15 =	simm.s32 $0x28;
	[dreg:$0x1b] =	wrdreg s0;
	s0 =	simm.s32 $0x200  }
.LBB2_4:
0x31: {  	_ =	swait.ge [sflag:s25], $0x2800  }
0x32: {  	[sflag:s25] =	ssyncset.done $0x0  }
0x33: {  	[sflag:s25] =	ssyncadd.s32 $0xFFFFD800  }
0x34: {  	_ =	swait.ge [sflag:s26], $0x2800  }
0x35: {  	[sflag:s26] =	ssyncset.done $0x0  }
0x36: {  	[sflag:s26] =	ssyncadd.s32 $0xFFFFD800  }
0x37: {  	_ =	swait.ge [sflag:s28], $0x2800  }
0x38: {  	[sflag:s28] =	ssyncset.done $0x0  }
0x39: {  	s16 =	rddreg [dreg:$0xd];
	[sflag:s28] =	ssyncadd.s32 $0xFFFFD800  }
0x3a: {  	[tilespmem:s2], [sflag:$0x1] =	stream.linear.gather [hbm4b:s16+s2], $0x28, $0x38;
	[tilespmem:$0x1DC80] =	vst v63  }
0x3b: {  	s31 =	rddreg [dreg:$0xe]  }
0x3c: {  	[tilespmem:s0], [sflag:$0x1] =	stream.linear.gather [hbm4b:s31+s2], $0x28, $0x38;
	[tilespmem:$0x1DC80] =	vst v63  }
0x3d: {  	s19 =	rddreg [dreg:$0x13]  }
0x3e: {  	[tilespmem:s3], [sflag:$0x1] =	stream.linear.gather [hbm4b:s19+s2], $0x2800, $0x38;
	[tilespmem:$0x1DC80] =	vst v63  }
0x3f: {  	_ =	swait.ge [sflag:s14], $0x28  }
0x40: {  	[sflag:s14] =	ssyncset.done $0x0  }
0x41: {  	[sflag:s14] =	ssyncadd.s32 $0xFFFFFFD8  }
0x42: {  	_ =	swait.ge [sflag:s14], $0x28  }
0x43: {  	[sflag:s14] =	ssyncset.done $0x0  }
0x44: {  	[sflag:s14] =	ssyncadd.s32 $0xFFFFFFD8  }
0x45: {  	_ =	swait.ge [sflag:s14], $0x2800  }
0x46: {  	[sflag:s14] =	ssyncset.done $0x0  }
0x47: {  	[sflag:s14] =	ssyncadd.s32 $0xFFFFD800  }
0x48: {  	[spmem:s1] =	stream.indirect.scatter.add.f32 [tilespmem:s3], [sflag:$0x5], $0x80, s2, s15, $0xb8;
	[tilespmem:$0x1DC80] =	vst v63  }
0x49: {  	s21 =	simm.s32 $0x1800  }
0x4a: {  	[spmem:s1] =	stream.indirect.scatter.add.f32 [tilespmem:s21], [sflag:$0x5], $0x80, s0, s15, $0xb8;
	[tilespmem:$0x1DC80] =	vst v63  }
0x4b: {  	_ =	swait.ge [sflag:s24], $0x2800  }
0x4c: {  	[sflag:s24] =	ssyncset.done $0x0  }
0x4d: {  	[sflag:s24] =	ssyncadd.s32 $0xFFFFD800  }
0x4e: {  	s23 =	stileid.u32;
	[bflag:$0x0] =	sbarrier.arrive $0xFFFF  }
0x4f: {  	s16 =	sshll.u32 s23, $0x6;
	s19 =	rddreg [dreg:$0xb]  }
0x50: {  	s29 =	simm.s32 $0x9;
	s16 =	sor.u32 $0x1C09, s16;
	s21 =	rddreg [dreg:$0x1a]  }
0x51: {  	[hbm:s19], [sflag:s16] =	dma.local [spmem:s21], $0x2700  }
0x52: {  	_ =	swait.ge [sflag:s29], $0x2700  }
0x53: {  	[sflag:s29] =	ssyncset.done $0x0;
	s19 =	rddreg [dreg:$0x14]  }
0x54: {  	s21 =	rddreg [dreg:$0x1b];
	[sflag:s29] =	ssyncadd.s32 $0xFFFFD900  }
0x55: {  	[hbm:s19], [sflag:s16] =	dma.local @!p0 [spmem:s21], $0x100  }
0x56: {  	s16 =	simm.s32 @!p0 $0x9  }
0x57: {  	_ =	swait.ge @!p0 [sflag:s16], $0x100  }
0x58: {  	s30 =	rddreg [dreg:$0x1c]  }
0x59: {  	s31 =	rddreg [dreg:$0x15];
	s21 =	sadd.s32 $0x1, s30  }
0x5a: {  	p1 =	sne.s32 s21, s31  }
.Ltmp1:
0x5b: {  	_ = 	snop;
	(pc) =	sbr.rel @!p1 .LBB2_5-.Ltmp1, $3  }
0x5c: {  	_ =	sdelay $0x1  }
0x5d: {  	[sflag:s16] =	ssyncset.done @!p0 $0x0  }
0x5e: {  	[sflag:s16] =	ssyncadd.s32 @!p0 $0xFFFFFF00  }
.LBB2_1:
0x5f: {  	[dreg:$0x1c] =	wrdreg s21  }
0x60: {  	s19 =	sshrl.u32 @!p0 s1, $0x3;
	s21 =	simm.s32 @!p0 $0x1C09;
	s16 =	rddreg [dreg:$0x3]  }
0x61: {  	[spmem:s19], [sflag:s21] =	dma.local @!p0 [hbm:s16], $0x27100  }
0x62: {  	s19 =	simm.s32 @!p0 $0x9  }
0x63: {  	_ =	swait.ge @!p0 [sflag:s19], $0x27100  }
0x64: {  	[sflag:s19] =	ssyncset.done @!p0 $0x0  }
0x65: {  	[sflag:s19] =	ssyncadd.s32 @!p0 $0xFFFD8F00  }
0x66: {  	[bflag:$0x0] =	sbarrier.arrive $0xFFFF  }
0x67: {  	s19 =	rddreg [dreg:$0x4]  }
0x68: {  	s21 =	rddreg [dreg:$0x5]  }
0x69: {  	s23 =	rddreg [dreg:$0xf]  }
0x6a: {  	s31 =	rddreg [dreg:$0x19]  }
0x6b: {  	s30 =	rddreg [dreg:$0x18]  }
0x6c: {  	[tilespmem:s2], [sflag:$0x1] =	stream.linear.gather [hbm4b:s19+s2], $0x28, $0x38;
	[tilespmem:$0x1DC80] =	vst v63  }
0x6d: {  	s29 =	rddreg [dreg:$0x17]  }
0x6e: {  	[tilespmem:s0], [sflag:$0x1] =	stream.linear.gather [hbm4b:s21+s2], $0x28, $0x38;
	[tilespmem:$0x1DC80] =	vst v63  }
0x6f: {  	s19 =	rddreg [dreg:$0x6]  }
0x70: {  	[tilespmem:s3], [sflag:$0x1] =	stream.linear.gather [hbm4b:s23+s2], $0x2800, $0x38;
	[tilespmem:$0x1DC80] =	vst v63  }
0x71: {  	s21 =	rddreg [dreg:$0x7]  }
0x72: {  	[tilespmem:s5], [sflag:$0x2] =	stream.linear.gather [hbm4b:s19+s2], $0x28, $0x38;
	[tilespmem:$0x1DC80] =	vst v63  }
0x73: {  	s23 =	rddreg [dreg:$0x10]  }
0x74: {  	[tilespmem:s6], [sflag:$0x2] =	stream.linear.gather [hbm4b:s21+s2], $0x28, $0x38;
	[tilespmem:$0x1DC80] =	vst v63  }
0x75: {  	s19 =	rddreg [dreg:$0x8]  }
0x76: {  	[tilespmem:s7], [sflag:$0x2] =	stream.linear.gather [hbm4b:s23+s2], $0x2800, $0x38;
	[tilespmem:$0x1DC80] =	vst v63  }
0x77: {  	s21 =	rddreg [dreg:$0x9]  }
0x78: {  	[tilespmem:s8], [sflag:$0x3] =	stream.linear.gather [hbm4b:s19+s2], $0x28, $0x38;
	[tilespmem:$0x1DC80] =	vst v63  }
0x79: {  	s23 =	rddreg [dreg:$0x11]  }
0x7a: {  	[tilespmem:s9], [sflag:$0x3] =	stream.linear.gather [hbm4b:s21+s2], $0x28, $0x38;
	[tilespmem:$0x1DC80] =	vst v63  }
0x7b: {  	s19 =	rddreg [dreg:$0xa]  }
0x7c: {  	[tilespmem:s10], [sflag:$0x3] =	stream.linear.gather [hbm4b:s23+s2], $0x2800, $0x38;
	[tilespmem:$0x1DC80] =	vst v63  }
0x7d: {  	s21 =	rddreg [dreg:$0xc]  }
0x7e: {  	[tilespmem:s11], [sflag:$0x4] =	stream.linear.gather [hbm4b:s19+s2], $0x28, $0x38;
	[tilespmem:$0x1DC80] =	vst v63  }
0x7f: {  	s23 =	rddreg [dreg:$0x12]  }
0x80: {  	[tilespmem:s12], [sflag:$0x4] =	stream.linear.gather [hbm4b:s21+s2], $0x28, $0x38;
	[tilespmem:$0x1DC80] =	vst v63  }
0x81: {  	s19 =	simm.s32 $0x0;
	s21 =	rddreg [dreg:$0x16]  }
0x82: {  	[tilespmem:s13], [sflag:$0x4] =	stream.linear.gather [hbm4b:s23+s2], $0x2800, $0x38;
	[tilespmem:$0x1DC80] =	vst v63  }
.LBB2_2:
0x83: {  	_ =	swait.ge [sflag:s14], $0x28  }
0x84: {  	[sflag:s14] =	ssyncset.done $0x0  }
0x85: {  	[sflag:s14] =	ssyncadd.s32 $0xFFFFFFD8  }
0x86: {  	_ =	swait.ge [sflag:s14], $0x28  }
0x87: {  	[sflag:s14] =	ssyncset.done $0x0  }
0x88: {  	[sflag:s14] =	ssyncadd.s32 $0xFFFFFFD8  }
0x89: {  	_ =	swait.ge [sflag:s14], $0x2800  }
0x8a: {  	[sflag:s14] =	ssyncset.done $0x0  }
0x8b: {  	[sflag:s14] =	ssyncadd.s32 $0xFFFFD800  }
0x8c: {  	[spmem:s1] =	stream.indirect.scatter.add.f32 [tilespmem:s3], [sflag:$0x5], $0x80, s2, s15, $0xb8;
	[tilespmem:$0x1DC80] =	vst v63  }
0x8d: {  	s16 =	simm.s32 $0x1800  }
0x8e: {  	[spmem:s1] =	stream.indirect.scatter.add.f32 [tilespmem:s16], [sflag:$0x5], $0x80, s0, s15, $0xb8;
	[tilespmem:$0x1DC80] =	vst v63  }
0x8f: {  	_ =	swait.ge [sflag:s18], $0x28  }
0x90: {  	[sflag:s18] =	ssyncset.done $0x0  }
0x91: {  	[sflag:s18] =	ssyncadd.s32 $0xFFFFFFD8  }
0x92: {  	_ =	swait.ge [sflag:s18], $0x28  }
0x93: {  	[sflag:s18] =	ssyncset.done $0x0  }
0x94: {  	[sflag:s18] =	ssyncadd.s32 $0xFFFFFFD8  }
0x95: {  	_ =	swait.ge [sflag:s18], $0x2800  }
0x96: {  	[sflag:s18] =	ssyncset.done $0x0  }
0x97: {  	[sflag:s18] =	ssyncadd.s32 $0xFFFFD800  }
0x98: {  	[spmem:s1] =	stream.indirect.scatter.add.f32 [tilespmem:s7], [sflag:$0x6], $0x80, s5, s15, $0xb8;
	[tilespmem:$0x1DC80] =	vst v63  }
0x99: {  	s23 =	simm.s32 $0x4000  }
0x9a: {  	[spmem:s1] =	stream.indirect.scatter.add.f32 [tilespmem:s23], [sflag:$0x6], $0x80, s6, s15, $0xb8;
	[tilespmem:$0x1DC80] =	vst v63  }
0x9b: {  	_ =	swait.ge [sflag:s20], $0x28  }
0x9c: {  	[sflag:s20] =	ssyncset.done $0x0  }
0x9d: {  	[sflag:s20] =	ssyncadd.s32 $0xFFFFFFD8  }
0x9e: {  	_ =	swait.ge [sflag:s20], $0x28  }
0x9f: {  	[sflag:s20] =	ssyncset.done $0x0  }
0xa0: {  	[sflag:s20] =	ssyncadd.s32 $0xFFFFFFD8  }
0xa1: {  	_ =	swait.ge [sflag:s20], $0x2800  }
0xa2: {  	[sflag:s20] =	ssyncset.done $0x0  }
0xa3: {  	[sflag:s20] =	ssyncadd.s32 $0xFFFFD800  }
0xa4: {  	[spmem:s1] =	stream.indirect.scatter.add.f32 [tilespmem:s10], [sflag:$0x7], $0x80, s8, s15, $0xb8;
	[tilespmem:$0x1DC80] =	vst v63  }
0xa5: {  	s23 =	simm.s32 $0x6800  }
0xa6: {  	[spmem:s1] =	stream.indirect.scatter.add.f32 [tilespmem:s23], [sflag:$0x7], $0x80, s9, s15, $0xb8;
	[tilespmem:$0x1DC80] =	vst v63  }
0xa7: {  	_ =	swait.ge [sflag:s22], $0x28  }
0xa8: {  	[sflag:s22] =	ssyncset.done $0x0  }
0xa9: {  	[sflag:s22] =	ssyncadd.s32 $0xFFFFFFD8  }
0xaa: {  	_ =	swait.ge [sflag:s22], $0x28  }
0xab: {  	[sflag:s22] =	ssyncset.done $0x0  }
0xac: {  	[sflag:s22] =	ssyncadd.s32 $0xFFFFFFD8  }
0xad: {  	_ =	swait.ge [sflag:s22], $0x2800  }
0xae: {  	[sflag:s22] =	ssyncset.done $0x0  }
0xaf: {  	p1 =	seq.s32 s19, $0x4B0;
	[sflag:s22] =	ssyncadd.s32 $0xFFFFD800  }
0xb0: {  	[spmem:s1] =	stream.indirect.scatter.add.f32 [tilespmem:s13], [sflag:$0x8], $0x80, s11, s15, $0xb8;
	[tilespmem:$0x1DC80] =	vst v63  }
.Ltmp2:
0xb1: {  	s23 =	simm.s32 $0x9000;
	(pc) =	sbr.rel @p1 .LBB2_4-.Ltmp2, $4  }
0xb2: {  	[spmem:s1] =	stream.indirect.scatter.add.f32 [tilespmem:s23], [sflag:$0x8], $0x80, s12, s15, $0xb8;
	[tilespmem:$0x1DC80] =	vst v63  }
0xb3: {  	_ =	swait.ge [sflag:s24], $0x2800  }
0xb4: {  	[sflag:s24] =	ssyncset.done $0x0  }
0xb5: {  	[sflag:s24] =	ssyncadd.s32 $0xFFFFD800  }
0xb6: {  	s16 =	sadd.s32 s19, s17  }
0xb7: {  	s23 =	sadd.s32 $0x28, s16  }
0xb8: {  	[tilespmem:s2], [sflag:$0x1] =	stream.linear.gather [hbm4b:s23+s2], $0x28, $0x38;
	[tilespmem:$0x1DC80] =	vst v63  }
0xb9: {  	s23 =	sadd.s32 $0x2D, s16  }
0xba: {  	[tilespmem:s0], [sflag:$0x1] =	stream.linear.gather [hbm4b:s23+s2], $0x28, $0x38;
	[tilespmem:$0x1DC80] =	vst v63  }
0xbb: {  	s23 =	sshrl.u32 s31, $0x3  }
0xbc: {  	s23 =	sadd.s32 s4, s23  }
0xbd: {  	[tilespmem:s3], [sflag:$0x1] =	stream.linear.gather [hbm4b:s23+s2], $0x2800, $0x38;
	[tilespmem:$0x1DC80] =	vst v63  }
0xbe: {  	_ =	swait.ge [sflag:s25], $0x2800  }
0xbf: {  	[sflag:s25] =	ssyncset.done $0x0  }
0xc0: {  	s23 =	sadd.s32 $0x32, s16;
	[sflag:s25] =	ssyncadd.s32 $0xFFFFD800  }
0xc1: {  	[tilespmem:s5], [sflag:$0x2] =	stream.linear.gather [hbm4b:s23+s2], $0x28, $0x38;
	[tilespmem:$0x1DC80] =	vst v63  }
0xc2: {  	s23 =	sadd.s32 $0x37, s16  }
0xc3: {  	[tilespmem:s6], [sflag:$0x2] =	stream.linear.gather [hbm4b:s23+s2], $0x28, $0x38;
	[tilespmem:$0x1DC80] =	vst v63  }
0xc4: {  	_ = 	snop  }
0xc5: {  	[tilespmem:s7], [sflag:$0x2] =	stream.linear.gather [hbm4b:s30+s2], $0x2800, $0x38;
	[tilespmem:$0x1DC80] =	vst v63  }
0xc6: {  	_ =	swait.ge [sflag:s26], $0x2800  }
0xc7: {  	[sflag:s26] =	ssyncset.done $0x0  }
0xc8: {  	s23 =	sadd.s32 $0x3C, s16;
	[sflag:s26] =	ssyncadd.s32 $0xFFFFD800  }
0xc9: {  	[tilespmem:s8], [sflag:$0x3] =	stream.linear.gather [hbm4b:s23+s2], $0x28, $0x38;
	[tilespmem:$0x1DC80] =	vst v63  }
0xca: {  	s23 =	sadd.s32 $0x41, s16  }
0xcb: {  	[tilespmem:s9], [sflag:$0x3] =	stream.linear.gather [hbm4b:s23+s2], $0x28, $0x38;
	[tilespmem:$0x1DC80] =	vst v63  }
0xcc: {  	_ = 	snop  }
0xcd: {  	[tilespmem:s10], [sflag:$0x3] =	stream.linear.gather [hbm4b:s29+s2], $0x2800, $0x38;
	[tilespmem:$0x1DC80] =	vst v63  }
0xce: {  	_ =	swait.ge [sflag:s28], $0x2800  }
0xcf: {  	[sflag:s28] =	ssyncset.done $0x0  }
0xd0: {  	s23 =	sadd.s32 $0x46, s16;
	[sflag:s28] =	ssyncadd.s32 $0xFFFFD800  }
0xd1: {  	[tilespmem:s11], [sflag:$0x4] =	stream.linear.gather [hbm4b:s23+s2], $0x28, $0x38;
	[tilespmem:$0x1DC80] =	vst v63  }
.Ltmp3:
0xd2: {  	s16 =	sadd.s32 $0x4B, s16;
	(pc) =	sbr.rel .LBB2_2-.Ltmp3, $4  }
0xd3: {  	[tilespmem:s12], [sflag:$0x4] =	stream.linear.gather [hbm4b:s16+s2], $0x28, $0x38;
	[tilespmem:$0x1DC80] =	vst v63  }
0xd4: {  	s19 =	sadd.s32 $0x28, s19;
	s31 =	sadd.s32 $0xA000, s31  }
0xd5: {  	[tilespmem:s13], [sflag:$0x4] =	stream.linear.gather [hbm4b:s21+s2], $0x2800, $0x38;
	[tilespmem:$0x1DC80] =	vst v63  }
0xd6: {  	s30 =	sadd.s32 $0x1400, s30;
	s29 =	sadd.s32 $0x1400, s29;
	s21 =	sadd.s32 $0x1400, s21  }
.LBB2_5:
0xd7: {  	_ =	sfence.sel $0x180000  }
0xd8: {  	[bflag:$0x0] =	sbarrier.arrive $0xFFFF  }
0xd9: {  	_ =	strace $0x90000050  }
0xda: {  	[bflag:$0x2] =	sbarrier.arrive $0xFFFF  }
0xdb: {  	s0 =	rddreg [dreg:$0x2]  }
0xdc: {  	s0 =	sadd.s32 @!p0 $0x100000, s0  }
0xdd: {  	[sflag:s0] =	ssyncadd.tile.s32 @!p0 $0x1;
	_ =	shalt  }
.Lfunc_end2:
_tile_overlayer_lowered:
.L_overlay_start_2:
0xde: {  	(tag) =	ssettag $0x2  }
0xdf: {  	s0 =	rddreg [dreg:$0x0];
	s2 =	stileid.u32  }
0xe0: {  	s1 =	rddreg [dreg:$0x1];
	p0 =	sne.s32 s2, $0x0  }
0xe1: {  	s3 =	rddreg [dreg:$0x2];
	[bflag:$0x3] =	sbarrier.arrive $0xFFFF;
	s2 =	simm.s32 @!p0 $0x1C09  }
0xe2: {  	[timem:s3], [sflag:s2] =	dma.local @!p0 [hbm:s0], s1  }
0xe3: {  	s0 =	simm.s32 @!p0 $0x9  }
0xe4: {  	_ =	swait.ge @!p0 [sflag:s0], s1  }
0xe5: {  	s1 =	ssub.s32 @!p0 $0x0, s1;
	[sflag:s0] =	ssyncset.done @!p0 $0x0  }
0xe6: {  	[sflag:s0] =	ssyncadd.s32 @!p0 s1  }
0xe7: {  	[bflag:$0x3] =	sbarrier.arrive $0xFFFF  }
0xe8: {  	_ =	shalt  }

// kernel: kernel.19.cloned.1.call-start
scs
__scs_entry_jumppad:
0x0: {  	(pc) =	sbr.rel $0x88, $3  }
0x1: {  	(tag) =	ssettag $0x0;
	lr =	simm.s32 $0x1  }
0x2: {  	[smem:$0x3F8F] =	sst lr;
	_ =	strace $0xD0000000  }
0x3: {  	_ = 	snop  }
0x4: {  	_ = 	snop  }
0x5: {  	_ = 	snop  }
0x6: {  	_ = 	snop  }
0x7: {  	_ = 	snop  }
__scs_overlays_trampoline_lowered:
0x8: {  	[smem:$0x3F9E] =	sst s0  }
0x9: {  	[smem:$0x3F9F] =	sst s1  }
0xa: {  	[smem:$0x3FA0] =	sst s2  }
0xb: {  	[smem:$0x3FA1] =	sst s3  }
0xc: {  	[smem:$0x3FA2] =	sst s4  }
0xd: {  	[smem:$0x3FA3] =	sst s5  }
0xe: {  	[smem:$0x3FA4] =	sst s6  }
0xf: {  	[smem:$0x3FA5] =	sst s7  }
0x10: {  	[smem:$0x3FA6] =	sst s8  }
0x11: {  	[smem:$0x3FA7] =	sst s9;
	s0 =	simm.s32 @!p0 $0x0  }
0x12: {  	s1 =	sld [smem:$0x3F8D];
	s0 =	simm.s32 @p0 $0x1  }
0x13: {  	[smem:$0x3FA8] =	sst s0;
	s0 =	simm.s32 @!p1 $0x0  }
0x14: {  	s2 =	sld [smem:$0x3F8C];
	s0 =	simm.s32 @p1 $0x1  }
0x15: {  	[smem:$0x3FA9] =	sst s0;
	s0 =	simm.s32 @!p2 $0x0  }
0x16: {  	s3 =	sld [smem:$0x3FDB];
	s0 =	simm.s32 @p2 $0x1  }
0x17: {  	s4 =	simm.s32 $0x1BF5;
	[smem:$0x3FAB] =	sst s0  }
0x18: {  	s0 =	sld [smem:$0x3F8E];
	_ =	swait.ge [sflag:s4], $0x0  }
0x19: {  	s7 =	sld [smem:$0x3F8F]  }
0x1a: {  	s8 =	sadd.s32 $0xFFFFE003, lr  }
0x1b: {  	s9 =	sadd.s32 $0xFFFFFEF7, lr;
	s5 =	simm.s32 $0xFFFFFFFF;
	p2 =	slt.u32 s8, $0xFFFFF086  }
0x1c: {  	p1 =	slt.u32 s9, $0xF7A;
	s5 =	simm.s32 @!p2 $0x0  }
0x1d: {  	s5 =	simm.s32 @p1 $0x1;
	p0 =	seq.s32 s7, s2  }
0x1e: {  	s7 =	smul.u32 @!p0 $0xF7A, s2;
	p2 =	seq.s32 @!p0 s5, $0x0  }
0x1f: {  	s9 =	smul.u32 $0xF7A, s1;
	s8 =	simm.s32 @!p0 $0x1BF5;
	p2 =	por !p2, p0  }
0x20: {  	[sflag:s8] =	ssyncset.s32 @!p0 $0xFFFFF086;
	s6 =	sadd.s32 @!p0 s3, s7;
	s7 =	simm.s32 @!p0 $0x108  }
0x21: {  	s3 =	sadd.s32 s3, s9;
	s6 =	sadd.s32 @!p0 $0x88, s6;
	s7 =	simm.s32 @p2 $0x1082  }
0x22: {  	[simem:s7], [sflag:s8] =	dma.local @!p0 [hbm:s6], $0xF7A  }
0x23: {  	s9 =	sor.u32 $0xD0000000, s2;
	s6 =	simm.s32 $0x108;
	_ =	swait.ge @!p0 [sflag:s8], $0x0  }
0x24: {  	s3 =	sadd.s32 $0x88, s3;
	s6 =	simm.s32 @!p1 $0x1082;
	[sflag:s4] =	ssyncset.s32 $0xFFFFF086  }
0x25: {  	[simem:s6], [sflag:s4] =	dma.local [hbm:s3], $0xF7A  }
0x26: {  	[smem:$0x3F8F] =	sst s1;
	(tag) =	ssettag s2;
	_ =	strace s9  }
0x27: {  	s1 =	sld [smem:$0x3F9F]  }
0x28: {  	s2 =	sld [smem:$0x3FA0]  }
0x29: {  	s4 =	sld [smem:$0x3FA2]  }
0x2a: {  	p0 =	seq.s32 s5, $0x0;
	s5 =	sld [smem:$0x3FA3]  }
0x2b: {  	s6 =	sld [smem:$0x3FA4]  }
0x2c: {  	s7 =	sld [smem:$0x3FA5]  }
0x2d: {  	s3 =	simm.s32 $0x108;
	s8 =	sld [smem:$0x3FA6]  }
0x2e: {  	s3 =	simm.s32 @!p0 $0x1082;
	s9 =	sld [smem:$0x3FA7]  }
0x2f: {  	lr =	sadd.s32 s0, s3;
	s0 =	sld [smem:$0x3F9E]  }
0x30: {  	s3 =	sld [smem:$0x3FA1]  }
0x31: {  	[smem:$0x3FAA] =	sst s10  }
0x32: {  	s10 =	sld [smem:$0x3FA8];
	_ =	sdelay $0x3  }
0x33: {  	p0 =	seq.s32 s10, $0x1;
	s10 =	sld [smem:$0x3FAA];
	_ =	sdelay $0x3  }
0x34: {  	[smem:$0x3FAA] =	sst s10  }
0x35: {  	s10 =	sld [smem:$0x3FA9];
	_ =	sdelay $0x3  }
0x36: {  	p1 =	seq.s32 s10, $0x1;
	s10 =	sld [smem:$0x3FAA];
	_ =	sdelay $0x3  }
0x37: {  	[smem:$0x3FAA] =	sst s10  }
0x38: {  	s10 =	sld [smem:$0x3FAB]  }
0x39: {  	_ = 	snop;
	(pc) =	sbr.ind lr, $3  }
0x3a: {  	_ = 	snop  }
0x3b: {  	_ = 	snop  }
0x3c: {  	p2 =	seq.s32 s10, $0x1;
	s10 =	sld [smem:$0x3FAA]  }
0x3d: {  	_ =	shalt  }
0x3e: {  	_ =	shalt  }
0x3f: {  	_ =	shalt  }
0x40: {  	_ =	shalt  }
0x41: {  	_ =	shalt  }
0x42: {  	_ =	shalt  }
0x43: {  	_ =	shalt  }
0x44: {  	_ =	shalt  }
0x45: {  	_ =	shalt  }
0x46: {  	_ =	shalt  }
0x47: {  	_ =	shalt  }
0x48: {  	_ =	shalt  }
0x49: {  	_ =	shalt  }
0x4a: {  	_ =	shalt  }
0x4b: {  	_ =	shalt  }
0x4c: {  	_ =	shalt  }
0x4d: {  	_ =	shalt  }
0x4e: {  	_ =	shalt  }
0x4f: {  	_ =	shalt  }
0x50: {  	_ =	shalt  }
0x51: {  	_ =	shalt  }
0x52: {  	_ =	shalt  }
0x53: {  	_ =	shalt  }
0x54: {  	_ =	shalt  }
0x55: {  	_ =	shalt  }
0x56: {  	_ =	shalt  }
0x57: {  	_ =	shalt  }
0x58: {  	_ =	shalt  }
0x59: {  	_ =	shalt  }
0x5a: {  	_ =	shalt  }
0x5b: {  	_ =	shalt  }
0x5c: {  	_ =	shalt  }
0x5d: {  	_ =	shalt  }
0x5e: {  	_ =	shalt  }
0x5f: {  	_ =	shalt  }
0x60: {  	_ =	shalt  }
0x61: {  	_ =	shalt  }
0x62: {  	_ =	shalt  }
0x63: {  	_ =	shalt  }
0x64: {  	_ =	shalt  }
0x65: {  	_ =	shalt  }
0x66: {  	_ =	shalt  }
0x67: {  	_ =	shalt  }
0x68: {  	_ =	shalt  }
0x69: {  	_ =	shalt  }
0x6a: {  	_ =	shalt  }
0x6b: {  	_ =	shalt  }
0x6c: {  	_ =	shalt  }
0x6d: {  	_ =	shalt  }
0x6e: {  	_ =	shalt  }
0x6f: {  	_ =	shalt  }
0x70: {  	_ =	shalt  }
0x71: {  	_ =	shalt  }
0x72: {  	_ =	shalt  }
0x73: {  	_ =	shalt  }
0x74: {  	_ =	shalt  }
0x75: {  	_ =	shalt  }
0x76: {  	_ =	shalt  }
0x77: {  	_ =	shalt  }
0x78: {  	_ =	shalt  }
0x79: {  	_ =	shalt  }
0x7a: {  	_ =	shalt  }
0x7b: {  	_ =	shalt  }
0x7c: {  	_ =	shalt  }
0x7d: {  	_ =	shalt  }
0x7e: {  	_ =	shalt  }
0x7f: {  	_ =	shalt  }
0x80: {  	_ =	shalt  }
0x81: {  	_ =	shalt  }
0x82: {  	_ =	shalt  }
0x83: {  	_ =	shalt  }
0x84: {  	_ =	shalt  }
0x85: {  	_ =	shalt  }
0x86: {  	_ =	shalt  }
0x87: {  	_ =	shalt  }
.Lfunc_end0:
.L_simem_size_0:
called_computation.3_lowered:
.L_overlay_start_0:
0x88: {  	s2 =	sld [smem:$0x3FD9]  }
0x89: {  	s3 =	sld [smem:$0x3FFE];
	_ =	sdelay $0x1  }
0x8a: {  	s1 =	srdreg.scid  }
0x8b: {  	s0 =	sand.u32 $0x1, s1  }
0x8c: {  	s17 =	sshll.u32 s0, $0xA;
	s2 =	sadd.s32 s3, s2  }
0x8d: {  	s2 =	sadd.s32 s2, s17  }
0x8e: {  	[smem:$0x3FB6] =	sst s2  }
0x8f: {  	_ = 	snop  }
0x90: {  	(tm) =	ssettm $0x1  }
0x91: {  	s18 =	sld [smem:$0x3FFB];
	_ =	sdelay $0x3  }
0x92: {  	_ =	strace s18  }
0x93: {  	s2 =	sld [smem:$0x3FFC];
	_ =	sdelay $0x3  }
0x94: {  	_ =	strace s2  }
0x95: {  	s2 =	sld [smem:$0x3FFD];
	_ =	sdelay $0x3  }
0x96: {  	_ =	strace s2  }
0x97: {  	_ =	strace $0x8FFFFFFF  }
0x98: {  	s19 =	sld [smem:$0x3FDB];
	_ =	sdelay $0x1  }
0x99: {  	s20 =	simm.s32 $_scs_section_size  }
0x9a: {  	s4 =	simm.s32 $_size__tile_overlayer_lowered;
	s5 =	simm.s32 $_tile_overlayer_lowered  }
0x9b: {  	s6 =	simm.s32 $0x1BFF;
	s21 =	sshll.u32 s5, $0x1;
	s3 =	sadd.s32 s20, s19  }
0x9c: {  	s22 =	simm.s32 $0x0;
	s4 =	sshll.u32 s4, $0x1;
	s5 =	sadd.s32 s21, s3  }
0x9d: {  	[timem:s22], [sflag:s6] =	dma.local [hbm:s5], s4  }
0x9e: {  	_ =	swait.ge [sflag:s6], s4  }
0x9f: {  	s4 =	ssub.s32 $0x0, s4;
	[sflag:s6] =	ssyncset.done $0x0  }
0xa0: {  	[sflag:s6] =	ssyncadd.s32 s4;
	_ =	sdelay $0x1  }
0xa1: {  	s23 =	simm.s32 $0x1B8B  }
0xa2: {  	_ =	swait.ge [sflag:s23], $0x1  }
0xa3: {  	[sflag:s23] =	ssyncset.done $0x0  }
0xa4: {  	[sflag:s23] =	ssyncadd.s32 $0xFFFFFFFF  }
0xa5: {  	s4 =	sld [smem:$0x0]  }
0xa6: {  	s5 =	sand.u32 $0xFFFFFFFE, s1  }
0xa7: {  	p0 =	sne.s32 s1, s5  }
0xa8: {  	s5 =	sshll.u32 @p0 s5, $0xE  }
0xa9: {  	s5 =	sadd.s32 @p0 $0x11B8D, s5;
	s6 =	sshll.u32 @p0 s4, $0x11  }
0xaa: {  	s5 =	sor.u32 @p0 s6, s5  }
0xab: {  	[sflag:s5] =	ssyncadd.remote.s32 @p0 $0x1;
	_ =	sdelay $0x1  }
0xac: {  	s5 =	simm.s32 @p0 $0x1B8D  }
0xad: {  	_ =	swait.eq @p0 [sflag:s5], $0x1  }
0xae: {  	[sflag:s5] =	ssyncadd.s32 @p0 $0xFFFFFFFF  }
0xaf: {  	s6 =	sshll.u32 @!p0 s1, $0xE  }
0xb0: {  	s6 =	sor.u32 @!p0 $0x4000, s6;
	s5 =	simm.s32 @!p0 $0x1B8D  }
0xb1: {  	s4 =	sshll.u32 @!p0 s4, $0x11;
	s6 =	sadd.s32 @!p0 $0x11B8D, s6;
	_ =	swait.eq @!p0 [sflag:s5], $0x1  }
0xb2: {  	s4 =	sor.u32 @!p0 s4, s6;
	[sflag:s5] =	ssyncadd.s32 @!p0 $0xFFFFFFFF  }
0xb3: {  	s25 =	simm.s32 $0x1B8E;
	s24 =	sld [smem:$0x3FFE];
	[sflag:s4] =	ssyncadd.remote.s32 @!p0 $0x1  }
0xb4: {  	s26 =	simm.s32 $execute0_lowered;
	[smem:$0x3FD2] =	sst s25  }
0xb5: {  	s5 =	sshll.u32 s26, $0x1;
	_ =	strace $0x8000004C;
	[dreg:$0x1] =	wrdreg $0xFFFFFFFF  }
0xb6: {  	s28 =	simm.s32 $_size_execute0_lowered;
	s3 =	sadd.s32 s3, s5;
	[dreg:$0x0] =	wrdreg $0x0  }
0xb7: {  	s5 =	sshll.u32 s28, $0x1;
	[dreg:$0x2] =	wrdreg s3  }
0xb8: {  	[dreg:$0x3] =	wrdreg s5  }
0xb9: {  	[dreg:$0x4] =	wrdreg $0xC0  }
0xba: {  	_ =	task [dreg:s22], $0x5FFFF  }
0xbb: {  	[dreg:$0x1] =	wrdreg $0xFFFFFFFF  }
0xbc: {  	[dreg:$0x0] =	wrdreg $0x60  }
0xbd: {  	[dreg:$0x2] =	wrdreg s24  }
0xbe: {  	[dreg:$0x3] =	wrdreg $0xA4000  }
0xbf: {  	[dreg:$0x4] =	wrdreg $0xA  }
0xc0: {  	_ =	task.clear_ibuf [dreg:s22], $0x5FFFF;
	_ =	strace $0x9000004C  }
0xc1: {  	s29 =	simm.s32 $0xA;
	_ =	strace $0x8000004E  }
0xc2: {  	_ =	swait.ge [sflag:s29], $0x1  }
0xc3: {  	[sflag:s29] =	ssyncadd.s32 $0xFFFFFFFF  }
0xc4: {  	_ =	strace $0x9000004E  }
0xc5: {  	_ =	sfence  }
0xc6: {  	s30 =	sld [smem:$0x0];
	_ =	sdelay $0x2  }
0xc7: {  	s31 =	sshll.u32 s1, $0xD;
	s1 =	sshrl.u32 s1, $0x2  }
0xc8: {  	s4 =	sand.u32 $0x4000, s31;
	s1 =	sadd.s32 s1, s30  }
0xc9: {  	s0 =	sor.u32 s4, s0;
	s1 =	sshll.u32 s1, $0x11  }
0xca: {  	s0 =	sor.u32 s1, s0  }
0xcb: {  	s0 =	sadd.s32 $0x8F2B, s0  }
0xcc: {  	[sflag:s0] =	ssyncadd.remote.s32 $0x1  }
0xcd: {  	_ =	sfence.sel $0xFFFF  }
0xce: {  	[dreg:$0x0] =	wrdreg $0xFFFFFFFF;
	(pc) =	sbr.abs _section_cstart, $3  }
0xcf: {  	[dreg:$0x1] =	wrdreg $0xFFFFFFFF  }
0xd0: {  	_ =	task.clear_ibuf [dreg:s22], $0x2FFFF;
	_ =	strace $0x9FFFFFFF  }
0xd1: {  	(tm) =	ssettm $0x7FFFFFFF  }
tec
execute0_lowered:
.L_overlay_start_1:
0x0: {  	(tag) =	ssettag $0x1  }
0x1: {  	s0 =	rddreg [dreg:$0x0]  }
0x2: {  	s1 =	rddreg [dreg:$0x1];
	s2 =	simm.s32 $0x0  }
0x3: {  	s3 =	srdreg.scid;
	s16 =	stileid.u32;
	s28 =	simm.s32 $0x8  }
0x4: {  	[smem:$0x7FF] =	sst s2;
	s5 =	sadd.s32 $0x4C00, s0;
	s7 =	smul.u32 $0x2710, s16  }
0x5: {  	s6 =	sand.u32 $0x1, s3;
	s4 =	sadd.s32 $0xA52A00, s0;
	s11 =	smul.u32 $0x138800, s16  }
0x6: {  	s8 =	sadd.s32 $0x84800, s0;
	s31 =	sadd.s32 $0xABA00, s0;
	s15 =	smul.u32 $0x13800, s16  }
0x7: {  	p0 =	sne.s32 s16, $0x0;
	_ =	strace $0x8000004D;
	s9 =	smul.u32 $0x1388000, s6  }
0x8: {  	s3 =	ssub.s32 $0x2, s6;
	[dreg:$0x3] =	wrdreg s8;
	s6 =	smul.u32 $0x138800, s6  }
0x9: {  	s17 =	sshrl.u32 s3, $0x1;
	s18 =	sadd.s32 $0x28, s7;
	s10 =	sshrl.u32 s7, $0x3  }
0xa: {  	s19 =	sadd.s32 $0x50, s7;
	s12 =	sadd.s32 $0x78, s7;
	s22 =	sadd.s32 $0xA0, s7  }
0xb: {  	s24 =	sadd.s32 $0xC8, s7;
	s13 =	sadd.s32 $0xF0, s7;
	s29 =	sadd.s32 $0x26C0, s7  }
0xc: {  	s30 =	sadd.s32 $0x118, s7;
	s7 =	sadd.s32 $0x26E8, s7;
	s3 =	ssub.s32 s3, s17  }
0xd: {  	s0 =	sshrl.u32 s18, $0x3;
	s10 =	sadd.s32 s5, s10;
	s20 =	sshrl.u32 s19, $0x3  }
0xe: {  	s21 =	sshrl.u32 s12, $0x3;
	s23 =	sshrl.u32 s22, $0x3;
	s12 =	sshll.u32 s22, $0x7  }
0xf: {  	s26 =	sshrl.u32 s13, $0x3;
	s13 =	sshll.u32 s13, $0x7;
	s14 =	sshll.u32 s29, $0x7  }
0x10: {  	s15 =	sadd.s32 s15, s6;
	s6 =	sshrl.u32 s6, $0x3;
	s7 =	sshrl.u32 s7, $0x3  }
0x11: {  	[dreg:$0x4] =	wrdreg s10;
	s0 =	sadd.s32 s5, s0;
	s10 =	sshll.u32 s19, $0x7  }
0x12: {  	s25 =	sadd.s32 s9, s12;
	s12 =	sadd.s32 s5, s26;
	s13 =	sadd.s32 s9, s13  }
0x13: {  	s15 =	sshrl.u32 s15, $0x3;
	s6 =	sadd.s32 s31, s6;
	s7 =	sadd.s32 s5, s7  }
0x14: {  	s3 =	smax.u32 s3, $0x1;
	[dreg:$0x5] =	wrdreg s0;
	s0 =	sadd.s32 s11, s9  }
0x15: {  	s11 =	sadd.s32 s5, s20;
	s10 =	sadd.s32 s9, s10;
	[dreg:$0xa] =	wrdreg s12  }
0x16: {  	s9 =	sadd.s32 s9, s14;
	s14 =	sshrl.u32 s30, $0x3;
	s12 =	sshrl.u32 s29, $0x3  }
0x17: {  	s15 =	sadd.s32 s31, s15;
	s31 =	smul.u32 $0x4E2, s16;
	[dreg:$0xe] =	wrdreg s7  }
0x18: {  	s18 =	sshrl.u32 s13, $0x3;
	s6 =	sadd.s32 $0x27000, s6;
	[dreg:$0x15] =	wrdreg s3  }
0x19: {  	s7 =	simm.s32 $0x2C00;
	s13 =	simm.s32 $0x7C00;
	[dreg:$0x6] =	wrdreg s11  }
0x1a: {  	s11 =	sadd.s32 s5, s21;
	[dreg:$0xb] =	wrdreg s15;
	s14 =	sadd.s32 s5, s14  }
0x1b: {  	s12 =	sadd.s32 s5, s12;
	s8 =	sshrl.u32 s0, $0x3;
	[dreg:$0x14] =	wrdreg s6  }
0x1c: {  	s10 =	sshrl.u32 s10, $0x3;
	s19 =	sshrl.u32 s9, $0x3;
	[dreg:$0x7] =	wrdreg s11  }
0x1d: {  	s6 =	simm.s32 $0x280;
	s9 =	simm.s32 $0x300;
	[dreg:$0xc] =	wrdreg s14  }
0x1e: {  	s11 =	sadd.s32 s5, s23;
	[dreg:$0xd] =	wrdreg s12;
	s17 =	sadd.s32 s31, s5  }
0x1f: {  	s12 =	smul.u32 $0x4E000, s16;
	s14 =	sadd.s32 s4, s10;
	[dreg:$0x8] =	wrdreg s11  }
0x20: {  	s21 =	sadd.s32 s4, s19;
	s23 =	sadd.s32 $0x11800, s0;
	[dreg:$0x10] =	wrdreg s14  }
0x21: {  	s10 =	simm.s32 $0x5400;
	s11 =	sshrl.u32 s24, $0x3;
	[dreg:$0x13] =	wrdreg s21  }
0x22: {  	s3 =	sshrl.u32 s23, $0x3;
	s24 =	sadd.s32 $0xF000, s0;
	s14 =	simm.s32 $0x1  }
0x23: {  	s21 =	simm.s32 $0x0;
	s11 =	sadd.s32 s5, s11;
	s5 =	sadd.s32 s4, s8  }
0x24: {  	s20 =	sshrl.u32 s12, $0x2;
	s3 =	sadd.s32 s3, s4;
	s26 =	sshrl.u32 s24, $0x3  }
0x25: {  	s8 =	simm.s32 $0x100;
	s12 =	simm.s32 $0x380;
	[dreg:$0x9] =	wrdreg s11  }
0x26: {  	s24 =	simm.s32 $0x5;
	s11 =	sshrl.u32 s25, $0x3;
	[dreg:$0xf] =	wrdreg s5  }
0x27: {  	s5 =	sadd.s32 s4, s18;
	s22 =	sadd.s32 s20, s1;
	s25 =	sadd.s32 $0xC800, s0  }
0x28: {  	[dreg:$0x16] =	wrdreg s3;
	s3 =	sadd.s32 s26, s4;
	s0 =	sadd.s32 $0xA000, s0  }
0x29: {  	s18 =	simm.s32 $0x2;
	s20 =	simm.s32 $0x3;
	[dreg:$0x12] =	wrdreg s5  }
0x2a: {  	s26 =	simm.s32 $0x7;
	s15 =	sadd.s32 s4, s11;
	[dreg:$0x17] =	wrdreg s3  }
0x2b: {  	s29 =	sshrl.u32 s25, $0x3;
	[dreg:$0x19] =	wrdreg s0;
	s31 =	sshrl.u32 s22, $0x3  }
.Ltmp0:
0x2c: {  	s0 =	sadd.s32 $0x138000, s1;
	s3 =	simm.s32 $0x400;
	(pc) =	sbr.rel .LBB2_1-.Ltmp0, $4  }
0x2d: {  	s5 =	simm.s32 $0x80;
	s11 =	simm.s32 $0x180;
	[dreg:$0x11] =	wrdreg s15  }
0x2e: {  	s22 =	simm.s32 $0x4;
	s30 =	sadd.s32 s29, s4;
	[dreg:$0x1a] =	wrdreg s31  }
0x2f: {  	s25 =	simm.s32 $0x6;
	s0 =	sshrl.u32 @!p0 s0, $0x3;
	[dreg:$0x18] =	wrdreg s30  }
0x30: {  	s15 =	simm.s32 $0x28;
	[dreg:$0x1b] =	wrdreg s0;
	s0 =	simm.s32 $0x200  }
.LBB2_4:
0x31: {  	_ =	swait.ge [sflag:s25], $0x2800  }
0x32: {  	[sflag:s25] =	ssyncset.done $0x0  }
0x33: {  	[sflag:s25] =	ssyncadd.s32 $0xFFFFD800  }
0x34: {  	_ =	swait.ge [sflag:s26], $0x2800  }
0x35: {  	[sflag:s26] =	ssyncset.done $0x0  }
0x36: {  	[sflag:s26] =	ssyncadd.s32 $0xFFFFD800  }
0x37: {  	_ =	swait.ge [sflag:s28], $0x2800  }
0x38: {  	[sflag:s28] =	ssyncset.done $0x0  }
0x39: {  	s16 =	rddreg [dreg:$0xd];
	[sflag:s28] =	ssyncadd.s32 $0xFFFFD800  }
0x3a: {  	[tilespmem:s2], [sflag:$0x1] =	stream.linear.gather [hbm4b:s16+s2], $0x28, $0x38;
	[tilespmem:$0x1DC80] =	vst v63  }
0x3b: {  	s31 =	rddreg [dreg:$0xe]  }
0x3c: {  	[tilespmem:s0], [sflag:$0x1] =	stream.linear.gather [hbm4b:s31+s2], $0x28, $0x38;
	[tilespmem:$0x1DC80] =	vst v63  }
0x3d: {  	s19 =	rddreg [dreg:$0x13]  }
0x3e: {  	[tilespmem:s3], [sflag:$0x1] =	stream.linear.gather [hbm4b:s19+s2], $0x2800, $0x38;
	[tilespmem:$0x1DC80] =	vst v63  }
0x3f: {  	_ =	swait.ge [sflag:s14], $0x28  }
0x40: {  	[sflag:s14] =	ssyncset.done $0x0  }
0x41: {  	[sflag:s14] =	ssyncadd.s32 $0xFFFFFFD8  }
0x42: {  	_ =	swait.ge [sflag:s14], $0x28  }
0x43: {  	[sflag:s14] =	ssyncset.done $0x0  }
0x44: {  	[sflag:s14] =	ssyncadd.s32 $0xFFFFFFD8  }
0x45: {  	_ =	swait.ge [sflag:s14], $0x2800  }
0x46: {  	[sflag:s14] =	ssyncset.done $0x0  }
0x47: {  	[sflag:s14] =	ssyncadd.s32 $0xFFFFD800  }
0x48: {  	[spmem:s1] =	stream.indirect.scatter.add.f32 [tilespmem:s3], [sflag:$0x5], $0x80, s2, s15, $0xb8;
	[tilespmem:$0x1DC80] =	vst v63  }
0x49: {  	s21 =	simm.s32 $0x1800  }
0x4a: {  	[spmem:s1] =	stream.indirect.scatter.add.f32 [tilespmem:s21], [sflag:$0x5], $0x80, s0, s15, $0xb8;
	[tilespmem:$0x1DC80] =	vst v63  }
0x4b: {  	_ =	swait.ge [sflag:s24], $0x2800  }
0x4c: {  	[sflag:s24] =	ssyncset.done $0x0  }
0x4d: {  	[sflag:s24] =	ssyncadd.s32 $0xFFFFD800  }
0x4e: {  	s23 =	stileid.u32;
	[bflag:$0x0] =	sbarrier.arrive $0xFFFF  }
0x4f: {  	s16 =	sshll.u32 s23, $0x6;
	s19 =	rddreg [dreg:$0xb]  }
0x50: {  	s29 =	simm.s32 $0x9;
	s16 =	sor.u32 $0x1C09, s16;
	s21 =	rddreg [dreg:$0x1a]  }
0x51: {  	[hbm:s19], [sflag:s16] =	dma.local [spmem:s21], $0x2700  }
0x52: {  	_ =	swait.ge [sflag:s29], $0x2700  }
0x53: {  	[sflag:s29] =	ssyncset.done $0x0;
	s19 =	rddreg [dreg:$0x14]  }
0x54: {  	s21 =	rddreg [dreg:$0x1b];
	[sflag:s29] =	ssyncadd.s32 $0xFFFFD900  }
0x55: {  	[hbm:s19], [sflag:s16] =	dma.local @!p0 [spmem:s21], $0x100  }
0x56: {  	s16 =	simm.s32 @!p0 $0x9  }
0x57: {  	_ =	swait.ge @!p0 [sflag:s16], $0x100  }
0x58: {  	s30 =	rddreg [dreg:$0x1c]  }
0x59: {  	s31 =	rddreg [dreg:$0x15];
	s21 =	sadd.s32 $0x1, s30  }
0x5a: {  	p1 =	sne.s32 s21, s31  }
.Ltmp1:
0x5b: {  	_ = 	snop;
	(pc) =	sbr.rel @!p1 .LBB2_5-.Ltmp1, $3  }
0x5c: {  	_ =	sdelay $0x1  }
0x5d: {  	[sflag:s16] =	ssyncset.done @!p0 $0x0  }
0x5e: {  	[sflag:s16] =	ssyncadd.s32 @!p0 $0xFFFFFF00  }
.LBB2_1:
0x5f: {  	[dreg:$0x1c] =	wrdreg s21  }
0x60: {  	s19 =	sshrl.u32 @!p0 s1, $0x3;
	s21 =	simm.s32 @!p0 $0x1C09;
	s16 =	rddreg [dreg:$0x3]  }
0x61: {  	[spmem:s19], [sflag:s21] =	dma.local @!p0 [hbm:s16], $0x27100  }
0x62: {  	s19 =	simm.s32 @!p0 $0x9  }
0x63: {  	_ =	swait.ge @!p0 [sflag:s19], $0x27100  }
0x64: {  	[sflag:s19] =	ssyncset.done @!p0 $0x0  }
0x65: {  	[sflag:s19] =	ssyncadd.s32 @!p0 $0xFFFD8F00  }
0x66: {  	[bflag:$0x0] =	sbarrier.arrive $0xFFFF  }
0x67: {  	s19 =	rddreg [dreg:$0x4]  }
0x68: {  	s21 =	rddreg [dreg:$0x5]  }
0x69: {  	s23 =	rddreg [dreg:$0xf]  }
0x6a: {  	s31 =	rddreg [dreg:$0x19]  }
0x6b: {  	s30 =	rddreg [dreg:$0x18]  }
0x6c: {  	[tilespmem:s2], [sflag:$0x1] =	stream.linear.gather [hbm4b:s19+s2], $0x28, $0x38;
	[tilespmem:$0x1DC80] =	vst v63  }
0x6d: {  	s29 =	rddreg [dreg:$0x17]  }
0x6e: {  	[tilespmem:s0], [sflag:$0x1] =	stream.linear.gather [hbm4b:s21+s2], $0x28, $0x38;
	[tilespmem:$0x1DC80] =	vst v63  }
0x6f: {  	s19 =	rddreg [dreg:$0x6]  }
0x70: {  	[tilespmem:s3], [sflag:$0x1] =	stream.linear.gather [hbm4b:s23+s2], $0x2800, $0x38;
	[tilespmem:$0x1DC80] =	vst v63  }
0x71: {  	s21 =	rddreg [dreg:$0x7]  }
0x72: {  	[tilespmem:s5], [sflag:$0x2] =	stream.linear.gather [hbm4b:s19+s2], $0x28, $0x38;
	[tilespmem:$0x1DC80] =	vst v63  }
0x73: {  	s23 =	rddreg [dreg:$0x10]  }
0x74: {  	[tilespmem:s6], [sflag:$0x2] =	stream.linear.gather [hbm4b:s21+s2], $0x28, $0x38;
	[tilespmem:$0x1DC80] =	vst v63  }
0x75: {  	s19 =	rddreg [dreg:$0x8]  }
0x76: {  	[tilespmem:s7], [sflag:$0x2] =	stream.linear.gather [hbm4b:s23+s2], $0x2800, $0x38;
	[tilespmem:$0x1DC80] =	vst v63  }
0x77: {  	s21 =	rddreg [dreg:$0x9]  }
0x78: {  	[tilespmem:s8], [sflag:$0x3] =	stream.linear.gather [hbm4b:s19+s2], $0x28, $0x38;
	[tilespmem:$0x1DC80] =	vst v63  }
0x79: {  	s23 =	rddreg [dreg:$0x11]  }
0x7a: {  	[tilespmem:s9], [sflag:$0x3] =	stream.linear.gather [hbm4b:s21+s2], $0x28, $0x38;
	[tilespmem:$0x1DC80] =	vst v63  }
0x7b: {  	s19 =	rddreg [dreg:$0xa]  }
0x7c: {  	[tilespmem:s10], [sflag:$0x3] =	stream.linear.gather [hbm4b:s23+s2], $0x2800, $0x38;
	[tilespmem:$0x1DC80] =	vst v63  }
0x7d: {  	s21 =	rddreg [dreg:$0xc]  }
0x7e: {  	[tilespmem:s11], [sflag:$0x4] =	stream.linear.gather [hbm4b:s19+s2], $0x28, $0x38;
	[tilespmem:$0x1DC80] =	vst v63  }
0x7f: {  	s23 =	rddreg [dreg:$0x12]  }
0x80: {  	[tilespmem:s12], [sflag:$0x4] =	stream.linear.gather [hbm4b:s21+s2], $0x28, $0x38;
	[tilespmem:$0x1DC80] =	vst v63  }
0x81: {  	s19 =	simm.s32 $0x0;
	s21 =	rddreg [dreg:$0x16]  }
0x82: {  	[tilespmem:s13], [sflag:$0x4] =	stream.linear.gather [hbm4b:s23+s2], $0x2800, $0x38;
	[tilespmem:$0x1DC80] =	vst v63  }
.LBB2_2:
0x83: {  	_ =	swait.ge [sflag:s14], $0x28  }
0x84: {  	[sflag:s14] =	ssyncset.done $0x0  }
0x85: {  	[sflag:s14] =	ssyncadd.s32 $0xFFFFFFD8  }
0x86: {  	_ =	swait.ge [sflag:s14], $0x28  }
0x87: {  	[sflag:s14] =	ssyncset.done $0x0  }
0x88: {  	[sflag:s14] =	ssyncadd.s32 $0xFFFFFFD8  }
0x89: {  	_ =	swait.ge [sflag:s14], $0x2800  }
0x8a: {  	[sflag:s14] =	ssyncset.done $0x0  }
0x8b: {  	[sflag:s14] =	ssyncadd.s32 $0xFFFFD800  }
0x8c: {  	[spmem:s1] =	stream.indirect.scatter.add.f32 [tilespmem:s3], [sflag:$0x5], $0x80, s2, s15, $0xb8;
	[tilespmem:$0x1DC80] =	vst v63  }
0x8d: {  	s16 =	simm.s32 $0x1800  }
0x8e: {  	[spmem:s1] =	stream.indirect.scatter.add.f32 [tilespmem:s16], [sflag:$0x5], $0x80, s0, s15, $0xb8;
	[tilespmem:$0x1DC80] =	vst v63  }
0x8f: {  	_ =	swait.ge [sflag:s18], $0x28  }
0x90: {  	[sflag:s18] =	ssyncset.done $0x0  }
0x91: {  	[sflag:s18] =	ssyncadd.s32 $0xFFFFFFD8  }
0x92: {  	_ =	swait.ge [sflag:s18], $0x28  }
0x93: {  	[sflag:s18] =	ssyncset.done $0x0  }
0x94: {  	[sflag:s18] =	ssyncadd.s32 $0xFFFFFFD8  }
0x95: {  	_ =	swait.ge [sflag:s18], $0x2800  }
0x96: {  	[sflag:s18] =	ssyncset.done $0x0  }
0x97: {  	[sflag:s18] =	ssyncadd.s32 $0xFFFFD800  }
0x98: {  	[spmem:s1] =	stream.indirect.scatter.add.f32 [tilespmem:s7], [sflag:$0x6], $0x80, s5, s15, $0xb8;
	[tilespmem:$0x1DC80] =	vst v63  }
0x99: {  	s23 =	simm.s32 $0x4000  }
0x9a: {  	[spmem:s1] =	stream.indirect.scatter.add.f32 [tilespmem:s23], [sflag:$0x6], $0x80, s6, s15, $0xb8;
	[tilespmem:$0x1DC80] =	vst v63  }
0x9b: {  	_ =	swait.ge [sflag:s20], $0x28  }
0x9c: {  	[sflag:s20] =	ssyncset.done $0x0  }
0x9d: {  	[sflag:s20] =	ssyncadd.s32 $0xFFFFFFD8  }
0x9e: {  	_ =	swait.ge [sflag:s20], $0x28  }
0x9f: {  	[sflag:s20] =	ssyncset.done $0x0  }
0xa0: {  	[sflag:s20] =	ssyncadd.s32 $0xFFFFFFD8  }
0xa1: {  	_ =	swait.ge [sflag:s20], $0x2800  }
0xa2: {  	[sflag:s20] =	ssyncset.done $0x0  }
0xa3: {  	[sflag:s20] =	ssyncadd.s32 $0xFFFFD800  }
0xa4: {  	[spmem:s1] =	stream.indirect.scatter.add.f32 [tilespmem:s10], [sflag:$0x7], $0x80, s8, s15, $0xb8;
	[tilespmem:$0x1DC80] =	vst v63  }
0xa5: {  	s23 =	simm.s32 $0x6800  }
0xa6: {  	[spmem:s1] =	stream.indirect.scatter.add.f32 [tilespmem:s23], [sflag:$0x7], $0x80, s9, s15, $0xb8;
	[tilespmem:$0x1DC80] =	vst v63  }
0xa7: {  	_ =	swait.ge [sflag:s22], $0x28  }
0xa8: {  	[sflag:s22] =	ssyncset.done $0x0  }
0xa9: {  	[sflag:s22] =	ssyncadd.s32 $0xFFFFFFD8  }
0xaa: {  	_ =	swait.ge [sflag:s22], $0x28  }
0xab: {  	[sflag:s22] =	ssyncset.done $0x0  }
0xac: {  	[sflag:s22] =	ssyncadd.s32 $0xFFFFFFD8  }
0xad: {  	_ =	swait.ge [sflag:s22], $0x2800  }
0xae: {  	[sflag:s22] =	ssyncset.done $0x0  }
0xaf: {  	p1 =	seq.s32 s19, $0x4B0;
	[sflag:s22] =	ssyncadd.s32 $0xFFFFD800  }
0xb0: {  	[spmem:s1] =	stream.indirect.scatter.add.f32 [tilespmem:s13], [sflag:$0x8], $0x80, s11, s15, $0xb8;
	[tilespmem:$0x1DC80] =	vst v63  }
.Ltmp2:
0xb1: {  	s23 =	simm.s32 $0x9000;
	(pc) =	sbr.rel @p1 .LBB2_4-.Ltmp2, $4  }
0xb2: {  	[spmem:s1] =	stream.indirect.scatter.add.f32 [tilespmem:s23], [sflag:$0x8], $0x80, s12, s15, $0xb8;
	[tilespmem:$0x1DC80] =	vst v63  }
0xb3: {  	_ =	swait.ge [sflag:s24], $0x2800  }
0xb4: {  	[sflag:s24] =	ssyncset.done $0x0  }
0xb5: {  	[sflag:s24] =	ssyncadd.s32 $0xFFFFD800  }
0xb6: {  	s16 =	sadd.s32 s19, s17  }
0xb7: {  	s23 =	sadd.s32 $0x28, s16  }
0xb8: {  	[tilespmem:s2], [sflag:$0x1] =	stream.linear.gather [hbm4b:s23+s2], $0x28, $0x38;
	[tilespmem:$0x1DC80] =	vst v63  }
0xb9: {  	s23 =	sadd.s32 $0x2D, s16  }
0xba: {  	[tilespmem:s0], [sflag:$0x1] =	stream.linear.gather [hbm4b:s23+s2], $0x28, $0x38;
	[tilespmem:$0x1DC80] =	vst v63  }
0xbb: {  	s23 =	sshrl.u32 s31, $0x3  }
0xbc: {  	s23 =	sadd.s32 s4, s23  }
0xbd: {  	[tilespmem:s3], [sflag:$0x1] =	stream.linear.gather [hbm4b:s23+s2], $0x2800, $0x38;
	[tilespmem:$0x1DC80] =	vst v63  }
0xbe: {  	_ =	swait.ge [sflag:s25], $0x2800  }
0xbf: {  	[sflag:s25] =	ssyncset.done $0x0  }
0xc0: {  	s23 =	sadd.s32 $0x32, s16;
	[sflag:s25] =	ssyncadd.s32 $0xFFFFD800  }
0xc1: {  	[tilespmem:s5], [sflag:$0x2] =	stream.linear.gather [hbm4b:s23+s2], $0x28, $0x38;
	[tilespmem:$0x1DC80] =	vst v63  }
0xc2: {  	s23 =	sadd.s32 $0x37, s16  }
0xc3: {  	[tilespmem:s6], [sflag:$0x2] =	stream.linear.gather [hbm4b:s23+s2], $0x28, $0x38;
	[tilespmem:$0x1DC80] =	vst v63  }
0xc4: {  	_ = 	snop  }
0xc5: {  	[tilespmem:s7], [sflag:$0x2] =	stream.linear.gather [hbm4b:s30+s2], $0x2800, $0x38;
	[tilespmem:$0x1DC80] =	vst v63  }
0xc6: {  	_ =	swait.ge [sflag:s26], $0x2800  }
0xc7: {  	[sflag:s26] =	ssyncset.done $0x0  }
0xc8: {  	s23 =	sadd.s32 $0x3C, s16;
	[sflag:s26] =	ssyncadd.s32 $0xFFFFD800  }
0xc9: {  	[tilespmem:s8], [sflag:$0x3] =	stream.linear.gather [hbm4b:s23+s2], $0x28, $0x38;
	[tilespmem:$0x1DC80] =	vst v63  }
0xca: {  	s23 =	sadd.s32 $0x41, s16  }
0xcb: {  	[tilespmem:s9], [sflag:$0x3] =	stream.linear.gather [hbm4b:s23+s2], $0x28, $0x38;
	[tilespmem:$0x1DC80] =	vst v63  }
0xcc: {  	_ = 	snop  }
0xcd: {  	[tilespmem:s10], [sflag:$0x3] =	stream.linear.gather [hbm4b:s29+s2], $0x2800, $0x38;
	[tilespmem:$0x1DC80] =	vst v63  }
0xce: {  	_ =	swait.ge [sflag:s28], $0x2800  }
0xcf: {  	[sflag:s28] =	ssyncset.done $0x0  }
0xd0: {  	s23 =	sadd.s32 $0x46, s16;
	[sflag:s28] =	ssyncadd.s32 $0xFFFFD800  }
0xd1: {  	[tilespmem:s11], [sflag:$0x4] =	stream.linear.gather [hbm4b:s23+s2], $0x28, $0x38;
	[tilespmem:$0x1DC80] =	vst v63  }
.Ltmp3:
0xd2: {  	s16 =	sadd.s32 $0x4B, s16;
	(pc) =	sbr.rel .LBB2_2-.Ltmp3, $4  }
0xd3: {  	[tilespmem:s12], [sflag:$0x4] =	stream.linear.gather [hbm4b:s16+s2], $0x28, $0x38;
	[tilespmem:$0x1DC80] =	vst v63  }
0xd4: {  	s19 =	sadd.s32 $0x28, s19;
	s31 =	sadd.s32 $0xA000, s31  }
0xd5: {  	[tilespmem:s13], [sflag:$0x4] =	stream.linear.gather [hbm4b:s21+s2], $0x2800, $0x38;
	[tilespmem:$0x1DC80] =	vst v63  }
0xd6: {  	s30 =	sadd.s32 $0x1400, s30;
	s29 =	sadd.s32 $0x1400, s29;
	s21 =	sadd.s32 $0x1400, s21  }
.LBB2_5:
0xd7: {  	_ =	sfence.sel $0x180000  }
0xd8: {  	[bflag:$0x0] =	sbarrier.arrive $0xFFFF  }
0xd9: {  	_ =	strace $0x9000004D  }
0xda: {  	[bflag:$0x2] =	sbarrier.arrive $0xFFFF  }
0xdb: {  	s0 =	rddreg [dreg:$0x2]  }
0xdc: {  	s0 =	sadd.s32 @!p0 $0x100000, s0  }
0xdd: {  	[sflag:s0] =	ssyncadd.tile.s32 @!p0 $0x1;
	_ =	shalt  }
.Lfunc_end2:
_tile_overlayer_lowered:
.L_overlay_start_2:
0xde: {  	(tag) =	ssettag $0x2  }
0xdf: {  	s0 =	rddreg [dreg:$0x0];
	s2 =	stileid.u32  }
0xe0: {  	s1 =	rddreg [dreg:$0x1];
	p0 =	sne.s32 s2, $0x0  }
0xe1: {  	s3 =	rddreg [dreg:$0x2];
	[bflag:$0x3] =	sbarrier.arrive $0xFFFF;
	s2 =	simm.s32 @!p0 $0x1C09  }
0xe2: {  	[timem:s3], [sflag:s2] =	dma.local @!p0 [hbm:s0], s1  }
0xe3: {  	s0 =	simm.s32 @!p0 $0x9  }
0xe4: {  	_ =	swait.ge @!p0 [sflag:s0], s1  }
0xe5: {  	s1 =	ssub.s32 @!p0 $0x0, s1;
	[sflag:s0] =	ssyncset.done @!p0 $0x0  }
0xe6: {  	[sflag:s0] =	ssyncadd.s32 @!p0 s1  }
0xe7: {  	[bflag:$0x3] =	sbarrier.arrive $0xFFFF  }
0xe8: {  	_ =	shalt  }

</sc_bundles>
